<compile_context>
chip_gen: v7x
topology: tpu7x:2x2x1
jax: 0.10.2.dev20260603
libtpu: 0.0.44.dev20260713+nightly
codegen_flags: <defaults>
</compile_context>

<pallas_src>
import jax
import jax.numpy as jnp
from jax import lax
from jax.experimental import pallas as pl
from jax.experimental.pallas import tpu as pltpu
from jax.experimental.pallas import tpu_sc as plsc

B = 128
C = 32767
DEPTH = 15
NC = 2
NS = 16
LANES = 16
NW = 32
SPW = B // NW
PREF = 2048
NDEEP = DEPTH - 1 - 10


def _softplus_sc(x):
    u = jnp.exp(-jnp.abs(x))
    v = 1.0 + u
    y = u * (1.0 - u * (0.5 - u * 0.25))
    y = y + v * jnp.exp(-y) - 1.0
    y = y + v * jnp.exp(-y) - 1.0
    return jnp.maximum(x, 0.0) + y


def _decode_body(o_hbm, t_hbm, e_hbm,
                 obuf, tbuf, deep_o, deep_t, ebuf, sem):
    wid = lax.axis_index("s") * NC + lax.axis_index("c")
    lane = lax.iota(jnp.int32, LANES)
    row0 = pl.multiple_of((wid // 2) * 8, 8)
    samp = jnp.where(lane < SPW, lane, 0)
    r = (wid % 2) * 4 + samp

    cp0 = pltpu.async_copy(o_hbm.at[pl.ds(row0, 8), pl.ds(0, PREF)], obuf, sem)
    cp1 = pltpu.async_copy(t_hbm.at[pl.ds(row0, 8), pl.ds(0, PREF)], tbuf, sem)
    cp0.wait()
    cp1.wait()

    zf = jnp.zeros((LANES,), jnp.float32)

    l0 = plsc.load_gather(obuf, [r, jnp.zeros((LANES,), jnp.int32)])
    state0 = (jnp.zeros((LANES,), jnp.int32),
              jnp.where(l0 > 0.0, 1.0, 0.0), zf, zf)

    def step(st, gathered):
        cur, active, run, extra = st
        c1 = 2 * cur + 1
        c2 = c1 + 1
        l1, t1, l2, t2 = gathered
        take2 = l2 > l1
        lsel = jnp.where(take2, l2, l1)
        tsel = jnp.where(take2, t2, t1)
        cur = jnp.where(take2, c2, c1)
        active = jnp.where(lsel > 0.0, active, 0.0)
        m = (active > 0.0) & (tsel == 0.0)
        run = jnp.where(m, run + 1.0, 0.0)
        w = jnp.where(lane < SPW, run, 0.0)
        extra = extra + w * _softplus_sc(lsel)
        return (cur, active, run, extra)

    def pref_body(lvl, st):
        c1 = 2 * st[0] + 1
        c2 = c1 + 1
        return step(st, (plsc.load_gather(obuf, [r, c1]),
                         plsc.load_gather(tbuf, [r, c1]),
                         plsc.load_gather(obuf, [r, c2]),
                         plsc.load_gather(tbuf, [r, c2])))

    state = state0
    for lvl in range(1, 11):
        state = pref_body(lvl, state)

    def wbase(c, j):
        s = (2 ** j) * c + (2 ** j - 1)
        base = jnp.right_shift(s, 7) * 128
        if j == NDEEP:
            base = jnp.minimum(base, 32512)
        return base

    cur10 = state[0]
    cps = []
    for k in range(SPW):
        ck = cur10[k]
        for j in range(1, NDEEP + 1):
            base = pl.multiple_of(wbase(ck, j), 128)
            slot = k * NDEEP + (j - 1)
            src = pl.ds(base, 256)
            cps.append(pltpu.async_copy(
                o_hbm.at[pl.ds(row0, 8), src], deep_o.at[slot], sem))
            cps.append(pltpu.async_copy(
                t_hbm.at[pl.ds(row0, 8), src], deep_t.at[slot], sem))
    for cp in cps:
        cp.wait()

    def deep_body(lvl, st):
        j = lvl - 10
        s_vec = jnp.left_shift(cur10, j) + (jnp.left_shift(1, j) - 1)
        base_vec = jnp.right_shift(s_vec, 7) * 128
        base_vec = jnp.where(j == NDEEP, jnp.minimum(base_vec, 32512), base_vec)
        slot_vec = samp * NDEEP + (j - 1)
        c1 = 2 * st[0] + 1
        c2 = c1 + 1
        r1 = c1 - base_vec
        r2 = c2 - base_vec
        return step(st, (plsc.load_gather(deep_o, [slot_vec, r, r1]),
                         plsc.load_gather(deep_t, [slot_vec, r, r1]),
                         plsc.load_gather(deep_o, [slot_vec, r, r2]),
                         plsc.load_gather(deep_t, [slot_vec, r, r2])))

    for lvl in range(11, DEPTH):
        state = deep_body(lvl, state)

    for k in range(8):
        ebuf[k] = state[3] if k == 0 else zf
    pltpu.sync_copy(ebuf, e_hbm.at[wid])


def _make_decode():
    return pl.kernel(
        _decode_body,
        out_type=jax.ShapeDtypeStruct((NW, 8, LANES), jnp.float32),
        mesh=plsc.VectorSubcoreMesh(core_axis_name="c", subcore_axis_name="s",
                                    num_cores=NC, num_subcores=NS),
        scratch_types=[
            pltpu.VMEM((8, PREF), jnp.float32),
            pltpu.VMEM((8, PREF), jnp.float32),
            pltpu.VMEM((SPW * NDEEP, 8, 256), jnp.float32),
            pltpu.VMEM((SPW * NDEEP, 8, 256), jnp.float32),
            pltpu.VMEM((8, LANES), jnp.float32),
            pltpu.SemaphoreType.DMA,
        ],
        compiler_params=pltpu.CompilerParams(needs_layout_passes=False),
    )


BLK = 4096
NBLK = 8


def _sum_body(o_ref, t_ref, out_ref, acc_ref):
    i = pl.program_id(0)
    col = i * BLK + lax.broadcasted_iota(jnp.int32, (8, BLK), 1)
    mask = col < C

    @pl.when(i == 0)
    def _():
        acc_ref[...] = jnp.zeros((8, BLK), jnp.float32)

    acc = acc_ref[...]
    for rr in range(0, B, 8):
        xb = o_ref[pl.ds(rr, 8), :]
        tb = t_ref[pl.ds(rr, 8), :]
        u = jnp.exp2(jnp.abs(xb) * (-1.4426950408889634))
        sp = jnp.maximum(xb, 0.0) + 0.6931471805599453 * jnp.log2(1.0 + u)
        acc = acc + jnp.where(mask, sp - xb * tb, 0.0)
    acc_ref[...] = acc

    @pl.when(i == NBLK - 1)
    def _():
        out_ref[0, 0] = jnp.sum(acc)


_sum = pl.pallas_call(
    _sum_body,
    grid=(NBLK,),
    in_specs=[
        pl.BlockSpec((B, BLK), lambda i: (0, i)),
        pl.BlockSpec((B, BLK), lambda i: (0, i)),
    ],
    out_specs=pl.BlockSpec(memory_space=pltpu.SMEM),
    out_shape=jax.ShapeDtypeStruct((1, 1), jnp.float32),
    scratch_shapes=[pltpu.VMEM((8, BLK), jnp.float32)],
)


@jax.jit
def kernel(outputs, targets):
    extra = _make_decode()(outputs, targets)
    dense = _sum(outputs, targets)
    return (dense[0, 0] + jnp.sum(extra)) / (B * C)

# --- scband reference (transcript-rebuilt; emitter-appended) ---
"""Pipeline reference for scband-lcaheavy-parent-loss-48524540510502 (READ-ONLY COPY).

The authoritative reference and input builder live on the scoring server;
editing this copy changes nothing except your own understanding.
"""

import jax, jax.numpy as jnp
import numpy as np

B = 128
C = 32767  # complete binary tree, levels 0..14, heap-indexed: parent(i) = (i-1)//2, root i=0 has no parent
DEPTH = 15


def setup_inputs(seed: int = 0) -> dict:
    key = jax.random.key(seed)
    k1, k2 = jax.random.split(key)
    outputs = jax.random.normal(k1, (B, C), dtype=jnp.float32)
    targets = jax.random.randint(k2, (B, C), 0, 2).astype(jnp.float32)
    return {"outputs": outputs, "targets": targets}


def _greedy_paths(logits):
    # Tree.interpret_prediction_greedy_batched: start at root; mark node if sigmoid>0.5;
    # descend to child with larger logit while active. Returns binary [B, C] path indicator.
    Bn = logits.shape[0]
    rows = jnp.arange(Bn)
    active = jax.nn.sigmoid(logits[:, 0]) > 0.5
    out = jnp.zeros_like(logits)
    out = out.at[:, 0].add(active.astype(logits.dtype))
    cur = jnp.zeros((Bn,), dtype=jnp.int32)
    for _ in range(DEPTH - 1):
        c1 = 2 * cur + 1
        c2 = 2 * cur + 2
        l1 = logits[rows, c1]
        l2 = logits[rows, c2]
        take2 = l2 > l1
        chosen = jnp.where(take2, c2, c1)
        lsel = jnp.where(take2, l2, l1)
        active = active & (jax.nn.sigmoid(lsel) > 0.5)
        out = out.at[rows, chosen].add(active.astype(logits.dtype))
        cur = chosen
    return out


def reference(outputs, targets):
    pred = _greedy_paths(outputs)
    # BCEWithLogitsLoss(reduction='none'): log(1+exp(x)) - x*t
    loss = jnp.logaddexp(0.0, outputs) - outputs * targets
    # Heavy-parent propagation: iterate indices from last to first; heap level-order means
    # processing levels deepest-first. Where predicted==1 and target==0, add child loss to parent.
    for L in range(DEPTH - 1, 0, -1):
        start = 2 ** L - 1
        end = 2 ** (L + 1) - 1
        mask = (pred[:, start:end] == 1) & (targets[:, start:end] == 0)
        contrib = jnp.where(mask, loss[:, start:end], 0.0)
        pstart = 2 ** (L - 1) - 1
        pend = 2 ** L - 1
        loss = loss.at[:, pstart:pend].add(contrib.reshape(loss.shape[0], -1, 2).sum(-1))
    return loss.mean()

if __name__ == "__main__":
    import jax
    _d = setup_inputs()
    print(jax.jit(kernel)(*tuple(_d.values())))

</pallas_src>

<mosaic_0001>
#map = affine_map<(d0, d1) -> (0, 0)>
#map1 = affine_map<(d0, d1) -> (0, 0, 0)>
module attributes {stable_mosaic.version = 14 : i64} {
  func.func @_decode_body(%arg0: i32, %arg1: i32, %arg2: memref<128x32767xf32, #tpu.memory_space<hbm>>, %arg3: memref<128x32767xf32, #tpu.memory_space<hbm>>, %arg4: memref<32x8x16xf32, #tpu.memory_space<hbm>>, %arg5: memref<8x2048xf32, #tpu.memory_space<vmem>>, %arg6: memref<8x2048xf32, #tpu.memory_space<vmem>>, %arg7: memref<16x8x256xf32, #tpu.memory_space<vmem>>, %arg8: memref<16x8x256xf32, #tpu.memory_space<vmem>>, %arg9: memref<8x16xf32, #tpu.memory_space<vmem>>, %arg10: memref<!tpu.dma_semaphore, #tpu.memory_space<semaphore_mem>>) attributes {dimension_semantics = [#tpu.dimension_semantics<core_parallel>, #tpu.dimension_semantics<subcore_parallel>], iteration_bounds = array<i64: 2, 16>, scalar_prefetch = 0 : i64, scratch_operands = 6 : i64, tpu.core_type = #tpu.core_type<sc_vector_subcore>, window_params = [{transform_indices = #map}, {transform_indices = #map}, {transform_indices = #map1}]} {
    %mul3A = arith.constant 2 : i32
    %mul3A_0 = arith.muli %arg1, %mul3A : i32
    %add3A = arith.addi %mul3A_0, %arg0 : i32
    %iota3A = tpu.iota {dimensions = array<i32: 0>} : vector<16xi32>
    %jit3A = arith.constant 2 : i32
    %div3A = arith.divsi %add3A, %jit3A : i32
    %sign3A = arith.constant 0 : i32
    %sign3A_1 = arith.cmpi sgt, %add3A, %sign3A : i32
    %sign3A_2 = arith.extui %sign3A_1 : i1 to i32
    %sign3A_3 = arith.constant 0 : i32
    %sign3A_4 = arith.cmpi slt, %add3A, %sign3A_3 : i32
    %sign3A_5 = arith.extui %sign3A_4 : i1 to i32
    %sign3A_6 = arith.subi %sign3A_2, %sign3A_5 : i32
    %sign3A_7 = arith.constant 0 : i32
    %sign3A_8 = arith.cmpi sgt, %jit3A, %sign3A_7 : i32
    %sign3A_9 = arith.extui %sign3A_8 : i1 to i32
    %sign3A_10 = arith.constant 0 : i32
    %sign3A_11 = arith.cmpi slt, %jit3A, %sign3A_10 : i32
    %sign3A_12 = arith.extui %sign3A_11 : i1 to i32
    %sign3A_13 = arith.subi %sign3A_9, %sign3A_12 : i32
    %ne3A = arith.cmpi ne, %sign3A_6, %sign3A_13 : i32
    %rem3A = arith.remsi %add3A, %jit3A : i32
    %ne3A_14 = arith.constant 0 : i32
    %ne3A_15 = arith.cmpi ne, %rem3A, %ne3A_14 : i32
    %and3A = arith.andi %ne3A, %ne3A_15 : i1
    %sub3A = arith.constant 1 : i32
    %sub3A_16 = arith.subi %div3A, %sub3A : i32
    %select_n3A = arith.select %and3A, %sub3A_16, %div3A : i32
    %mul3A_17 = arith.constant 8 : i32
    %mul3A_18 = arith.muli %select_n3A, %mul3A_17 : i32
    %multiple_of3A = tpu.assume_multiple %mul3A_18, 8 : i32
    %lt3A = arith.constant 4 : i32
    %lt3A_19 = vector.broadcast %lt3A : i32 to vector<16xi32>
    %lt3A_20 = arith.cmpi slt, %iota3A, %lt3A_19 : vector<16xi32>
    %jit3A_21 = arith.constant 0 : i32
    %broadcast_in_dim3A = vector.broadcast %jit3A_21 : i32 to vector<16xi32>
    %select_n3A_22 = arith.select %lt3A_20, %iota3A, %broadcast_in_dim3A : vector<16xi1>, vector<16xi32>
    %jit3A_23 = arith.constant 2 : i32
    %eq3A = arith.constant 0 : i32
    %eq3A_24 = arith.cmpi eq, %jit3A_23, %eq3A : i32
    %jit3A_25 = arith.constant 1 : i32
    %select_n3A_26 = arith.select %eq3A_24, %jit3A_25, %jit3A_23 : i32
    %rem3A_27 = arith.remsi %add3A, %select_n3A_26 : i32
    %ne3A_28 = arith.constant 0 : i32
    %ne3A_29 = arith.cmpi ne, %rem3A_27, %ne3A_28 : i32
    %lt3A_30 = arith.constant 0 : i32
    %lt3A_31 = arith.cmpi slt, %rem3A_27, %lt3A_30 : i32
    %lt3A_32 = arith.constant 0 : i32
    %lt3A_33 = arith.cmpi slt, %select_n3A_26, %lt3A_32 : i32
    %ne3A_34 = arith.xori %lt3A_31, %lt3A_33 : i1
    %and3A_35 = arith.andi %ne3A_34, %ne3A_29 : i1
    %add3A_36 = arith.addi %rem3A_27, %select_n3A_26 : i32
    %select_n3A_37 = arith.select %and3A_35, %add3A_36, %rem3A_27 : i32
    %mul3A_38 = arith.constant 4 : i32
    %mul3A_39 = arith.muli %select_n3A_37, %mul3A_38 : i32
    %add3A_40 = vector.broadcast %mul3A_39 : i32 to vector<16xi32>
    %add3A_41 = arith.addi %add3A_40, %select_n3A_22 : vector<16xi32>
    %dma_start3A = arith.constant 0 : i32
    %dma_start3A_42 = tpu.memref_slice %arg2[%multiple_of3A, %dma_start3A] : memref<128x32767xf32, #tpu.memory_space<hbm>> -> memref<8x2048xf32, #tpu.memory_space<hbm>>
    %dma_start3A_43 = arith.constant 0 : i32
    %dma_start3A_44 = tpu.memref_slice %arg2[%multiple_of3A, %dma_start3A_43] : memref<128x32767xf32, #tpu.memory_space<hbm>> -> memref<8x2048xf32, #tpu.memory_space<hbm>>
    tpu.enqueue_dma source(%dma_start3A_44 : memref<8x2048xf32, #tpu.memory_space<hbm>>) target(%arg5 : memref<8x2048xf32, #tpu.memory_space<vmem>>) target_semaphore(%arg10 : memref<!tpu.dma_semaphore, #tpu.memory_space<semaphore_mem>>)
    %dma_start3A_45 = arith.constant 0 : i32
    %dma_start3A_46 = tpu.memref_slice %arg3[%multiple_of3A, %dma_start3A_45] : memref<128x32767xf32, #tpu.memory_space<hbm>> -> memref<8x2048xf32, #tpu.memory_space<hbm>>
    %dma_start3A_47 = arith.constant 0 : i32
    %dma_start3A_48 = tpu.memref_slice %arg3[%multiple_of3A, %dma_start3A_47] : memref<128x32767xf32, #tpu.memory_space<hbm>> -> memref<8x2048xf32, #tpu.memory_space<hbm>>
    tpu.enqueue_dma source(%dma_start3A_48 : memref<8x2048xf32, #tpu.memory_space<hbm>>) target(%arg6 : memref<8x2048xf32, #tpu.memory_space<vmem>>) target_semaphore(%arg10 : memref<!tpu.dma_semaphore, #tpu.memory_space<semaphore_mem>>)
    %dma_wait3A = arith.constant 0 : i32
    %dma_wait3A_49 = tpu.memref_slice %arg2[%multiple_of3A, %dma_wait3A] : memref<128x32767xf32, #tpu.memory_space<hbm>> -> memref<8x2048xf32, #tpu.memory_space<hbm>>
    %dma_wait3A_50 = arith.constant 0 : i32
    %dma_wait3A_51 = tpu.memref_slice %arg2[%multiple_of3A, %dma_wait3A_50] : memref<128x32767xf32, #tpu.memory_space<hbm>> -> memref<8x2048xf32, #tpu.memory_space<hbm>>
    tpu.wait_dma2 semaphore(%arg10 : memref<!tpu.dma_semaphore, #tpu.memory_space<semaphore_mem>>) src(%dma_wait3A_51 : memref<8x2048xf32, #tpu.memory_space<hbm>>) dst(%arg5 : memref<8x2048xf32, #tpu.memory_space<vmem>>)
    %dma_wait3A_52 = arith.constant 0 : i32
    %dma_wait3A_53 = tpu.memref_slice %arg3[%multiple_of3A, %dma_wait3A_52] : memref<128x32767xf32, #tpu.memory_space<hbm>> -> memref<8x2048xf32, #tpu.memory_space<hbm>>
    %dma_wait3A_54 = arith.constant 0 : i32
    %dma_wait3A_55 = tpu.memref_slice %arg3[%multiple_of3A, %dma_wait3A_54] : memref<128x32767xf32, #tpu.memory_space<hbm>> -> memref<8x2048xf32, #tpu.memory_space<hbm>>
    tpu.wait_dma2 semaphore(%arg10 : memref<!tpu.dma_semaphore, #tpu.memory_space<semaphore_mem>>) src(%dma_wait3A_55 : memref<8x2048xf32, #tpu.memory_space<hbm>>) dst(%arg6 : memref<8x2048xf32, #tpu.memory_space<vmem>>)
    %broadcast_in_dim3A_56 = arith.constant 0.000000e+00 : f32
    %broadcast_in_dim3A_57 = vector.broadcast %broadcast_in_dim3A_56 : f32 to vector<16xf32>
    %broadcast_in_dim3A_58 = arith.constant 0 : i32
    %broadcast_in_dim3A_59 = vector.broadcast %broadcast_in_dim3A_58 : i32 to vector<16xi32>
    %gather3A = tpu.vector_load_idx %arg5[%add3A_41, %broadcast_in_dim3A_59] : memref<8x2048xf32, #tpu.memory_space<vmem>>[vector<16xi32>, vector<16xi32>], vector<16xf32>,
    %broadcast_in_dim3A_60 = arith.constant 0 : i32
    %broadcast_in_dim3A_61 = vector.broadcast %broadcast_in_dim3A_60 : i32 to vector<16xi32>
    %gt3A = arith.constant 0.000000e+00 : f32
    %gt3A_62 = vector.broadcast %gt3A : f32 to vector<16xf32>
    %gt3A_63 = arith.cmpf ogt, %gather3A, %gt3A_62 : vector<16xf32>
    %jit3A_64 = arith.constant 1.000000e+00 : f32
    %jit3A_65 = arith.constant 0.000000e+00 : f32
    %broadcast_in_dim3A_66 = vector.broadcast %jit3A_64 : f32 to vector<16xf32>
    %broadcast_in_dim3A_67 = vector.broadcast %jit3A_65 : f32 to vector<16xf32>
    %select_n3A_68 = arith.select %gt3A_63, %broadcast_in_dim3A_66, %broadcast_in_dim3A_67 : vector<16xi1>, vector<16xf32>
    %mul3A_69 = arith.constant 2 : i32
    %mul3A_70 = vector.broadcast %mul3A_69 : i32 to vector<16xi32>
    %mul3A_71 = arith.muli %mul3A_70, %broadcast_in_dim3A_61 : vector<16xi32>
    %add3A_72 = arith.constant 1 : i32
    %add3A_73 = vector.broadcast %add3A_72 : i32 to vector<16xi32>
    %add3A_74 = arith.addi %mul3A_71, %add3A_73 : vector<16xi32>
    %add3A_75 = arith.constant 1 : i32
    %add3A_76 = vector.broadcast %add3A_75 : i32 to vector<16xi32>
    %add3A_77 = arith.addi %add3A_74, %add3A_76 : vector<16xi32>
    %gather3A_78 = tpu.vector_load_idx %arg5[%add3A_41, %add3A_74] : memref<8x2048xf32, #tpu.memory_space<vmem>>[vector<16xi32>, vector<16xi32>], vector<16xf32>,
    %gather3A_79 = tpu.vector_load_idx %arg6[%add3A_41, %add3A_74] : memref<8x2048xf32, #tpu.memory_space<vmem>>[vector<16xi32>, vector<16xi32>], vector<16xf32>,
    %gather3A_80 = tpu.vector_load_idx %arg5[%add3A_41, %add3A_77] : memref<8x2048xf32, #tpu.memory_space<vmem>>[vector<16xi32>, vector<16xi32>], vector<16xf32>,
    %gather3A_81 = tpu.vector_load_idx %arg6[%add3A_41, %add3A_77] : memref<8x2048xf32, #tpu.memory_space<vmem>>[vector<16xi32>, vector<16xi32>], vector<16xf32>,
    %mul3A_82 = arith.constant 2 : i32
    %mul3A_83 = vector.broadcast %mul3A_82 : i32 to vector<16xi32>
    %mul3A_84 = arith.muli %mul3A_83, %broadcast_in_dim3A_61 : vector<16xi32>
    %add3A_85 = arith.constant 1 : i32
    %add3A_86 = vector.broadcast %add3A_85 : i32 to vector<16xi32>
    %add3A_87 = arith.addi %mul3A_84, %add3A_86 : vector<16xi32>
    %add3A_88 = arith.constant 1 : i32
    %add3A_89 = vector.broadcast %add3A_88 : i32 to vector<16xi32>
    %add3A_90 = arith.addi %add3A_87, %add3A_89 : vector<16xi32>
    %gt3A_91 = arith.cmpf ogt, %gather3A_80, %gather3A_78 : vector<16xf32>
    %select_n3A_92 = arith.select %gt3A_91, %gather3A_80, %gather3A_78 : vector<16xi1>, vector<16xf32>
    %select_n3A_93 = arith.select %gt3A_91, %gather3A_81, %gather3A_79 : vector<16xi1>, vector<16xf32>
    %select_n3A_94 = arith.select %gt3A_91, %add3A_90, %add3A_87 : vector<16xi1>, vector<16xi32>
    %gt3A_95 = arith.constant 0.000000e+00 : f32
    %gt3A_96 = vector.broadcast %gt3A_95 : f32 to vector<16xf32>
    %gt3A_97 = arith.cmpf ogt, %select_n3A_92, %gt3A_96 : vector<16xf32>
    %jit3A_98 = arith.constant 0.000000e+00 : f32
    %broadcast_in_dim3A_99 = vector.broadcast %jit3A_98 : f32 to vector<16xf32>
    %select_n3A_100 = arith.select %gt3A_97, %select_n3A_68, %broadcast_in_dim3A_99 : vector<16xi1>, vector<16xf32>
    %gt3A_101 = arith.constant 0.000000e+00 : f32
    %gt3A_102 = vector.broadcast %gt3A_101 : f32 to vector<16xf32>
    %gt3A_103 = arith.cmpf ogt, %select_n3A_100, %gt3A_102 : vector<16xf32>
    %eq3A_104 = arith.constant 0.000000e+00 : f32
    %eq3A_105 = vector.broadcast %eq3A_104 : f32 to vector<16xf32>
    %eq3A_106 = arith.cmpf oeq, %select_n3A_93, %eq3A_105 : vector<16xf32>
    %and3A_107 = arith.andi %gt3A_103, %eq3A_106 : vector<16xi1>
    %add3A_108 = arith.constant 1.000000e+00 : f32
    %add3A_109 = vector.broadcast %add3A_108 : f32 to vector<16xf32>
    %add3A_110 = arith.addf %broadcast_in_dim3A_57, %add3A_109 : vector<16xf32>
    %jit3A_111 = arith.constant 0.000000e+00 : f32
    %broadcast_in_dim3A_112 = vector.broadcast %jit3A_111 : f32 to vector<16xf32>
    %select_n3A_113 = arith.select %and3A_107, %add3A_110, %broadcast_in_dim3A_112 : vector<16xi1>, vector<16xf32>
    %lt3A_114 = arith.constant 4 : i32
    %lt3A_115 = vector.broadcast %lt3A_114 : i32 to vector<16xi32>
    %lt3A_116 = arith.cmpi slt, %iota3A, %lt3A_115 : vector<16xi32>
    %jit3A_117 = arith.constant 0.000000e+00 : f32
    %broadcast_in_dim3A_118 = vector.broadcast %jit3A_117 : f32 to vector<16xf32>
    %select_n3A_119 = arith.select %lt3A_116, %select_n3A_113, %broadcast_in_dim3A_118 : vector<16xi1>, vector<16xf32>
    %abs3A = math.absf %select_n3A_92 : vector<16xf32>
    %neg3A = arith.constant 0.000000e+00 : f32
    %neg3A_120 = vector.broadcast %neg3A : f32 to vector<16xf32>
    %neg3A_121 = arith.subf %neg3A_120, %abs3A : vector<16xf32>
    %exp3A = math.exp %neg3A_121 : vector<16xf32>
    %add3A_122 = arith.constant 1.000000e+00 : f32
    %add3A_123 = vector.broadcast %add3A_122 : f32 to vector<16xf32>
    %add3A_124 = arith.addf %add3A_123, %exp3A : vector<16xf32>
    %mul3A_125 = arith.constant 2.500000e-01 : f32
    %mul3A_126 = vector.broadcast %mul3A_125 : f32 to vector<16xf32>
    %mul3A_127 = arith.mulf %exp3A, %mul3A_126 : vector<16xf32>
    %sub3A_128 = arith.constant 5.000000e-01 : f32
    %sub3A_129 = vector.broadcast %sub3A_128 : f32 to vector<16xf32>
    %sub3A_130 = arith.subf %sub3A_129, %mul3A_127 : vector<16xf32>
    %mul3A_131 = arith.mulf %exp3A, %sub3A_130 : vector<16xf32>
    %sub3A_132 = arith.constant 1.000000e+00 : f32
    %sub3A_133 = vector.broadcast %sub3A_132 : f32 to vector<16xf32>
    %sub3A_134 = arith.subf %sub3A_133, %mul3A_131 : vector<16xf32>
    %mul3A_135 = arith.mulf %exp3A, %sub3A_134 : vector<16xf32>
    %neg3A_136 = arith.constant 0.000000e+00 : f32
    %neg3A_137 = vector.broadcast %neg3A_136 : f32 to vector<16xf32>
    %neg3A_138 = arith.subf %neg3A_137, %mul3A_135 : vector<16xf32>
    %exp3A_139 = math.exp %neg3A_138 : vector<16xf32>
    %mul3A_140 = arith.mulf %add3A_124, %exp3A_139 : vector<16xf32>
    %add3A_141 = arith.addf %mul3A_135, %mul3A_140 : vector<16xf32>
    %sub3A_142 = arith.constant 1.000000e+00 : f32
    %sub3A_143 = vector.broadcast %sub3A_142 : f32 to vector<16xf32>
    %sub3A_144 = arith.subf %add3A_141, %sub3A_143 : vector<16xf32>
    %neg3A_145 = arith.constant 0.000000e+00 : f32
    %neg3A_146 = vector.broadcast %neg3A_145 : f32 to vector<16xf32>
    %neg3A_147 = arith.subf %neg3A_146, %sub3A_144 : vector<16xf32>
    %exp3A_148 = math.exp %neg3A_147 : vector<16xf32>
    %mul3A_149 = arith.mulf %add3A_124, %exp3A_148 : vector<16xf32>
    %add3A_150 = arith.addf %sub3A_144, %mul3A_149 : vector<16xf32>
    %sub3A_151 = arith.constant 1.000000e+00 : f32
    %sub3A_152 = vector.broadcast %sub3A_151 : f32 to vector<16xf32>
    %sub3A_153 = arith.subf %add3A_150, %sub3A_152 : vector<16xf32>
    %max3A = arith.constant 0.000000e+00 : f32
    %max3A_154 = vector.broadcast %max3A : f32 to vector<16xf32>
    %max3A_155 = arith.maximumf %select_n3A_92, %max3A_154 : vector<16xf32>
    %add3A_156 = arith.addf %max3A_155, %sub3A_153 : vector<16xf32>
    %mul3A_157 = arith.mulf %select_n3A_119, %add3A_156 : vector<16xf32>
    %add3A_158 = arith.addf %broadcast_in_dim3A_57, %mul3A_157 : vector<16xf32>
    %mul3A_159 = arith.constant 2 : i32
    %mul3A_160 = vector.broadcast %mul3A_159 : i32 to vector<16xi32>
    %mul3A_161 = arith.muli %mul3A_160, %select_n3A_94 : vector<16xi32>
    %add3A_162 = arith.constant 1 : i32
    %add3A_163 = vector.broadcast %add3A_162 : i32 to vector<16xi32>
    %add3A_164 = arith.addi %mul3A_161, %add3A_163 : vector<16xi32>
    %add3A_165 = arith.constant 1 : i32
    %add3A_166 = vector.broadcast %add3A_165 : i32 to vector<16xi32>
    %add3A_167 = arith.addi %add3A_164, %add3A_166 : vector<16xi32>
    %gather3A_168 = tpu.vector_load_idx %arg5[%add3A_41, %add3A_164] : memref<8x2048xf32, #tpu.memory_space<vmem>>[vector<16xi32>, vector<16xi32>], vector<16xf32>,
    %gather3A_169 = tpu.vector_load_idx %arg6[%add3A_41, %add3A_164] : memref<8x2048xf32, #tpu.memory_space<vmem>>[vector<16xi32>, vector<16xi32>], vector<16xf32>,
    %gather3A_170 = tpu.vector_load_idx %arg5[%add3A_41, %add3A_167] : memref<8x2048xf32, #tpu.memory_space<vmem>>[vector<16xi32>, vector<16xi32>], vector<16xf32>,
    %gather3A_171 = tpu.vector_load_idx %arg6[%add3A_41, %add3A_167] : memref<8x2048xf32, #tpu.memory_space<vmem>>[vector<16xi32>, vector<16xi32>], vector<16xf32>,
    %mul3A_172 = arith.constant 2 : i32
    %mul3A_173 = vector.broadcast %mul3A_172 : i32 to vector<16xi32>
    %mul3A_174 = arith.muli %mul3A_173, %select_n3A_94 : vector<16xi32>
    %add3A_175 = arith.constant 1 : i32
    %add3A_176 = vector.broadcast %add3A_175 : i32 to vector<16xi32>
    %add3A_177 = arith.addi %mul3A_174, %add3A_176 : vector<16xi32>
    %add3A_178 = arith.constant 1 : i32
    %add3A_179 = vector.broadcast %add3A_178 : i32 to vector<16xi32>
    %add3A_180 = arith.addi %add3A_177, %add3A_179 : vector<16xi32>
    %gt3A_181 = arith.cmpf ogt, %gather3A_170, %gather3A_168 : vector<16xf32>
    %select_n3A_182 = arith.select %gt3A_181, %gather3A_170, %gather3A_168 : vector<16xi1>, vector<16xf32>
    %select_n3A_183 = arith.select %gt3A_181, %gather3A_171, %gather3A_169 : vector<16xi1>, vector<16xf32>
    %select_n3A_184 = arith.select %gt3A_181, %add3A_180, %add3A_177 : vector<16xi1>, vector<16xi32>
    %gt3A_185 = arith.constant 0.000000e+00 : f32
    %gt3A_186 = vector.broadcast %gt3A_185 : f32 to vector<16xf32>
    %gt3A_187 = arith.cmpf ogt, %select_n3A_182, %gt3A_186 : vector<16xf32>
    %jit3A_188 = arith.constant 0.000000e+00 : f32
    %broadcast_in_dim3A_189 = vector.broadcast %jit3A_188 : f32 to vector<16xf32>
    %select_n3A_190 = arith.select %gt3A_187, %select_n3A_100, %broadcast_in_dim3A_189 : vector<16xi1>, vector<16xf32>
    %gt3A_191 = arith.constant 0.000000e+00 : f32
    %gt3A_192 = vector.broadcast %gt3A_191 : f32 to vector<16xf32>
    %gt3A_193 = arith.cmpf ogt, %select_n3A_190, %gt3A_192 : vector<16xf32>
    %eq3A_194 = arith.constant 0.000000e+00 : f32
    %eq3A_195 = vector.broadcast %eq3A_194 : f32 to vector<16xf32>
    %eq3A_196 = arith.cmpf oeq, %select_n3A_183, %eq3A_195 : vector<16xf32>
    %and3A_197 = arith.andi %gt3A_193, %eq3A_196 : vector<16xi1>
    %add3A_198 = arith.constant 1.000000e+00 : f32
    %add3A_199 = vector.broadcast %add3A_198 : f32 to vector<16xf32>
    %add3A_200 = arith.addf %select_n3A_113, %add3A_199 : vector<16xf32>
    %jit3A_201 = arith.constant 0.000000e+00 : f32
    %broadcast_in_dim3A_202 = vector.broadcast %jit3A_201 : f32 to vector<16xf32>
    %select_n3A_203 = arith.select %and3A_197, %add3A_200, %broadcast_in_dim3A_202 : vector<16xi1>, vector<16xf32>
    %lt3A_204 = arith.constant 4 : i32
    %lt3A_205 = vector.broadcast %lt3A_204 : i32 to vector<16xi32>
    %lt3A_206 = arith.cmpi slt, %iota3A, %lt3A_205 : vector<16xi32>
    %jit3A_207 = arith.constant 0.000000e+00 : f32
    %broadcast_in_dim3A_208 = vector.broadcast %jit3A_207 : f32 to vector<16xf32>
    %select_n3A_209 = arith.select %lt3A_206, %select_n3A_203, %broadcast_in_dim3A_208 : vector<16xi1>, vector<16xf32>
    %abs3A_210 = math.absf %select_n3A_182 : vector<16xf32>
    %neg3A_211 = arith.constant 0.000000e+00 : f32
    %neg3A_212 = vector.broadcast %neg3A_211 : f32 to vector<16xf32>
    %neg3A_213 = arith.subf %neg3A_212, %abs3A_210 : vector<16xf32>
    %exp3A_214 = math.exp %neg3A_213 : vector<16xf32>
    %add3A_215 = arith.constant 1.000000e+00 : f32
    %add3A_216 = vector.broadcast %add3A_215 : f32 to vector<16xf32>
    %add3A_217 = arith.addf %add3A_216, %exp3A_214 : vector<16xf32>
    %mul3A_218 = arith.constant 2.500000e-01 : f32
    %mul3A_219 = vector.broadcast %mul3A_218 : f32 to vector<16xf32>
    %mul3A_220 = arith.mulf %exp3A_214, %mul3A_219 : vector<16xf32>
    %sub3A_221 = arith.constant 5.000000e-01 : f32
    %sub3A_222 = vector.broadcast %sub3A_221 : f32 to vector<16xf32>
    %sub3A_223 = arith.subf %sub3A_222, %mul3A_220 : vector<16xf32>
    %mul3A_224 = arith.mulf %exp3A_214, %sub3A_223 : vector<16xf32>
    %sub3A_225 = arith.constant 1.000000e+00 : f32
    %sub3A_226 = vector.broadcast %sub3A_225 : f32 to vector<16xf32>
    %sub3A_227 = arith.subf %sub3A_226, %mul3A_224 : vector<16xf32>
    %mul3A_228 = arith.mulf %exp3A_214, %sub3A_227 : vector<16xf32>
    %neg3A_229 = arith.constant 0.000000e+00 : f32
    %neg3A_230 = vector.broadcast %neg3A_229 : f32 to vector<16xf32>
    %neg3A_231 = arith.subf %neg3A_230, %mul3A_228 : vector<16xf32>
    %exp3A_232 = math.exp %neg3A_231 : vector<16xf32>
    %mul3A_233 = arith.mulf %add3A_217, %exp3A_232 : vector<16xf32>
    %add3A_234 = arith.addf %mul3A_228, %mul3A_233 : vector<16xf32>
    %sub3A_235 = arith.constant 1.000000e+00 : f32
    %sub3A_236 = vector.broadcast %sub3A_235 : f32 to vector<16xf32>
    %sub3A_237 = arith.subf %add3A_234, %sub3A_236 : vector<16xf32>
    %neg3A_238 = arith.constant 0.000000e+00 : f32
    %neg3A_239 = vector.broadcast %neg3A_238 : f32 to vector<16xf32>
    %neg3A_240 = arith.subf %neg3A_239, %sub3A_237 : vector<16xf32>
    %exp3A_241 = math.exp %neg3A_240 : vector<16xf32>
    %mul3A_242 = arith.mulf %add3A_217, %exp3A_241 : vector<16xf32>
    %add3A_243 = arith.addf %sub3A_237, %mul3A_242 : vector<16xf32>
    %sub3A_244 = arith.constant 1.000000e+00 : f32
    %sub3A_245 = vector.broadcast %sub3A_244 : f32 to vector<16xf32>
    %sub3A_246 = arith.subf %add3A_243, %sub3A_245 : vector<16xf32>
    %max3A_247 = arith.constant 0.000000e+00 : f32
    %max3A_248 = vector.broadcast %max3A_247 : f32 to vector<16xf32>
    %max3A_249 = arith.maximumf %select_n3A_182, %max3A_248 : vector<16xf32>
    %add3A_250 = arith.addf %max3A_249, %sub3A_246 : vector<16xf32>
    %mul3A_251 = arith.mulf %select_n3A_209, %add3A_250 : vector<16xf32>
    %add3A_252 = arith.addf %add3A_158, %mul3A_251 : vector<16xf32>
    %mul3A_253 = arith.constant 2 : i32
    %mul3A_254 = vector.broadcast %mul3A_253 : i32 to vector<16xi32>
    %mul3A_255 = arith.muli %mul3A_254, %select_n3A_184 : vector<16xi32>
    %add3A_256 = arith.constant 1 : i32
    %add3A_257 = vector.broadcast %add3A_256 : i32 to vector<16xi32>
    %add3A_258 = arith.addi %mul3A_255, %add3A_257 : vector<16xi32>
    %add3A_259 = arith.constant 1 : i32
    %add3A_260 = vector.broadcast %add3A_259 : i32 to vector<16xi32>
    %add3A_261 = arith.addi %add3A_258, %add3A_260 : vector<16xi32>
    %gather3A_262 = tpu.vector_load_idx %arg5[%add3A_41, %add3A_258] : memref<8x2048xf32, #tpu.memory_space<vmem>>[vector<16xi32>, vector<16xi32>], vector<16xf32>,
    %gather3A_263 = tpu.vector_load_idx %arg6[%add3A_41, %add3A_258] : memref<8x2048xf32, #tpu.memory_space<vmem>>[vector<16xi32>, vector<16xi32>], vector<16xf32>,
    %gather3A_264 = tpu.vector_load_idx %arg5[%add3A_41, %add3A_261] : memref<8x2048xf32, #tpu.memory_space<vmem>>[vector<16xi32>, vector<16xi32>], vector<16xf32>,
    %gather3A_265 = tpu.vector_load_idx %arg6[%add3A_41, %add3A_261] : memref<8x2048xf32, #tpu.memory_space<vmem>>[vector<16xi32>, vector<16xi32>], vector<16xf32>,
    %mul3A_266 = arith.constant 2 : i32
    %mul3A_267 = vector.broadcast %mul3A_266 : i32 to vector<16xi32>
    %mul3A_268 = arith.muli %mul3A_267, %select_n3A_184 : vector<16xi32>
    %add3A_269 = arith.constant 1 : i32
    %add3A_270 = vector.broadcast %add3A_269 : i32 to vector<16xi32>
    %add3A_271 = arith.addi %mul3A_268, %add3A_270 : vector<16xi32>
    %add3A_272 = arith.constant 1 : i32
    %add3A_273 = vector.broadcast %add3A_272 : i32 to vector<16xi32>
    %add3A_274 = arith.addi %add3A_271, %add3A_273 : vector<16xi32>
    %gt3A_275 = arith.cmpf ogt, %gather3A_264, %gather3A_262 : vector<16xf32>
    %select_n3A_276 = arith.select %gt3A_275, %gather3A_264, %gather3A_262 : vector<16xi1>, vector<16xf32>
    %select_n3A_277 = arith.select %gt3A_275, %gather3A_265, %gather3A_263 : vector<16xi1>, vector<16xf32>
    %select_n3A_278 = arith.select %gt3A_275, %add3A_274, %add3A_271 : vector<16xi1>, vector<16xi32>
    %gt3A_279 = arith.constant 0.000000e+00 : f32
    %gt3A_280 = vector.broadcast %gt3A_279 : f32 to vector<16xf32>
    %gt3A_281 = arith.cmpf ogt, %select_n3A_276, %gt3A_280 : vector<16xf32>
    %jit3A_282 = arith.constant 0.000000e+00 : f32
    %broadcast_in_dim3A_283 = vector.broadcast %jit3A_282 : f32 to vector<16xf32>
    %select_n3A_284 = arith.select %gt3A_281, %select_n3A_190, %broadcast_in_dim3A_283 : vector<16xi1>, vector<16xf32>
    %gt3A_285 = arith.constant 0.000000e+00 : f32
    %gt3A_286 = vector.broadcast %gt3A_285 : f32 to vector<16xf32>
    %gt3A_287 = arith.cmpf ogt, %select_n3A_284, %gt3A_286 : vector<16xf32>
    %eq3A_288 = arith.constant 0.000000e+00 : f32
    %eq3A_289 = vector.broadcast %eq3A_288 : f32 to vector<16xf32>
    %eq3A_290 = arith.cmpf oeq, %select_n3A_277, %eq3A_289 : vector<16xf32>
    %and3A_291 = arith.andi %gt3A_287, %eq3A_290 : vector<16xi1>
    %add3A_292 = arith.constant 1.000000e+00 : f32
    %add3A_293 = vector.broadcast %add3A_292 : f32 to vector<16xf32>
    %add3A_294 = arith.addf %select_n3A_203, %add3A_293 : vector<16xf32>
    %jit3A_295 = arith.constant 0.000000e+00 : f32
    %broadcast_in_dim3A_296 = vector.broadcast %jit3A_295 : f32 to vector<16xf32>
    %select_n3A_297 = arith.select %and3A_291, %add3A_294, %broadcast_in_dim3A_296 : vector<16xi1>, vector<16xf32>
    %lt3A_298 = arith.constant 4 : i32
    %lt3A_299 = vector.broadcast %lt3A_298 : i32 to vector<16xi32>
    %lt3A_300 = arith.cmpi slt, %iota3A, %lt3A_299 : vector<16xi32>
    %jit3A_301 = arith.constant 0.000000e+00 : f32
    %broadcast_in_dim3A_302 = vector.broadcast %jit3A_301 : f32 to vector<16xf32>
    %select_n3A_303 = arith.select %lt3A_300, %select_n3A_297, %broadcast_in_dim3A_302 : vector<16xi1>, vector<16xf32>
    %abs3A_304 = math.absf %select_n3A_276 : vector<16xf32>
    %neg3A_305 = arith.constant 0.000000e+00 : f32
    %neg3A_306 = vector.broadcast %neg3A_305 : f32 to vector<16xf32>
    %neg3A_307 = arith.subf %neg3A_306, %abs3A_304 : vector<16xf32>
    %exp3A_308 = math.exp %neg3A_307 : vector<16xf32>
    %add3A_309 = arith.constant 1.000000e+00 : f32
    %add3A_310 = vector.broadcast %add3A_309 : f32 to vector<16xf32>
    %add3A_311 = arith.addf %add3A_310, %exp3A_308 : vector<16xf32>
    %mul3A_312 = arith.constant 2.500000e-01 : f32
    %mul3A_313 = vector.broadcast %mul3A_312 : f32 to vector<16xf32>
    %mul3A_314 = arith.mulf %exp3A_308, %mul3A_313 : vector<16xf32>
    %sub3A_315 = arith.constant 5.000000e-01 : f32
    %sub3A_316 = vector.broadcast %sub3A_315 : f32 to vector<16xf32>
    %sub3A_317 = arith.subf %sub3A_316, %mul3A_314 : vector<16xf32>
    %mul3A_318 = arith.mulf %exp3A_308, %sub3A_317 : vector<16xf32>
    %sub3A_319 = arith.constant 1.000000e+00 : f32
    %sub3A_320 = vector.broadcast %sub3A_319 : f32 to vector<16xf32>
    %sub3A_321 = arith.subf %sub3A_320, %mul3A_318 : vector<16xf32>
    %mul3A_322 = arith.mulf %exp3A_308, %sub3A_321 : vector<16xf32>
    %neg3A_323 = arith.constant 0.000000e+00 : f32
    %neg3A_324 = vector.broadcast %neg3A_323 : f32 to vector<16xf32>
    %neg3A_325 = arith.subf %neg3A_324, %mul3A_322 : vector<16xf32>
    %exp3A_326 = math.exp %neg3A_325 : vector<16xf32>
    %mul3A_327 = arith.mulf %add3A_311, %exp3A_326 : vector<16xf32>
    %add3A_328 = arith.addf %mul3A_322, %mul3A_327 : vector<16xf32>
    %sub3A_329 = arith.constant 1.000000e+00 : f32
    %sub3A_330 = vector.broadcast %sub3A_329 : f32 to vector<16xf32>
    %sub3A_331 = arith.subf %add3A_328, %sub3A_330 : vector<16xf32>
    %neg3A_332 = arith.constant 0.000000e+00 : f32
    %neg3A_333 = vector.broadcast %neg3A_332 : f32 to vector<16xf32>
    %neg3A_334 = arith.subf %neg3A_333, %sub3A_331 : vector<16xf32>
    %exp3A_335 = math.exp %neg3A_334 : vector<16xf32>
    %mul3A_336 = arith.mulf %add3A_311, %exp3A_335 : vector<16xf32>
    %add3A_337 = arith.addf %sub3A_331, %mul3A_336 : vector<16xf32>
    %sub3A_338 = arith.constant 1.000000e+00 : f32
    %sub3A_339 = vector.broadcast %sub3A_338 : f32 to vector<16xf32>
    %sub3A_340 = arith.subf %add3A_337, %sub3A_339 : vector<16xf32>
    %max3A_341 = arith.constant 0.000000e+00 : f32
    %max3A_342 = vector.broadcast %max3A_341 : f32 to vector<16xf32>
    %max3A_343 = arith.maximumf %select_n3A_276, %max3A_342 : vector<16xf32>
    %add3A_344 = arith.addf %max3A_343, %sub3A_340 : vector<16xf32>
    %mul3A_345 = arith.mulf %select_n3A_303, %add3A_344 : vector<16xf32>
    %add3A_346 = arith.addf %add3A_252, %mul3A_345 : vector<16xf32>
    %mul3A_347 = arith.constant 2 : i32
    %mul3A_348 = vector.broadcast %mul3A_347 : i32 to vector<16xi32>
    %mul3A_349 = arith.muli %mul3A_348, %select_n3A_278 : vector<16xi32>
    %add3A_350 = arith.constant 1 : i32
    %add3A_351 = vector.broadcast %add3A_350 : i32 to vector<16xi32>
    %add3A_352 = arith.addi %mul3A_349, %add3A_351 : vector<16xi32>
    %add3A_353 = arith.constant 1 : i32
    %add3A_354 = vector.broadcast %add3A_353 : i32 to vector<16xi32>
    %add3A_355 = arith.addi %add3A_352, %add3A_354 : vector<16xi32>
    %gather3A_356 = tpu.vector_load_idx %arg5[%add3A_41, %add3A_352] : memref<8x2048xf32, #tpu.memory_space<vmem>>[vector<16xi32>, vector<16xi32>], vector<16xf32>,
    %gather3A_357 = tpu.vector_load_idx %arg6[%add3A_41, %add3A_352] : memref<8x2048xf32, #tpu.memory_space<vmem>>[vector<16xi32>, vector<16xi32>], vector<16xf32>,
    %gather3A_358 = tpu.vector_load_idx %arg5[%add3A_41, %add3A_355] : memref<8x2048xf32, #tpu.memory_space<vmem>>[vector<16xi32>, vector<16xi32>], vector<16xf32>,
    %gather3A_359 = tpu.vector_load_idx %arg6[%add3A_41, %add3A_355] : memref<8x2048xf32, #tpu.memory_space<vmem>>[vector<16xi32>, vector<16xi32>], vector<16xf32>,
    %mul3A_360 = arith.constant 2 : i32
    %mul3A_361 = vector.broadcast %mul3A_360 : i32 to vector<16xi32>
    %mul3A_362 = arith.muli %mul3A_361, %select_n3A_278 : vector<16xi32>
    %add3A_363 = arith.constant 1 : i32
    %add3A_364 = vector.broadcast %add3A_363 : i32 to vector<16xi32>
    %add3A_365 = arith.addi %mul3A_362, %add3A_364 : vector<16xi32>
    %add3A_366 = arith.constant 1 : i32
    %add3A_367 = vector.broadcast %add3A_366 : i32 to vector<16xi32>
    %add3A_368 = arith.addi %add3A_365, %add3A_367 : vector<16xi32>
    %gt3A_369 = arith.cmpf ogt, %gather3A_358, %gather3A_356 : vector<16xf32>
    %select_n3A_370 = arith.select %gt3A_369, %gather3A_358, %gather3A_356 : vector<16xi1>, vector<16xf32>
    %select_n3A_371 = arith.select %gt3A_369, %gather3A_359, %gather3A_357 : vector<16xi1>, vector<16xf32>
    %select_n3A_372 = arith.select %gt3A_369, %add3A_368, %add3A_365 : vector<16xi1>, vector<16xi32>
    %gt3A_373 = arith.constant 0.000000e+00 : f32
    %gt3A_374 = vector.broadcast %gt3A_373 : f32 to vector<16xf32>
    %gt3A_375 = arith.cmpf ogt, %select_n3A_370, %gt3A_374 : vector<16xf32>
    %jit3A_376 = arith.constant 0.000000e+00 : f32
    %broadcast_in_dim3A_377 = vector.broadcast %jit3A_376 : f32 to vector<16xf32>
    %select_n3A_378 = arith.select %gt3A_375, %select_n3A_284, %broadcast_in_dim3A_377 : vector<16xi1>, vector<16xf32>
    %gt3A_379 = arith.constant 0.000000e+00 : f32
    %gt3A_380 = vector.broadcast %gt3A_379 : f32 to vector<16xf32>
    %gt3A_381 = arith.cmpf ogt, %select_n3A_378, %gt3A_380 : vector<16xf32>
    %eq3A_382 = arith.constant 0.000000e+00 : f32
    %eq3A_383 = vector.broadcast %eq3A_382 : f32 to vector<16xf32>
    %eq3A_384 = arith.cmpf oeq, %select_n3A_371, %eq3A_383 : vector<16xf32>
    %and3A_385 = arith.andi %gt3A_381, %eq3A_384 : vector<16xi1>
    %add3A_386 = arith.constant 1.000000e+00 : f32
    %add3A_387 = vector.broadcast %add3A_386 : f32 to vector<16xf32>
    %add3A_388 = arith.addf %select_n3A_297, %add3A_387 : vector<16xf32>
    %jit3A_389 = arith.constant 0.000000e+00 : f32
    %broadcast_in_dim3A_390 = vector.broadcast %jit3A_389 : f32 to vector<16xf32>
    %select_n3A_391 = arith.select %and3A_385, %add3A_388, %broadcast_in_dim3A_390 : vector<16xi1>, vector<16xf32>
    %lt3A_392 = arith.constant 4 : i32
    %lt3A_393 = vector.broadcast %lt3A_392 : i32 to vector<16xi32>
    %lt3A_394 = arith.cmpi slt, %iota3A, %lt3A_393 : vector<16xi32>
    %jit3A_395 = arith.constant 0.000000e+00 : f32
    %broadcast_in_dim3A_396 = vector.broadcast %jit3A_395 : f32 to vector<16xf32>
    %select_n3A_397 = arith.select %lt3A_394, %select_n3A_391, %broadcast_in_dim3A_396 : vector<16xi1>, vector<16xf32>
    %abs3A_398 = math.absf %select_n3A_370 : vector<16xf32>
    %neg3A_399 = arith.constant 0.000000e+00 : f32
    %neg3A_400 = vector.broadcast %neg3A_399 : f32 to vector<16xf32>
    %neg3A_401 = arith.subf %neg3A_400, %abs3A_398 : vector<16xf32>
    %exp3A_402 = math.exp %neg3A_401 : vector<16xf32>
    %add3A_403 = arith.constant 1.000000e+00 : f32
    %add3A_404 = vector.broadcast %add3A_403 : f32 to vector<16xf32>
    %add3A_405 = arith.addf %add3A_404, %exp3A_402 : vector<16xf32>
    %mul3A_406 = arith.constant 2.500000e-01 : f32
    %mul3A_407 = vector.broadcast %mul3A_406 : f32 to vector<16xf32>
    %mul3A_408 = arith.mulf %exp3A_402, %mul3A_407 : vector<16xf32>
    %sub3A_409 = arith.constant 5.000000e-01 : f32
    %sub3A_410 = vector.broadcast %sub3A_409 : f32 to vector<16xf32>
    %sub3A_411 = arith.subf %sub3A_410, %mul3A_408 : vector<16xf32>
    %mul3A_412 = arith.mulf %exp3A_402, %sub3A_411 : vector<16xf32>
    %sub3A_413 = arith.constant 1.000000e+00 : f32
    %sub3A_414 = vector.broadcast %sub3A_413 : f32 to vector<16xf32>
    %sub3A_415 = arith.subf %sub3A_414, %mul3A_412 : vector<16xf32>
    %mul3A_416 = arith.mulf %exp3A_402, %sub3A_415 : vector<16xf32>
    %neg3A_417 = arith.constant 0.000000e+00 : f32
    %neg3A_418 = vector.broadcast %neg3A_417 : f32 to vector<16xf32>
    %neg3A_419 = arith.subf %neg3A_418, %mul3A_416 : vector<16xf32>
    %exp3A_420 = math.exp %neg3A_419 : vector<16xf32>
    %mul3A_421 = arith.mulf %add3A_405, %exp3A_420 : vector<16xf32>
    %add3A_422 = arith.addf %mul3A_416, %mul3A_421 : vector<16xf32>
    %sub3A_423 = arith.constant 1.000000e+00 : f32
    %sub3A_424 = vector.broadcast %sub3A_423 : f32 to vector<16xf32>
    %sub3A_425 = arith.subf %add3A_422, %sub3A_424 : vector<16xf32>
    %neg3A_426 = arith.constant 0.000000e+00 : f32
    %neg3A_427 = vector.broadcast %neg3A_426 : f32 to vector<16xf32>
    %neg3A_428 = arith.subf %neg3A_427, %sub3A_425 : vector<16xf32>
    %exp3A_429 = math.exp %neg3A_428 : vector<16xf32>
    %mul3A_430 = arith.mulf %add3A_405, %exp3A_429 : vector<16xf32>
    %add3A_431 = arith.addf %sub3A_425, %mul3A_430 : vector<16xf32>
    %sub3A_432 = arith.constant 1.000000e+00 : f32
    %sub3A_433 = vector.broadcast %sub3A_432 : f32 to vector<16xf32>
    %sub3A_434 = arith.subf %add3A_431, %sub3A_433 : vector<16xf32>
    %max3A_435 = arith.constant 0.000000e+00 : f32
    %max3A_436 = vector.broadcast %max3A_435 : f32 to vector<16xf32>
    %max3A_437 = arith.maximumf %select_n3A_370, %max3A_436 : vector<16xf32>
    %add3A_438 = arith.addf %max3A_437, %sub3A_434 : vector<16xf32>
    %mul3A_439 = arith.mulf %select_n3A_397, %add3A_438 : vector<16xf32>
    %add3A_440 = arith.addf %add3A_346, %mul3A_439 : vector<16xf32>
    %mul3A_441 = arith.constant 2 : i32
    %mul3A_442 = vector.broadcast %mul3A_441 : i32 to vector<16xi32>
    %mul3A_443 = arith.muli %mul3A_442, %select_n3A_372 : vector<16xi32>
    %add3A_444 = arith.constant 1 : i32
    %add3A_445 = vector.broadcast %add3A_444 : i32 to vector<16xi32>
    %add3A_446 = arith.addi %mul3A_443, %add3A_445 : vector<16xi32>
    %add3A_447 = arith.constant 1 : i32
    %add3A_448 = vector.broadcast %add3A_447 : i32 to vector<16xi32>
    %add3A_449 = arith.addi %add3A_446, %add3A_448 : vector<16xi32>
    %gather3A_450 = tpu.vector_load_idx %arg5[%add3A_41, %add3A_446] : memref<8x2048xf32, #tpu.memory_space<vmem>>[vector<16xi32>, vector<16xi32>], vector<16xf32>,
    %gather3A_451 = tpu.vector_load_idx %arg6[%add3A_41, %add3A_446] : memref<8x2048xf32, #tpu.memory_space<vmem>>[vector<16xi32>, vector<16xi32>], vector<16xf32>,
    %gather3A_452 = tpu.vector_load_idx %arg5[%add3A_41, %add3A_449] : memref<8x2048xf32, #tpu.memory_space<vmem>>[vector<16xi32>, vector<16xi32>], vector<16xf32>,
    %gather3A_453 = tpu.vector_load_idx %arg6[%add3A_41, %add3A_449] : memref<8x2048xf32, #tpu.memory_space<vmem>>[vector<16xi32>, vector<16xi32>], vector<16xf32>,
    %mul3A_454 = arith.constant 2 : i32
    %mul3A_455 = vector.broadcast %mul3A_454 : i32 to vector<16xi32>
    %mul3A_456 = arith.muli %mul3A_455, %select_n3A_372 : vector<16xi32>
    %add3A_457 = arith.constant 1 : i32
    %add3A_458 = vector.broadcast %add3A_457 : i32 to vector<16xi32>
    %add3A_459 = arith.addi %mul3A_456, %add3A_458 : vector<16xi32>
    %add3A_460 = arith.constant 1 : i32
    %add3A_461 = vector.broadcast %add3A_460 : i32 to vector<16xi32>
    %add3A_462 = arith.addi %add3A_459, %add3A_461 : vector<16xi32>
    %gt3A_463 = arith.cmpf ogt, %gather3A_452, %gather3A_450 : vector<16xf32>
    %select_n3A_464 = arith.select %gt3A_463, %gather3A_452, %gather3A_450 : vector<16xi1>, vector<16xf32>
    %select_n3A_465 = arith.select %gt3A_463, %gather3A_453, %gather3A_451 : vector<16xi1>, vector<16xf32>
    %select_n3A_466 = arith.select %gt3A_463, %add3A_462, %add3A_459 : vector<16xi1>, vector<16xi32>
    %gt3A_467 = arith.constant 0.000000e+00 : f32
    %gt3A_468 = vector.broadcast %gt3A_467 : f32 to vector<16xf32>
    %gt3A_469 = arith.cmpf ogt, %select_n3A_464, %gt3A_468 : vector<16xf32>
    %jit3A_470 = arith.constant 0.000000e+00 : f32
    %broadcast_in_dim3A_471 = vector.broadcast %jit3A_470 : f32 to vector<16xf32>
    %select_n3A_472 = arith.select %gt3A_469, %select_n3A_378, %broadcast_in_dim3A_471 : vector<16xi1>, vector<16xf32>
    %gt3A_473 = arith.constant 0.000000e+00 : f32
    %gt3A_474 = vector.broadcast %gt3A_473 : f32 to vector<16xf32>
    %gt3A_475 = arith.cmpf ogt, %select_n3A_472, %gt3A_474 : vector<16xf32>
    %eq3A_476 = arith.constant 0.000000e+00 : f32
    %eq3A_477 = vector.broadcast %eq3A_476 : f32 to vector<16xf32>
    %eq3A_478 = arith.cmpf oeq, %select_n3A_465, %eq3A_477 : vector<16xf32>
    %and3A_479 = arith.andi %gt3A_475, %eq3A_478 : vector<16xi1>
    %add3A_480 = arith.constant 1.000000e+00 : f32
    %add3A_481 = vector.broadcast %add3A_480 : f32 to vector<16xf32>
    %add3A_482 = arith.addf %select_n3A_391, %add3A_481 : vector<16xf32>
    %jit3A_483 = arith.constant 0.000000e+00 : f32
    %broadcast_in_dim3A_484 = vector.broadcast %jit3A_483 : f32 to vector<16xf32>
    %select_n3A_485 = arith.select %and3A_479, %add3A_482, %broadcast_in_dim3A_484 : vector<16xi1>, vector<16xf32>
    %lt3A_486 = arith.constant 4 : i32
    %lt3A_487 = vector.broadcast %lt3A_486 : i32 to vector<16xi32>
    %lt3A_488 = arith.cmpi slt, %iota3A, %lt3A_487 : vector<16xi32>
    %jit3A_489 = arith.constant 0.000000e+00 : f32
    %broadcast_in_dim3A_490 = vector.broadcast %jit3A_489 : f32 to vector<16xf32>
    %select_n3A_491 = arith.select %lt3A_488, %select_n3A_485, %broadcast_in_dim3A_490 : vector<16xi1>, vector<16xf32>
    %abs3A_492 = math.absf %select_n3A_464 : vector<16xf32>
    %neg3A_493 = arith.constant 0.000000e+00 : f32
    %neg3A_494 = vector.broadcast %neg3A_493 : f32 to vector<16xf32>
    %neg3A_495 = arith.subf %neg3A_494, %abs3A_492 : vector<16xf32>
    %exp3A_496 = math.exp %neg3A_495 : vector<16xf32>
    %add3A_497 = arith.constant 1.000000e+00 : f32
    %add3A_498 = vector.broadcast %add3A_497 : f32 to vector<16xf32>
    %add3A_499 = arith.addf %add3A_498, %exp3A_496 : vector<16xf32>
    %mul3A_500 = arith.constant 2.500000e-01 : f32
    %mul3A_501 = vector.broadcast %mul3A_500 : f32 to vector<16xf32>
    %mul3A_502 = arith.mulf %exp3A_496, %mul3A_501 : vector<16xf32>
    %sub3A_503 = arith.constant 5.000000e-01 : f32
    %sub3A_504 = vector.broadcast %sub3A_503 : f32 to vector<16xf32>
    %sub3A_505 = arith.subf %sub3A_504, %mul3A_502 : vector<16xf32>
    %mul3A_506 = arith.mulf %exp3A_496, %sub3A_505 : vector<16xf32>
    %sub3A_507 = arith.constant 1.000000e+00 : f32
    %sub3A_508 = vector.broadcast %sub3A_507 : f32 to vector<16xf32>
    %sub3A_509 = arith.subf %sub3A_508, %mul3A_506 : vector<16xf32>
    %mul3A_510 = arith.mulf %exp3A_496, %sub3A_509 : vector<16xf32>
    %neg3A_511 = arith.constant 0.000000e+00 : f32
    %neg3A_512 = vector.broadcast %neg3A_511 : f32 to vector<16xf32>
    %neg3A_513 = arith.subf %neg3A_512, %mul3A_510 : vector<16xf32>
    %exp3A_514 = math.exp %neg3A_513 : vector<16xf32>
    %mul3A_515 = arith.mulf %add3A_499, %exp3A_514 : vector<16xf32>
    %add3A_516 = arith.addf %mul3A_510, %mul3A_515 : vector<16xf32>
    %sub3A_517 = arith.constant 1.000000e+00 : f32
    %sub3A_518 = vector.broadcast %sub3A_517 : f32 to vector<16xf32>
    %sub3A_519 = arith.subf %add3A_516, %sub3A_518 : vector<16xf32>
    %neg3A_520 = arith.constant 0.000000e+00 : f32
    %neg3A_521 = vector.broadcast %neg3A_520 : f32 to vector<16xf32>
    %neg3A_522 = arith.subf %neg3A_521, %sub3A_519 : vector<16xf32>
    %exp3A_523 = math.exp %neg3A_522 : vector<16xf32>
    %mul3A_524 = arith.mulf %add3A_499, %exp3A_523 : vector<16xf32>
    %add3A_525 = arith.addf %sub3A_519, %mul3A_524 : vector<16xf32>
    %sub3A_526 = arith.constant 1.000000e+00 : f32
    %sub3A_527 = vector.broadcast %sub3A_526 : f32 to vector<16xf32>
    %sub3A_528 = arith.subf %add3A_525, %sub3A_527 : vector<16xf32>
    %max3A_529 = arith.constant 0.000000e+00 : f32
    %max3A_530 = vector.broadcast %max3A_529 : f32 to vector<16xf32>
    %max3A_531 = arith.maximumf %select_n3A_464, %max3A_530 : vector<16xf32>
    %add3A_532 = arith.addf %max3A_531, %sub3A_528 : vector<16xf32>
    %mul3A_533 = arith.mulf %select_n3A_491, %add3A_532 : vector<16xf32>
    %add3A_534 = arith.addf %add3A_440, %mul3A_533 : vector<16xf32>
    %mul3A_535 = arith.constant 2 : i32
    %mul3A_536 = vector.broadcast %mul3A_535 : i32 to vector<16xi32>
    %mul3A_537 = arith.muli %mul3A_536, %select_n3A_466 : vector<16xi32>
    %add3A_538 = arith.constant 1 : i32
    %add3A_539 = vector.broadcast %add3A_538 : i32 to vector<16xi32>
    %add3A_540 = arith.addi %mul3A_537, %add3A_539 : vector<16xi32>
    %add3A_541 = arith.constant 1 : i32
    %add3A_542 = vector.broadcast %add3A_541 : i32 to vector<16xi32>
    %add3A_543 = arith.addi %add3A_540, %add3A_542 : vector<16xi32>
    %gather3A_544 = tpu.vector_load_idx %arg5[%add3A_41, %add3A_540] : memref<8x2048xf32, #tpu.memory_space<vmem>>[vector<16xi32>, vector<16xi32>], vector<16xf32>,
    %gather3A_545 = tpu.vector_load_idx %arg6[%add3A_41, %add3A_540] : memref<8x2048xf32, #tpu.memory_space<vmem>>[vector<16xi32>, vector<16xi32>], vector<16xf32>,
    %gather3A_546 = tpu.vector_load_idx %arg5[%add3A_41, %add3A_543] : memref<8x2048xf32, #tpu.memory_space<vmem>>[vector<16xi32>, vector<16xi32>], vector<16xf32>,
    %gather3A_547 = tpu.vector_load_idx %arg6[%add3A_41, %add3A_543] : memref<8x2048xf32, #tpu.memory_space<vmem>>[vector<16xi32>, vector<16xi32>], vector<16xf32>,
    %mul3A_548 = arith.constant 2 : i32
    %mul3A_549 = vector.broadcast %mul3A_548 : i32 to vector<16xi32>
    %mul3A_550 = arith.muli %mul3A_549, %select_n3A_466 : vector<16xi32>
    %add3A_551 = arith.constant 1 : i32
    %add3A_552 = vector.broadcast %add3A_551 : i32 to vector<16xi32>
    %add3A_553 = arith.addi %mul3A_550, %add3A_552 : vector<16xi32>
    %add3A_554 = arith.constant 1 : i32
    %add3A_555 = vector.broadcast %add3A_554 : i32 to vector<16xi32>
    %add3A_556 = arith.addi %add3A_553, %add3A_555 : vector<16xi32>
    %gt3A_557 = arith.cmpf ogt, %gather3A_546, %gather3A_544 : vector<16xf32>
    %select_n3A_558 = arith.select %gt3A_557, %gather3A_546, %gather3A_544 : vector<16xi1>, vector<16xf32>
    %select_n3A_559 = arith.select %gt3A_557, %gather3A_547, %gather3A_545 : vector<16xi1>, vector<16xf32>
    %select_n3A_560 = arith.select %gt3A_557, %add3A_556, %add3A_553 : vector<16xi1>, vector<16xi32>
    %gt3A_561 = arith.constant 0.000000e+00 : f32
    %gt3A_562 = vector.broadcast %gt3A_561 : f32 to vector<16xf32>
    %gt3A_563 = arith.cmpf ogt, %select_n3A_558, %gt3A_562 : vector<16xf32>
    %jit3A_564 = arith.constant 0.000000e+00 : f32
    %broadcast_in_dim3A_565 = vector.broadcast %jit3A_564 : f32 to vector<16xf32>
    %select_n3A_566 = arith.select %gt3A_563, %select_n3A_472, %broadcast_in_dim3A_565 : vector<16xi1>, vector<16xf32>
    %gt3A_567 = arith.constant 0.000000e+00 : f32
    %gt3A_568 = vector.broadcast %gt3A_567 : f32 to vector<16xf32>
    %gt3A_569 = arith.cmpf ogt, %select_n3A_566, %gt3A_568 : vector<16xf32>
    %eq3A_570 = arith.constant 0.000000e+00 : f32
    %eq3A_571 = vector.broadcast %eq3A_570 : f32 to vector<16xf32>
    %eq3A_572 = arith.cmpf oeq, %select_n3A_559, %eq3A_571 : vector<16xf32>
    %and3A_573 = arith.andi %gt3A_569, %eq3A_572 : vector<16xi1>
    %add3A_574 = arith.constant 1.000000e+00 : f32
    %add3A_575 = vector.broadcast %add3A_574 : f32 to vector<16xf32>
    %add3A_576 = arith.addf %select_n3A_485, %add3A_575 : vector<16xf32>
    %jit3A_577 = arith.constant 0.000000e+00 : f32
    %broadcast_in_dim3A_578 = vector.broadcast %jit3A_577 : f32 to vector<16xf32>
    %select_n3A_579 = arith.select %and3A_573, %add3A_576, %broadcast_in_dim3A_578 : vector<16xi1>, vector<16xf32>
    %lt3A_580 = arith.constant 4 : i32
    %lt3A_581 = vector.broadcast %lt3A_580 : i32 to vector<16xi32>
    %lt3A_582 = arith.cmpi slt, %iota3A, %lt3A_581 : vector<16xi32>
    %jit3A_583 = arith.constant 0.000000e+00 : f32
    %broadcast_in_dim3A_584 = vector.broadcast %jit3A_583 : f32 to vector<16xf32>
    %select_n3A_585 = arith.select %lt3A_582, %select_n3A_579, %broadcast_in_dim3A_584 : vector<16xi1>, vector<16xf32>
    %abs3A_586 = math.absf %select_n3A_558 : vector<16xf32>
    %neg3A_587 = arith.constant 0.000000e+00 : f32
    %neg3A_588 = vector.broadcast %neg3A_587 : f32 to vector<16xf32>
    %neg3A_589 = arith.subf %neg3A_588, %abs3A_586 : vector<16xf32>
    %exp3A_590 = math.exp %neg3A_589 : vector<16xf32>
    %add3A_591 = arith.constant 1.000000e+00 : f32
    %add3A_592 = vector.broadcast %add3A_591 : f32 to vector<16xf32>
    %add3A_593 = arith.addf %add3A_592, %exp3A_590 : vector<16xf32>
    %mul3A_594 = arith.constant 2.500000e-01 : f32
    %mul3A_595 = vector.broadcast %mul3A_594 : f32 to vector<16xf32>
    %mul3A_596 = arith.mulf %exp3A_590, %mul3A_595 : vector<16xf32>
    %sub3A_597 = arith.constant 5.000000e-01 : f32
    %sub3A_598 = vector.broadcast %sub3A_597 : f32 to vector<16xf32>
    %sub3A_599 = arith.subf %sub3A_598, %mul3A_596 : vector<16xf32>
    %mul3A_600 = arith.mulf %exp3A_590, %sub3A_599 : vector<16xf32>
    %sub3A_601 = arith.constant 1.000000e+00 : f32
    %sub3A_602 = vector.broadcast %sub3A_601 : f32 to vector<16xf32>
    %sub3A_603 = arith.subf %sub3A_602, %mul3A_600 : vector<16xf32>
    %mul3A_604 = arith.mulf %exp3A_590, %sub3A_603 : vector<16xf32>
    %neg3A_605 = arith.constant 0.000000e+00 : f32
    %neg3A_606 = vector.broadcast %neg3A_605 : f32 to vector<16xf32>
    %neg3A_607 = arith.subf %neg3A_606, %mul3A_604 : vector<16xf32>
    %exp3A_608 = math.exp %neg3A_607 : vector<16xf32>
    %mul3A_609 = arith.mulf %add3A_593, %exp3A_608 : vector<16xf32>
    %add3A_610 = arith.addf %mul3A_604, %mul3A_609 : vector<16xf32>
    %sub3A_611 = arith.constant 1.000000e+00 : f32
    %sub3A_612 = vector.broadcast %sub3A_611 : f32 to vector<16xf32>
    %sub3A_613 = arith.subf %add3A_610, %sub3A_612 : vector<16xf32>
    %neg3A_614 = arith.constant 0.000000e+00 : f32
    %neg3A_615 = vector.broadcast %neg3A_614 : f32 to vector<16xf32>
    %neg3A_616 = arith.subf %neg3A_615, %sub3A_613 : vector<16xf32>
    %exp3A_617 = math.exp %neg3A_616 : vector<16xf32>
    %mul3A_618 = arith.mulf %add3A_593, %exp3A_617 : vector<16xf32>
    %add3A_619 = arith.addf %sub3A_613, %mul3A_618 : vector<16xf32>
    %sub3A_620 = arith.constant 1.000000e+00 : f32
    %sub3A_621 = vector.broadcast %sub3A_620 : f32 to vector<16xf32>
    %sub3A_622 = arith.subf %add3A_619, %sub3A_621 : vector<16xf32>
    %max3A_623 = arith.constant 0.000000e+00 : f32
    %max3A_624 = vector.broadcast %max3A_623 : f32 to vector<16xf32>
    %max3A_625 = arith.maximumf %select_n3A_558, %max3A_624 : vector<16xf32>
    %add3A_626 = arith.addf %max3A_625, %sub3A_622 : vector<16xf32>
    %mul3A_627 = arith.mulf %select_n3A_585, %add3A_626 : vector<16xf32>
    %add3A_628 = arith.addf %add3A_534, %mul3A_627 : vector<16xf32>
    %mul3A_629 = arith.constant 2 : i32
    %mul3A_630 = vector.broadcast %mul3A_629 : i32 to vector<16xi32>
    %mul3A_631 = arith.muli %mul3A_630, %select_n3A_560 : vector<16xi32>
    %add3A_632 = arith.constant 1 : i32
    %add3A_633 = vector.broadcast %add3A_632 : i32 to vector<16xi32>
    %add3A_634 = arith.addi %mul3A_631, %add3A_633 : vector<16xi32>
    %add3A_635 = arith.constant 1 : i32
    %add3A_636 = vector.broadcast %add3A_635 : i32 to vector<16xi32>
    %add3A_637 = arith.addi %add3A_634, %add3A_636 : vector<16xi32>
    %gather3A_638 = tpu.vector_load_idx %arg5[%add3A_41, %add3A_634] : memref<8x2048xf32, #tpu.memory_space<vmem>>[vector<16xi32>, vector<16xi32>], vector<16xf32>,
    %gather3A_639 = tpu.vector_load_idx %arg6[%add3A_41, %add3A_634] : memref<8x2048xf32, #tpu.memory_space<vmem>>[vector<16xi32>, vector<16xi32>], vector<16xf32>,
    %gather3A_640 = tpu.vector_load_idx %arg5[%add3A_41, %add3A_637] : memref<8x2048xf32, #tpu.memory_space<vmem>>[vector<16xi32>, vector<16xi32>], vector<16xf32>,
    %gather3A_641 = tpu.vector_load_idx %arg6[%add3A_41, %add3A_637] : memref<8x2048xf32, #tpu.memory_space<vmem>>[vector<16xi32>, vector<16xi32>], vector<16xf32>,
    %mul3A_642 = arith.constant 2 : i32
    %mul3A_643 = vector.broadcast %mul3A_642 : i32 to vector<16xi32>
    %mul3A_644 = arith.muli %mul3A_643, %select_n3A_560 : vector<16xi32>
    %add3A_645 = arith.constant 1 : i32
    %add3A_646 = vector.broadcast %add3A_645 : i32 to vector<16xi32>
    %add3A_647 = arith.addi %mul3A_644, %add3A_646 : vector<16xi32>
    %add3A_648 = arith.constant 1 : i32
    %add3A_649 = vector.broadcast %add3A_648 : i32 to vector<16xi32>
    %add3A_650 = arith.addi %add3A_647, %add3A_649 : vector<16xi32>
    %gt3A_651 = arith.cmpf ogt, %gather3A_640, %gather3A_638 : vector<16xf32>
    %select_n3A_652 = arith.select %gt3A_651, %gather3A_640, %gather3A_638 : vector<16xi1>, vector<16xf32>
    %select_n3A_653 = arith.select %gt3A_651, %gather3A_641, %gather3A_639 : vector<16xi1>, vector<16xf32>
    %select_n3A_654 = arith.select %gt3A_651, %add3A_650, %add3A_647 : vector<16xi1>, vector<16xi32>
    %gt3A_655 = arith.constant 0.000000e+00 : f32
    %gt3A_656 = vector.broadcast %gt3A_655 : f32 to vector<16xf32>
    %gt3A_657 = arith.cmpf ogt, %select_n3A_652, %gt3A_656 : vector<16xf32>
    %jit3A_658 = arith.constant 0.000000e+00 : f32
    %broadcast_in_dim3A_659 = vector.broadcast %jit3A_658 : f32 to vector<16xf32>
    %select_n3A_660 = arith.select %gt3A_657, %select_n3A_566, %broadcast_in_dim3A_659 : vector<16xi1>, vector<16xf32>
    %gt3A_661 = arith.constant 0.000000e+00 : f32
    %gt3A_662 = vector.broadcast %gt3A_661 : f32 to vector<16xf32>
    %gt3A_663 = arith.cmpf ogt, %select_n3A_660, %gt3A_662 : vector<16xf32>
    %eq3A_664 = arith.constant 0.000000e+00 : f32
    %eq3A_665 = vector.broadcast %eq3A_664 : f32 to vector<16xf32>
    %eq3A_666 = arith.cmpf oeq, %select_n3A_653, %eq3A_665 : vector<16xf32>
    %and3A_667 = arith.andi %gt3A_663, %eq3A_666 : vector<16xi1>
    %add3A_668 = arith.constant 1.000000e+00 : f32
    %add3A_669 = vector.broadcast %add3A_668 : f32 to vector<16xf32>
    %add3A_670 = arith.addf %select_n3A_579, %add3A_669 : vector<16xf32>
    %jit3A_671 = arith.constant 0.000000e+00 : f32
    %broadcast_in_dim3A_672 = vector.broadcast %jit3A_671 : f32 to vector<16xf32>
    %select_n3A_673 = arith.select %and3A_667, %add3A_670, %broadcast_in_dim3A_672 : vector<16xi1>, vector<16xf32>
    %lt3A_674 = arith.constant 4 : i32
    %lt3A_675 = vector.broadcast %lt3A_674 : i32 to vector<16xi32>
    %lt3A_676 = arith.cmpi slt, %iota3A, %lt3A_675 : vector<16xi32>
    %jit3A_677 = arith.constant 0.000000e+00 : f32
    %broadcast_in_dim3A_678 = vector.broadcast %jit3A_677 : f32 to vector<16xf32>
    %select_n3A_679 = arith.select %lt3A_676, %select_n3A_673, %broadcast_in_dim3A_678 : vector<16xi1>, vector<16xf32>
    %abs3A_680 = math.absf %select_n3A_652 : vector<16xf32>
    %neg3A_681 = arith.constant 0.000000e+00 : f32
    %neg3A_682 = vector.broadcast %neg3A_681 : f32 to vector<16xf32>
    %neg3A_683 = arith.subf %neg3A_682, %abs3A_680 : vector<16xf32>
    %exp3A_684 = math.exp %neg3A_683 : vector<16xf32>
    %add3A_685 = arith.constant 1.000000e+00 : f32
    %add3A_686 = vector.broadcast %add3A_685 : f32 to vector<16xf32>
    %add3A_687 = arith.addf %add3A_686, %exp3A_684 : vector<16xf32>
    %mul3A_688 = arith.constant 2.500000e-01 : f32
    %mul3A_689 = vector.broadcast %mul3A_688 : f32 to vector<16xf32>
    %mul3A_690 = arith.mulf %exp3A_684, %mul3A_689 : vector<16xf32>
    %sub3A_691 = arith.constant 5.000000e-01 : f32
    %sub3A_692 = vector.broadcast %sub3A_691 : f32 to vector<16xf32>
    %sub3A_693 = arith.subf %sub3A_692, %mul3A_690 : vector<16xf32>
    %mul3A_694 = arith.mulf %exp3A_684, %sub3A_693 : vector<16xf32>
    %sub3A_695 = arith.constant 1.000000e+00 : f32
    %sub3A_696 = vector.broadcast %sub3A_695 : f32 to vector<16xf32>
    %sub3A_697 = arith.subf %sub3A_696, %mul3A_694 : vector<16xf32>
    %mul3A_698 = arith.mulf %exp3A_684, %sub3A_697 : vector<16xf32>
    %neg3A_699 = arith.constant 0.000000e+00 : f32
    %neg3A_700 = vector.broadcast %neg3A_699 : f32 to vector<16xf32>
    %neg3A_701 = arith.subf %neg3A_700, %mul3A_698 : vector<16xf32>
    %exp3A_702 = math.exp %neg3A_701 : vector<16xf32>
    %mul3A_703 = arith.mulf %add3A_687, %exp3A_702 : vector<16xf32>
    %add3A_704 = arith.addf %mul3A_698, %mul3A_703 : vector<16xf32>
    %sub3A_705 = arith.constant 1.000000e+00 : f32
    %sub3A_706 = vector.broadcast %sub3A_705 : f32 to vector<16xf32>
    %sub3A_707 = arith.subf %add3A_704, %sub3A_706 : vector<16xf32>
    %neg3A_708 = arith.constant 0.000000e+00 : f32
    %neg3A_709 = vector.broadcast %neg3A_708 : f32 to vector<16xf32>
    %neg3A_710 = arith.subf %neg3A_709, %sub3A_707 : vector<16xf32>
    %exp3A_711 = math.exp %neg3A_710 : vector<16xf32>
    %mul3A_712 = arith.mulf %add3A_687, %exp3A_711 : vector<16xf32>
    %add3A_713 = arith.addf %sub3A_707, %mul3A_712 : vector<16xf32>
    %sub3A_714 = arith.constant 1.000000e+00 : f32
    %sub3A_715 = vector.broadcast %sub3A_714 : f32 to vector<16xf32>
    %sub3A_716 = arith.subf %add3A_713, %sub3A_715 : vector<16xf32>
    %max3A_717 = arith.constant 0.000000e+00 : f32
    %max3A_718 = vector.broadcast %max3A_717 : f32 to vector<16xf32>
    %max3A_719 = arith.maximumf %select_n3A_652, %max3A_718 : vector<16xf32>
    %add3A_720 = arith.addf %max3A_719, %sub3A_716 : vector<16xf32>
    %mul3A_721 = arith.mulf %select_n3A_679, %add3A_720 : vector<16xf32>
    %add3A_722 = arith.addf %add3A_628, %mul3A_721 : vector<16xf32>
    %mul3A_723 = arith.constant 2 : i32
    %mul3A_724 = vector.broadcast %mul3A_723 : i32 to vector<16xi32>
    %mul3A_725 = arith.muli %mul3A_724, %select_n3A_654 : vector<16xi32>
    %add3A_726 = arith.constant 1 : i32
    %add3A_727 = vector.broadcast %add3A_726 : i32 to vector<16xi32>
    %add3A_728 = arith.addi %mul3A_725, %add3A_727 : vector<16xi32>
    %add3A_729 = arith.constant 1 : i32
    %add3A_730 = vector.broadcast %add3A_729 : i32 to vector<16xi32>
    %add3A_731 = arith.addi %add3A_728, %add3A_730 : vector<16xi32>
    %gather3A_732 = tpu.vector_load_idx %arg5[%add3A_41, %add3A_728] : memref<8x2048xf32, #tpu.memory_space<vmem>>[vector<16xi32>, vector<16xi32>], vector<16xf32>,
    %gather3A_733 = tpu.vector_load_idx %arg6[%add3A_41, %add3A_728] : memref<8x2048xf32, #tpu.memory_space<vmem>>[vector<16xi32>, vector<16xi32>], vector<16xf32>,
    %gather3A_734 = tpu.vector_load_idx %arg5[%add3A_41, %add3A_731] : memref<8x2048xf32, #tpu.memory_space<vmem>>[vector<16xi32>, vector<16xi32>], vector<16xf32>,
    %gather3A_735 = tpu.vector_load_idx %arg6[%add3A_41, %add3A_731] : memref<8x2048xf32, #tpu.memory_space<vmem>>[vector<16xi32>, vector<16xi32>], vector<16xf32>,
    %mul3A_736 = arith.constant 2 : i32
    %mul3A_737 = vector.broadcast %mul3A_736 : i32 to vector<16xi32>
    %mul3A_738 = arith.muli %mul3A_737, %select_n3A_654 : vector<16xi32>
    %add3A_739 = arith.constant 1 : i32
    %add3A_740 = vector.broadcast %add3A_739 : i32 to vector<16xi32>
    %add3A_741 = arith.addi %mul3A_738, %add3A_740 : vector<16xi32>
    %add3A_742 = arith.constant 1 : i32
    %add3A_743 = vector.broadcast %add3A_742 : i32 to vector<16xi32>
    %add3A_744 = arith.addi %add3A_741, %add3A_743 : vector<16xi32>
    %gt3A_745 = arith.cmpf ogt, %gather3A_734, %gather3A_732 : vector<16xf32>
    %select_n3A_746 = arith.select %gt3A_745, %gather3A_734, %gather3A_732 : vector<16xi1>, vector<16xf32>
    %select_n3A_747 = arith.select %gt3A_745, %gather3A_735, %gather3A_733 : vector<16xi1>, vector<16xf32>
    %select_n3A_748 = arith.select %gt3A_745, %add3A_744, %add3A_741 : vector<16xi1>, vector<16xi32>
    %gt3A_749 = arith.constant 0.000000e+00 : f32
    %gt3A_750 = vector.broadcast %gt3A_749 : f32 to vector<16xf32>
    %gt3A_751 = arith.cmpf ogt, %select_n3A_746, %gt3A_750 : vector<16xf32>
    %jit3A_752 = arith.constant 0.000000e+00 : f32
    %broadcast_in_dim3A_753 = vector.broadcast %jit3A_752 : f32 to vector<16xf32>
    %select_n3A_754 = arith.select %gt3A_751, %select_n3A_660, %broadcast_in_dim3A_753 : vector<16xi1>, vector<16xf32>
    %gt3A_755 = arith.constant 0.000000e+00 : f32
    %gt3A_756 = vector.broadcast %gt3A_755 : f32 to vector<16xf32>
    %gt3A_757 = arith.cmpf ogt, %select_n3A_754, %gt3A_756 : vector<16xf32>
    %eq3A_758 = arith.constant 0.000000e+00 : f32
    %eq3A_759 = vector.broadcast %eq3A_758 : f32 to vector<16xf32>
    %eq3A_760 = arith.cmpf oeq, %select_n3A_747, %eq3A_759 : vector<16xf32>
    %and3A_761 = arith.andi %gt3A_757, %eq3A_760 : vector<16xi1>
    %add3A_762 = arith.constant 1.000000e+00 : f32
    %add3A_763 = vector.broadcast %add3A_762 : f32 to vector<16xf32>
    %add3A_764 = arith.addf %select_n3A_673, %add3A_763 : vector<16xf32>
    %jit3A_765 = arith.constant 0.000000e+00 : f32
    %broadcast_in_dim3A_766 = vector.broadcast %jit3A_765 : f32 to vector<16xf32>
    %select_n3A_767 = arith.select %and3A_761, %add3A_764, %broadcast_in_dim3A_766 : vector<16xi1>, vector<16xf32>
    %lt3A_768 = arith.constant 4 : i32
    %lt3A_769 = vector.broadcast %lt3A_768 : i32 to vector<16xi32>
    %lt3A_770 = arith.cmpi slt, %iota3A, %lt3A_769 : vector<16xi32>
    %jit3A_771 = arith.constant 0.000000e+00 : f32
    %broadcast_in_dim3A_772 = vector.broadcast %jit3A_771 : f32 to vector<16xf32>
    %select_n3A_773 = arith.select %lt3A_770, %select_n3A_767, %broadcast_in_dim3A_772 : vector<16xi1>, vector<16xf32>
    %abs3A_774 = math.absf %select_n3A_746 : vector<16xf32>
    %neg3A_775 = arith.constant 0.000000e+00 : f32
    %neg3A_776 = vector.broadcast %neg3A_775 : f32 to vector<16xf32>
    %neg3A_777 = arith.subf %neg3A_776, %abs3A_774 : vector<16xf32>
    %exp3A_778 = math.exp %neg3A_777 : vector<16xf32>
    %add3A_779 = arith.constant 1.000000e+00 : f32
    %add3A_780 = vector.broadcast %add3A_779 : f32 to vector<16xf32>
    %add3A_781 = arith.addf %add3A_780, %exp3A_778 : vector<16xf32>
    %mul3A_782 = arith.constant 2.500000e-01 : f32
    %mul3A_783 = vector.broadcast %mul3A_782 : f32 to vector<16xf32>
    %mul3A_784 = arith.mulf %exp3A_778, %mul3A_783 : vector<16xf32>
    %sub3A_785 = arith.constant 5.000000e-01 : f32
    %sub3A_786 = vector.broadcast %sub3A_785 : f32 to vector<16xf32>
    %sub3A_787 = arith.subf %sub3A_786, %mul3A_784 : vector<16xf32>
    %mul3A_788 = arith.mulf %exp3A_778, %sub3A_787 : vector<16xf32>
    %sub3A_789 = arith.constant 1.000000e+00 : f32
    %sub3A_790 = vector.broadcast %sub3A_789 : f32 to vector<16xf32>
    %sub3A_791 = arith.subf %sub3A_790, %mul3A_788 : vector<16xf32>
    %mul3A_792 = arith.mulf %exp3A_778, %sub3A_791 : vector<16xf32>
    %neg3A_793 = arith.constant 0.000000e+00 : f32
    %neg3A_794 = vector.broadcast %neg3A_793 : f32 to vector<16xf32>
    %neg3A_795 = arith.subf %neg3A_794, %mul3A_792 : vector<16xf32>
    %exp3A_796 = math.exp %neg3A_795 : vector<16xf32>
    %mul3A_797 = arith.mulf %add3A_781, %exp3A_796 : vector<16xf32>
    %add3A_798 = arith.addf %mul3A_792, %mul3A_797 : vector<16xf32>
    %sub3A_799 = arith.constant 1.000000e+00 : f32
    %sub3A_800 = vector.broadcast %sub3A_799 : f32 to vector<16xf32>
    %sub3A_801 = arith.subf %add3A_798, %sub3A_800 : vector<16xf32>
    %neg3A_802 = arith.constant 0.000000e+00 : f32
    %neg3A_803 = vector.broadcast %neg3A_802 : f32 to vector<16xf32>
    %neg3A_804 = arith.subf %neg3A_803, %sub3A_801 : vector<16xf32>
    %exp3A_805 = math.exp %neg3A_804 : vector<16xf32>
    %mul3A_806 = arith.mulf %add3A_781, %exp3A_805 : vector<16xf32>
    %add3A_807 = arith.addf %sub3A_801, %mul3A_806 : vector<16xf32>
    %sub3A_808 = arith.constant 1.000000e+00 : f32
    %sub3A_809 = vector.broadcast %sub3A_808 : f32 to vector<16xf32>
    %sub3A_810 = arith.subf %add3A_807, %sub3A_809 : vector<16xf32>
    %max3A_811 = arith.constant 0.000000e+00 : f32
    %max3A_812 = vector.broadcast %max3A_811 : f32 to vector<16xf32>
    %max3A_813 = arith.maximumf %select_n3A_746, %max3A_812 : vector<16xf32>
    %add3A_814 = arith.addf %max3A_813, %sub3A_810 : vector<16xf32>
    %mul3A_815 = arith.mulf %select_n3A_773, %add3A_814 : vector<16xf32>
    %add3A_816 = arith.addf %add3A_722, %mul3A_815 : vector<16xf32>
    %mul3A_817 = arith.constant 2 : i32
    %mul3A_818 = vector.broadcast %mul3A_817 : i32 to vector<16xi32>
    %mul3A_819 = arith.muli %mul3A_818, %select_n3A_748 : vector<16xi32>
    %add3A_820 = arith.constant 1 : i32
    %add3A_821 = vector.broadcast %add3A_820 : i32 to vector<16xi32>
    %add3A_822 = arith.addi %mul3A_819, %add3A_821 : vector<16xi32>
    %add3A_823 = arith.constant 1 : i32
    %add3A_824 = vector.broadcast %add3A_823 : i32 to vector<16xi32>
    %add3A_825 = arith.addi %add3A_822, %add3A_824 : vector<16xi32>
    %gather3A_826 = tpu.vector_load_idx %arg5[%add3A_41, %add3A_822] : memref<8x2048xf32, #tpu.memory_space<vmem>>[vector<16xi32>, vector<16xi32>], vector<16xf32>,
    %gather3A_827 = tpu.vector_load_idx %arg6[%add3A_41, %add3A_822] : memref<8x2048xf32, #tpu.memory_space<vmem>>[vector<16xi32>, vector<16xi32>], vector<16xf32>,
    %gather3A_828 = tpu.vector_load_idx %arg5[%add3A_41, %add3A_825] : memref<8x2048xf32, #tpu.memory_space<vmem>>[vector<16xi32>, vector<16xi32>], vector<16xf32>,
    %gather3A_829 = tpu.vector_load_idx %arg6[%add3A_41, %add3A_825] : memref<8x2048xf32, #tpu.memory_space<vmem>>[vector<16xi32>, vector<16xi32>], vector<16xf32>,
    %mul3A_830 = arith.constant 2 : i32
    %mul3A_831 = vector.broadcast %mul3A_830 : i32 to vector<16xi32>
    %mul3A_832 = arith.muli %mul3A_831, %select_n3A_748 : vector<16xi32>
    %add3A_833 = arith.constant 1 : i32
    %add3A_834 = vector.broadcast %add3A_833 : i32 to vector<16xi32>
    %add3A_835 = arith.addi %mul3A_832, %add3A_834 : vector<16xi32>
    %add3A_836 = arith.constant 1 : i32
    %add3A_837 = vector.broadcast %add3A_836 : i32 to vector<16xi32>
    %add3A_838 = arith.addi %add3A_835, %add3A_837 : vector<16xi32>
    %gt3A_839 = arith.cmpf ogt, %gather3A_828, %gather3A_826 : vector<16xf32>
    %select_n3A_840 = arith.select %gt3A_839, %gather3A_828, %gather3A_826 : vector<16xi1>, vector<16xf32>
    %select_n3A_841 = arith.select %gt3A_839, %gather3A_829, %gather3A_827 : vector<16xi1>, vector<16xf32>
    %select_n3A_842 = arith.select %gt3A_839, %add3A_838, %add3A_835 : vector<16xi1>, vector<16xi32>
    %gt3A_843 = arith.constant 0.000000e+00 : f32
    %gt3A_844 = vector.broadcast %gt3A_843 : f32 to vector<16xf32>
    %gt3A_845 = arith.cmpf ogt, %select_n3A_840, %gt3A_844 : vector<16xf32>
    %jit3A_846 = arith.constant 0.000000e+00 : f32
    %broadcast_in_dim3A_847 = vector.broadcast %jit3A_846 : f32 to vector<16xf32>
    %select_n3A_848 = arith.select %gt3A_845, %select_n3A_754, %broadcast_in_dim3A_847 : vector<16xi1>, vector<16xf32>
    %gt3A_849 = arith.constant 0.000000e+00 : f32
    %gt3A_850 = vector.broadcast %gt3A_849 : f32 to vector<16xf32>
    %gt3A_851 = arith.cmpf ogt, %select_n3A_848, %gt3A_850 : vector<16xf32>
    %eq3A_852 = arith.constant 0.000000e+00 : f32
    %eq3A_853 = vector.broadcast %eq3A_852 : f32 to vector<16xf32>
    %eq3A_854 = arith.cmpf oeq, %select_n3A_841, %eq3A_853 : vector<16xf32>
    %and3A_855 = arith.andi %gt3A_851, %eq3A_854 : vector<16xi1>
    %add3A_856 = arith.constant 1.000000e+00 : f32
    %add3A_857 = vector.broadcast %add3A_856 : f32 to vector<16xf32>
    %add3A_858 = arith.addf %select_n3A_767, %add3A_857 : vector<16xf32>
    %jit3A_859 = arith.constant 0.000000e+00 : f32
    %broadcast_in_dim3A_860 = vector.broadcast %jit3A_859 : f32 to vector<16xf32>
    %select_n3A_861 = arith.select %and3A_855, %add3A_858, %broadcast_in_dim3A_860 : vector<16xi1>, vector<16xf32>
    %lt3A_862 = arith.constant 4 : i32
    %lt3A_863 = vector.broadcast %lt3A_862 : i32 to vector<16xi32>
    %lt3A_864 = arith.cmpi slt, %iota3A, %lt3A_863 : vector<16xi32>
    %jit3A_865 = arith.constant 0.000000e+00 : f32
    %broadcast_in_dim3A_866 = vector.broadcast %jit3A_865 : f32 to vector<16xf32>
    %select_n3A_867 = arith.select %lt3A_864, %select_n3A_861, %broadcast_in_dim3A_866 : vector<16xi1>, vector<16xf32>
    %abs3A_868 = math.absf %select_n3A_840 : vector<16xf32>
    %neg3A_869 = arith.constant 0.000000e+00 : f32
    %neg3A_870 = vector.broadcast %neg3A_869 : f32 to vector<16xf32>
    %neg3A_871 = arith.subf %neg3A_870, %abs3A_868 : vector<16xf32>
    %exp3A_872 = math.exp %neg3A_871 : vector<16xf32>
    %add3A_873 = arith.constant 1.000000e+00 : f32
    %add3A_874 = vector.broadcast %add3A_873 : f32 to vector<16xf32>
    %add3A_875 = arith.addf %add3A_874, %exp3A_872 : vector<16xf32>
    %mul3A_876 = arith.constant 2.500000e-01 : f32
    %mul3A_877 = vector.broadcast %mul3A_876 : f32 to vector<16xf32>
    %mul3A_878 = arith.mulf %exp3A_872, %mul3A_877 : vector<16xf32>
    %sub3A_879 = arith.constant 5.000000e-01 : f32
    %sub3A_880 = vector.broadcast %sub3A_879 : f32 to vector<16xf32>
    %sub3A_881 = arith.subf %sub3A_880, %mul3A_878 : vector<16xf32>
    %mul3A_882 = arith.mulf %exp3A_872, %sub3A_881 : vector<16xf32>
    %sub3A_883 = arith.constant 1.000000e+00 : f32
    %sub3A_884 = vector.broadcast %sub3A_883 : f32 to vector<16xf32>
    %sub3A_885 = arith.subf %sub3A_884, %mul3A_882 : vector<16xf32>
    %mul3A_886 = arith.mulf %exp3A_872, %sub3A_885 : vector<16xf32>
    %neg3A_887 = arith.constant 0.000000e+00 : f32
    %neg3A_888 = vector.broadcast %neg3A_887 : f32 to vector<16xf32>
    %neg3A_889 = arith.subf %neg3A_888, %mul3A_886 : vector<16xf32>
    %exp3A_890 = math.exp %neg3A_889 : vector<16xf32>
    %mul3A_891 = arith.mulf %add3A_875, %exp3A_890 : vector<16xf32>
    %add3A_892 = arith.addf %mul3A_886, %mul3A_891 : vector<16xf32>
    %sub3A_893 = arith.constant 1.000000e+00 : f32
    %sub3A_894 = vector.broadcast %sub3A_893 : f32 to vector<16xf32>
    %sub3A_895 = arith.subf %add3A_892, %sub3A_894 : vector<16xf32>
    %neg3A_896 = arith.constant 0.000000e+00 : f32
    %neg3A_897 = vector.broadcast %neg3A_896 : f32 to vector<16xf32>
    %neg3A_898 = arith.subf %neg3A_897, %sub3A_895 : vector<16xf32>
    %exp3A_899 = math.exp %neg3A_898 : vector<16xf32>
    %mul3A_900 = arith.mulf %add3A_875, %exp3A_899 : vector<16xf32>
    %add3A_901 = arith.addf %sub3A_895, %mul3A_900 : vector<16xf32>
    %sub3A_902 = arith.constant 1.000000e+00 : f32
    %sub3A_903 = vector.broadcast %sub3A_902 : f32 to vector<16xf32>
    %sub3A_904 = arith.subf %add3A_901, %sub3A_903 : vector<16xf32>
    %max3A_905 = arith.constant 0.000000e+00 : f32
    %max3A_906 = vector.broadcast %max3A_905 : f32 to vector<16xf32>
    %max3A_907 = arith.maximumf %select_n3A_840, %max3A_906 : vector<16xf32>
    %add3A_908 = arith.addf %max3A_907, %sub3A_904 : vector<16xf32>
    %mul3A_909 = arith.mulf %select_n3A_867, %add3A_908 : vector<16xf32>
    %add3A_910 = arith.addf %add3A_816, %mul3A_909 : vector<16xf32>
    %mul3A_911 = arith.constant 2 : i32
    %mul3A_912 = vector.broadcast %mul3A_911 : i32 to vector<16xi32>
    %mul3A_913 = arith.muli %mul3A_912, %select_n3A_842 : vector<16xi32>
    %add3A_914 = arith.constant 1 : i32
    %add3A_915 = vector.broadcast %add3A_914 : i32 to vector<16xi32>
    %add3A_916 = arith.addi %mul3A_913, %add3A_915 : vector<16xi32>
    %add3A_917 = arith.constant 1 : i32
    %add3A_918 = vector.broadcast %add3A_917 : i32 to vector<16xi32>
    %add3A_919 = arith.addi %add3A_916, %add3A_918 : vector<16xi32>
    %gather3A_920 = tpu.vector_load_idx %arg5[%add3A_41, %add3A_916] : memref<8x2048xf32, #tpu.memory_space<vmem>>[vector<16xi32>, vector<16xi32>], vector<16xf32>,
    %gather3A_921 = tpu.vector_load_idx %arg6[%add3A_41, %add3A_916] : memref<8x2048xf32, #tpu.memory_space<vmem>>[vector<16xi32>, vector<16xi32>], vector<16xf32>,
    %gather3A_922 = tpu.vector_load_idx %arg5[%add3A_41, %add3A_919] : memref<8x2048xf32, #tpu.memory_space<vmem>>[vector<16xi32>, vector<16xi32>], vector<16xf32>,
    %gather3A_923 = tpu.vector_load_idx %arg6[%add3A_41, %add3A_919] : memref<8x2048xf32, #tpu.memory_space<vmem>>[vector<16xi32>, vector<16xi32>], vector<16xf32>,
    %mul3A_924 = arith.constant 2 : i32
    %mul3A_925 = vector.broadcast %mul3A_924 : i32 to vector<16xi32>
    %mul3A_926 = arith.muli %mul3A_925, %select_n3A_842 : vector<16xi32>
    %add3A_927 = arith.constant 1 : i32
    %add3A_928 = vector.broadcast %add3A_927 : i32 to vector<16xi32>
    %add3A_929 = arith.addi %mul3A_926, %add3A_928 : vector<16xi32>
    %add3A_930 = arith.constant 1 : i32
    %add3A_931 = vector.broadcast %add3A_930 : i32 to vector<16xi32>
    %add3A_932 = arith.addi %add3A_929, %add3A_931 : vector<16xi32>
    %gt3A_933 = arith.cmpf ogt, %gather3A_922, %gather3A_920 : vector<16xf32>
    %select_n3A_934 = arith.select %gt3A_933, %gather3A_922, %gather3A_920 : vector<16xi1>, vector<16xf32>
    %select_n3A_935 = arith.select %gt3A_933, %gather3A_923, %gather3A_921 : vector<16xi1>, vector<16xf32>
    %select_n3A_936 = arith.select %gt3A_933, %add3A_932, %add3A_929 : vector<16xi1>, vector<16xi32>
    %gt3A_937 = arith.constant 0.000000e+00 : f32
    %gt3A_938 = vector.broadcast %gt3A_937 : f32 to vector<16xf32>
    %gt3A_939 = arith.cmpf ogt, %select_n3A_934, %gt3A_938 : vector<16xf32>
    %jit3A_940 = arith.constant 0.000000e+00 : f32
    %broadcast_in_dim3A_941 = vector.broadcast %jit3A_940 : f32 to vector<16xf32>
    %select_n3A_942 = arith.select %gt3A_939, %select_n3A_848, %broadcast_in_dim3A_941 : vector<16xi1>, vector<16xf32>
    %gt3A_943 = arith.constant 0.000000e+00 : f32
    %gt3A_944 = vector.broadcast %gt3A_943 : f32 to vector<16xf32>
    %gt3A_945 = arith.cmpf ogt, %select_n3A_942, %gt3A_944 : vector<16xf32>
    %eq3A_946 = arith.constant 0.000000e+00 : f32
    %eq3A_947 = vector.broadcast %eq3A_946 : f32 to vector<16xf32>
    %eq3A_948 = arith.cmpf oeq, %select_n3A_935, %eq3A_947 : vector<16xf32>
    %and3A_949 = arith.andi %gt3A_945, %eq3A_948 : vector<16xi1>
    %add3A_950 = arith.constant 1.000000e+00 : f32
    %add3A_951 = vector.broadcast %add3A_950 : f32 to vector<16xf32>
    %add3A_952 = arith.addf %select_n3A_861, %add3A_951 : vector<16xf32>
    %jit3A_953 = arith.constant 0.000000e+00 : f32
    %broadcast_in_dim3A_954 = vector.broadcast %jit3A_953 : f32 to vector<16xf32>
    %select_n3A_955 = arith.select %and3A_949, %add3A_952, %broadcast_in_dim3A_954 : vector<16xi1>, vector<16xf32>
    %lt3A_956 = arith.constant 4 : i32
    %lt3A_957 = vector.broadcast %lt3A_956 : i32 to vector<16xi32>
    %lt3A_958 = arith.cmpi slt, %iota3A, %lt3A_957 : vector<16xi32>
    %jit3A_959 = arith.constant 0.000000e+00 : f32
    %broadcast_in_dim3A_960 = vector.broadcast %jit3A_959 : f32 to vector<16xf32>
    %select_n3A_961 = arith.select %lt3A_958, %select_n3A_955, %broadcast_in_dim3A_960 : vector<16xi1>, vector<16xf32>
    %abs3A_962 = math.absf %select_n3A_934 : vector<16xf32>
    %neg3A_963 = arith.constant 0.000000e+00 : f32
    %neg3A_964 = vector.broadcast %neg3A_963 : f32 to vector<16xf32>
    %neg3A_965 = arith.subf %neg3A_964, %abs3A_962 : vector<16xf32>
    %exp3A_966 = math.exp %neg3A_965 : vector<16xf32>
    %add3A_967 = arith.constant 1.000000e+00 : f32
    %add3A_968 = vector.broadcast %add3A_967 : f32 to vector<16xf32>
    %add3A_969 = arith.addf %add3A_968, %exp3A_966 : vector<16xf32>
    %mul3A_970 = arith.constant 2.500000e-01 : f32
    %mul3A_971 = vector.broadcast %mul3A_970 : f32 to vector<16xf32>
    %mul3A_972 = arith.mulf %exp3A_966, %mul3A_971 : vector<16xf32>
    %sub3A_973 = arith.constant 5.000000e-01 : f32
    %sub3A_974 = vector.broadcast %sub3A_973 : f32 to vector<16xf32>
    %sub3A_975 = arith.subf %sub3A_974, %mul3A_972 : vector<16xf32>
    %mul3A_976 = arith.mulf %exp3A_966, %sub3A_975 : vector<16xf32>
    %sub3A_977 = arith.constant 1.000000e+00 : f32
    %sub3A_978 = vector.broadcast %sub3A_977 : f32 to vector<16xf32>
    %sub3A_979 = arith.subf %sub3A_978, %mul3A_976 : vector<16xf32>
    %mul3A_980 = arith.mulf %exp3A_966, %sub3A_979 : vector<16xf32>
    %neg3A_981 = arith.constant 0.000000e+00 : f32
    %neg3A_982 = vector.broadcast %neg3A_981 : f32 to vector<16xf32>
    %neg3A_983 = arith.subf %neg3A_982, %mul3A_980 : vector<16xf32>
    %exp3A_984 = math.exp %neg3A_983 : vector<16xf32>
    %mul3A_985 = arith.mulf %add3A_969, %exp3A_984 : vector<16xf32>
    %add3A_986 = arith.addf %mul3A_980, %mul3A_985 : vector<16xf32>
    %sub3A_987 = arith.constant 1.000000e+00 : f32
    %sub3A_988 = vector.broadcast %sub3A_987 : f32 to vector<16xf32>
    %sub3A_989 = arith.subf %add3A_986, %sub3A_988 : vector<16xf32>
    %neg3A_990 = arith.constant 0.000000e+00 : f32
    %neg3A_991 = vector.broadcast %neg3A_990 : f32 to vector<16xf32>
    %neg3A_992 = arith.subf %neg3A_991, %sub3A_989 : vector<16xf32>
    %exp3A_993 = math.exp %neg3A_992 : vector<16xf32>
    %mul3A_994 = arith.mulf %add3A_969, %exp3A_993 : vector<16xf32>
    %add3A_995 = arith.addf %sub3A_989, %mul3A_994 : vector<16xf32>
    %sub3A_996 = arith.constant 1.000000e+00 : f32
    %sub3A_997 = vector.broadcast %sub3A_996 : f32 to vector<16xf32>
    %sub3A_998 = arith.subf %add3A_995, %sub3A_997 : vector<16xf32>
    %max3A_999 = arith.constant 0.000000e+00 : f32
    %max3A_1000 = vector.broadcast %max3A_999 : f32 to vector<16xf32>
    %max3A_1001 = arith.maximumf %select_n3A_934, %max3A_1000 : vector<16xf32>
    %add3A_1002 = arith.addf %max3A_1001, %sub3A_998 : vector<16xf32>
    %mul3A_1003 = arith.mulf %select_n3A_961, %add3A_1002 : vector<16xf32>
    %add3A_1004 = arith.addf %add3A_910, %mul3A_1003 : vector<16xf32>
    %slice3A = vector.extract_strided_slice %select_n3A_936 {offsets = [0], sizes = [1], strides = [1]} : vector<16xi32> to vector<1xi32>
    %squeeze3A = vector.extract %slice3A[0] : i32 from vector<1xi32>
    %mul3A_1005 = arith.constant 2 : i32
    %mul3A_1006 = arith.muli %mul3A_1005, %squeeze3A : i32
    %add3A_1007 = arith.constant 1 : i32
    %add3A_1008 = arith.addi %mul3A_1006, %add3A_1007 : i32
    %shift_right_arithmetic3A = arith.constant 7 : i32
    %shift_right_arithmetic3A_1009 = arith.shrsi %add3A_1008, %shift_right_arithmetic3A : i32
    %mul3A_1010 = arith.constant 128 : i32
    %mul3A_1011 = arith.muli %shift_right_arithmetic3A_1009, %mul3A_1010 : i32
    %multiple_of3A_1012 = tpu.assume_multiple %mul3A_1011, 128 : i32
    %dma_start3A_1013 = arith.constant 0 : i32
    %dma_start3A_1014 = arith.constant 0 : i32
    %dma_start3A_1015 = arith.constant 0 : i32
    %dma_start3A_1016 = tpu.memref_slice %arg7[%dma_start3A_1013, %dma_start3A_1014, %dma_start3A_1015] : memref<16x8x256xf32, #tpu.memory_space<vmem>> -> memref<1x8x256xf32, #tpu.memory_space<vmem>>
    %dma_start3A_1017 = tpu.memref_squeeze %dma_start3A_1016 : memref<1x8x256xf32, #tpu.memory_space<vmem>> -> memref<8x256xf32, #tpu.memory_space<vmem>>
    %dma_start3A_1018 = tpu.memref_slice %arg2[%multiple_of3A, %multiple_of3A_1012] : memref<128x32767xf32, #tpu.memory_space<hbm>> -> memref<8x256xf32, #tpu.memory_space<hbm>>
    %dma_start3A_1019 = arith.constant 0 : i32
    %dma_start3A_1020 = arith.constant 0 : i32
    %dma_start3A_1021 = tpu.memref_slice %arg7[%dma_start3A_1013, %dma_start3A_1019, %dma_start3A_1020] : memref<16x8x256xf32, #tpu.memory_space<vmem>> -> memref<1x8x256xf32, #tpu.memory_space<vmem>>
    %dma_start3A_1022 = tpu.memref_squeeze %dma_start3A_1021 : memref<1x8x256xf32, #tpu.memory_space<vmem>> -> memref<8x256xf32, #tpu.memory_space<vmem>>
    %dma_start3A_1023 = tpu.memref_slice %arg2[%multiple_of3A, %multiple_of3A_1012] : memref<128x32767xf32, #tpu.memory_space<hbm>> -> memref<8x256xf32, #tpu.memory_space<hbm>>
    tpu.enqueue_dma source(%dma_start3A_1023 : memref<8x256xf32, #tpu.memory_space<hbm>>) target(%dma_start3A_1022 : memref<8x256xf32, #tpu.memory_space<vmem>>) target_semaphore(%arg10 : memref<!tpu.dma_semaphore, #tpu.memory_space<semaphore_mem>>)
    %dma_start3A_1024 = arith.constant 0 : i32
    %dma_start3A_1025 = arith.constant 0 : i32
    %dma_start3A_1026 = arith.constant 0 : i32
    %dma_start3A_1027 = tpu.memref_slice %arg8[%dma_start3A_1024, %dma_start3A_1025, %dma_start3A_1026] : memref<16x8x256xf32, #tpu.memory_space<vmem>> -> memref<1x8x256xf32, #tpu.memory_space<vmem>>
    %dma_start3A_1028 = tpu.memref_squeeze %dma_start3A_1027 : memref<1x8x256xf32, #tpu.memory_space<vmem>> -> memref<8x256xf32, #tpu.memory_space<vmem>>
    %dma_start3A_1029 = tpu.memref_slice %arg3[%multiple_of3A, %multiple_of3A_1012] : memref<128x32767xf32, #tpu.memory_space<hbm>> -> memref<8x256xf32, #tpu.memory_space<hbm>>
    %dma_start3A_1030 = arith.constant 0 : i32
    %dma_start3A_1031 = arith.constant 0 : i32
    %dma_start3A_1032 = tpu.memref_slice %arg8[%dma_start3A_1024, %dma_start3A_1030, %dma_start3A_1031] : memref<16x8x256xf32, #tpu.memory_space<vmem>> -> memref<1x8x256xf32, #tpu.memory_space<vmem>>
    %dma_start3A_1033 = tpu.memref_squeeze %dma_start3A_1032 : memref<1x8x256xf32, #tpu.memory_space<vmem>> -> memref<8x256xf32, #tpu.memory_space<vmem>>
    %dma_start3A_1034 = tpu.memref_slice %arg3[%multiple_of3A, %multiple_of3A_1012] : memref<128x32767xf32, #tpu.memory_space<hbm>> -> memref<8x256xf32, #tpu.memory_space<hbm>>
    tpu.enqueue_dma source(%dma_start3A_1034 : memref<8x256xf32, #tpu.memory_space<hbm>>) target(%dma_start3A_1033 : memref<8x256xf32, #tpu.memory_space<vmem>>) target_semaphore(%arg10 : memref<!tpu.dma_semaphore, #tpu.memory_space<semaphore_mem>>)
    %mul3A_1035 = arith.constant 4 : i32
    %mul3A_1036 = arith.muli %mul3A_1035, %squeeze3A : i32
    %add3A_1037 = arith.constant 3 : i32
    %add3A_1038 = arith.addi %mul3A_1036, %add3A_1037 : i32
    %shift_right_arithmetic3A_1039 = arith.constant 7 : i32
    %shift_right_arithmetic3A_1040 = arith.shrsi %add3A_1038, %shift_right_arithmetic3A_1039 : i32
    %mul3A_1041 = arith.constant 128 : i32
    %mul3A_1042 = arith.muli %shift_right_arithmetic3A_1040, %mul3A_1041 : i32
    %multiple_of3A_1043 = tpu.assume_multiple %mul3A_1042, 128 : i32
    %dma_start3A_1044 = arith.constant 1 : i32
    %dma_start3A_1045 = arith.constant 0 : i32
    %dma_start3A_1046 = arith.constant 0 : i32
    %dma_start3A_1047 = tpu.memref_slice %arg7[%dma_start3A_1044, %dma_start3A_1045, %dma_start3A_1046] : memref<16x8x256xf32, #tpu.memory_space<vmem>> -> memref<1x8x256xf32, #tpu.memory_space<vmem>>
    %dma_start3A_1048 = tpu.memref_squeeze %dma_start3A_1047 : memref<1x8x256xf32, #tpu.memory_space<vmem>> -> memref<8x256xf32, #tpu.memory_space<vmem>>
    %dma_start3A_1049 = tpu.memref_slice %arg2[%multiple_of3A, %multiple_of3A_1043] : memref<128x32767xf32, #tpu.memory_space<hbm>> -> memref<8x256xf32, #tpu.memory_space<hbm>>
    %dma_start3A_1050 = arith.constant 0 : i32
    %dma_start3A_1051 = arith.constant 0 : i32
    %dma_start3A_1052 = tpu.memref_slice %arg7[%dma_start3A_1044, %dma_start3A_1050, %dma_start3A_1051] : memref<16x8x256xf32, #tpu.memory_space<vmem>> -> memref<1x8x256xf32, #tpu.memory_space<vmem>>
    %dma_start3A_1053 = tpu.memref_squeeze %dma_start3A_1052 : memref<1x8x256xf32, #tpu.memory_space<vmem>> -> memref<8x256xf32, #tpu.memory_space<vmem>>
    %dma_start3A_1054 = tpu.memref_slice %arg2[%multiple_of3A, %multiple_of3A_1043] : memref<128x32767xf32, #tpu.memory_space<hbm>> -> memref<8x256xf32, #tpu.memory_space<hbm>>
    tpu.enqueue_dma source(%dma_start3A_1054 : memref<8x256xf32, #tpu.memory_space<hbm>>) target(%dma_start3A_1053 : memref<8x256xf32, #tpu.memory_space<vmem>>) target_semaphore(%arg10 : memref<!tpu.dma_semaphore, #tpu.memory_space<semaphore_mem>>)
    %dma_start3A_1055 = arith.constant 1 : i32
    %dma_start3A_1056 = arith.constant 0 : i32
    %dma_start3A_1057 = arith.constant 0 : i32
    %dma_start3A_1058 = tpu.memref_slice %arg8[%dma_start3A_1055, %dma_start3A_1056, %dma_start3A_1057] : memref<16x8x256xf32, #tpu.memory_space<vmem>> -> memref<1x8x256xf32, #tpu.memory_space<vmem>>
    %dma_start3A_1059 = tpu.memref_squeeze %dma_start3A_1058 : memref<1x8x256xf32, #tpu.memory_space<vmem>> -> memref<8x256xf32, #tpu.memory_space<vmem>>
    %dma_start3A_1060 = tpu.memref_slice %arg3[%multiple_of3A, %multiple_of3A_1043] : memref<128x32767xf32, #tpu.memory_space<hbm>> -> memref<8x256xf32, #tpu.memory_space<hbm>>
    %dma_start3A_1061 = arith.constant 0 : i32
    %dma_start3A_1062 = arith.constant 0 : i32
    %dma_start3A_1063 = tpu.memref_slice %arg8[%dma_start3A_1055, %dma_start3A_1061, %dma_start3A_1062] : memref<16x8x256xf32, #tpu.memory_space<vmem>> -> memref<1x8x256xf32, #tpu.memory_space<vmem>>
    %dma_start3A_1064 = tpu.memref_squeeze %dma_start3A_1063 : memref<1x8x256xf32, #tpu.memory_space<vmem>> -> memref<8x256xf32, #tpu.memory_space<vmem>>
    %dma_start3A_1065 = tpu.memref_slice %arg3[%multiple_of3A, %multiple_of3A_1043] : memref<128x32767xf32, #tpu.memory_space<hbm>> -> memref<8x256xf32, #tpu.memory_space<hbm>>
    tpu.enqueue_dma source(%dma_start3A_1065 : memref<8x256xf32, #tpu.memory_space<hbm>>) target(%dma_start3A_1064 : memref<8x256xf32, #tpu.memory_space<vmem>>) target_semaphore(%arg10 : memref<!tpu.dma_semaphore, #tpu.memory_space<semaphore_mem>>)
    %mul3A_1066 = arith.constant 8 : i32
    %mul3A_1067 = arith.muli %mul3A_1066, %squeeze3A : i32
    %add3A_1068 = arith.constant 7 : i32
    %add3A_1069 = arith.addi %mul3A_1067, %add3A_1068 : i32
    %shift_right_arithmetic3A_1070 = arith.constant 7 : i32
    %shift_right_arithmetic3A_1071 = arith.shrsi %add3A_1069, %shift_right_arithmetic3A_1070 : i32
    %mul3A_1072 = arith.constant 128 : i32
    %mul3A_1073 = arith.muli %shift_right_arithmetic3A_1071, %mul3A_1072 : i32
    %multiple_of3A_1074 = tpu.assume_multiple %mul3A_1073, 128 : i32
    %dma_start3A_1075 = arith.constant 2 : i32
    %dma_start3A_1076 = arith.constant 0 : i32
    %dma_start3A_1077 = arith.constant 0 : i32
    %dma_start3A_1078 = tpu.memref_slice %arg7[%dma_start3A_1075, %dma_start3A_1076, %dma_start3A_1077] : memref<16x8x256xf32, #tpu.memory_space<vmem>> -> memref<1x8x256xf32, #tpu.memory_space<vmem>>
    %dma_start3A_1079 = tpu.memref_squeeze %dma_start3A_1078 : memref<1x8x256xf32, #tpu.memory_space<vmem>> -> memref<8x256xf32, #tpu.memory_space<vmem>>
    %dma_start3A_1080 = tpu.memref_slice %arg2[%multiple_of3A, %multiple_of3A_1074] : memref<128x32767xf32, #tpu.memory_space<hbm>> -> memref<8x256xf32, #tpu.memory_space<hbm>>
    %dma_start3A_1081 = arith.constant 0 : i32
    %dma_start3A_1082 = arith.constant 0 : i32
    %dma_start3A_1083 = tpu.memref_slice %arg7[%dma_start3A_1075, %dma_start3A_1081, %dma_start3A_1082] : memref<16x8x256xf32, #tpu.memory_space<vmem>> -> memref<1x8x256xf32, #tpu.memory_space<vmem>>
    %dma_start3A_1084 = tpu.memref_squeeze %dma_start3A_1083 : memref<1x8x256xf32, #tpu.memory_space<vmem>> -> memref<8x256xf32, #tpu.memory_space<vmem>>
    %dma_start3A_1085 = tpu.memref_slice %arg2[%multiple_of3A, %multiple_of3A_1074] : memref<128x32767xf32, #tpu.memory_space<hbm>> -> memref<8x256xf32, #tpu.memory_space<hbm>>
    tpu.enqueue_dma source(%dma_start3A_1085 : memref<8x256xf32, #tpu.memory_space<hbm>>) target(%dma_start3A_1084 : memref<8x256xf32, #tpu.memory_space<vmem>>) target_semaphore(%arg10 : memref<!tpu.dma_semaphore, #tpu.memory_space<semaphore_mem>>)
    %dma_start3A_1086 = arith.constant 2 : i32
    %dma_start3A_1087 = arith.constant 0 : i32
    %dma_start3A_1088 = arith.constant 0 : i32
    %dma_start3A_1089 = tpu.memref_slice %arg8[%dma_start3A_1086, %dma_start3A_1087, %dma_start3A_1088] : memref<16x8x256xf32, #tpu.memory_space<vmem>> -> memref<1x8x256xf32, #tpu.memory_space<vmem>>
    %dma_start3A_1090 = tpu.memref_squeeze %dma_start3A_1089 : memref<1x8x256xf32, #tpu.memory_space<vmem>> -> memref<8x256xf32, #tpu.memory_space<vmem>>
    %dma_start3A_1091 = tpu.memref_slice %arg3[%multiple_of3A, %multiple_of3A_1074] : memref<128x32767xf32, #tpu.memory_space<hbm>> -> memref<8x256xf32, #tpu.memory_space<hbm>>
    %dma_start3A_1092 = arith.constant 0 : i32
    %dma_start3A_1093 = arith.constant 0 : i32
    %dma_start3A_1094 = tpu.memref_slice %arg8[%dma_start3A_1086, %dma_start3A_1092, %dma_start3A_1093] : memref<16x8x256xf32, #tpu.memory_space<vmem>> -> memref<1x8x256xf32, #tpu.memory_space<vmem>>
    %dma_start3A_1095 = tpu.memref_squeeze %dma_start3A_1094 : memref<1x8x256xf32, #tpu.memory_space<vmem>> -> memref<8x256xf32, #tpu.memory_space<vmem>>
    %dma_start3A_1096 = tpu.memref_slice %arg3[%multiple_of3A, %multiple_of3A_1074] : memref<128x32767xf32, #tpu.memory_space<hbm>> -> memref<8x256xf32, #tpu.memory_space<hbm>>
    tpu.enqueue_dma source(%dma_start3A_1096 : memref<8x256xf32, #tpu.memory_space<hbm>>) target(%dma_start3A_1095 : memref<8x256xf32, #tpu.memory_space<vmem>>) target_semaphore(%arg10 : memref<!tpu.dma_semaphore, #tpu.memory_space<semaphore_mem>>)
    %mul3A_1097 = arith.constant 16 : i32
    %mul3A_1098 = arith.muli %mul3A_1097, %squeeze3A : i32
    %add3A_1099 = arith.constant 15 : i32
    %add3A_1100 = arith.addi %mul3A_1098, %add3A_1099 : i32
    %shift_right_arithmetic3A_1101 = arith.constant 7 : i32
    %shift_right_arithmetic3A_1102 = arith.shrsi %add3A_1100, %shift_right_arithmetic3A_1101 : i32
    %mul3A_1103 = arith.constant 128 : i32
    %mul3A_1104 = arith.muli %shift_right_arithmetic3A_1102, %mul3A_1103 : i32
    %min3A = arith.constant 32512 : i32
    %min3A_1105 = arith.minsi %mul3A_1104, %min3A : i32
    %multiple_of3A_1106 = tpu.assume_multiple %min3A_1105, 128 : i32
    %dma_start3A_1107 = arith.constant 3 : i32
    %dma_start3A_1108 = arith.constant 0 : i32
    %dma_start3A_1109 = arith.constant 0 : i32
    %dma_start3A_1110 = tpu.memref_slice %arg7[%dma_start3A_1107, %dma_start3A_1108, %dma_start3A_1109] : memref<16x8x256xf32, #tpu.memory_space<vmem>> -> memref<1x8x256xf32, #tpu.memory_space<vmem>>
    %dma_start3A_1111 = tpu.memref_squeeze %dma_start3A_1110 : memref<1x8x256xf32, #tpu.memory_space<vmem>> -> memref<8x256xf32, #tpu.memory_space<vmem>>
    %dma_start3A_1112 = tpu.memref_slice %arg2[%multiple_of3A, %multiple_of3A_1106] : memref<128x32767xf32, #tpu.memory_space<hbm>> -> memref<8x256xf32, #tpu.memory_space<hbm>>
    %dma_start3A_1113 = arith.constant 0 : i32
    %dma_start3A_1114 = arith.constant 0 : i32
    %dma_start3A_1115 = tpu.memref_slice %arg7[%dma_start3A_1107, %dma_start3A_1113, %dma_start3A_1114] : memref<16x8x256xf32, #tpu.memory_space<vmem>> -> memref<1x8x256xf32, #tpu.memory_space<vmem>>
    %dma_start3A_1116 = tpu.memref_squeeze %dma_start3A_1115 : memref<1x8x256xf32, #tpu.memory_space<vmem>> -> memref<8x256xf32, #tpu.memory_space<vmem>>
    %dma_start3A_1117 = tpu.memref_slice %arg2[%multiple_of3A, %multiple_of3A_1106] : memref<128x32767xf32, #tpu.memory_space<hbm>> -> memref<8x256xf32, #tpu.memory_space<hbm>>
    tpu.enqueue_dma source(%dma_start3A_1117 : memref<8x256xf32, #tpu.memory_space<hbm>>) target(%dma_start3A_1116 : memref<8x256xf32, #tpu.memory_space<vmem>>) target_semaphore(%arg10 : memref<!tpu.dma_semaphore, #tpu.memory_space<semaphore_mem>>)
    %dma_start3A_1118 = arith.constant 3 : i32
    %dma_start3A_1119 = arith.constant 0 : i32
    %dma_start3A_1120 = arith.constant 0 : i32
    %dma_start3A_1121 = tpu.memref_slice %arg8[%dma_start3A_1118, %dma_start3A_1119, %dma_start3A_1120] : memref<16x8x256xf32, #tpu.memory_space<vmem>> -> memref<1x8x256xf32, #tpu.memory_space<vmem>>
    %dma_start3A_1122 = tpu.memref_squeeze %dma_start3A_1121 : memref<1x8x256xf32, #tpu.memory_space<vmem>> -> memref<8x256xf32, #tpu.memory_space<vmem>>
    %dma_start3A_1123 = tpu.memref_slice %arg3[%multiple_of3A, %multiple_of3A_1106] : memref<128x32767xf32, #tpu.memory_space<hbm>> -> memref<8x256xf32, #tpu.memory_space<hbm>>
    %dma_start3A_1124 = arith.constant 0 : i32
    %dma_start3A_1125 = arith.constant 0 : i32
    %dma_start3A_1126 = tpu.memref_slice %arg8[%dma_start3A_1118, %dma_start3A_1124, %dma_start3A_1125] : memref<16x8x256xf32, #tpu.memory_space<vmem>> -> memref<1x8x256xf32, #tpu.memory_space<vmem>>
    %dma_start3A_1127 = tpu.memref_squeeze %dma_start3A_1126 : memref<1x8x256xf32, #tpu.memory_space<vmem>> -> memref<8x256xf32, #tpu.memory_space<vmem>>
    %dma_start3A_1128 = tpu.memref_slice %arg3[%multiple_of3A, %multiple_of3A_1106] : memref<128x32767xf32, #tpu.memory_space<hbm>> -> memref<8x256xf32, #tpu.memory_space<hbm>>
    tpu.enqueue_dma source(%dma_start3A_1128 : memref<8x256xf32, #tpu.memory_space<hbm>>) target(%dma_start3A_1127 : memref<8x256xf32, #tpu.memory_space<vmem>>) target_semaphore(%arg10 : memref<!tpu.dma_semaphore, #tpu.memory_space<semaphore_mem>>)
    %slice3A_1129 = vector.extract_strided_slice %select_n3A_936 {offsets = [1], sizes = [1], strides = [1]} : vector<16xi32> to vector<1xi32>
    %squeeze3A_1130 = vector.extract %slice3A_1129[0] : i32 from vector<1xi32>
    %mul3A_1131 = arith.constant 2 : i32
    %mul3A_1132 = arith.muli %mul3A_1131, %squeeze3A_1130 : i32
    %add3A_1133 = arith.constant 1 : i32
    %add3A_1134 = arith.addi %mul3A_1132, %add3A_1133 : i32
    %shift_right_arithmetic3A_1135 = arith.constant 7 : i32
    %shift_right_arithmetic3A_1136 = arith.shrsi %add3A_1134, %shift_right_arithmetic3A_1135 : i32
    %mul3A_1137 = arith.constant 128 : i32
    %mul3A_1138 = arith.muli %shift_right_arithmetic3A_1136, %mul3A_1137 : i32
    %multiple_of3A_1139 = tpu.assume_multiple %mul3A_1138, 128 : i32
    %dma_start3A_1140 = arith.constant 4 : i32
    %dma_start3A_1141 = arith.constant 0 : i32
    %dma_start3A_1142 = arith.constant 0 : i32
    %dma_start3A_1143 = tpu.memref_slice %arg7[%dma_start3A_1140, %dma_start3A_1141, %dma_start3A_1142] : memref<16x8x256xf32, #tpu.memory_space<vmem>> -> memref<1x8x256xf32, #tpu.memory_space<vmem>>
    %dma_start3A_1144 = tpu.memref_squeeze %dma_start3A_1143 : memref<1x8x256xf32, #tpu.memory_space<vmem>> -> memref<8x256xf32, #tpu.memory_space<vmem>>
    %dma_start3A_1145 = tpu.memref_slice %arg2[%multiple_of3A, %multiple_of3A_1139] : memref<128x32767xf32, #tpu.memory_space<hbm>> -> memref<8x256xf32, #tpu.memory_space<hbm>>
    %dma_start3A_1146 = arith.constant 0 : i32
    %dma_start3A_1147 = arith.constant 0 : i32
    %dma_start3A_1148 = tpu.memref_slice %arg7[%dma_start3A_1140, %dma_start3A_1146, %dma_start3A_1147] : memref<16x8x256xf32, #tpu.memory_space<vmem>> -> memref<1x8x256xf32, #tpu.memory_space<vmem>>
    %dma_start3A_1149 = tpu.memref_squeeze %dma_start3A_1148 : memref<1x8x256xf32, #tpu.memory_space<vmem>> -> memref<8x256xf32, #tpu.memory_space<vmem>>
    %dma_start3A_1150 = tpu.memref_slice %arg2[%multiple_of3A, %multiple_of3A_1139] : memref<128x32767xf32, #tpu.memory_space<hbm>> -> memref<8x256xf32, #tpu.memory_space<hbm>>
    tpu.enqueue_dma source(%dma_start3A_1150 : memref<8x256xf32, #tpu.memory_space<hbm>>) target(%dma_start3A_1149 : memref<8x256xf32, #tpu.memory_space<vmem>>) target_semaphore(%arg10 : memref<!tpu.dma_semaphore, #tpu.memory_space<semaphore_mem>>)
    %dma_start3A_1151 = arith.constant 4 : i32
    %dma_start3A_1152 = arith.constant 0 : i32
    %dma_start3A_1153 = arith.constant 0 : i32
    %dma_start3A_1154 = tpu.memref_slice %arg8[%dma_start3A_1151, %dma_start3A_1152, %dma_start3A_1153] : memref<16x8x256xf32, #tpu.memory_space<vmem>> -> memref<1x8x256xf32, #tpu.memory_space<vmem>>
    %dma_start3A_1155 = tpu.memref_squeeze %dma_start3A_1154 : memref<1x8x256xf32, #tpu.memory_space<vmem>> -> memref<8x256xf32, #tpu.memory_space<vmem>>
    %dma_start3A_1156 = tpu.memref_slice %arg3[%multiple_of3A, %multiple_of3A_1139] : memref<128x32767xf32, #tpu.memory_space<hbm>> -> memref<8x256xf32, #tpu.memory_space<hbm>>
    %dma_start3A_1157 = arith.constant 0 : i32
    %dma_start3A_1158 = arith.constant 0 : i32
    %dma_start3A_1159 = tpu.memref_slice %arg8[%dma_start3A_1151, %dma_start3A_1157, %dma_start3A_1158] : memref<16x8x256xf32, #tpu.memory_space<vmem>> -> memref<1x8x256xf32, #tpu.memory_space<vmem>>
    %dma_start3A_1160 = tpu.memref_squeeze %dma_start3A_1159 : memref<1x8x256xf32, #tpu.memory_space<vmem>> -> memref<8x256xf32, #tpu.memory_space<vmem>>
    %dma_start3A_1161 = tpu.memref_slice %arg3[%multiple_of3A, %multiple_of3A_1139] : memref<128x32767xf32, #tpu.memory_space<hbm>> -> memref<8x256xf32, #tpu.memory_space<hbm>>
    tpu.enqueue_dma source(%dma_start3A_1161 : memref<8x256xf32, #tpu.memory_space<hbm>>) target(%dma_start3A_1160 : memref<8x256xf32, #tpu.memory_space<vmem>>) target_semaphore(%arg10 : memref<!tpu.dma_semaphore, #tpu.memory_space<semaphore_mem>>)
    %mul3A_1162 = arith.constant 4 : i32
    %mul3A_1163 = arith.muli %mul3A_1162, %squeeze3A_1130 : i32
    %add3A_1164 = arith.constant 3 : i32
    %add3A_1165 = arith.addi %mul3A_1163, %add3A_1164 : i32
    %shift_right_arithmetic3A_1166 = arith.constant 7 : i32
    %shift_right_arithmetic3A_1167 = arith.shrsi %add3A_1165, %shift_right_arithmetic3A_1166 : i32
    %mul3A_1168 = arith.constant 128 : i32
    %mul3A_1169 = arith.muli %shift_right_arithmetic3A_1167, %mul3A_1168 : i32
    %multiple_of3A_1170 = tpu.assume_multiple %mul3A_1169, 128 : i32
    %dma_start3A_1171 = arith.constant 5 : i32
    %dma_start3A_1172 = arith.constant 0 : i32
    %dma_start3A_1173 = arith.constant 0 : i32
    %dma_start3A_1174 = tpu.memref_slice %arg7[%dma_start3A_1171, %dma_start3A_1172, %dma_start3A_1173] : memref<16x8x256xf32, #tpu.memory_space<vmem>> -> memref<1x8x256xf32, #tpu.memory_space<vmem>>
    %dma_start3A_1175 = tpu.memref_squeeze %dma_start3A_1174 : memref<1x8x256xf32, #tpu.memory_space<vmem>> -> memref<8x256xf32, #tpu.memory_space<vmem>>
    %dma_start3A_1176 = tpu.memref_slice %arg2[%multiple_of3A, %multiple_of3A_1170] : memref<128x32767xf32, #tpu.memory_space<hbm>> -> memref<8x256xf32, #tpu.memory_space<hbm>>
    %dma_start3A_1177 = arith.constant 0 : i32
    %dma_start3A_1178 = arith.constant 0 : i32
    %dma_start3A_1179 = tpu.memref_slice %arg7[%dma_start3A_1171, %dma_start3A_1177, %dma_start3A_1178] : memref<16x8x256xf32, #tpu.memory_space<vmem>> -> memref<1x8x256xf32, #tpu.memory_space<vmem>>
    %dma_start3A_1180 = tpu.memref_squeeze %dma_start3A_1179 : memref<1x8x256xf32, #tpu.memory_space<vmem>> -> memref<8x256xf32, #tpu.memory_space<vmem>>
    %dma_start3A_1181 = tpu.memref_slice %arg2[%multiple_of3A, %multiple_of3A_1170] : memref<128x32767xf32, #tpu.memory_space<hbm>> -> memref<8x256xf32, #tpu.memory_space<hbm>>
    tpu.enqueue_dma source(%dma_start3A_1181 : memref<8x256xf32, #tpu.memory_space<hbm>>) target(%dma_start3A_1180 : memref<8x256xf32, #tpu.memory_space<vmem>>) target_semaphore(%arg10 : memref<!tpu.dma_semaphore, #tpu.memory_space<semaphore_mem>>)
    %dma_start3A_1182 = arith.constant 5 : i32
    %dma_start3A_1183 = arith.constant 0 : i32
    %dma_start3A_1184 = arith.constant 0 : i32
    %dma_start3A_1185 = tpu.memref_slice %arg8[%dma_start3A_1182, %dma_start3A_1183, %dma_start3A_1184] : memref<16x8x256xf32, #tpu.memory_space<vmem>> -> memref<1x8x256xf32, #tpu.memory_space<vmem>>
    %dma_start3A_1186 = tpu.memref_squeeze %dma_start3A_1185 : memref<1x8x256xf32, #tpu.memory_space<vmem>> -> memref<8x256xf32, #tpu.memory_space<vmem>>
    %dma_start3A_1187 = tpu.memref_slice %arg3[%multiple_of3A, %multiple_of3A_1170] : memref<128x32767xf32, #tpu.memory_space<hbm>> -> memref<8x256xf32, #tpu.memory_space<hbm>>
    %dma_start3A_1188 = arith.constant 0 : i32
    %dma_start3A_1189 = arith.constant 0 : i32
    %dma_start3A_1190 = tpu.memref_slice %arg8[%dma_start3A_1182, %dma_start3A_1188, %dma_start3A_1189] : memref<16x8x256xf32, #tpu.memory_space<vmem>> -> memref<1x8x256xf32, #tpu.memory_space<vmem>>
    %dma_start3A_1191 = tpu.memref_squeeze %dma_start3A_1190 : memref<1x8x256xf32, #tpu.memory_space<vmem>> -> memref<8x256xf32, #tpu.memory_space<vmem>>
    %dma_start3A_1192 = tpu.memref_slice %arg3[%multiple_of3A, %multiple_of3A_1170] : memref<128x32767xf32, #tpu.memory_space<hbm>> -> memref<8x256xf32, #tpu.memory_space<hbm>>
    tpu.enqueue_dma source(%dma_start3A_1192 : memref<8x256xf32, #tpu.memory_space<hbm>>) target(%dma_start3A_1191 : memref<8x256xf32, #tpu.memory_space<vmem>>) target_semaphore(%arg10 : memref<!tpu.dma_semaphore, #tpu.memory_space<semaphore_mem>>)
    %mul3A_1193 = arith.constant 8 : i32
    %mul3A_1194 = arith.muli %mul3A_1193, %squeeze3A_1130 : i32
    %add3A_1195 = arith.constant 7 : i32
    %add3A_1196 = arith.addi %mul3A_1194, %add3A_1195 : i32
    %shift_right_arithmetic3A_1197 = arith.constant 7 : i32
    %shift_right_arithmetic3A_1198 = arith.shrsi %add3A_1196, %shift_right_arithmetic3A_1197 : i32
    %mul3A_1199 = arith.constant 128 : i32
    %mul3A_1200 = arith.muli %shift_right_arithmetic3A_1198, %mul3A_1199 : i32
    %multiple_of3A_1201 = tpu.assume_multiple %mul3A_1200, 128 : i32
    %dma_start3A_1202 = arith.constant 6 : i32
    %dma_start3A_1203 = arith.constant 0 : i32
    %dma_start3A_1204 = arith.constant 0 : i32
    %dma_start3A_1205 = tpu.memref_slice %arg7[%dma_start3A_1202, %dma_start3A_1203, %dma_start3A_1204] : memref<16x8x256xf32, #tpu.memory_space<vmem>> -> memref<1x8x256xf32, #tpu.memory_space<vmem>>
    %dma_start3A_1206 = tpu.memref_squeeze %dma_start3A_1205 : memref<1x8x256xf32, #tpu.memory_space<vmem>> -> memref<8x256xf32, #tpu.memory_space<vmem>>
    %dma_start3A_1207 = tpu.memref_slice %arg2[%multiple_of3A, %multiple_of3A_1201] : memref<128x32767xf32, #tpu.memory_space<hbm>> -> memref<8x256xf32, #tpu.memory_space<hbm>>
    %dma_start3A_1208 = arith.constant 0 : i32
    %dma_start3A_1209 = arith.constant 0 : i32
    %dma_start3A_1210 = tpu.memref_slice %arg7[%dma_start3A_1202, %dma_start3A_1208, %dma_start3A_1209] : memref<16x8x256xf32, #tpu.memory_space<vmem>> -> memref<1x8x256xf32, #tpu.memory_space<vmem>>
    %dma_start3A_1211 = tpu.memref_squeeze %dma_start3A_1210 : memref<1x8x256xf32, #tpu.memory_space<vmem>> -> memref<8x256xf32, #tpu.memory_space<vmem>>
    %dma_start3A_1212 = tpu.memref_slice %arg2[%multiple_of3A, %multiple_of3A_1201] : memref<128x32767xf32, #tpu.memory_space<hbm>> -> memref<8x256xf32, #tpu.memory_space<hbm>>
    tpu.enqueue_dma source(%dma_start3A_1212 : memref<8x256xf32, #tpu.memory_space<hbm>>) target(%dma_start3A_1211 : memref<8x256xf32, #tpu.memory_space<vmem>>) target_semaphore(%arg10 : memref<!tpu.dma_semaphore, #tpu.memory_space<semaphore_mem>>)
    %dma_start3A_1213 = arith.constant 6 : i32
    %dma_start3A_1214 = arith.constant 0 : i32
    %dma_start3A_1215 = arith.constant 0 : i32
    %dma_start3A_1216 = tpu.memref_slice %arg8[%dma_start3A_1213, %dma_start3A_1214, %dma_start3A_1215] : memref<16x8x256xf32, #tpu.memory_space<vmem>> -> memref<1x8x256xf32, #tpu.memory_space<vmem>>
    %dma_start3A_1217 = tpu.memref_squeeze %dma_start3A_1216 : memref<1x8x256xf32, #tpu.memory_space<vmem>> -> memref<8x256xf32, #tpu.memory_space<vmem>>
    %dma_start3A_1218 = tpu.memref_slice %arg3[%multiple_of3A, %multiple_of3A_1201] : memref<128x32767xf32, #tpu.memory_space<hbm>> -> memref<8x256xf32, #tpu.memory_space<hbm>>
    %dma_start3A_1219 = arith.constant 0 : i32
    %dma_start3A_1220 = arith.constant 0 : i32
    %dma_start3A_1221 = tpu.memref_slice %arg8[%dma_start3A_1213, %dma_start3A_1219, %dma_start3A_1220] : memref<16x8x256xf32, #tpu.memory_space<vmem>> -> memref<1x8x256xf32, #tpu.memory_space<vmem>>
    %dma_start3A_1222 = tpu.memref_squeeze %dma_start3A_1221 : memref<1x8x256xf32, #tpu.memory_space<vmem>> -> memref<8x256xf32, #tpu.memory_space<vmem>>
    %dma_start3A_1223 = tpu.memref_slice %arg3[%multiple_of3A, %multiple_of3A_1201] : memref<128x32767xf32, #tpu.memory_space<hbm>> -> memref<8x256xf32, #tpu.memory_space<hbm>>
    tpu.enqueue_dma source(%dma_start3A_1223 : memref<8x256xf32, #tpu.memory_space<hbm>>) target(%dma_start3A_1222 : memref<8x256xf32, #tpu.memory_space<vmem>>) target_semaphore(%arg10 : memref<!tpu.dma_semaphore, #tpu.memory_space<semaphore_mem>>)
    %mul3A_1224 = arith.constant 16 : i32
    %mul3A_1225 = arith.muli %mul3A_1224, %squeeze3A_1130 : i32
    %add3A_1226 = arith.constant 15 : i32
    %add3A_1227 = arith.addi %mul3A_1225, %add3A_1226 : i32
    %shift_right_arithmetic3A_1228 = arith.constant 7 : i32
    %shift_right_arithmetic3A_1229 = arith.shrsi %add3A_1227, %shift_right_arithmetic3A_1228 : i32
    %mul3A_1230 = arith.constant 128 : i32
    %mul3A_1231 = arith.muli %shift_right_arithmetic3A_1229, %mul3A_1230 : i32
    %min3A_1232 = arith.constant 32512 : i32
    %min3A_1233 = arith.minsi %mul3A_1231, %min3A_1232 : i32
    %multiple_of3A_1234 = tpu.assume_multiple %min3A_1233, 128 : i32
    %dma_start3A_1235 = arith.constant 7 : i32
    %dma_start3A_1236 = arith.constant 0 : i32
    %dma_start3A_1237 = arith.constant 0 : i32
    %dma_start3A_1238 = tpu.memref_slice %arg7[%dma_start3A_1235, %dma_start3A_1236, %dma_start3A_1237] : memref<16x8x256xf32, #tpu.memory_space<vmem>> -> memref<1x8x256xf32, #tpu.memory_space<vmem>>
    %dma_start3A_1239 = tpu.memref_squeeze %dma_start3A_1238 : memref<1x8x256xf32, #tpu.memory_space<vmem>> -> memref<8x256xf32, #tpu.memory_space<vmem>>
    %dma_start3A_1240 = tpu.memref_slice %arg2[%multiple_of3A, %multiple_of3A_1234] : memref<128x32767xf32, #tpu.memory_space<hbm>> -> memref<8x256xf32, #tpu.memory_space<hbm>>
    %dma_start3A_1241 = arith.constant 0 : i32
    %dma_start3A_1242 = arith.constant 0 : i32
    %dma_start3A_1243 = tpu.memref_slice %arg7[%dma_start3A_1235, %dma_start3A_1241, %dma_start3A_1242] : memref<16x8x256xf32, #tpu.memory_space<vmem>> -> memref<1x8x256xf32, #tpu.memory_space<vmem>>
    %dma_start3A_1244 = tpu.memref_squeeze %dma_start3A_1243 : memref<1x8x256xf32, #tpu.memory_space<vmem>> -> memref<8x256xf32, #tpu.memory_space<vmem>>
    %dma_start3A_1245 = tpu.memref_slice %arg2[%multiple_of3A, %multiple_of3A_1234] : memref<128x32767xf32, #tpu.memory_space<hbm>> -> memref<8x256xf32, #tpu.memory_space<hbm>>
    tpu.enqueue_dma source(%dma_start3A_1245 : memref<8x256xf32, #tpu.memory_space<hbm>>) target(%dma_start3A_1244 : memref<8x256xf32, #tpu.memory_space<vmem>>) target_semaphore(%arg10 : memref<!tpu.dma_semaphore, #tpu.memory_space<semaphore_mem>>)
    %dma_start3A_1246 = arith.constant 7 : i32
    %dma_start3A_1247 = arith.constant 0 : i32
    %dma_start3A_1248 = arith.constant 0 : i32
    %dma_start3A_1249 = tpu.memref_slice %arg8[%dma_start3A_1246, %dma_start3A_1247, %dma_start3A_1248] : memref<16x8x256xf32, #tpu.memory_space<vmem>> -> memref<1x8x256xf32, #tpu.memory_space<vmem>>
    %dma_start3A_1250 = tpu.memref_squeeze %dma_start3A_1249 : memref<1x8x256xf32, #tpu.memory_space<vmem>> -> memref<8x256xf32, #tpu.memory_space<vmem>>
    %dma_start3A_1251 = tpu.memref_slice %arg3[%multiple_of3A, %multiple_of3A_1234] : memref<128x32767xf32, #tpu.memory_space<hbm>> -> memref<8x256xf32, #tpu.memory_space<hbm>>
    %dma_start3A_1252 = arith.constant 0 : i32
    %dma_start3A_1253 = arith.constant 0 : i32
    %dma_start3A_1254 = tpu.memref_slice %arg8[%dma_start3A_1246, %dma_start3A_1252, %dma_start3A_1253] : memref<16x8x256xf32, #tpu.memory_space<vmem>> -> memref<1x8x256xf32, #tpu.memory_space<vmem>>
    %dma_start3A_1255 = tpu.memref_squeeze %dma_start3A_1254 : memref<1x8x256xf32, #tpu.memory_space<vmem>> -> memref<8x256xf32, #tpu.memory_space<vmem>>
    %dma_start3A_1256 = tpu.memref_slice %arg3[%multiple_of3A, %multiple_of3A_1234] : memref<128x32767xf32, #tpu.memory_space<hbm>> -> memref<8x256xf32, #tpu.memory_space<hbm>>
    tpu.enqueue_dma source(%dma_start3A_1256 : memref<8x256xf32, #tpu.memory_space<hbm>>) target(%dma_start3A_1255 : memref<8x256xf32, #tpu.memory_space<vmem>>) target_semaphore(%arg10 : memref<!tpu.dma_semaphore, #tpu.memory_space<semaphore_mem>>)
    %slice3A_1257 = vector.extract_strided_slice %select_n3A_936 {offsets = [2], sizes = [1], strides = [1]} : vector<16xi32> to vector<1xi32>
    %squeeze3A_1258 = vector.extract %slice3A_1257[0] : i32 from vector<1xi32>
    %mul3A_1259 = arith.constant 2 : i32
    %mul3A_1260 = arith.muli %mul3A_1259, %squeeze3A_1258 : i32
    %add3A_1261 = arith.constant 1 : i32
    %add3A_1262 = arith.addi %mul3A_1260, %add3A_1261 : i32
    %shift_right_arithmetic3A_1263 = arith.constant 7 : i32
    %shift_right_arithmetic3A_1264 = arith.shrsi %add3A_1262, %shift_right_arithmetic3A_1263 : i32
    %mul3A_1265 = arith.constant 128 : i32
    %mul3A_1266 = arith.muli %shift_right_arithmetic3A_1264, %mul3A_1265 : i32
    %multiple_of3A_1267 = tpu.assume_multiple %mul3A_1266, 128 : i32
    %dma_start3A_1268 = arith.constant 8 : i32
    %dma_start3A_1269 = arith.constant 0 : i32
    %dma_start3A_1270 = arith.constant 0 : i32
    %dma_start3A_1271 = tpu.memref_slice %arg7[%dma_start3A_1268, %dma_start3A_1269, %dma_start3A_1270] : memref<16x8x256xf32, #tpu.memory_space<vmem>> -> memref<1x8x256xf32, #tpu.memory_space<vmem>>
    %dma_start3A_1272 = tpu.memref_squeeze %dma_start3A_1271 : memref<1x8x256xf32, #tpu.memory_space<vmem>> -> memref<8x256xf32, #tpu.memory_space<vmem>>
    %dma_start3A_1273 = tpu.memref_slice %arg2[%multiple_of3A, %multiple_of3A_1267] : memref<128x32767xf32, #tpu.memory_space<hbm>> -> memref<8x256xf32, #tpu.memory_space<hbm>>
    %dma_start3A_1274 = arith.constant 0 : i32
    %dma_start3A_1275 = arith.constant 0 : i32
    %dma_start3A_1276 = tpu.memref_slice %arg7[%dma_start3A_1268, %dma_start3A_1274, %dma_start3A_1275] : memref<16x8x256xf32, #tpu.memory_space<vmem>> -> memref<1x8x256xf32, #tpu.memory_space<vmem>>
    %dma_start3A_1277 = tpu.memref_squeeze %dma_start3A_1276 : memref<1x8x256xf32, #tpu.memory_space<vmem>> -> memref<8x256xf32, #tpu.memory_space<vmem>>
    %dma_start3A_1278 = tpu.memref_slice %arg2[%multiple_of3A, %multiple_of3A_1267] : memref<128x32767xf32, #tpu.memory_space<hbm>> -> memref<8x256xf32, #tpu.memory_space<hbm>>
    tpu.enqueue_dma source(%dma_start3A_1278 : memref<8x256xf32, #tpu.memory_space<hbm>>) target(%dma_start3A_1277 : memref<8x256xf32, #tpu.memory_space<vmem>>) target_semaphore(%arg10 : memref<!tpu.dma_semaphore, #tpu.memory_space<semaphore_mem>>)
    %dma_start3A_1279 = arith.constant 8 : i32
    %dma_start3A_1280 = arith.constant 0 : i32
    %dma_start3A_1281 = arith.constant 0 : i32
    %dma_start3A_1282 = tpu.memref_slice %arg8[%dma_start3A_1279, %dma_start3A_1280, %dma_start3A_1281] : memref<16x8x256xf32, #tpu.memory_space<vmem>> -> memref<1x8x256xf32, #tpu.memory_space<vmem>>
    %dma_start3A_1283 = tpu.memref_squeeze %dma_start3A_1282 : memref<1x8x256xf32, #tpu.memory_space<vmem>> -> memref<8x256xf32, #tpu.memory_space<vmem>>
    %dma_start3A_1284 = tpu.memref_slice %arg3[%multiple_of3A, %multiple_of3A_1267] : memref<128x32767xf32, #tpu.memory_space<hbm>> -> memref<8x256xf32, #tpu.memory_space<hbm>>
    %dma_start3A_1285 = arith.constant 0 : i32
    %dma_start3A_1286 = arith.constant 0 : i32
    %dma_start3A_1287 = tpu.memref_slice %arg8[%dma_start3A_1279, %dma_start3A_1285, %dma_start3A_1286] : memref<16x8x256xf32, #tpu.memory_space<vmem>> -> memref<1x8x256xf32, #tpu.memory_space<vmem>>
    %dma_start3A_1288 = tpu.memref_squeeze %dma_start3A_1287 : memref<1x8x256xf32, #tpu.memory_space<vmem>> -> memref<8x256xf32, #tpu.memory_space<vmem>>
    %dma_start3A_1289 = tpu.memref_slice %arg3[%multiple_of3A, %multiple_of3A_1267] : memref<128x32767xf32, #tpu.memory_space<hbm>> -> memref<8x256xf32, #tpu.memory_space<hbm>>
    tpu.enqueue_dma source(%dma_start3A_1289 : memref<8x256xf32, #tpu.memory_space<hbm>>) target(%dma_start3A_1288 : memref<8x256xf32, #tpu.memory_space<vmem>>) target_semaphore(%arg10 : memref<!tpu.dma_semaphore, #tpu.memory_space<semaphore_mem>>)
    %mul3A_1290 = arith.constant 4 : i32
    %mul3A_1291 = arith.muli %mul3A_1290, %squeeze3A_1258 : i32
    %add3A_1292 = arith.constant 3 : i32
    %add3A_1293 = arith.addi %mul3A_1291, %add3A_1292 : i32
    %shift_right_arithmetic3A_1294 = arith.constant 7 : i32
    %shift_right_arithmetic3A_1295 = arith.shrsi %add3A_1293, %shift_right_arithmetic3A_1294 : i32
    %mul3A_1296 = arith.constant 128 : i32
    %mul3A_1297 = arith.muli %shift_right_arithmetic3A_1295, %mul3A_1296 : i32
    %multiple_of3A_1298 = tpu.assume_multiple %mul3A_1297, 128 : i32
    %dma_start3A_1299 = arith.constant 9 : i32
    %dma_start3A_1300 = arith.constant 0 : i32
    %dma_start3A_1301 = arith.constant 0 : i32
    %dma_start3A_1302 = tpu.memref_slice %arg7[%dma_start3A_1299, %dma_start3A_1300, %dma_start3A_1301] : memref<16x8x256xf32, #tpu.memory_space<vmem>> -> memref<1x8x256xf32, #tpu.memory_space<vmem>>
    %dma_start3A_1303 = tpu.memref_squeeze %dma_start3A_1302 : memref<1x8x256xf32, #tpu.memory_space<vmem>> -> memref<8x256xf32, #tpu.memory_space<vmem>>
    %dma_start3A_1304 = tpu.memref_slice %arg2[%multiple_of3A, %multiple_of3A_1298] : memref<128x32767xf32, #tpu.memory_space<hbm>> -> memref<8x256xf32, #tpu.memory_space<hbm>>
    %dma_start3A_1305 = arith.constant 0 : i32
    %dma_start3A_1306 = arith.constant 0 : i32
    %dma_start3A_1307 = tpu.memref_slice %arg7[%dma_start3A_1299, %dma_start3A_1305, %dma_start3A_1306] : memref<16x8x256xf32, #tpu.memory_space<vmem>> -> memref<1x8x256xf32, #tpu.memory_space<vmem>>
    %dma_start3A_1308 = tpu.memref_squeeze %dma_start3A_1307 : memref<1x8x256xf32, #tpu.memory_space<vmem>> -> memref<8x256xf32, #tpu.memory_space<vmem>>
    %dma_start3A_1309 = tpu.memref_slice %arg2[%multiple_of3A, %multiple_of3A_1298] : memref<128x32767xf32, #tpu.memory_space<hbm>> -> memref<8x256xf32, #tpu.memory_space<hbm>>
    tpu.enqueue_dma source(%dma_start3A_1309 : memref<8x256xf32, #tpu.memory_space<hbm>>) target(%dma_start3A_1308 : memref<8x256xf32, #tpu.memory_space<vmem>>) target_semaphore(%arg10 : memref<!tpu.dma_semaphore, #tpu.memory_space<semaphore_mem>>)
    %dma_start3A_1310 = arith.constant 9 : i32
    %dma_start3A_1311 = arith.constant 0 : i32
    %dma_start3A_1312 = arith.constant 0 : i32
    %dma_start3A_1313 = tpu.memref_slice %arg8[%dma_start3A_1310, %dma_start3A_1311, %dma_start3A_1312] : memref<16x8x256xf32, #tpu.memory_space<vmem>> -> memref<1x8x256xf32, #tpu.memory_space<vmem>>
    %dma_start3A_1314 = tpu.memref_squeeze %dma_start3A_1313 : memref<1x8x256xf32, #tpu.memory_space<vmem>> -> memref<8x256xf32, #tpu.memory_space<vmem>>
    %dma_start3A_1315 = tpu.memref_slice %arg3[%multiple_of3A, %multiple_of3A_1298] : memref<128x32767xf32, #tpu.memory_space<hbm>> -> memref<8x256xf32, #tpu.memory_space<hbm>>
    %dma_start3A_1316 = arith.constant 0 : i32
    %dma_start3A_1317 = arith.constant 0 : i32
    %dma_start3A_1318 = tpu.memref_slice %arg8[%dma_start3A_1310, %dma_start3A_1316, %dma_start3A_1317] : memref<16x8x256xf32, #tpu.memory_space<vmem>> -> memref<1x8x256xf32, #tpu.memory_space<vmem>>
    %dma_start3A_1319 = tpu.memref_squeeze %dma_start3A_1318 : memref<1x8x256xf32, #tpu.memory_space<vmem>> -> memref<8x256xf32, #tpu.memory_space<vmem>>
    %dma_start3A_1320 = tpu.memref_slice %arg3[%multiple_of3A, %multiple_of3A_1298] : memref<128x32767xf32, #tpu.memory_space<hbm>> -> memref<8x256xf32, #tpu.memory_space<hbm>>
    tpu.enqueue_dma source(%dma_start3A_1320 : memref<8x256xf32, #tpu.memory_space<hbm>>) target(%dma_start3A_1319 : memref<8x256xf32, #tpu.memory_space<vmem>>) target_semaphore(%arg10 : memref<!tpu.dma_semaphore, #tpu.memory_space<semaphore_mem>>)
    %mul3A_1321 = arith.constant 8 : i32
    %mul3A_1322 = arith.muli %mul3A_1321, %squeeze3A_1258 : i32
    %add3A_1323 = arith.constant 7 : i32
    %add3A_1324 = arith.addi %mul3A_1322, %add3A_1323 : i32
    %shift_right_arithmetic3A_1325 = arith.constant 7 : i32
    %shift_right_arithmetic3A_1326 = arith.shrsi %add3A_1324, %shift_right_arithmetic3A_1325 : i32
    %mul3A_1327 = arith.constant 128 : i32
    %mul3A_1328 = arith.muli %shift_right_arithmetic3A_1326, %mul3A_1327 : i32
    %multiple_of3A_1329 = tpu.assume_multiple %mul3A_1328, 128 : i32
    %dma_start3A_1330 = arith.constant 10 : i32
    %dma_start3A_1331 = arith.constant 0 : i32
    %dma_start3A_1332 = arith.constant 0 : i32
    %dma_start3A_1333 = tpu.memref_slice %arg7[%dma_start3A_1330, %dma_start3A_1331, %dma_start3A_1332] : memref<16x8x256xf32, #tpu.memory_space<vmem>> -> memref<1x8x256xf32, #tpu.memory_space<vmem>>
    %dma_start3A_1334 = tpu.memref_squeeze %dma_start3A_1333 : memref<1x8x256xf32, #tpu.memory_space<vmem>> -> memref<8x256xf32, #tpu.memory_space<vmem>>
    %dma_start3A_1335 = tpu.memref_slice %arg2[%multiple_of3A, %multiple_of3A_1329] : memref<128x32767xf32, #tpu.memory_space<hbm>> -> memref<8x256xf32, #tpu.memory_space<hbm>>
    %dma_start3A_1336 = arith.constant 0 : i32
    %dma_start3A_1337 = arith.constant 0 : i32
    %dma_start3A_1338 = tpu.memref_slice %arg7[%dma_start3A_1330, %dma_start3A_1336, %dma_start3A_1337] : memref<16x8x256xf32, #tpu.memory_space<vmem>> -> memref<1x8x256xf32, #tpu.memory_space<vmem>>
    %dma_start3A_1339 = tpu.memref_squeeze %dma_start3A_1338 : memref<1x8x256xf32, #tpu.memory_space<vmem>> -> memref<8x256xf32, #tpu.memory_space<vmem>>
    %dma_start3A_1340 = tpu.memref_slice %arg2[%multiple_of3A, %multiple_of3A_1329] : memref<128x32767xf32, #tpu.memory_space<hbm>> -> memref<8x256xf32, #tpu.memory_space<hbm>>
    tpu.enqueue_dma source(%dma_start3A_1340 : memref<8x256xf32, #tpu.memory_space<hbm>>) target(%dma_start3A_1339 : memref<8x256xf32, #tpu.memory_space<vmem>>) target_semaphore(%arg10 : memref<!tpu.dma_semaphore, #tpu.memory_space<semaphore_mem>>)
    %dma_start3A_1341 = arith.constant 10 : i32
    %dma_start3A_1342 = arith.constant 0 : i32
    %dma_start3A_1343 = arith.constant 0 : i32
    %dma_start3A_1344 = tpu.memref_slice %arg8[%dma_start3A_1341, %dma_start3A_1342, %dma_start3A_1343] : memref<16x8x256xf32, #tpu.memory_space<vmem>> -> memref<1x8x256xf32, #tpu.memory_space<vmem>>
    %dma_start3A_1345 = tpu.memref_squeeze %dma_start3A_1344 : memref<1x8x256xf32, #tpu.memory_space<vmem>> -> memref<8x256xf32, #tpu.memory_space<vmem>>
    %dma_start3A_1346 = tpu.memref_slice %arg3[%multiple_of3A, %multiple_of3A_1329] : memref<128x32767xf32, #tpu.memory_space<hbm>> -> memref<8x256xf32, #tpu.memory_space<hbm>>
    %dma_start3A_1347 = arith.constant 0 : i32
    %dma_start3A_1348 = arith.constant 0 : i32
    %dma_start3A_1349 = tpu.memref_slice %arg8[%dma_start3A_1341, %dma_start3A_1347, %dma_start3A_1348] : memref<16x8x256xf32, #tpu.memory_space<vmem>> -> memref<1x8x256xf32, #tpu.memory_space<vmem>>
    %dma_start3A_1350 = tpu.memref_squeeze %dma_start3A_1349 : memref<1x8x256xf32, #tpu.memory_space<vmem>> -> memref<8x256xf32, #tpu.memory_space<vmem>>
    %dma_start3A_1351 = tpu.memref_slice %arg3[%multiple_of3A, %multiple_of3A_1329] : memref<128x32767xf32, #tpu.memory_space<hbm>> -> memref<8x256xf32, #tpu.memory_space<hbm>>
    tpu.enqueue_dma source(%dma_start3A_1351 : memref<8x256xf32, #tpu.memory_space<hbm>>) target(%dma_start3A_1350 : memref<8x256xf32, #tpu.memory_space<vmem>>) target_semaphore(%arg10 : memref<!tpu.dma_semaphore, #tpu.memory_space<semaphore_mem>>)
    %mul3A_1352 = arith.constant 16 : i32
    %mul3A_1353 = arith.muli %mul3A_1352, %squeeze3A_1258 : i32
    %add3A_1354 = arith.constant 15 : i32
    %add3A_1355 = arith.addi %mul3A_1353, %add3A_1354 : i32
    %shift_right_arithmetic3A_1356 = arith.constant 7 : i32
    %shift_right_arithmetic3A_1357 = arith.shrsi %add3A_1355, %shift_right_arithmetic3A_1356 : i32
    %mul3A_1358 = arith.constant 128 : i32
    %mul3A_1359 = arith.muli %shift_right_arithmetic3A_1357, %mul3A_1358 : i32
    %min3A_1360 = arith.constant 32512 : i32
    %min3A_1361 = arith.minsi %mul3A_1359, %min3A_1360 : i32
    %multiple_of3A_1362 = tpu.assume_multiple %min3A_1361, 128 : i32
    %dma_start3A_1363 = arith.constant 11 : i32
    %dma_start3A_1364 = arith.constant 0 : i32
    %dma_start3A_1365 = arith.constant 0 : i32
    %dma_start3A_1366 = tpu.memref_slice %arg7[%dma_start3A_1363, %dma_start3A_1364, %dma_start3A_1365] : memref<16x8x256xf32, #tpu.memory_space<vmem>> -> memref<1x8x256xf32, #tpu.memory_space<vmem>>
    %dma_start3A_1367 = tpu.memref_squeeze %dma_start3A_1366 : memref<1x8x256xf32, #tpu.memory_space<vmem>> -> memref<8x256xf32, #tpu.memory_space<vmem>>
    %dma_start3A_1368 = tpu.memref_slice %arg2[%multiple_of3A, %multiple_of3A_1362] : memref<128x32767xf32, #tpu.memory_space<hbm>> -> memref<8x256xf32, #tpu.memory_space<hbm>>
    %dma_start3A_1369 = arith.constant 0 : i32
    %dma_start3A_1370 = arith.constant 0 : i32
    %dma_start3A_1371 = tpu.memref_slice %arg7[%dma_start3A_1363, %dma_start3A_1369, %dma_start3A_1370] : memref<16x8x256xf32, #tpu.memory_space<vmem>> -> memref<1x8x256xf32, #tpu.memory_space<vmem>>
    %dma_start3A_1372 = tpu.memref_squeeze %dma_start3A_1371 : memref<1x8x256xf32, #tpu.memory_space<vmem>> -> memref<8x256xf32, #tpu.memory_space<vmem>>
    %dma_start3A_1373 = tpu.memref_slice %arg2[%multiple_of3A, %multiple_of3A_1362] : memref<128x32767xf32, #tpu.memory_space<hbm>> -> memref<8x256xf32, #tpu.memory_space<hbm>>
    tpu.enqueue_dma source(%dma_start3A_1373 : memref<8x256xf32, #tpu.memory_space<hbm>>) target(%dma_start3A_1372 : memref<8x256xf32, #tpu.memory_space<vmem>>) target_semaphore(%arg10 : memref<!tpu.dma_semaphore, #tpu.memory_space<semaphore_mem>>)
    %dma_start3A_1374 = arith.constant 11 : i32
    %dma_start3A_1375 = arith.constant 0 : i32
    %dma_start3A_1376 = arith.constant 0 : i32
    %dma_start3A_1377 = tpu.memref_slice %arg8[%dma_start3A_1374, %dma_start3A_1375, %dma_start3A_1376] : memref<16x8x256xf32, #tpu.memory_space<vmem>> -> memref<1x8x256xf32, #tpu.memory_space<vmem>>
    %dma_start3A_1378 = tpu.memref_squeeze %dma_start3A_1377 : memref<1x8x256xf32, #tpu.memory_space<vmem>> -> memref<8x256xf32, #tpu.memory_space<vmem>>
    %dma_start3A_1379 = tpu.memref_slice %arg3[%multiple_of3A, %multiple_of3A_1362] : memref<128x32767xf32, #tpu.memory_space<hbm>> -> memref<8x256xf32, #tpu.memory_space<hbm>>
    %dma_start3A_1380 = arith.constant 0 : i32
    %dma_start3A_1381 = arith.constant 0 : i32
    %dma_start3A_1382 = tpu.memref_slice %arg8[%dma_start3A_1374, %dma_start3A_1380, %dma_start3A_1381] : memref<16x8x256xf32, #tpu.memory_space<vmem>> -> memref<1x8x256xf32, #tpu.memory_space<vmem>>
    %dma_start3A_1383 = tpu.memref_squeeze %dma_start3A_1382 : memref<1x8x256xf32, #tpu.memory_space<vmem>> -> memref<8x256xf32, #tpu.memory_space<vmem>>
    %dma_start3A_1384 = tpu.memref_slice %arg3[%multiple_of3A, %multiple_of3A_1362] : memref<128x32767xf32, #tpu.memory_space<hbm>> -> memref<8x256xf32, #tpu.memory_space<hbm>>
    tpu.enqueue_dma source(%dma_start3A_1384 : memref<8x256xf32, #tpu.memory_space<hbm>>) target(%dma_start3A_1383 : memref<8x256xf32, #tpu.memory_space<vmem>>) target_semaphore(%arg10 : memref<!tpu.dma_semaphore, #tpu.memory_space<semaphore_mem>>)
    %slice3A_1385 = vector.extract_strided_slice %select_n3A_936 {offsets = [3], sizes = [1], strides = [1]} : vector<16xi32> to vector<1xi32>
    %squeeze3A_1386 = vector.extract %slice3A_1385[0] : i32 from vector<1xi32>
    %mul3A_1387 = arith.constant 2 : i32
    %mul3A_1388 = arith.muli %mul3A_1387, %squeeze3A_1386 : i32
    %add3A_1389 = arith.constant 1 : i32
    %add3A_1390 = arith.addi %mul3A_1388, %add3A_1389 : i32
    %shift_right_arithmetic3A_1391 = arith.constant 7 : i32
    %shift_right_arithmetic3A_1392 = arith.shrsi %add3A_1390, %shift_right_arithmetic3A_1391 : i32
    %mul3A_1393 = arith.constant 128 : i32
    %mul3A_1394 = arith.muli %shift_right_arithmetic3A_1392, %mul3A_1393 : i32
    %multiple_of3A_1395 = tpu.assume_multiple %mul3A_1394, 128 : i32
    %dma_start3A_1396 = arith.constant 12 : i32
    %dma_start3A_1397 = arith.constant 0 : i32
    %dma_start3A_1398 = arith.constant 0 : i32
    %dma_start3A_1399 = tpu.memref_slice %arg7[%dma_start3A_1396, %dma_start3A_1397, %dma_start3A_1398] : memref<16x8x256xf32, #tpu.memory_space<vmem>> -> memref<1x8x256xf32, #tpu.memory_space<vmem>>
    %dma_start3A_1400 = tpu.memref_squeeze %dma_start3A_1399 : memref<1x8x256xf32, #tpu.memory_space<vmem>> -> memref<8x256xf32, #tpu.memory_space<vmem>>
    %dma_start3A_1401 = tpu.memref_slice %arg2[%multiple_of3A, %multiple_of3A_1395] : memref<128x32767xf32, #tpu.memory_space<hbm>> -> memref<8x256xf32, #tpu.memory_space<hbm>>
    %dma_start3A_1402 = arith.constant 0 : i32
    %dma_start3A_1403 = arith.constant 0 : i32
    %dma_start3A_1404 = tpu.memref_slice %arg7[%dma_start3A_1396, %dma_start3A_1402, %dma_start3A_1403] : memref<16x8x256xf32, #tpu.memory_space<vmem>> -> memref<1x8x256xf32, #tpu.memory_space<vmem>>
    %dma_start3A_1405 = tpu.memref_squeeze %dma_start3A_1404 : memref<1x8x256xf32, #tpu.memory_space<vmem>> -> memref<8x256xf32, #tpu.memory_space<vmem>>
    %dma_start3A_1406 = tpu.memref_slice %arg2[%multiple_of3A, %multiple_of3A_1395] : memref<128x32767xf32, #tpu.memory_space<hbm>> -> memref<8x256xf32, #tpu.memory_space<hbm>>
    tpu.enqueue_dma source(%dma_start3A_1406 : memref<8x256xf32, #tpu.memory_space<hbm>>) target(%dma_start3A_1405 : memref<8x256xf32, #tpu.memory_space<vmem>>) target_semaphore(%arg10 : memref<!tpu.dma_semaphore, #tpu.memory_space<semaphore_mem>>)
    %dma_start3A_1407 = arith.constant 12 : i32
    %dma_start3A_1408 = arith.constant 0 : i32
    %dma_start3A_1409 = arith.constant 0 : i32
    %dma_start3A_1410 = tpu.memref_slice %arg8[%dma_start3A_1407, %dma_start3A_1408, %dma_start3A_1409] : memref<16x8x256xf32, #tpu.memory_space<vmem>> -> memref<1x8x256xf32, #tpu.memory_space<vmem>>
    %dma_start3A_1411 = tpu.memref_squeeze %dma_start3A_1410 : memref<1x8x256xf32, #tpu.memory_space<vmem>> -> memref<8x256xf32, #tpu.memory_space<vmem>>
    %dma_start3A_1412 = tpu.memref_slice %arg3[%multiple_of3A, %multiple_of3A_1395] : memref<128x32767xf32, #tpu.memory_space<hbm>> -> memref<8x256xf32, #tpu.memory_space<hbm>>
    %dma_start3A_1413 = arith.constant 0 : i32
    %dma_start3A_1414 = arith.constant 0 : i32
    %dma_start3A_1415 = tpu.memref_slice %arg8[%dma_start3A_1407, %dma_start3A_1413, %dma_start3A_1414] : memref<16x8x256xf32, #tpu.memory_space<vmem>> -> memref<1x8x256xf32, #tpu.memory_space<vmem>>
    %dma_start3A_1416 = tpu.memref_squeeze %dma_start3A_1415 : memref<1x8x256xf32, #tpu.memory_space<vmem>> -> memref<8x256xf32, #tpu.memory_space<vmem>>
    %dma_start3A_1417 = tpu.memref_slice %arg3[%multiple_of3A, %multiple_of3A_1395] : memref<128x32767xf32, #tpu.memory_space<hbm>> -> memref<8x256xf32, #tpu.memory_space<hbm>>
    tpu.enqueue_dma source(%dma_start3A_1417 : memref<8x256xf32, #tpu.memory_space<hbm>>) target(%dma_start3A_1416 : memref<8x256xf32, #tpu.memory_space<vmem>>) target_semaphore(%arg10 : memref<!tpu.dma_semaphore, #tpu.memory_space<semaphore_mem>>)
    %mul3A_1418 = arith.constant 4 : i32
    %mul3A_1419 = arith.muli %mul3A_1418, %squeeze3A_1386 : i32
    %add3A_1420 = arith.constant 3 : i32
    %add3A_1421 = arith.addi %mul3A_1419, %add3A_1420 : i32
    %shift_right_arithmetic3A_1422 = arith.constant 7 : i32
    %shift_right_arithmetic3A_1423 = arith.shrsi %add3A_1421, %shift_right_arithmetic3A_1422 : i32
    %mul3A_1424 = arith.constant 128 : i32
    %mul3A_1425 = arith.muli %shift_right_arithmetic3A_1423, %mul3A_1424 : i32
    %multiple_of3A_1426 = tpu.assume_multiple %mul3A_1425, 128 : i32
    %dma_start3A_1427 = arith.constant 13 : i32
    %dma_start3A_1428 = arith.constant 0 : i32
    %dma_start3A_1429 = arith.constant 0 : i32
    %dma_start3A_1430 = tpu.memref_slice %arg7[%dma_start3A_1427, %dma_start3A_1428, %dma_start3A_1429] : memref<16x8x256xf32, #tpu.memory_space<vmem>> -> memref<1x8x256xf32, #tpu.memory_space<vmem>>
    %dma_start3A_1431 = tpu.memref_squeeze %dma_start3A_1430 : memref<1x8x256xf32, #tpu.memory_space<vmem>> -> memref<8x256xf32, #tpu.memory_space<vmem>>
    %dma_start3A_1432 = tpu.memref_slice %arg2[%multiple_of3A, %multiple_of3A_1426] : memref<128x32767xf32, #tpu.memory_space<hbm>> -> memref<8x256xf32, #tpu.memory_space<hbm>>
    %dma_start3A_1433 = arith.constant 0 : i32
    %dma_start3A_1434 = arith.constant 0 : i32
    %dma_start3A_1435 = tpu.memref_slice %arg7[%dma_start3A_1427, %dma_start3A_1433, %dma_start3A_1434] : memref<16x8x256xf32, #tpu.memory_space<vmem>> -> memref<1x8x256xf32, #tpu.memory_space<vmem>>
    %dma_start3A_1436 = tpu.memref_squeeze %dma_start3A_1435 : memref<1x8x256xf32, #tpu.memory_space<vmem>> -> memref<8x256xf32, #tpu.memory_space<vmem>>
    %dma_start3A_1437 = tpu.memref_slice %arg2[%multiple_of3A, %multiple_of3A_1426] : memref<128x32767xf32, #tpu.memory_space<hbm>> -> memref<8x256xf32, #tpu.memory_space<hbm>>
    tpu.enqueue_dma source(%dma_start3A_1437 : memref<8x256xf32, #tpu.memory_space<hbm>>) target(%dma_start3A_1436 : memref<8x256xf32, #tpu.memory_space<vmem>>) target_semaphore(%arg10 : memref<!tpu.dma_semaphore, #tpu.memory_space<semaphore_mem>>)
    %dma_start3A_1438 = arith.constant 13 : i32
    %dma_start3A_1439 = arith.constant 0 : i32
    %dma_start3A_1440 = arith.constant 0 : i32
    %dma_start3A_1441 = tpu.memref_slice %arg8[%dma_start3A_1438, %dma_start3A_1439, %dma_start3A_1440] : memref<16x8x256xf32, #tpu.memory_space<vmem>> -> memref<1x8x256xf32, #tpu.memory_space<vmem>>
    %dma_start3A_1442 = tpu.memref_squeeze %dma_start3A_1441 : memref<1x8x256xf32, #tpu.memory_space<vmem>> -> memref<8x256xf32, #tpu.memory_space<vmem>>
    %dma_start3A_1443 = tpu.memref_slice %arg3[%multiple_of3A, %multiple_of3A_1426] : memref<128x32767xf32, #tpu.memory_space<hbm>> -> memref<8x256xf32, #tpu.memory_space<hbm>>
    %dma_start3A_1444 = arith.constant 0 : i32
    %dma_start3A_1445 = arith.constant 0 : i32
    %dma_start3A_1446 = tpu.memref_slice %arg8[%dma_start3A_1438, %dma_start3A_1444, %dma_start3A_1445] : memref<16x8x256xf32, #tpu.memory_space<vmem>> -> memref<1x8x256xf32, #tpu.memory_space<vmem>>
    %dma_start3A_1447 = tpu.memref_squeeze %dma_start3A_1446 : memref<1x8x256xf32, #tpu.memory_space<vmem>> -> memref<8x256xf32, #tpu.memory_space<vmem>>
    %dma_start3A_1448 = tpu.memref_slice %arg3[%multiple_of3A, %multiple_of3A_1426] : memref<128x32767xf32, #tpu.memory_space<hbm>> -> memref<8x256xf32, #tpu.memory_space<hbm>>
    tpu.enqueue_dma source(%dma_start3A_1448 : memref<8x256xf32, #tpu.memory_space<hbm>>) target(%dma_start3A_1447 : memref<8x256xf32, #tpu.memory_space<vmem>>) target_semaphore(%arg10 : memref<!tpu.dma_semaphore, #tpu.memory_space<semaphore_mem>>)
    %mul3A_1449 = arith.constant 8 : i32
    %mul3A_1450 = arith.muli %mul3A_1449, %squeeze3A_1386 : i32
    %add3A_1451 = arith.constant 7 : i32
    %add3A_1452 = arith.addi %mul3A_1450, %add3A_1451 : i32
    %shift_right_arithmetic3A_1453 = arith.constant 7 : i32
    %shift_right_arithmetic3A_1454 = arith.shrsi %add3A_1452, %shift_right_arithmetic3A_1453 : i32
    %mul3A_1455 = arith.constant 128 : i32
    %mul3A_1456 = arith.muli %shift_right_arithmetic3A_1454, %mul3A_1455 : i32
    %multiple_of3A_1457 = tpu.assume_multiple %mul3A_1456, 128 : i32
    %dma_start3A_1458 = arith.constant 14 : i32
    %dma_start3A_1459 = arith.constant 0 : i32
    %dma_start3A_1460 = arith.constant 0 : i32
    %dma_start3A_1461 = tpu.memref_slice %arg7[%dma_start3A_1458, %dma_start3A_1459, %dma_start3A_1460] : memref<16x8x256xf32, #tpu.memory_space<vmem>> -> memref<1x8x256xf32, #tpu.memory_space<vmem>>
    %dma_start3A_1462 = tpu.memref_squeeze %dma_start3A_1461 : memref<1x8x256xf32, #tpu.memory_space<vmem>> -> memref<8x256xf32, #tpu.memory_space<vmem>>
    %dma_start3A_1463 = tpu.memref_slice %arg2[%multiple_of3A, %multiple_of3A_1457] : memref<128x32767xf32, #tpu.memory_space<hbm>> -> memref<8x256xf32, #tpu.memory_space<hbm>>
    %dma_start3A_1464 = arith.constant 0 : i32
    %dma_start3A_1465 = arith.constant 0 : i32
    %dma_start3A_1466 = tpu.memref_slice %arg7[%dma_start3A_1458, %dma_start3A_1464, %dma_start3A_1465] : memref<16x8x256xf32, #tpu.memory_space<vmem>> -> memref<1x8x256xf32, #tpu.memory_space<vmem>>
    %dma_start3A_1467 = tpu.memref_squeeze %dma_start3A_1466 : memref<1x8x256xf32, #tpu.memory_space<vmem>> -> memref<8x256xf32, #tpu.memory_space<vmem>>
    %dma_start3A_1468 = tpu.memref_slice %arg2[%multiple_of3A, %multiple_of3A_1457] : memref<128x32767xf32, #tpu.memory_space<hbm>> -> memref<8x256xf32, #tpu.memory_space<hbm>>
    tpu.enqueue_dma source(%dma_start3A_1468 : memref<8x256xf32, #tpu.memory_space<hbm>>) target(%dma_start3A_1467 : memref<8x256xf32, #tpu.memory_space<vmem>>) target_semaphore(%arg10 : memref<!tpu.dma_semaphore, #tpu.memory_space<semaphore_mem>>)
    %dma_start3A_1469 = arith.constant 14 : i32
    %dma_start3A_1470 = arith.constant 0 : i32
    %dma_start3A_1471 = arith.constant 0 : i32
    %dma_start3A_1472 = tpu.memref_slice %arg8[%dma_start3A_1469, %dma_start3A_1470, %dma_start3A_1471] : memref<16x8x256xf32, #tpu.memory_space<vmem>> -> memref<1x8x256xf32, #tpu.memory_space<vmem>>
    %dma_start3A_1473 = tpu.memref_squeeze %dma_start3A_1472 : memref<1x8x256xf32, #tpu.memory_space<vmem>> -> memref<8x256xf32, #tpu.memory_space<vmem>>
    %dma_start3A_1474 = tpu.memref_slice %arg3[%multiple_of3A, %multiple_of3A_1457] : memref<128x32767xf32, #tpu.memory_space<hbm>> -> memref<8x256xf32, #tpu.memory_space<hbm>>
    %dma_start3A_1475 = arith.constant 0 : i32
    %dma_start3A_1476 = arith.constant 0 : i32
    %dma_start3A_1477 = tpu.memref_slice %arg8[%dma_start3A_1469, %dma_start3A_1475, %dma_start3A_1476] : memref<16x8x256xf32, #tpu.memory_space<vmem>> -> memref<1x8x256xf32, #tpu.memory_space<vmem>>
    %dma_start3A_1478 = tpu.memref_squeeze %dma_start3A_1477 : memref<1x8x256xf32, #tpu.memory_space<vmem>> -> memref<8x256xf32, #tpu.memory_space<vmem>>
    %dma_start3A_1479 = tpu.memref_slice %arg3[%multiple_of3A, %multiple_of3A_1457] : memref<128x32767xf32, #tpu.memory_space<hbm>> -> memref<8x256xf32, #tpu.memory_space<hbm>>
    tpu.enqueue_dma source(%dma_start3A_1479 : memref<8x256xf32, #tpu.memory_space<hbm>>) target(%dma_start3A_1478 : memref<8x256xf32, #tpu.memory_space<vmem>>) target_semaphore(%arg10 : memref<!tpu.dma_semaphore, #tpu.memory_space<semaphore_mem>>)
    %mul3A_1480 = arith.constant 16 : i32
    %mul3A_1481 = arith.muli %mul3A_1480, %squeeze3A_1386 : i32
    %add3A_1482 = arith.constant 15 : i32
    %add3A_1483 = arith.addi %mul3A_1481, %add3A_1482 : i32
    %shift_right_arithmetic3A_1484 = arith.constant 7 : i32
    %shift_right_arithmetic3A_1485 = arith.shrsi %add3A_1483, %shift_right_arithmetic3A_1484 : i32
    %mul3A_1486 = arith.constant 128 : i32
    %mul3A_1487 = arith.muli %shift_right_arithmetic3A_1485, %mul3A_1486 : i32
    %min3A_1488 = arith.constant 32512 : i32
    %min3A_1489 = arith.minsi %mul3A_1487, %min3A_1488 : i32
    %multiple_of3A_1490 = tpu.assume_multiple %min3A_1489, 128 : i32
    %dma_start3A_1491 = arith.constant 15 : i32
    %dma_start3A_1492 = arith.constant 0 : i32
    %dma_start3A_1493 = arith.constant 0 : i32
    %dma_start3A_1494 = tpu.memref_slice %arg7[%dma_start3A_1491, %dma_start3A_1492, %dma_start3A_1493] : memref<16x8x256xf32, #tpu.memory_space<vmem>> -> memref<1x8x256xf32, #tpu.memory_space<vmem>>
    %dma_start3A_1495 = tpu.memref_squeeze %dma_start3A_1494 : memref<1x8x256xf32, #tpu.memory_space<vmem>> -> memref<8x256xf32, #tpu.memory_space<vmem>>
    %dma_start3A_1496 = tpu.memref_slice %arg2[%multiple_of3A, %multiple_of3A_1490] : memref<128x32767xf32, #tpu.memory_space<hbm>> -> memref<8x256xf32, #tpu.memory_space<hbm>>
    %dma_start3A_1497 = arith.constant 0 : i32
    %dma_start3A_1498 = arith.constant 0 : i32
    %dma_start3A_1499 = tpu.memref_slice %arg7[%dma_start3A_1491, %dma_start3A_1497, %dma_start3A_1498] : memref<16x8x256xf32, #tpu.memory_space<vmem>> -> memref<1x8x256xf32, #tpu.memory_space<vmem>>
    %dma_start3A_1500 = tpu.memref_squeeze %dma_start3A_1499 : memref<1x8x256xf32, #tpu.memory_space<vmem>> -> memref<8x256xf32, #tpu.memory_space<vmem>>
    %dma_start3A_1501 = tpu.memref_slice %arg2[%multiple_of3A, %multiple_of3A_1490] : memref<128x32767xf32, #tpu.memory_space<hbm>> -> memref<8x256xf32, #tpu.memory_space<hbm>>
    tpu.enqueue_dma source(%dma_start3A_1501 : memref<8x256xf32, #tpu.memory_space<hbm>>) target(%dma_start3A_1500 : memref<8x256xf32, #tpu.memory_space<vmem>>) target_semaphore(%arg10 : memref<!tpu.dma_semaphore, #tpu.memory_space<semaphore_mem>>)
    %dma_start3A_1502 = arith.constant 15 : i32
    %dma_start3A_1503 = arith.constant 0 : i32
    %dma_start3A_1504 = arith.constant 0 : i32
    %dma_start3A_1505 = tpu.memref_slice %arg8[%dma_start3A_1502, %dma_start3A_1503, %dma_start3A_1504] : memref<16x8x256xf32, #tpu.memory_space<vmem>> -> memref<1x8x256xf32, #tpu.memory_space<vmem>>
    %dma_start3A_1506 = tpu.memref_squeeze %dma_start3A_1505 : memref<1x8x256xf32, #tpu.memory_space<vmem>> -> memref<8x256xf32, #tpu.memory_space<vmem>>
    %dma_start3A_1507 = tpu.memref_slice %arg3[%multiple_of3A, %multiple_of3A_1490] : memref<128x32767xf32, #tpu.memory_space<hbm>> -> memref<8x256xf32, #tpu.memory_space<hbm>>
    %dma_start3A_1508 = arith.constant 0 : i32
    %dma_start3A_1509 = arith.constant 0 : i32
    %dma_start3A_1510 = tpu.memref_slice %arg8[%dma_start3A_1502, %dma_start3A_1508, %dma_start3A_1509] : memref<16x8x256xf32, #tpu.memory_space<vmem>> -> memref<1x8x256xf32, #tpu.memory_space<vmem>>
    %dma_start3A_1511 = tpu.memref_squeeze %dma_start3A_1510 : memref<1x8x256xf32, #tpu.memory_space<vmem>> -> memref<8x256xf32, #tpu.memory_space<vmem>>
    %dma_start3A_1512 = tpu.memref_slice %arg3[%multiple_of3A, %multiple_of3A_1490] : memref<128x32767xf32, #tpu.memory_space<hbm>> -> memref<8x256xf32, #tpu.memory_space<hbm>>
    tpu.enqueue_dma source(%dma_start3A_1512 : memref<8x256xf32, #tpu.memory_space<hbm>>) target(%dma_start3A_1511 : memref<8x256xf32, #tpu.memory_space<vmem>>) target_semaphore(%arg10 : memref<!tpu.dma_semaphore, #tpu.memory_space<semaphore_mem>>)
    %dma_wait3A_1513 = arith.constant 0 : i32
    %dma_wait3A_1514 = arith.constant 0 : i32
    %dma_wait3A_1515 = arith.constant 0 : i32
    %dma_wait3A_1516 = tpu.memref_slice %arg7[%dma_wait3A_1513, %dma_wait3A_1514, %dma_wait3A_1515] : memref<16x8x256xf32, #tpu.memory_space<vmem>> -> memref<1x8x256xf32, #tpu.memory_space<vmem>>
    %dma_wait3A_1517 = tpu.memref_squeeze %dma_wait3A_1516 : memref<1x8x256xf32, #tpu.memory_space<vmem>> -> memref<8x256xf32, #tpu.memory_space<vmem>>
    %dma_wait3A_1518 = tpu.memref_slice %arg2[%multiple_of3A, %multiple_of3A_1012] : memref<128x32767xf32, #tpu.memory_space<hbm>> -> memref<8x256xf32, #tpu.memory_space<hbm>>
    %dma_wait3A_1519 = arith.constant 0 : i32
    %dma_wait3A_1520 = arith.constant 0 : i32
    %dma_wait3A_1521 = tpu.memref_slice %arg7[%dma_wait3A_1513, %dma_wait3A_1519, %dma_wait3A_1520] : memref<16x8x256xf32, #tpu.memory_space<vmem>> -> memref<1x8x256xf32, #tpu.memory_space<vmem>>
    %dma_wait3A_1522 = tpu.memref_squeeze %dma_wait3A_1521 : memref<1x8x256xf32, #tpu.memory_space<vmem>> -> memref<8x256xf32, #tpu.memory_space<vmem>>
    %dma_wait3A_1523 = tpu.memref_slice %arg2[%multiple_of3A, %multiple_of3A_1012] : memref<128x32767xf32, #tpu.memory_space<hbm>> -> memref<8x256xf32, #tpu.memory_space<hbm>>
    tpu.wait_dma2 semaphore(%arg10 : memref<!tpu.dma_semaphore, #tpu.memory_space<semaphore_mem>>) src(%dma_wait3A_1523 : memref<8x256xf32, #tpu.memory_space<hbm>>) dst(%dma_wait3A_1522 : memref<8x256xf32, #tpu.memory_space<vmem>>)
    %dma_wait3A_1524 = arith.constant 0 : i32
    %dma_wait3A_1525 = arith.constant 0 : i32
    %dma_wait3A_1526 = arith.constant 0 : i32
    %dma_wait3A_1527 = tpu.memref_slice %arg8[%dma_wait3A_1524, %dma_wait3A_1525, %dma_wait3A_1526] : memref<16x8x256xf32, #tpu.memory_space<vmem>> -> memref<1x8x256xf32, #tpu.memory_space<vmem>>
    %dma_wait3A_1528 = tpu.memref_squeeze %dma_wait3A_1527 : memref<1x8x256xf32, #tpu.memory_space<vmem>> -> memref<8x256xf32, #tpu.memory_space<vmem>>
    %dma_wait3A_1529 = tpu.memref_slice %arg3[%multiple_of3A, %multiple_of3A_1012] : memref<128x32767xf32, #tpu.memory_space<hbm>> -> memref<8x256xf32, #tpu.memory_space<hbm>>
    %dma_wait3A_1530 = arith.constant 0 : i32
    %dma_wait3A_1531 = arith.constant 0 : i32
    %dma_wait3A_1532 = tpu.memref_slice %arg8[%dma_wait3A_1524, %dma_wait3A_1530, %dma_wait3A_1531] : memref<16x8x256xf32, #tpu.memory_space<vmem>> -> memref<1x8x256xf32, #tpu.memory_space<vmem>>
    %dma_wait3A_1533 = tpu.memref_squeeze %dma_wait3A_1532 : memref<1x8x256xf32, #tpu.memory_space<vmem>> -> memref<8x256xf32, #tpu.memory_space<vmem>>
    %dma_wait3A_1534 = tpu.memref_slice %arg3[%multiple_of3A, %multiple_of3A_1012] : memref<128x32767xf32, #tpu.memory_space<hbm>> -> memref<8x256xf32, #tpu.memory_space<hbm>>
    tpu.wait_dma2 semaphore(%arg10 : memref<!tpu.dma_semaphore, #tpu.memory_space<semaphore_mem>>) src(%dma_wait3A_1534 : memref<8x256xf32, #tpu.memory_space<hbm>>) dst(%dma_wait3A_1533 : memref<8x256xf32, #tpu.memory_space<vmem>>)
    %dma_wait3A_1535 = arith.constant 1 : i32
    %dma_wait3A_1536 = arith.constant 0 : i32
    %dma_wait3A_1537 = arith.constant 0 : i32
    %dma_wait3A_1538 = tpu.memref_slice %arg7[%dma_wait3A_1535, %dma_wait3A_1536, %dma_wait3A_1537] : memref<16x8x256xf32, #tpu.memory_space<vmem>> -> memref<1x8x256xf32, #tpu.memory_space<vmem>>
    %dma_wait3A_1539 = tpu.memref_squeeze %dma_wait3A_1538 : memref<1x8x256xf32, #tpu.memory_space<vmem>> -> memref<8x256xf32, #tpu.memory_space<vmem>>
    %dma_wait3A_1540 = tpu.memref_slice %arg2[%multiple_of3A, %multiple_of3A_1043] : memref<128x32767xf32, #tpu.memory_space<hbm>> -> memref<8x256xf32, #tpu.memory_space<hbm>>
    %dma_wait3A_1541 = arith.constant 0 : i32
    %dma_wait3A_1542 = arith.constant 0 : i32
    %dma_wait3A_1543 = tpu.memref_slice %arg7[%dma_wait3A_1535, %dma_wait3A_1541, %dma_wait3A_1542] : memref<16x8x256xf32, #tpu.memory_space<vmem>> -> memref<1x8x256xf32, #tpu.memory_space<vmem>>
    %dma_wait3A_1544 = tpu.memref_squeeze %dma_wait3A_1543 : memref<1x8x256xf32, #tpu.memory_space<vmem>> -> memref<8x256xf32, #tpu.memory_space<vmem>>
    %dma_wait3A_1545 = tpu.memref_slice %arg2[%multiple_of3A, %multiple_of3A_1043] : memref<128x32767xf32, #tpu.memory_space<hbm>> -> memref<8x256xf32, #tpu.memory_space<hbm>>
    tpu.wait_dma2 semaphore(%arg10 : memref<!tpu.dma_semaphore, #tpu.memory_space<semaphore_mem>>) src(%dma_wait3A_1545 : memref<8x256xf32, #tpu.memory_space<hbm>>) dst(%dma_wait3A_1544 : memref<8x256xf32, #tpu.memory_space<vmem>>)
    %dma_wait3A_1546 = arith.constant 1 : i32
    %dma_wait3A_1547 = arith.constant 0 : i32
    %dma_wait3A_1548 = arith.constant 0 : i32
    %dma_wait3A_1549 = tpu.memref_slice %arg8[%dma_wait3A_1546, %dma_wait3A_1547, %dma_wait3A_1548] : memref<16x8x256xf32, #tpu.memory_space<vmem>> -> memref<1x8x256xf32, #tpu.memory_space<vmem>>
    %dma_wait3A_1550 = tpu.memref_squeeze %dma_wait3A_1549 : memref<1x8x256xf32, #tpu.memory_space<vmem>> -> memref<8x256xf32, #tpu.memory_space<vmem>>
    %dma_wait3A_1551 = tpu.memref_slice %arg3[%multiple_of3A, %multiple_of3A_1043] : memref<128x32767xf32, #tpu.memory_space<hbm>> -> memref<8x256xf32, #tpu.memory_space<hbm>>
    %dma_wait3A_1552 = arith.constant 0 : i32
    %dma_wait3A_1553 = arith.constant 0 : i32
    %dma_wait3A_1554 = tpu.memref_slice %arg8[%dma_wait3A_1546, %dma_wait3A_1552, %dma_wait3A_1553] : memref<16x8x256xf32, #tpu.memory_space<vmem>> -> memref<1x8x256xf32, #tpu.memory_space<vmem>>
    %dma_wait3A_1555 = tpu.memref_squeeze %dma_wait3A_1554 : memref<1x8x256xf32, #tpu.memory_space<vmem>> -> memref<8x256xf32, #tpu.memory_space<vmem>>
    %dma_wait3A_1556 = tpu.memref_slice %arg3[%multiple_of3A, %multiple_of3A_1043] : memref<128x32767xf32, #tpu.memory_space<hbm>> -> memref<8x256xf32, #tpu.memory_space<hbm>>
    tpu.wait_dma2 semaphore(%arg10 : memref<!tpu.dma_semaphore, #tpu.memory_space<semaphore_mem>>) src(%dma_wait3A_1556 : memref<8x256xf32, #tpu.memory_space<hbm>>) dst(%dma_wait3A_1555 : memref<8x256xf32, #tpu.memory_space<vmem>>)
    %dma_wait3A_1557 = arith.constant 2 : i32
    %dma_wait3A_1558 = arith.constant 0 : i32
    %dma_wait3A_1559 = arith.constant 0 : i32
    %dma_wait3A_1560 = tpu.memref_slice %arg7[%dma_wait3A_1557, %dma_wait3A_1558, %dma_wait3A_1559] : memref<16x8x256xf32, #tpu.memory_space<vmem>> -> memref<1x8x256xf32, #tpu.memory_space<vmem>>
    %dma_wait3A_1561 = tpu.memref_squeeze %dma_wait3A_1560 : memref<1x8x256xf32, #tpu.memory_space<vmem>> -> memref<8x256xf32, #tpu.memory_space<vmem>>
    %dma_wait3A_1562 = tpu.memref_slice %arg2[%multiple_of3A, %multiple_of3A_1074] : memref<128x32767xf32, #tpu.memory_space<hbm>> -> memref<8x256xf32, #tpu.memory_space<hbm>>
    %dma_wait3A_1563 = arith.constant 0 : i32
    %dma_wait3A_1564 = arith.constant 0 : i32
    %dma_wait3A_1565 = tpu.memref_slice %arg7[%dma_wait3A_1557, %dma_wait3A_1563, %dma_wait3A_1564] : memref<16x8x256xf32, #tpu.memory_space<vmem>> -> memref<1x8x256xf32, #tpu.memory_space<vmem>>
    %dma_wait3A_1566 = tpu.memref_squeeze %dma_wait3A_1565 : memref<1x8x256xf32, #tpu.memory_space<vmem>> -> memref<8x256xf32, #tpu.memory_space<vmem>>
    %dma_wait3A_1567 = tpu.memref_slice %arg2[%multiple_of3A, %multiple_of3A_1074] : memref<128x32767xf32, #tpu.memory_space<hbm>> -> memref<8x256xf32, #tpu.memory_space<hbm>>
    tpu.wait_dma2 semaphore(%arg10 : memref<!tpu.dma_semaphore, #tpu.memory_space<semaphore_mem>>) src(%dma_wait3A_1567 : memref<8x256xf32, #tpu.memory_space<hbm>>) dst(%dma_wait3A_1566 : memref<8x256xf32, #tpu.memory_space<vmem>>)
    %dma_wait3A_1568 = arith.constant 2 : i32
    %dma_wait3A_1569 = arith.constant 0 : i32
    %dma_wait3A_1570 = arith.constant 0 : i32
    %dma_wait3A_1571 = tpu.memref_slice %arg8[%dma_wait3A_1568, %dma_wait3A_1569, %dma_wait3A_1570] : memref<16x8x256xf32, #tpu.memory_space<vmem>> -> memref<1x8x256xf32, #tpu.memory_space<vmem>>
    %dma_wait3A_1572 = tpu.memref_squeeze %dma_wait3A_1571 : memref<1x8x256xf32, #tpu.memory_space<vmem>> -> memref<8x256xf32, #tpu.memory_space<vmem>>
    %dma_wait3A_1573 = tpu.memref_slice %arg3[%multiple_of3A, %multiple_of3A_1074] : memref<128x32767xf32, #tpu.memory_space<hbm>> -> memref<8x256xf32, #tpu.memory_space<hbm>>
    %dma_wait3A_1574 = arith.constant 0 : i32
    %dma_wait3A_1575 = arith.constant 0 : i32
    %dma_wait3A_1576 = tpu.memref_slice %arg8[%dma_wait3A_1568, %dma_wait3A_1574, %dma_wait3A_1575] : memref<16x8x256xf32, #tpu.memory_space<vmem>> -> memref<1x8x256xf32, #tpu.memory_space<vmem>>
    %dma_wait3A_1577 = tpu.memref_squeeze %dma_wait3A_1576 : memref<1x8x256xf32, #tpu.memory_space<vmem>> -> memref<8x256xf32, #tpu.memory_space<vmem>>
    %dma_wait3A_1578 = tpu.memref_slice %arg3[%multiple_of3A, %multiple_of3A_1074] : memref<128x32767xf32, #tpu.memory_space<hbm>> -> memref<8x256xf32, #tpu.memory_space<hbm>>
    tpu.wait_dma2 semaphore(%arg10 : memref<!tpu.dma_semaphore, #tpu.memory_space<semaphore_mem>>) src(%dma_wait3A_1578 : memref<8x256xf32, #tpu.memory_space<hbm>>) dst(%dma_wait3A_1577 : memref<8x256xf32, #tpu.memory_space<vmem>>)
    %dma_wait3A_1579 = arith.constant 3 : i32
    %dma_wait3A_1580 = arith.constant 0 : i32
    %dma_wait3A_1581 = arith.constant 0 : i32
    %dma_wait3A_1582 = tpu.memref_slice %arg7[%dma_wait3A_1579, %dma_wait3A_1580, %dma_wait3A_1581] : memref<16x8x256xf32, #tpu.memory_space<vmem>> -> memref<1x8x256xf32, #tpu.memory_space<vmem>>
    %dma_wait3A_1583 = tpu.memref_squeeze %dma_wait3A_1582 : memref<1x8x256xf32, #tpu.memory_space<vmem>> -> memref<8x256xf32, #tpu.memory_space<vmem>>
    %dma_wait3A_1584 = tpu.memref_slice %arg2[%multiple_of3A, %multiple_of3A_1106] : memref<128x32767xf32, #tpu.memory_space<hbm>> -> memref<8x256xf32, #tpu.memory_space<hbm>>
    %dma_wait3A_1585 = arith.constant 0 : i32
    %dma_wait3A_1586 = arith.constant 0 : i32
    %dma_wait3A_1587 = tpu.memref_slice %arg7[%dma_wait3A_1579, %dma_wait3A_1585, %dma_wait3A_1586] : memref<16x8x256xf32, #tpu.memory_space<vmem>> -> memref<1x8x256xf32, #tpu.memory_space<vmem>>
    %dma_wait3A_1588 = tpu.memref_squeeze %dma_wait3A_1587 : memref<1x8x256xf32, #tpu.memory_space<vmem>> -> memref<8x256xf32, #tpu.memory_space<vmem>>
    %dma_wait3A_1589 = tpu.memref_slice %arg2[%multiple_of3A, %multiple_of3A_1106] : memref<128x32767xf32, #tpu.memory_space<hbm>> -> memref<8x256xf32, #tpu.memory_space<hbm>>
    tpu.wait_dma2 semaphore(%arg10 : memref<!tpu.dma_semaphore, #tpu.memory_space<semaphore_mem>>) src(%dma_wait3A_1589 : memref<8x256xf32, #tpu.memory_space<hbm>>) dst(%dma_wait3A_1588 : memref<8x256xf32, #tpu.memory_space<vmem>>)
    %dma_wait3A_1590 = arith.constant 3 : i32
    %dma_wait3A_1591 = arith.constant 0 : i32
    %dma_wait3A_1592 = arith.constant 0 : i32
    %dma_wait3A_1593 = tpu.memref_slice %arg8[%dma_wait3A_1590, %dma_wait3A_1591, %dma_wait3A_1592] : memref<16x8x256xf32, #tpu.memory_space<vmem>> -> memref<1x8x256xf32, #tpu.memory_space<vmem>>
    %dma_wait3A_1594 = tpu.memref_squeeze %dma_wait3A_1593 : memref<1x8x256xf32, #tpu.memory_space<vmem>> -> memref<8x256xf32, #tpu.memory_space<vmem>>
    %dma_wait3A_1595 = tpu.memref_slice %arg3[%multiple_of3A, %multiple_of3A_1106] : memref<128x32767xf32, #tpu.memory_space<hbm>> -> memref<8x256xf32, #tpu.memory_space<hbm>>
    %dma_wait3A_1596 = arith.constant 0 : i32
    %dma_wait3A_1597 = arith.constant 0 : i32
    %dma_wait3A_1598 = tpu.memref_slice %arg8[%dma_wait3A_1590, %dma_wait3A_1596, %dma_wait3A_1597] : memref<16x8x256xf32, #tpu.memory_space<vmem>> -> memref<1x8x256xf32, #tpu.memory_space<vmem>>
    %dma_wait3A_1599 = tpu.memref_squeeze %dma_wait3A_1598 : memref<1x8x256xf32, #tpu.memory_space<vmem>> -> memref<8x256xf32, #tpu.memory_space<vmem>>
    %dma_wait3A_1600 = tpu.memref_slice %arg3[%multiple_of3A, %multiple_of3A_1106] : memref<128x32767xf32, #tpu.memory_space<hbm>> -> memref<8x256xf32, #tpu.memory_space<hbm>>
    tpu.wait_dma2 semaphore(%arg10 : memref<!tpu.dma_semaphore, #tpu.memory_space<semaphore_mem>>) src(%dma_wait3A_1600 : memref<8x256xf32, #tpu.memory_space<hbm>>) dst(%dma_wait3A_1599 : memref<8x256xf32, #tpu.memory_space<vmem>>)
    %dma_wait3A_1601 = arith.constant 4 : i32
    %dma_wait3A_1602 = arith.constant 0 : i32
    %dma_wait3A_1603 = arith.constant 0 : i32
    %dma_wait3A_1604 = tpu.memref_slice %arg7[%dma_wait3A_1601, %dma_wait3A_1602, %dma_wait3A_1603] : memref<16x8x256xf32, #tpu.memory_space<vmem>> -> memref<1x8x256xf32, #tpu.memory_space<vmem>>
    %dma_wait3A_1605 = tpu.memref_squeeze %dma_wait3A_1604 : memref<1x8x256xf32, #tpu.memory_space<vmem>> -> memref<8x256xf32, #tpu.memory_space<vmem>>
    %dma_wait3A_1606 = tpu.memref_slice %arg2[%multiple_of3A, %multiple_of3A_1139] : memref<128x32767xf32, #tpu.memory_space<hbm>> -> memref<8x256xf32, #tpu.memory_space<hbm>>
    %dma_wait3A_1607 = arith.constant 0 : i32
    %dma_wait3A_1608 = arith.constant 0 : i32
    %dma_wait3A_1609 = tpu.memref_slice %arg7[%dma_wait3A_1601, %dma_wait3A_1607, %dma_wait3A_1608] : memref<16x8x256xf32, #tpu.memory_space<vmem>> -> memref<1x8x256xf32, #tpu.memory_space<vmem>>
    %dma_wait3A_1610 = tpu.memref_squeeze %dma_wait3A_1609 : memref<1x8x256xf32, #tpu.memory_space<vmem>> -> memref<8x256xf32, #tpu.memory_space<vmem>>
    %dma_wait3A_1611 = tpu.memref_slice %arg2[%multiple_of3A, %multiple_of3A_1139] : memref<128x32767xf32, #tpu.memory_space<hbm>> -> memref<8x256xf32, #tpu.memory_space<hbm>>
    tpu.wait_dma2 semaphore(%arg10 : memref<!tpu.dma_semaphore, #tpu.memory_space<semaphore_mem>>) src(%dma_wait3A_1611 : memref<8x256xf32, #tpu.memory_space<hbm>>) dst(%dma_wait3A_1610 : memref<8x256xf32, #tpu.memory_space<vmem>>)
    %dma_wait3A_1612 = arith.constant 4 : i32
    %dma_wait3A_1613 = arith.constant 0 : i32
    %dma_wait3A_1614 = arith.constant 0 : i32
    %dma_wait3A_1615 = tpu.memref_slice %arg8[%dma_wait3A_1612, %dma_wait3A_1613, %dma_wait3A_1614] : memref<16x8x256xf32, #tpu.memory_space<vmem>> -> memref<1x8x256xf32, #tpu.memory_space<vmem>>
    %dma_wait3A_1616 = tpu.memref_squeeze %dma_wait3A_1615 : memref<1x8x256xf32, #tpu.memory_space<vmem>> -> memref<8x256xf32, #tpu.memory_space<vmem>>
    %dma_wait3A_1617 = tpu.memref_slice %arg3[%multiple_of3A, %multiple_of3A_1139] : memref<128x32767xf32, #tpu.memory_space<hbm>> -> memref<8x256xf32, #tpu.memory_space<hbm>>
    %dma_wait3A_1618 = arith.constant 0 : i32
    %dma_wait3A_1619 = arith.constant 0 : i32
    %dma_wait3A_1620 = tpu.memref_slice %arg8[%dma_wait3A_1612, %dma_wait3A_1618, %dma_wait3A_1619] : memref<16x8x256xf32, #tpu.memory_space<vmem>> -> memref<1x8x256xf32, #tpu.memory_space<vmem>>
    %dma_wait3A_1621 = tpu.memref_squeeze %dma_wait3A_1620 : memref<1x8x256xf32, #tpu.memory_space<vmem>> -> memref<8x256xf32, #tpu.memory_space<vmem>>
    %dma_wait3A_1622 = tpu.memref_slice %arg3[%multiple_of3A, %multiple_of3A_1139] : memref<128x32767xf32, #tpu.memory_space<hbm>> -> memref<8x256xf32, #tpu.memory_space<hbm>>
    tpu.wait_dma2 semaphore(%arg10 : memref<!tpu.dma_semaphore, #tpu.memory_space<semaphore_mem>>) src(%dma_wait3A_1622 : memref<8x256xf32, #tpu.memory_space<hbm>>) dst(%dma_wait3A_1621 : memref<8x256xf32, #tpu.memory_space<vmem>>)
    %dma_wait3A_1623 = arith.constant 5 : i32
    %dma_wait3A_1624 = arith.constant 0 : i32
    %dma_wait3A_1625 = arith.constant 0 : i32
    %dma_wait3A_1626 = tpu.memref_slice %arg7[%dma_wait3A_1623, %dma_wait3A_1624, %dma_wait3A_1625] : memref<16x8x256xf32, #tpu.memory_space<vmem>> -> memref<1x8x256xf32, #tpu.memory_space<vmem>>
    %dma_wait3A_1627 = tpu.memref_squeeze %dma_wait3A_1626 : memref<1x8x256xf32, #tpu.memory_space<vmem>> -> memref<8x256xf32, #tpu.memory_space<vmem>>
    %dma_wait3A_1628 = tpu.memref_slice %arg2[%multiple_of3A, %multiple_of3A_1170] : memref<128x32767xf32, #tpu.memory_space<hbm>> -> memref<8x256xf32, #tpu.memory_space<hbm>>
    %dma_wait3A_1629 = arith.constant 0 : i32
    %dma_wait3A_1630 = arith.constant 0 : i32
    %dma_wait3A_1631 = tpu.memref_slice %arg7[%dma_wait3A_1623, %dma_wait3A_1629, %dma_wait3A_1630] : memref<16x8x256xf32, #tpu.memory_space<vmem>> -> memref<1x8x256xf32, #tpu.memory_space<vmem>>
    %dma_wait3A_1632 = tpu.memref_squeeze %dma_wait3A_1631 : memref<1x8x256xf32, #tpu.memory_space<vmem>> -> memref<8x256xf32, #tpu.memory_space<vmem>>
    %dma_wait3A_1633 = tpu.memref_slice %arg2[%multiple_of3A, %multiple_of3A_1170] : memref<128x32767xf32, #tpu.memory_space<hbm>> -> memref<8x256xf32, #tpu.memory_space<hbm>>
    tpu.wait_dma2 semaphore(%arg10 : memref<!tpu.dma_semaphore, #tpu.memory_space<semaphore_mem>>) src(%dma_wait3A_1633 : memref<8x256xf32, #tpu.memory_space<hbm>>) dst(%dma_wait3A_1632 : memref<8x256xf32, #tpu.memory_space<vmem>>)
    %dma_wait3A_1634 = arith.constant 5 : i32
    %dma_wait3A_1635 = arith.constant 0 : i32
    %dma_wait3A_1636 = arith.constant 0 : i32
    %dma_wait3A_1637 = tpu.memref_slice %arg8[%dma_wait3A_1634, %dma_wait3A_1635, %dma_wait3A_1636] : memref<16x8x256xf32, #tpu.memory_space<vmem>> -> memref<1x8x256xf32, #tpu.memory_space<vmem>>
    %dma_wait3A_1638 = tpu.memref_squeeze %dma_wait3A_1637 : memref<1x8x256xf32, #tpu.memory_space<vmem>> -> memref<8x256xf32, #tpu.memory_space<vmem>>
    %dma_wait3A_1639 = tpu.memref_slice %arg3[%multiple_of3A, %multiple_of3A_1170] : memref<128x32767xf32, #tpu.memory_space<hbm>> -> memref<8x256xf32, #tpu.memory_space<hbm>>
    %dma_wait3A_1640 = arith.constant 0 : i32
    %dma_wait3A_1641 = arith.constant 0 : i32
    %dma_wait3A_1642 = tpu.memref_slice %arg8[%dma_wait3A_1634, %dma_wait3A_1640, %dma_wait3A_1641] : memref<16x8x256xf32, #tpu.memory_space<vmem>> -> memref<1x8x256xf32, #tpu.memory_space<vmem>>
    %dma_wait3A_1643 = tpu.memref_squeeze %dma_wait3A_1642 : memref<1x8x256xf32, #tpu.memory_space<vmem>> -> memref<8x256xf32, #tpu.memory_space<vmem>>
    %dma_wait3A_1644 = tpu.memref_slice %arg3[%multiple_of3A, %multiple_of3A_1170] : memref<128x32767xf32, #tpu.memory_space<hbm>> -> memref<8x256xf32, #tpu.memory_space<hbm>>
    tpu.wait_dma2 semaphore(%arg10 : memref<!tpu.dma_semaphore, #tpu.memory_space<semaphore_mem>>) src(%dma_wait3A_1644 : memref<8x256xf32, #tpu.memory_space<hbm>>) dst(%dma_wait3A_1643 : memref<8x256xf32, #tpu.memory_space<vmem>>)
    %dma_wait3A_1645 = arith.constant 6 : i32
    %dma_wait3A_1646 = arith.constant 0 : i32
    %dma_wait3A_1647 = arith.constant 0 : i32
    %dma_wait3A_1648 = tpu.memref_slice %arg7[%dma_wait3A_1645, %dma_wait3A_1646, %dma_wait3A_1647] : memref<16x8x256xf32, #tpu.memory_space<vmem>> -> memref<1x8x256xf32, #tpu.memory_space<vmem>>
    %dma_wait3A_1649 = tpu.memref_squeeze %dma_wait3A_1648 : memref<1x8x256xf32, #tpu.memory_space<vmem>> -> memref<8x256xf32, #tpu.memory_space<vmem>>
    %dma_wait3A_1650 = tpu.memref_slice %arg2[%multiple_of3A, %multiple_of3A_1201] : memref<128x32767xf32, #tpu.memory_space<hbm>> -> memref<8x256xf32, #tpu.memory_space<hbm>>
    %dma_wait3A_1651 = arith.constant 0 : i32
    %dma_wait3A_1652 = arith.constant 0 : i32
    %dma_wait3A_1653 = tpu.memref_slice %arg7[%dma_wait3A_1645, %dma_wait3A_1651, %dma_wait3A_1652] : memref<16x8x256xf32, #tpu.memory_space<vmem>> -> memref<1x8x256xf32, #tpu.memory_space<vmem>>
    %dma_wait3A_1654 = tpu.memref_squeeze %dma_wait3A_1653 : memref<1x8x256xf32, #tpu.memory_space<vmem>> -> memref<8x256xf32, #tpu.memory_space<vmem>>
    %dma_wait3A_1655 = tpu.memref_slice %arg2[%multiple_of3A, %multiple_of3A_1201] : memref<128x32767xf32, #tpu.memory_space<hbm>> -> memref<8x256xf32, #tpu.memory_space<hbm>>
    tpu.wait_dma2 semaphore(%arg10 : memref<!tpu.dma_semaphore, #tpu.memory_space<semaphore_mem>>) src(%dma_wait3A_1655 : memref<8x256xf32, #tpu.memory_space<hbm>>) dst(%dma_wait3A_1654 : memref<8x256xf32, #tpu.memory_space<vmem>>)
    %dma_wait3A_1656 = arith.constant 6 : i32
    %dma_wait3A_1657 = arith.constant 0 : i32
    %dma_wait3A_1658 = arith.constant 0 : i32
    %dma_wait3A_1659 = tpu.memref_slice %arg8[%dma_wait3A_1656, %dma_wait3A_1657, %dma_wait3A_1658] : memref<16x8x256xf32, #tpu.memory_space<vmem>> -> memref<1x8x256xf32, #tpu.memory_space<vmem>>
    %dma_wait3A_1660 = tpu.memref_squeeze %dma_wait3A_1659 : memref<1x8x256xf32, #tpu.memory_space<vmem>> -> memref<8x256xf32, #tpu.memory_space<vmem>>
    %dma_wait3A_1661 = tpu.memref_slice %arg3[%multiple_of3A, %multiple_of3A_1201] : memref<128x32767xf32, #tpu.memory_space<hbm>> -> memref<8x256xf32, #tpu.memory_space<hbm>>
    %dma_wait3A_1662 = arith.constant 0 : i32
    %dma_wait3A_1663 = arith.constant 0 : i32
    %dma_wait3A_1664 = tpu.memref_slice %arg8[%dma_wait3A_1656, %dma_wait3A_1662, %dma_wait3A_1663] : memref<16x8x256xf32, #tpu.memory_space<vmem>> -> memref<1x8x256xf32, #tpu.memory_space<vmem>>
    %dma_wait3A_1665 = tpu.memref_squeeze %dma_wait3A_1664 : memref<1x8x256xf32, #tpu.memory_space<vmem>> -> memref<8x256xf32, #tpu.memory_space<vmem>>
    %dma_wait3A_1666 = tpu.memref_slice %arg3[%multiple_of3A, %multiple_of3A_1201] : memref<128x32767xf32, #tpu.memory_space<hbm>> -> memref<8x256xf32, #tpu.memory_space<hbm>>
    tpu.wait_dma2 semaphore(%arg10 : memref<!tpu.dma_semaphore, #tpu.memory_space<semaphore_mem>>) src(%dma_wait3A_1666 : memref<8x256xf32, #tpu.memory_space<hbm>>) dst(%dma_wait3A_1665 : memref<8x256xf32, #tpu.memory_space<vmem>>)
    %dma_wait3A_1667 = arith.constant 7 : i32
    %dma_wait3A_1668 = arith.constant 0 : i32
    %dma_wait3A_1669 = arith.constant 0 : i32
    %dma_wait3A_1670 = tpu.memref_slice %arg7[%dma_wait3A_1667, %dma_wait3A_1668, %dma_wait3A_1669] : memref<16x8x256xf32, #tpu.memory_space<vmem>> -> memref<1x8x256xf32, #tpu.memory_space<vmem>>
    %dma_wait3A_1671 = tpu.memref_squeeze %dma_wait3A_1670 : memref<1x8x256xf32, #tpu.memory_space<vmem>> -> memref<8x256xf32, #tpu.memory_space<vmem>>
    %dma_wait3A_1672 = tpu.memref_slice %arg2[%multiple_of3A, %multiple_of3A_1234] : memref<128x32767xf32, #tpu.memory_space<hbm>> -> memref<8x256xf32, #tpu.memory_space<hbm>>
    %dma_wait3A_1673 = arith.constant 0 : i32
    %dma_wait3A_1674 = arith.constant 0 : i32
    %dma_wait3A_1675 = tpu.memref_slice %arg7[%dma_wait3A_1667, %dma_wait3A_1673, %dma_wait3A_1674] : memref<16x8x256xf32, #tpu.memory_space<vmem>> -> memref<1x8x256xf32, #tpu.memory_space<vmem>>
    %dma_wait3A_1676 = tpu.memref_squeeze %dma_wait3A_1675 : memref<1x8x256xf32, #tpu.memory_space<vmem>> -> memref<8x256xf32, #tpu.memory_space<vmem>>
    %dma_wait3A_1677 = tpu.memref_slice %arg2[%multiple_of3A, %multiple_of3A_1234] : memref<128x32767xf32, #tpu.memory_space<hbm>> -> memref<8x256xf32, #tpu.memory_space<hbm>>
    tpu.wait_dma2 semaphore(%arg10 : memref<!tpu.dma_semaphore, #tpu.memory_space<semaphore_mem>>) src(%dma_wait3A_1677 : memref<8x256xf32, #tpu.memory_space<hbm>>) dst(%dma_wait3A_1676 : memref<8x256xf32, #tpu.memory_space<vmem>>)
    %dma_wait3A_1678 = arith.constant 7 : i32
    %dma_wait3A_1679 = arith.constant 0 : i32
    %dma_wait3A_1680 = arith.constant 0 : i32
    %dma_wait3A_1681 = tpu.memref_slice %arg8[%dma_wait3A_1678, %dma_wait3A_1679, %dma_wait3A_1680] : memref<16x8x256xf32, #tpu.memory_space<vmem>> -> memref<1x8x256xf32, #tpu.memory_space<vmem>>
    %dma_wait3A_1682 = tpu.memref_squeeze %dma_wait3A_1681 : memref<1x8x256xf32, #tpu.memory_space<vmem>> -> memref<8x256xf32, #tpu.memory_space<vmem>>
    %dma_wait3A_1683 = tpu.memref_slice %arg3[%multiple_of3A, %multiple_of3A_1234] : memref<128x32767xf32, #tpu.memory_space<hbm>> -> memref<8x256xf32, #tpu.memory_space<hbm>>
    %dma_wait3A_1684 = arith.constant 0 : i32
    %dma_wait3A_1685 = arith.constant 0 : i32
    %dma_wait3A_1686 = tpu.memref_slice %arg8[%dma_wait3A_1678, %dma_wait3A_1684, %dma_wait3A_1685] : memref<16x8x256xf32, #tpu.memory_space<vmem>> -> memref<1x8x256xf32, #tpu.memory_space<vmem>>
    %dma_wait3A_1687 = tpu.memref_squeeze %dma_wait3A_1686 : memref<1x8x256xf32, #tpu.memory_space<vmem>> -> memref<8x256xf32, #tpu.memory_space<vmem>>
    %dma_wait3A_1688 = tpu.memref_slice %arg3[%multiple_of3A, %multiple_of3A_1234] : memref<128x32767xf32, #tpu.memory_space<hbm>> -> memref<8x256xf32, #tpu.memory_space<hbm>>
    tpu.wait_dma2 semaphore(%arg10 : memref<!tpu.dma_semaphore, #tpu.memory_space<semaphore_mem>>) src(%dma_wait3A_1688 : memref<8x256xf32, #tpu.memory_space<hbm>>) dst(%dma_wait3A_1687 : memref<8x256xf32, #tpu.memory_space<vmem>>)
    %dma_wait3A_1689 = arith.constant 8 : i32
    %dma_wait3A_1690 = arith.constant 0 : i32
    %dma_wait3A_1691 = arith.constant 0 : i32
    %dma_wait3A_1692 = tpu.memref_slice %arg7[%dma_wait3A_1689, %dma_wait3A_1690, %dma_wait3A_1691] : memref<16x8x256xf32, #tpu.memory_space<vmem>> -> memref<1x8x256xf32, #tpu.memory_space<vmem>>
    %dma_wait3A_1693 = tpu.memref_squeeze %dma_wait3A_1692 : memref<1x8x256xf32, #tpu.memory_space<vmem>> -> memref<8x256xf32, #tpu.memory_space<vmem>>
    %dma_wait3A_1694 = tpu.memref_slice %arg2[%multiple_of3A, %multiple_of3A_1267] : memref<128x32767xf32, #tpu.memory_space<hbm>> -> memref<8x256xf32, #tpu.memory_space<hbm>>
    %dma_wait3A_1695 = arith.constant 0 : i32
    %dma_wait3A_1696 = arith.constant 0 : i32
    %dma_wait3A_1697 = tpu.memref_slice %arg7[%dma_wait3A_1689, %dma_wait3A_1695, %dma_wait3A_1696] : memref<16x8x256xf32, #tpu.memory_space<vmem>> -> memref<1x8x256xf32, #tpu.memory_space<vmem>>
    %dma_wait3A_1698 = tpu.memref_squeeze %dma_wait3A_1697 : memref<1x8x256xf32, #tpu.memory_space<vmem>> -> memref<8x256xf32, #tpu.memory_space<vmem>>
    %dma_wait3A_1699 = tpu.memref_slice %arg2[%multiple_of3A, %multiple_of3A_1267] : memref<128x32767xf32, #tpu.memory_space<hbm>> -> memref<8x256xf32, #tpu.memory_space<hbm>>
    tpu.wait_dma2 semaphore(%arg10 : memref<!tpu.dma_semaphore, #tpu.memory_space<semaphore_mem>>) src(%dma_wait3A_1699 : memref<8x256xf32, #tpu.memory_space<hbm>>) dst(%dma_wait3A_1698 : memref<8x256xf32, #tpu.memory_space<vmem>>)
    %dma_wait3A_1700 = arith.constant 8 : i32
    %dma_wait3A_1701 = arith.constant 0 : i32
    %dma_wait3A_1702 = arith.constant 0 : i32
    %dma_wait3A_1703 = tpu.memref_slice %arg8[%dma_wait3A_1700, %dma_wait3A_1701, %dma_wait3A_1702] : memref<16x8x256xf32, #tpu.memory_space<vmem>> -> memref<1x8x256xf32, #tpu.memory_space<vmem>>
    %dma_wait3A_1704 = tpu.memref_squeeze %dma_wait3A_1703 : memref<1x8x256xf32, #tpu.memory_space<vmem>> -> memref<8x256xf32, #tpu.memory_space<vmem>>
    %dma_wait3A_1705 = tpu.memref_slice %arg3[%multiple_of3A, %multiple_of3A_1267] : memref<128x32767xf32, #tpu.memory_space<hbm>> -> memref<8x256xf32, #tpu.memory_space<hbm>>
    %dma_wait3A_1706 = arith.constant 0 : i32
    %dma_wait3A_1707 = arith.constant 0 : i32
    %dma_wait3A_1708 = tpu.memref_slice %arg8[%dma_wait3A_1700, %dma_wait3A_1706, %dma_wait3A_1707] : memref<16x8x256xf32, #tpu.memory_space<vmem>> -> memref<1x8x256xf32, #tpu.memory_space<vmem>>
    %dma_wait3A_1709 = tpu.memref_squeeze %dma_wait3A_1708 : memref<1x8x256xf32, #tpu.memory_space<vmem>> -> memref<8x256xf32, #tpu.memory_space<vmem>>
    %dma_wait3A_1710 = tpu.memref_slice %arg3[%multiple_of3A, %multiple_of3A_1267] : memref<128x32767xf32, #tpu.memory_space<hbm>> -> memref<8x256xf32, #tpu.memory_space<hbm>>
    tpu.wait_dma2 semaphore(%arg10 : memref<!tpu.dma_semaphore, #tpu.memory_space<semaphore_mem>>) src(%dma_wait3A_1710 : memref<8x256xf32, #tpu.memory_space<hbm>>) dst(%dma_wait3A_1709 : memref<8x256xf32, #tpu.memory_space<vmem>>)
    %dma_wait3A_1711 = arith.constant 9 : i32
    %dma_wait3A_1712 = arith.constant 0 : i32
    %dma_wait3A_1713 = arith.constant 0 : i32
    %dma_wait3A_1714 = tpu.memref_slice %arg7[%dma_wait3A_1711, %dma_wait3A_1712, %dma_wait3A_1713] : memref<16x8x256xf32, #tpu.memory_space<vmem>> -> memref<1x8x256xf32, #tpu.memory_space<vmem>>
    %dma_wait3A_1715 = tpu.memref_squeeze %dma_wait3A_1714 : memref<1x8x256xf32, #tpu.memory_space<vmem>> -> memref<8x256xf32, #tpu.memory_space<vmem>>
    %dma_wait3A_1716 = tpu.memref_slice %arg2[%multiple_of3A, %multiple_of3A_1298] : memref<128x32767xf32, #tpu.memory_space<hbm>> -> memref<8x256xf32, #tpu.memory_space<hbm>>
    %dma_wait3A_1717 = arith.constant 0 : i32
    %dma_wait3A_1718 = arith.constant 0 : i32
    %dma_wait3A_1719 = tpu.memref_slice %arg7[%dma_wait3A_1711, %dma_wait3A_1717, %dma_wait3A_1718] : memref<16x8x256xf32, #tpu.memory_space<vmem>> -> memref<1x8x256xf32, #tpu.memory_space<vmem>>
    %dma_wait3A_1720 = tpu.memref_squeeze %dma_wait3A_1719 : memref<1x8x256xf32, #tpu.memory_space<vmem>> -> memref<8x256xf32, #tpu.memory_space<vmem>>
    %dma_wait3A_1721 = tpu.memref_slice %arg2[%multiple_of3A, %multiple_of3A_1298] : memref<128x32767xf32, #tpu.memory_space<hbm>> -> memref<8x256xf32, #tpu.memory_space<hbm>>
    tpu.wait_dma2 semaphore(%arg10 : memref<!tpu.dma_semaphore, #tpu.memory_space<semaphore_mem>>) src(%dma_wait3A_1721 : memref<8x256xf32, #tpu.memory_space<hbm>>) dst(%dma_wait3A_1720 : memref<8x256xf32, #tpu.memory_space<vmem>>)
    %dma_wait3A_1722 = arith.constant 9 : i32
    %dma_wait3A_1723 = arith.constant 0 : i32
    %dma_wait3A_1724 = arith.constant 0 : i32
    %dma_wait3A_1725 = tpu.memref_slice %arg8[%dma_wait3A_1722, %dma_wait3A_1723, %dma_wait3A_1724] : memref<16x8x256xf32, #tpu.memory_space<vmem>> -> memref<1x8x256xf32, #tpu.memory_space<vmem>>
    %dma_wait3A_1726 = tpu.memref_squeeze %dma_wait3A_1725 : memref<1x8x256xf32, #tpu.memory_space<vmem>> -> memref<8x256xf32, #tpu.memory_space<vmem>>
    %dma_wait3A_1727 = tpu.memref_slice %arg3[%multiple_of3A, %multiple_of3A_1298] : memref<128x32767xf32, #tpu.memory_space<hbm>> -> memref<8x256xf32, #tpu.memory_space<hbm>>
    %dma_wait3A_1728 = arith.constant 0 : i32
    %dma_wait3A_1729 = arith.constant 0 : i32
    %dma_wait3A_1730 = tpu.memref_slice %arg8[%dma_wait3A_1722, %dma_wait3A_1728, %dma_wait3A_1729] : memref<16x8x256xf32, #tpu.memory_space<vmem>> -> memref<1x8x256xf32, #tpu.memory_space<vmem>>
    %dma_wait3A_1731 = tpu.memref_squeeze %dma_wait3A_1730 : memref<1x8x256xf32, #tpu.memory_space<vmem>> -> memref<8x256xf32, #tpu.memory_space<vmem>>
    %dma_wait3A_1732 = tpu.memref_slice %arg3[%multiple_of3A, %multiple_of3A_1298] : memref<128x32767xf32, #tpu.memory_space<hbm>> -> memref<8x256xf32, #tpu.memory_space<hbm>>
    tpu.wait_dma2 semaphore(%arg10 : memref<!tpu.dma_semaphore, #tpu.memory_space<semaphore_mem>>) src(%dma_wait3A_1732 : memref<8x256xf32, #tpu.memory_space<hbm>>) dst(%dma_wait3A_1731 : memref<8x256xf32, #tpu.memory_space<vmem>>)
    %dma_wait3A_1733 = arith.constant 10 : i32
    %dma_wait3A_1734 = arith.constant 0 : i32
    %dma_wait3A_1735 = arith.constant 0 : i32
    %dma_wait3A_1736 = tpu.memref_slice %arg7[%dma_wait3A_1733, %dma_wait3A_1734, %dma_wait3A_1735] : memref<16x8x256xf32, #tpu.memory_space<vmem>> -> memref<1x8x256xf32, #tpu.memory_space<vmem>>
    %dma_wait3A_1737 = tpu.memref_squeeze %dma_wait3A_1736 : memref<1x8x256xf32, #tpu.memory_space<vmem>> -> memref<8x256xf32, #tpu.memory_space<vmem>>
    %dma_wait3A_1738 = tpu.memref_slice %arg2[%multiple_of3A, %multiple_of3A_1329] : memref<128x32767xf32, #tpu.memory_space<hbm>> -> memref<8x256xf32, #tpu.memory_space<hbm>>
    %dma_wait3A_1739 = arith.constant 0 : i32
    %dma_wait3A_1740 = arith.constant 0 : i32
    %dma_wait3A_1741 = tpu.memref_slice %arg7[%dma_wait3A_1733, %dma_wait3A_1739, %dma_wait3A_1740] : memref<16x8x256xf32, #tpu.memory_space<vmem>> -> memref<1x8x256xf32, #tpu.memory_space<vmem>>
    %dma_wait3A_1742 = tpu.memref_squeeze %dma_wait3A_1741 : memref<1x8x256xf32, #tpu.memory_space<vmem>> -> memref<8x256xf32, #tpu.memory_space<vmem>>
    %dma_wait3A_1743 = tpu.memref_slice %arg2[%multiple_of3A, %multiple_of3A_1329] : memref<128x32767xf32, #tpu.memory_space<hbm>> -> memref<8x256xf32, #tpu.memory_space<hbm>>
    tpu.wait_dma2 semaphore(%arg10 : memref<!tpu.dma_semaphore, #tpu.memory_space<semaphore_mem>>) src(%dma_wait3A_1743 : memref<8x256xf32, #tpu.memory_space<hbm>>) dst(%dma_wait3A_1742 : memref<8x256xf32, #tpu.memory_space<vmem>>)
    %dma_wait3A_1744 = arith.constant 10 : i32
    %dma_wait3A_1745 = arith.constant 0 : i32
    %dma_wait3A_1746 = arith.constant 0 : i32
    %dma_wait3A_1747 = tpu.memref_slice %arg8[%dma_wait3A_1744, %dma_wait3A_1745, %dma_wait3A_1746] : memref<16x8x256xf32, #tpu.memory_space<vmem>> -> memref<1x8x256xf32, #tpu.memory_space<vmem>>
    %dma_wait3A_1748 = tpu.memref_squeeze %dma_wait3A_1747 : memref<1x8x256xf32, #tpu.memory_space<vmem>> -> memref<8x256xf32, #tpu.memory_space<vmem>>
    %dma_wait3A_1749 = tpu.memref_slice %arg3[%multiple_of3A, %multiple_of3A_1329] : memref<128x32767xf32, #tpu.memory_space<hbm>> -> memref<8x256xf32, #tpu.memory_space<hbm>>
    %dma_wait3A_1750 = arith.constant 0 : i32
    %dma_wait3A_1751 = arith.constant 0 : i32
    %dma_wait3A_1752 = tpu.memref_slice %arg8[%dma_wait3A_1744, %dma_wait3A_1750, %dma_wait3A_1751] : memref<16x8x256xf32, #tpu.memory_space<vmem>> -> memref<1x8x256xf32, #tpu.memory_space<vmem>>
    %dma_wait3A_1753 = tpu.memref_squeeze %dma_wait3A_1752 : memref<1x8x256xf32, #tpu.memory_space<vmem>> -> memref<8x256xf32, #tpu.memory_space<vmem>>
    %dma_wait3A_1754 = tpu.memref_slice %arg3[%multiple_of3A, %multiple_of3A_1329] : memref<128x32767xf32, #tpu.memory_space<hbm>> -> memref<8x256xf32, #tpu.memory_space<hbm>>
    tpu.wait_dma2 semaphore(%arg10 : memref<!tpu.dma_semaphore, #tpu.memory_space<semaphore_mem>>) src(%dma_wait3A_1754 : memref<8x256xf32, #tpu.memory_space<hbm>>) dst(%dma_wait3A_1753 : memref<8x256xf32, #tpu.memory_space<vmem>>)
    %dma_wait3A_1755 = arith.constant 11 : i32
    %dma_wait3A_1756 = arith.constant 0 : i32
    %dma_wait3A_1757 = arith.constant 0 : i32
    %dma_wait3A_1758 = tpu.memref_slice %arg7[%dma_wait3A_1755, %dma_wait3A_1756, %dma_wait3A_1757] : memref<16x8x256xf32, #tpu.memory_space<vmem>> -> memref<1x8x256xf32, #tpu.memory_space<vmem>>
    %dma_wait3A_1759 = tpu.memref_squeeze %dma_wait3A_1758 : memref<1x8x256xf32, #tpu.memory_space<vmem>> -> memref<8x256xf32, #tpu.memory_space<vmem>>
    %dma_wait3A_1760 = tpu.memref_slice %arg2[%multiple_of3A, %multiple_of3A_1362] : memref<128x32767xf32, #tpu.memory_space<hbm>> -> memref<8x256xf32, #tpu.memory_space<hbm>>
    %dma_wait3A_1761 = arith.constant 0 : i32
    %dma_wait3A_1762 = arith.constant 0 : i32
    %dma_wait3A_1763 = tpu.memref_slice %arg7[%dma_wait3A_1755, %dma_wait3A_1761, %dma_wait3A_1762] : memref<16x8x256xf32, #tpu.memory_space<vmem>> -> memref<1x8x256xf32, #tpu.memory_space<vmem>>
    %dma_wait3A_1764 = tpu.memref_squeeze %dma_wait3A_1763 : memref<1x8x256xf32, #tpu.memory_space<vmem>> -> memref<8x256xf32, #tpu.memory_space<vmem>>
    %dma_wait3A_1765 = tpu.memref_slice %arg2[%multiple_of3A, %multiple_of3A_1362] : memref<128x32767xf32, #tpu.memory_space<hbm>> -> memref<8x256xf32, #tpu.memory_space<hbm>>
    tpu.wait_dma2 semaphore(%arg10 : memref<!tpu.dma_semaphore, #tpu.memory_space<semaphore_mem>>) src(%dma_wait3A_1765 : memref<8x256xf32, #tpu.memory_space<hbm>>) dst(%dma_wait3A_1764 : memref<8x256xf32, #tpu.memory_space<vmem>>)
    %dma_wait3A_1766 = arith.constant 11 : i32
    %dma_wait3A_1767 = arith.constant 0 : i32
    %dma_wait3A_1768 = arith.constant 0 : i32
    %dma_wait3A_1769 = tpu.memref_slice %arg8[%dma_wait3A_1766, %dma_wait3A_1767, %dma_wait3A_1768] : memref<16x8x256xf32, #tpu.memory_space<vmem>> -> memref<1x8x256xf32, #tpu.memory_space<vmem>>
    %dma_wait3A_1770 = tpu.memref_squeeze %dma_wait3A_1769 : memref<1x8x256xf32, #tpu.memory_space<vmem>> -> memref<8x256xf32, #tpu.memory_space<vmem>>
    %dma_wait3A_1771 = tpu.memref_slice %arg3[%multiple_of3A, %multiple_of3A_1362] : memref<128x32767xf32, #tpu.memory_space<hbm>> -> memref<8x256xf32, #tpu.memory_space<hbm>>
    %dma_wait3A_1772 = arith.constant 0 : i32
    %dma_wait3A_1773 = arith.constant 0 : i32
    %dma_wait3A_1774 = tpu.memref_slice %arg8[%dma_wait3A_1766, %dma_wait3A_1772, %dma_wait3A_1773] : memref<16x8x256xf32, #tpu.memory_space<vmem>> -> memref<1x8x256xf32, #tpu.memory_space<vmem>>
    %dma_wait3A_1775 = tpu.memref_squeeze %dma_wait3A_1774 : memref<1x8x256xf32, #tpu.memory_space<vmem>> -> memref<8x256xf32, #tpu.memory_space<vmem>>
    %dma_wait3A_1776 = tpu.memref_slice %arg3[%multiple_of3A, %multiple_of3A_1362] : memref<128x32767xf32, #tpu.memory_space<hbm>> -> memref<8x256xf32, #tpu.memory_space<hbm>>
    tpu.wait_dma2 semaphore(%arg10 : memref<!tpu.dma_semaphore, #tpu.memory_space<semaphore_mem>>) src(%dma_wait3A_1776 : memref<8x256xf32, #tpu.memory_space<hbm>>) dst(%dma_wait3A_1775 : memref<8x256xf32, #tpu.memory_space<vmem>>)
    %dma_wait3A_1777 = arith.constant 12 : i32
    %dma_wait3A_1778 = arith.constant 0 : i32
    %dma_wait3A_1779 = arith.constant 0 : i32
    %dma_wait3A_1780 = tpu.memref_slice %arg7[%dma_wait3A_1777, %dma_wait3A_1778, %dma_wait3A_1779] : memref<16x8x256xf32, #tpu.memory_space<vmem>> -> memref<1x8x256xf32, #tpu.memory_space<vmem>>
    %dma_wait3A_1781 = tpu.memref_squeeze %dma_wait3A_1780 : memref<1x8x256xf32, #tpu.memory_space<vmem>> -> memref<8x256xf32, #tpu.memory_space<vmem>>
    %dma_wait3A_1782 = tpu.memref_slice %arg2[%multiple_of3A, %multiple_of3A_1395] : memref<128x32767xf32, #tpu.memory_space<hbm>> -> memref<8x256xf32, #tpu.memory_space<hbm>>
    %dma_wait3A_1783 = arith.constant 0 : i32
    %dma_wait3A_1784 = arith.constant 0 : i32
    %dma_wait3A_1785 = tpu.memref_slice %arg7[%dma_wait3A_1777, %dma_wait3A_1783, %dma_wait3A_1784] : memref<16x8x256xf32, #tpu.memory_space<vmem>> -> memref<1x8x256xf32, #tpu.memory_space<vmem>>
    %dma_wait3A_1786 = tpu.memref_squeeze %dma_wait3A_1785 : memref<1x8x256xf32, #tpu.memory_space<vmem>> -> memref<8x256xf32, #tpu.memory_space<vmem>>
    %dma_wait3A_1787 = tpu.memref_slice %arg2[%multiple_of3A, %multiple_of3A_1395] : memref<128x32767xf32, #tpu.memory_space<hbm>> -> memref<8x256xf32, #tpu.memory_space<hbm>>
    tpu.wait_dma2 semaphore(%arg10 : memref<!tpu.dma_semaphore, #tpu.memory_space<semaphore_mem>>) src(%dma_wait3A_1787 : memref<8x256xf32, #tpu.memory_space<hbm>>) dst(%dma_wait3A_1786 : memref<8x256xf32, #tpu.memory_space<vmem>>)
    %dma_wait3A_1788 = arith.constant 12 : i32
    %dma_wait3A_1789 = arith.constant 0 : i32
    %dma_wait3A_1790 = arith.constant 0 : i32
    %dma_wait3A_1791 = tpu.memref_slice %arg8[%dma_wait3A_1788, %dma_wait3A_1789, %dma_wait3A_1790] : memref<16x8x256xf32, #tpu.memory_space<vmem>> -> memref<1x8x256xf32, #tpu.memory_space<vmem>>
    %dma_wait3A_1792 = tpu.memref_squeeze %dma_wait3A_1791 : memref<1x8x256xf32, #tpu.memory_space<vmem>> -> memref<8x256xf32, #tpu.memory_space<vmem>>
    %dma_wait3A_1793 = tpu.memref_slice %arg3[%multiple_of3A, %multiple_of3A_1395] : memref<128x32767xf32, #tpu.memory_space<hbm>> -> memref<8x256xf32, #tpu.memory_space<hbm>>
    %dma_wait3A_1794 = arith.constant 0 : i32
    %dma_wait3A_1795 = arith.constant 0 : i32
    %dma_wait3A_1796 = tpu.memref_slice %arg8[%dma_wait3A_1788, %dma_wait3A_1794, %dma_wait3A_1795] : memref<16x8x256xf32, #tpu.memory_space<vmem>> -> memref<1x8x256xf32, #tpu.memory_space<vmem>>
    %dma_wait3A_1797 = tpu.memref_squeeze %dma_wait3A_1796 : memref<1x8x256xf32, #tpu.memory_space<vmem>> -> memref<8x256xf32, #tpu.memory_space<vmem>>
    %dma_wait3A_1798 = tpu.memref_slice %arg3[%multiple_of3A, %multiple_of3A_1395] : memref<128x32767xf32, #tpu.memory_space<hbm>> -> memref<8x256xf32, #tpu.memory_space<hbm>>
    tpu.wait_dma2 semaphore(%arg10 : memref<!tpu.dma_semaphore, #tpu.memory_space<semaphore_mem>>) src(%dma_wait3A_1798 : memref<8x256xf32, #tpu.memory_space<hbm>>) dst(%dma_wait3A_1797 : memref<8x256xf32, #tpu.memory_space<vmem>>)
    %dma_wait3A_1799 = arith.constant 13 : i32
    %dma_wait3A_1800 = arith.constant 0 : i32
    %dma_wait3A_1801 = arith.constant 0 : i32
    %dma_wait3A_1802 = tpu.memref_slice %arg7[%dma_wait3A_1799, %dma_wait3A_1800, %dma_wait3A_1801] : memref<16x8x256xf32, #tpu.memory_space<vmem>> -> memref<1x8x256xf32, #tpu.memory_space<vmem>>
    %dma_wait3A_1803 = tpu.memref_squeeze %dma_wait3A_1802 : memref<1x8x256xf32, #tpu.memory_space<vmem>> -> memref<8x256xf32, #tpu.memory_space<vmem>>
    %dma_wait3A_1804 = tpu.memref_slice %arg2[%multiple_of3A, %multiple_of3A_1426] : memref<128x32767xf32, #tpu.memory_space<hbm>> -> memref<8x256xf32, #tpu.memory_space<hbm>>
    %dma_wait3A_1805 = arith.constant 0 : i32
    %dma_wait3A_1806 = arith.constant 0 : i32
    %dma_wait3A_1807 = tpu.memref_slice %arg7[%dma_wait3A_1799, %dma_wait3A_1805, %dma_wait3A_1806] : memref<16x8x256xf32, #tpu.memory_space<vmem>> -> memref<1x8x256xf32, #tpu.memory_space<vmem>>
    %dma_wait3A_1808 = tpu.memref_squeeze %dma_wait3A_1807 : memref<1x8x256xf32, #tpu.memory_space<vmem>> -> memref<8x256xf32, #tpu.memory_space<vmem>>
    %dma_wait3A_1809 = tpu.memref_slice %arg2[%multiple_of3A, %multiple_of3A_1426] : memref<128x32767xf32, #tpu.memory_space<hbm>> -> memref<8x256xf32, #tpu.memory_space<hbm>>
    tpu.wait_dma2 semaphore(%arg10 : memref<!tpu.dma_semaphore, #tpu.memory_space<semaphore_mem>>) src(%dma_wait3A_1809 : memref<8x256xf32, #tpu.memory_space<hbm>>) dst(%dma_wait3A_1808 : memref<8x256xf32, #tpu.memory_space<vmem>>)
    %dma_wait3A_1810 = arith.constant 13 : i32
    %dma_wait3A_1811 = arith.constant 0 : i32
    %dma_wait3A_1812 = arith.constant 0 : i32
    %dma_wait3A_1813 = tpu.memref_slice %arg8[%dma_wait3A_1810, %dma_wait3A_1811, %dma_wait3A_1812] : memref<16x8x256xf32, #tpu.memory_space<vmem>> -> memref<1x8x256xf32, #tpu.memory_space<vmem>>
    %dma_wait3A_1814 = tpu.memref_squeeze %dma_wait3A_1813 : memref<1x8x256xf32, #tpu.memory_space<vmem>> -> memref<8x256xf32, #tpu.memory_space<vmem>>
    %dma_wait3A_1815 = tpu.memref_slice %arg3[%multiple_of3A, %multiple_of3A_1426] : memref<128x32767xf32, #tpu.memory_space<hbm>> -> memref<8x256xf32, #tpu.memory_space<hbm>>
    %dma_wait3A_1816 = arith.constant 0 : i32
    %dma_wait3A_1817 = arith.constant 0 : i32
    %dma_wait3A_1818 = tpu.memref_slice %arg8[%dma_wait3A_1810, %dma_wait3A_1816, %dma_wait3A_1817] : memref<16x8x256xf32, #tpu.memory_space<vmem>> -> memref<1x8x256xf32, #tpu.memory_space<vmem>>
    %dma_wait3A_1819 = tpu.memref_squeeze %dma_wait3A_1818 : memref<1x8x256xf32, #tpu.memory_space<vmem>> -> memref<8x256xf32, #tpu.memory_space<vmem>>
    %dma_wait3A_1820 = tpu.memref_slice %arg3[%multiple_of3A, %multiple_of3A_1426] : memref<128x32767xf32, #tpu.memory_space<hbm>> -> memref<8x256xf32, #tpu.memory_space<hbm>>
    tpu.wait_dma2 semaphore(%arg10 : memref<!tpu.dma_semaphore, #tpu.memory_space<semaphore_mem>>) src(%dma_wait3A_1820 : memref<8x256xf32, #tpu.memory_space<hbm>>) dst(%dma_wait3A_1819 : memref<8x256xf32, #tpu.memory_space<vmem>>)
    %dma_wait3A_1821 = arith.constant 14 : i32
    %dma_wait3A_1822 = arith.constant 0 : i32
    %dma_wait3A_1823 = arith.constant 0 : i32
    %dma_wait3A_1824 = tpu.memref_slice %arg7[%dma_wait3A_1821, %dma_wait3A_1822, %dma_wait3A_1823] : memref<16x8x256xf32, #tpu.memory_space<vmem>> -> memref<1x8x256xf32, #tpu.memory_space<vmem>>
    %dma_wait3A_1825 = tpu.memref_squeeze %dma_wait3A_1824 : memref<1x8x256xf32, #tpu.memory_space<vmem>> -> memref<8x256xf32, #tpu.memory_space<vmem>>
    %dma_wait3A_1826 = tpu.memref_slice %arg2[%multiple_of3A, %multiple_of3A_1457] : memref<128x32767xf32, #tpu.memory_space<hbm>> -> memref<8x256xf32, #tpu.memory_space<hbm>>
    %dma_wait3A_1827 = arith.constant 0 : i32
    %dma_wait3A_1828 = arith.constant 0 : i32
    %dma_wait3A_1829 = tpu.memref_slice %arg7[%dma_wait3A_1821, %dma_wait3A_1827, %dma_wait3A_1828] : memref<16x8x256xf32, #tpu.memory_space<vmem>> -> memref<1x8x256xf32, #tpu.memory_space<vmem>>
    %dma_wait3A_1830 = tpu.memref_squeeze %dma_wait3A_1829 : memref<1x8x256xf32, #tpu.memory_space<vmem>> -> memref<8x256xf32, #tpu.memory_space<vmem>>
    %dma_wait3A_1831 = tpu.memref_slice %arg2[%multiple_of3A, %multiple_of3A_1457] : memref<128x32767xf32, #tpu.memory_space<hbm>> -> memref<8x256xf32, #tpu.memory_space<hbm>>
    tpu.wait_dma2 semaphore(%arg10 : memref<!tpu.dma_semaphore, #tpu.memory_space<semaphore_mem>>) src(%dma_wait3A_1831 : memref<8x256xf32, #tpu.memory_space<hbm>>) dst(%dma_wait3A_1830 : memref<8x256xf32, #tpu.memory_space<vmem>>)
    %dma_wait3A_1832 = arith.constant 14 : i32
    %dma_wait3A_1833 = arith.constant 0 : i32
    %dma_wait3A_1834 = arith.constant 0 : i32
    %dma_wait3A_1835 = tpu.memref_slice %arg8[%dma_wait3A_1832, %dma_wait3A_1833, %dma_wait3A_1834] : memref<16x8x256xf32, #tpu.memory_space<vmem>> -> memref<1x8x256xf32, #tpu.memory_space<vmem>>
    %dma_wait3A_1836 = tpu.memref_squeeze %dma_wait3A_1835 : memref<1x8x256xf32, #tpu.memory_space<vmem>> -> memref<8x256xf32, #tpu.memory_space<vmem>>
    %dma_wait3A_1837 = tpu.memref_slice %arg3[%multiple_of3A, %multiple_of3A_1457] : memref<128x32767xf32, #tpu.memory_space<hbm>> -> memref<8x256xf32, #tpu.memory_space<hbm>>
    %dma_wait3A_1838 = arith.constant 0 : i32
    %dma_wait3A_1839 = arith.constant 0 : i32
    %dma_wait3A_1840 = tpu.memref_slice %arg8[%dma_wait3A_1832, %dma_wait3A_1838, %dma_wait3A_1839] : memref<16x8x256xf32, #tpu.memory_space<vmem>> -> memref<1x8x256xf32, #tpu.memory_space<vmem>>
    %dma_wait3A_1841 = tpu.memref_squeeze %dma_wait3A_1840 : memref<1x8x256xf32, #tpu.memory_space<vmem>> -> memref<8x256xf32, #tpu.memory_space<vmem>>
    %dma_wait3A_1842 = tpu.memref_slice %arg3[%multiple_of3A, %multiple_of3A_1457] : memref<128x32767xf32, #tpu.memory_space<hbm>> -> memref<8x256xf32, #tpu.memory_space<hbm>>
    tpu.wait_dma2 semaphore(%arg10 : memref<!tpu.dma_semaphore, #tpu.memory_space<semaphore_mem>>) src(%dma_wait3A_1842 : memref<8x256xf32, #tpu.memory_space<hbm>>) dst(%dma_wait3A_1841 : memref<8x256xf32, #tpu.memory_space<vmem>>)
    %dma_wait3A_1843 = arith.constant 15 : i32
    %dma_wait3A_1844 = arith.constant 0 : i32
    %dma_wait3A_1845 = arith.constant 0 : i32
    %dma_wait3A_1846 = tpu.memref_slice %arg7[%dma_wait3A_1843, %dma_wait3A_1844, %dma_wait3A_1845] : memref<16x8x256xf32, #tpu.memory_space<vmem>> -> memref<1x8x256xf32, #tpu.memory_space<vmem>>
    %dma_wait3A_1847 = tpu.memref_squeeze %dma_wait3A_1846 : memref<1x8x256xf32, #tpu.memory_space<vmem>> -> memref<8x256xf32, #tpu.memory_space<vmem>>
    %dma_wait3A_1848 = tpu.memref_slice %arg2[%multiple_of3A, %multiple_of3A_1490] : memref<128x32767xf32, #tpu.memory_space<hbm>> -> memref<8x256xf32, #tpu.memory_space<hbm>>
    %dma_wait3A_1849 = arith.constant 0 : i32
    %dma_wait3A_1850 = arith.constant 0 : i32
    %dma_wait3A_1851 = tpu.memref_slice %arg7[%dma_wait3A_1843, %dma_wait3A_1849, %dma_wait3A_1850] : memref<16x8x256xf32, #tpu.memory_space<vmem>> -> memref<1x8x256xf32, #tpu.memory_space<vmem>>
    %dma_wait3A_1852 = tpu.memref_squeeze %dma_wait3A_1851 : memref<1x8x256xf32, #tpu.memory_space<vmem>> -> memref<8x256xf32, #tpu.memory_space<vmem>>
    %dma_wait3A_1853 = tpu.memref_slice %arg2[%multiple_of3A, %multiple_of3A_1490] : memref<128x32767xf32, #tpu.memory_space<hbm>> -> memref<8x256xf32, #tpu.memory_space<hbm>>
    tpu.wait_dma2 semaphore(%arg10 : memref<!tpu.dma_semaphore, #tpu.memory_space<semaphore_mem>>) src(%dma_wait3A_1853 : memref<8x256xf32, #tpu.memory_space<hbm>>) dst(%dma_wait3A_1852 : memref<8x256xf32, #tpu.memory_space<vmem>>)
    %dma_wait3A_1854 = arith.constant 15 : i32
    %dma_wait3A_1855 = arith.constant 0 : i32
    %dma_wait3A_1856 = arith.constant 0 : i32
    %dma_wait3A_1857 = tpu.memref_slice %arg8[%dma_wait3A_1854, %dma_wait3A_1855, %dma_wait3A_1856] : memref<16x8x256xf32, #tpu.memory_space<vmem>> -> memref<1x8x256xf32, #tpu.memory_space<vmem>>
    %dma_wait3A_1858 = tpu.memref_squeeze %dma_wait3A_1857 : memref<1x8x256xf32, #tpu.memory_space<vmem>> -> memref<8x256xf32, #tpu.memory_space<vmem>>
    %dma_wait3A_1859 = tpu.memref_slice %arg3[%multiple_of3A, %multiple_of3A_1490] : memref<128x32767xf32, #tpu.memory_space<hbm>> -> memref<8x256xf32, #tpu.memory_space<hbm>>
    %dma_wait3A_1860 = arith.constant 0 : i32
    %dma_wait3A_1861 = arith.constant 0 : i32
    %dma_wait3A_1862 = tpu.memref_slice %arg8[%dma_wait3A_1854, %dma_wait3A_1860, %dma_wait3A_1861] : memref<16x8x256xf32, #tpu.memory_space<vmem>> -> memref<1x8x256xf32, #tpu.memory_space<vmem>>
    %dma_wait3A_1863 = tpu.memref_squeeze %dma_wait3A_1862 : memref<1x8x256xf32, #tpu.memory_space<vmem>> -> memref<8x256xf32, #tpu.memory_space<vmem>>
    %dma_wait3A_1864 = tpu.memref_slice %arg3[%multiple_of3A, %multiple_of3A_1490] : memref<128x32767xf32, #tpu.memory_space<hbm>> -> memref<8x256xf32, #tpu.memory_space<hbm>>
    tpu.wait_dma2 semaphore(%arg10 : memref<!tpu.dma_semaphore, #tpu.memory_space<semaphore_mem>>) src(%dma_wait3A_1864 : memref<8x256xf32, #tpu.memory_space<hbm>>) dst(%dma_wait3A_1863 : memref<8x256xf32, #tpu.memory_space<vmem>>)
    %shift_left3A = arith.constant 1 : i32
    %shift_left3A_1865 = vector.broadcast %shift_left3A : i32 to vector<16xi32>
    %shift_left3A_1866 = arith.shli %select_n3A_936, %shift_left3A_1865 : vector<16xi32>
    %shift_left3A_1867 = arith.constant 1 : i32
    %shift_left3A_1868 = arith.constant 1 : i32
    %shift_left3A_1869 = arith.shli %shift_left3A_1867, %shift_left3A_1868 : i32
    %sub3A_1870 = arith.constant 1 : i32
    %sub3A_1871 = arith.subi %shift_left3A_1869, %sub3A_1870 : i32
    %add3A_1872 = vector.broadcast %sub3A_1871 : i32 to vector<16xi32>
    %add3A_1873 = arith.addi %shift_left3A_1866, %add3A_1872 : vector<16xi32>
    %shift_right_arithmetic3A_1874 = arith.constant 7 : i32
    %shift_right_arithmetic3A_1875 = vector.broadcast %shift_right_arithmetic3A_1874 : i32 to vector<16xi32>
    %shift_right_arithmetic3A_1876 = arith.shrsi %add3A_1873, %shift_right_arithmetic3A_1875 : vector<16xi32>
    %mul3A_1877 = arith.constant 128 : i32
    %mul3A_1878 = vector.broadcast %mul3A_1877 : i32 to vector<16xi32>
    %mul3A_1879 = arith.muli %shift_right_arithmetic3A_1876, %mul3A_1878 : vector<16xi32>
    %min3A_1880 = arith.constant 32512 : i32
    %min3A_1881 = vector.broadcast %min3A_1880 : i32 to vector<16xi32>
    %min3A_1882 = arith.minsi %mul3A_1879, %min3A_1881 : vector<16xi32>
    %jit3A_1883 = arith.constant false
    %select_n3A_1884 = arith.select %jit3A_1883, %min3A_1882, %mul3A_1879 : vector<16xi32>
    %mul3A_1885 = arith.constant 4 : i32
    %mul3A_1886 = vector.broadcast %mul3A_1885 : i32 to vector<16xi32>
    %mul3A_1887 = arith.muli %select_n3A_22, %mul3A_1886 : vector<16xi32>
    %add3A_1888 = arith.constant 0 : i32
    %add3A_1889 = vector.broadcast %add3A_1888 : i32 to vector<16xi32>
    %add3A_1890 = arith.addi %mul3A_1887, %add3A_1889 : vector<16xi32>
    %mul3A_1891 = arith.constant 2 : i32
    %mul3A_1892 = vector.broadcast %mul3A_1891 : i32 to vector<16xi32>
    %mul3A_1893 = arith.muli %mul3A_1892, %select_n3A_936 : vector<16xi32>
    %add3A_1894 = arith.constant 1 : i32
    %add3A_1895 = vector.broadcast %add3A_1894 : i32 to vector<16xi32>
    %add3A_1896 = arith.addi %mul3A_1893, %add3A_1895 : vector<16xi32>
    %add3A_1897 = arith.constant 1 : i32
    %add3A_1898 = vector.broadcast %add3A_1897 : i32 to vector<16xi32>
    %add3A_1899 = arith.addi %add3A_1896, %add3A_1898 : vector<16xi32>
    %sub3A_1900 = arith.subi %add3A_1896, %select_n3A_1884 : vector<16xi32>
    %sub3A_1901 = arith.subi %add3A_1899, %select_n3A_1884 : vector<16xi32>
    %gather3A_1902 = tpu.vector_load_idx %arg7[%add3A_1890, %add3A_41, %sub3A_1900] : memref<16x8x256xf32, #tpu.memory_space<vmem>>[vector<16xi32>, vector<16xi32>, vector<16xi32>], vector<16xf32>,
    %gather3A_1903 = tpu.vector_load_idx %arg8[%add3A_1890, %add3A_41, %sub3A_1900] : memref<16x8x256xf32, #tpu.memory_space<vmem>>[vector<16xi32>, vector<16xi32>, vector<16xi32>], vector<16xf32>,
    %gather3A_1904 = tpu.vector_load_idx %arg7[%add3A_1890, %add3A_41, %sub3A_1901] : memref<16x8x256xf32, #tpu.memory_space<vmem>>[vector<16xi32>, vector<16xi32>, vector<16xi32>], vector<16xf32>,
    %gather3A_1905 = tpu.vector_load_idx %arg8[%add3A_1890, %add3A_41, %sub3A_1901] : memref<16x8x256xf32, #tpu.memory_space<vmem>>[vector<16xi32>, vector<16xi32>, vector<16xi32>], vector<16xf32>,
    %mul3A_1906 = arith.constant 2 : i32
    %mul3A_1907 = vector.broadcast %mul3A_1906 : i32 to vector<16xi32>
    %mul3A_1908 = arith.muli %mul3A_1907, %select_n3A_936 : vector<16xi32>
    %add3A_1909 = arith.constant 1 : i32
    %add3A_1910 = vector.broadcast %add3A_1909 : i32 to vector<16xi32>
    %add3A_1911 = arith.addi %mul3A_1908, %add3A_1910 : vector<16xi32>
    %add3A_1912 = arith.constant 1 : i32
    %add3A_1913 = vector.broadcast %add3A_1912 : i32 to vector<16xi32>
    %add3A_1914 = arith.addi %add3A_1911, %add3A_1913 : vector<16xi32>
    %gt3A_1915 = arith.cmpf ogt, %gather3A_1904, %gather3A_1902 : vector<16xf32>
    %select_n3A_1916 = arith.select %gt3A_1915, %gather3A_1904, %gather3A_1902 : vector<16xi1>, vector<16xf32>
    %select_n3A_1917 = arith.select %gt3A_1915, %gather3A_1905, %gather3A_1903 : vector<16xi1>, vector<16xf32>
    %select_n3A_1918 = arith.select %gt3A_1915, %add3A_1914, %add3A_1911 : vector<16xi1>, vector<16xi32>
    %gt3A_1919 = arith.constant 0.000000e+00 : f32
    %gt3A_1920 = vector.broadcast %gt3A_1919 : f32 to vector<16xf32>
    %gt3A_1921 = arith.cmpf ogt, %select_n3A_1916, %gt3A_1920 : vector<16xf32>
    %jit3A_1922 = arith.constant 0.000000e+00 : f32
    %broadcast_in_dim3A_1923 = vector.broadcast %jit3A_1922 : f32 to vector<16xf32>
    %select_n3A_1924 = arith.select %gt3A_1921, %select_n3A_942, %broadcast_in_dim3A_1923 : vector<16xi1>, vector<16xf32>
    %gt3A_1925 = arith.constant 0.000000e+00 : f32
    %gt3A_1926 = vector.broadcast %gt3A_1925 : f32 to vector<16xf32>
    %gt3A_1927 = arith.cmpf ogt, %select_n3A_1924, %gt3A_1926 : vector<16xf32>
    %eq3A_1928 = arith.constant 0.000000e+00 : f32
    %eq3A_1929 = vector.broadcast %eq3A_1928 : f32 to vector<16xf32>
    %eq3A_1930 = arith.cmpf oeq, %select_n3A_1917, %eq3A_1929 : vector<16xf32>
    %and3A_1931 = arith.andi %gt3A_1927, %eq3A_1930 : vector<16xi1>
    %add3A_1932 = arith.constant 1.000000e+00 : f32
    %add3A_1933 = vector.broadcast %add3A_1932 : f32 to vector<16xf32>
    %add3A_1934 = arith.addf %select_n3A_955, %add3A_1933 : vector<16xf32>
    %jit3A_1935 = arith.constant 0.000000e+00 : f32
    %broadcast_in_dim3A_1936 = vector.broadcast %jit3A_1935 : f32 to vector<16xf32>
    %select_n3A_1937 = arith.select %and3A_1931, %add3A_1934, %broadcast_in_dim3A_1936 : vector<16xi1>, vector<16xf32>
    %lt3A_1938 = arith.constant 4 : i32
    %lt3A_1939 = vector.broadcast %lt3A_1938 : i32 to vector<16xi32>
    %lt3A_1940 = arith.cmpi slt, %iota3A, %lt3A_1939 : vector<16xi32>
    %jit3A_1941 = arith.constant 0.000000e+00 : f32
    %broadcast_in_dim3A_1942 = vector.broadcast %jit3A_1941 : f32 to vector<16xf32>
    %select_n3A_1943 = arith.select %lt3A_1940, %select_n3A_1937, %broadcast_in_dim3A_1942 : vector<16xi1>, vector<16xf32>
    %abs3A_1944 = math.absf %select_n3A_1916 : vector<16xf32>
    %neg3A_1945 = arith.constant 0.000000e+00 : f32
    %neg3A_1946 = vector.broadcast %neg3A_1945 : f32 to vector<16xf32>
    %neg3A_1947 = arith.subf %neg3A_1946, %abs3A_1944 : vector<16xf32>
    %exp3A_1948 = math.exp %neg3A_1947 : vector<16xf32>
    %add3A_1949 = arith.constant 1.000000e+00 : f32
    %add3A_1950 = vector.broadcast %add3A_1949 : f32 to vector<16xf32>
    %add3A_1951 = arith.addf %add3A_1950, %exp3A_1948 : vector<16xf32>
    %mul3A_1952 = arith.constant 2.500000e-01 : f32
    %mul3A_1953 = vector.broadcast %mul3A_1952 : f32 to vector<16xf32>
    %mul3A_1954 = arith.mulf %exp3A_1948, %mul3A_1953 : vector<16xf32>
    %sub3A_1955 = arith.constant 5.000000e-01 : f32
    %sub3A_1956 = vector.broadcast %sub3A_1955 : f32 to vector<16xf32>
    %sub3A_1957 = arith.subf %sub3A_1956, %mul3A_1954 : vector<16xf32>
    %mul3A_1958 = arith.mulf %exp3A_1948, %sub3A_1957 : vector<16xf32>
    %sub3A_1959 = arith.constant 1.000000e+00 : f32
    %sub3A_1960 = vector.broadcast %sub3A_1959 : f32 to vector<16xf32>
    %sub3A_1961 = arith.subf %sub3A_1960, %mul3A_1958 : vector<16xf32>
    %mul3A_1962 = arith.mulf %exp3A_1948, %sub3A_1961 : vector<16xf32>
    %neg3A_1963 = arith.constant 0.000000e+00 : f32
    %neg3A_1964 = vector.broadcast %neg3A_1963 : f32 to vector<16xf32>
    %neg3A_1965 = arith.subf %neg3A_1964, %mul3A_1962 : vector<16xf32>
    %exp3A_1966 = math.exp %neg3A_1965 : vector<16xf32>
    %mul3A_1967 = arith.mulf %add3A_1951, %exp3A_1966 : vector<16xf32>
    %add3A_1968 = arith.addf %mul3A_1962, %mul3A_1967 : vector<16xf32>
    %sub3A_1969 = arith.constant 1.000000e+00 : f32
    %sub3A_1970 = vector.broadcast %sub3A_1969 : f32 to vector<16xf32>
    %sub3A_1971 = arith.subf %add3A_1968, %sub3A_1970 : vector<16xf32>
    %neg3A_1972 = arith.constant 0.000000e+00 : f32
    %neg3A_1973 = vector.broadcast %neg3A_1972 : f32 to vector<16xf32>
    %neg3A_1974 = arith.subf %neg3A_1973, %sub3A_1971 : vector<16xf32>
    %exp3A_1975 = math.exp %neg3A_1974 : vector<16xf32>
    %mul3A_1976 = arith.mulf %add3A_1951, %exp3A_1975 : vector<16xf32>
    %add3A_1977 = arith.addf %sub3A_1971, %mul3A_1976 : vector<16xf32>
    %sub3A_1978 = arith.constant 1.000000e+00 : f32
    %sub3A_1979 = vector.broadcast %sub3A_1978 : f32 to vector<16xf32>
    %sub3A_1980 = arith.subf %add3A_1977, %sub3A_1979 : vector<16xf32>
    %max3A_1981 = arith.constant 0.000000e+00 : f32
    %max3A_1982 = vector.broadcast %max3A_1981 : f32 to vector<16xf32>
    %max3A_1983 = arith.maximumf %select_n3A_1916, %max3A_1982 : vector<16xf32>
    %add3A_1984 = arith.addf %max3A_1983, %sub3A_1980 : vector<16xf32>
    %mul3A_1985 = arith.mulf %select_n3A_1943, %add3A_1984 : vector<16xf32>
    %add3A_1986 = arith.addf %add3A_1004, %mul3A_1985 : vector<16xf32>
    %shift_left3A_1987 = arith.constant 2 : i32
    %shift_left3A_1988 = vector.broadcast %shift_left3A_1987 : i32 to vector<16xi32>
    %shift_left3A_1989 = arith.shli %select_n3A_936, %shift_left3A_1988 : vector<16xi32>
    %shift_left3A_1990 = arith.constant 1 : i32
    %shift_left3A_1991 = arith.constant 2 : i32
    %shift_left3A_1992 = arith.shli %shift_left3A_1990, %shift_left3A_1991 : i32
    %sub3A_1993 = arith.constant 1 : i32
    %sub3A_1994 = arith.subi %shift_left3A_1992, %sub3A_1993 : i32
    %add3A_1995 = vector.broadcast %sub3A_1994 : i32 to vector<16xi32>
    %add3A_1996 = arith.addi %shift_left3A_1989, %add3A_1995 : vector<16xi32>
    %shift_right_arithmetic3A_1997 = arith.constant 7 : i32
    %shift_right_arithmetic3A_1998 = vector.broadcast %shift_right_arithmetic3A_1997 : i32 to vector<16xi32>
    %shift_right_arithmetic3A_1999 = arith.shrsi %add3A_1996, %shift_right_arithmetic3A_1998 : vector<16xi32>
    %mul3A_2000 = arith.constant 128 : i32
    %mul3A_2001 = vector.broadcast %mul3A_2000 : i32 to vector<16xi32>
    %mul3A_2002 = arith.muli %shift_right_arithmetic3A_1999, %mul3A_2001 : vector<16xi32>
    %min3A_2003 = arith.constant 32512 : i32
    %min3A_2004 = vector.broadcast %min3A_2003 : i32 to vector<16xi32>
    %min3A_2005 = arith.minsi %mul3A_2002, %min3A_2004 : vector<16xi32>
    %jit3A_2006 = arith.constant false
    %select_n3A_2007 = arith.select %jit3A_2006, %min3A_2005, %mul3A_2002 : vector<16xi32>
    %mul3A_2008 = arith.constant 4 : i32
    %mul3A_2009 = vector.broadcast %mul3A_2008 : i32 to vector<16xi32>
    %mul3A_2010 = arith.muli %select_n3A_22, %mul3A_2009 : vector<16xi32>
    %add3A_2011 = arith.constant 1 : i32
    %add3A_2012 = vector.broadcast %add3A_2011 : i32 to vector<16xi32>
    %add3A_2013 = arith.addi %mul3A_2010, %add3A_2012 : vector<16xi32>
    %mul3A_2014 = arith.constant 2 : i32
    %mul3A_2015 = vector.broadcast %mul3A_2014 : i32 to vector<16xi32>
    %mul3A_2016 = arith.muli %mul3A_2015, %select_n3A_1918 : vector<16xi32>
    %add3A_2017 = arith.constant 1 : i32
    %add3A_2018 = vector.broadcast %add3A_2017 : i32 to vector<16xi32>
    %add3A_2019 = arith.addi %mul3A_2016, %add3A_2018 : vector<16xi32>
    %add3A_2020 = arith.constant 1 : i32
    %add3A_2021 = vector.broadcast %add3A_2020 : i32 to vector<16xi32>
    %add3A_2022 = arith.addi %add3A_2019, %add3A_2021 : vector<16xi32>
    %sub3A_2023 = arith.subi %add3A_2019, %select_n3A_2007 : vector<16xi32>
    %sub3A_2024 = arith.subi %add3A_2022, %select_n3A_2007 : vector<16xi32>
    %gather3A_2025 = tpu.vector_load_idx %arg7[%add3A_2013, %add3A_41, %sub3A_2023] : memref<16x8x256xf32, #tpu.memory_space<vmem>>[vector<16xi32>, vector<16xi32>, vector<16xi32>], vector<16xf32>,
    %gather3A_2026 = tpu.vector_load_idx %arg8[%add3A_2013, %add3A_41, %sub3A_2023] : memref<16x8x256xf32, #tpu.memory_space<vmem>>[vector<16xi32>, vector<16xi32>, vector<16xi32>], vector<16xf32>,
    %gather3A_2027 = tpu.vector_load_idx %arg7[%add3A_2013, %add3A_41, %sub3A_2024] : memref<16x8x256xf32, #tpu.memory_space<vmem>>[vector<16xi32>, vector<16xi32>, vector<16xi32>], vector<16xf32>,
    %gather3A_2028 = tpu.vector_load_idx %arg8[%add3A_2013, %add3A_41, %sub3A_2024] : memref<16x8x256xf32, #tpu.memory_space<vmem>>[vector<16xi32>, vector<16xi32>, vector<16xi32>], vector<16xf32>,
    %mul3A_2029 = arith.constant 2 : i32
    %mul3A_2030 = vector.broadcast %mul3A_2029 : i32 to vector<16xi32>
    %mul3A_2031 = arith.muli %mul3A_2030, %select_n3A_1918 : vector<16xi32>
    %add3A_2032 = arith.constant 1 : i32
    %add3A_2033 = vector.broadcast %add3A_2032 : i32 to vector<16xi32>
    %add3A_2034 = arith.addi %mul3A_2031, %add3A_2033 : vector<16xi32>
    %add3A_2035 = arith.constant 1 : i32
    %add3A_2036 = vector.broadcast %add3A_2035 : i32 to vector<16xi32>
    %add3A_2037 = arith.addi %add3A_2034, %add3A_2036 : vector<16xi32>
    %gt3A_2038 = arith.cmpf ogt, %gather3A_2027, %gather3A_2025 : vector<16xf32>
    %select_n3A_2039 = arith.select %gt3A_2038, %gather3A_2027, %gather3A_2025 : vector<16xi1>, vector<16xf32>
    %select_n3A_2040 = arith.select %gt3A_2038, %gather3A_2028, %gather3A_2026 : vector<16xi1>, vector<16xf32>
    %select_n3A_2041 = arith.select %gt3A_2038, %add3A_2037, %add3A_2034 : vector<16xi1>, vector<16xi32>
    %gt3A_2042 = arith.constant 0.000000e+00 : f32
    %gt3A_2043 = vector.broadcast %gt3A_2042 : f32 to vector<16xf32>
    %gt3A_2044 = arith.cmpf ogt, %select_n3A_2039, %gt3A_2043 : vector<16xf32>
    %jit3A_2045 = arith.constant 0.000000e+00 : f32
    %broadcast_in_dim3A_2046 = vector.broadcast %jit3A_2045 : f32 to vector<16xf32>
    %select_n3A_2047 = arith.select %gt3A_2044, %select_n3A_1924, %broadcast_in_dim3A_2046 : vector<16xi1>, vector<16xf32>
    %gt3A_2048 = arith.constant 0.000000e+00 : f32
    %gt3A_2049 = vector.broadcast %gt3A_2048 : f32 to vector<16xf32>
    %gt3A_2050 = arith.cmpf ogt, %select_n3A_2047, %gt3A_2049 : vector<16xf32>
    %eq3A_2051 = arith.constant 0.000000e+00 : f32
    %eq3A_2052 = vector.broadcast %eq3A_2051 : f32 to vector<16xf32>
    %eq3A_2053 = arith.cmpf oeq, %select_n3A_2040, %eq3A_2052 : vector<16xf32>
    %and3A_2054 = arith.andi %gt3A_2050, %eq3A_2053 : vector<16xi1>
    %add3A_2055 = arith.constant 1.000000e+00 : f32
    %add3A_2056 = vector.broadcast %add3A_2055 : f32 to vector<16xf32>
    %add3A_2057 = arith.addf %select_n3A_1937, %add3A_2056 : vector<16xf32>
    %jit3A_2058 = arith.constant 0.000000e+00 : f32
    %broadcast_in_dim3A_2059 = vector.broadcast %jit3A_2058 : f32 to vector<16xf32>
    %select_n3A_2060 = arith.select %and3A_2054, %add3A_2057, %broadcast_in_dim3A_2059 : vector<16xi1>, vector<16xf32>
    %lt3A_2061 = arith.constant 4 : i32
    %lt3A_2062 = vector.broadcast %lt3A_2061 : i32 to vector<16xi32>
    %lt3A_2063 = arith.cmpi slt, %iota3A, %lt3A_2062 : vector<16xi32>
    %jit3A_2064 = arith.constant 0.000000e+00 : f32
    %broadcast_in_dim3A_2065 = vector.broadcast %jit3A_2064 : f32 to vector<16xf32>
    %select_n3A_2066 = arith.select %lt3A_2063, %select_n3A_2060, %broadcast_in_dim3A_2065 : vector<16xi1>, vector<16xf32>
    %abs3A_2067 = math.absf %select_n3A_2039 : vector<16xf32>
    %neg3A_2068 = arith.constant 0.000000e+00 : f32
    %neg3A_2069 = vector.broadcast %neg3A_2068 : f32 to vector<16xf32>
    %neg3A_2070 = arith.subf %neg3A_2069, %abs3A_2067 : vector<16xf32>
    %exp3A_2071 = math.exp %neg3A_2070 : vector<16xf32>
    %add3A_2072 = arith.constant 1.000000e+00 : f32
    %add3A_2073 = vector.broadcast %add3A_2072 : f32 to vector<16xf32>
    %add3A_2074 = arith.addf %add3A_2073, %exp3A_2071 : vector<16xf32>
    %mul3A_2075 = arith.constant 2.500000e-01 : f32
    %mul3A_2076 = vector.broadcast %mul3A_2075 : f32 to vector<16xf32>
    %mul3A_2077 = arith.mulf %exp3A_2071, %mul3A_2076 : vector<16xf32>
    %sub3A_2078 = arith.constant 5.000000e-01 : f32
    %sub3A_2079 = vector.broadcast %sub3A_2078 : f32 to vector<16xf32>
    %sub3A_2080 = arith.subf %sub3A_2079, %mul3A_2077 : vector<16xf32>
    %mul3A_2081 = arith.mulf %exp3A_2071, %sub3A_2080 : vector<16xf32>
    %sub3A_2082 = arith.constant 1.000000e+00 : f32
    %sub3A_2083 = vector.broadcast %sub3A_2082 : f32 to vector<16xf32>
    %sub3A_2084 = arith.subf %sub3A_2083, %mul3A_2081 : vector<16xf32>
    %mul3A_2085 = arith.mulf %exp3A_2071, %sub3A_2084 : vector<16xf32>
    %neg3A_2086 = arith.constant 0.000000e+00 : f32
    %neg3A_2087 = vector.broadcast %neg3A_2086 : f32 to vector<16xf32>
    %neg3A_2088 = arith.subf %neg3A_2087, %mul3A_2085 : vector<16xf32>
    %exp3A_2089 = math.exp %neg3A_2088 : vector<16xf32>
    %mul3A_2090 = arith.mulf %add3A_2074, %exp3A_2089 : vector<16xf32>
    %add3A_2091 = arith.addf %mul3A_2085, %mul3A_2090 : vector<16xf32>
    %sub3A_2092 = arith.constant 1.000000e+00 : f32
    %sub3A_2093 = vector.broadcast %sub3A_2092 : f32 to vector<16xf32>
    %sub3A_2094 = arith.subf %add3A_2091, %sub3A_2093 : vector<16xf32>
    %neg3A_2095 = arith.constant 0.000000e+00 : f32
    %neg3A_2096 = vector.broadcast %neg3A_2095 : f32 to vector<16xf32>
    %neg3A_2097 = arith.subf %neg3A_2096, %sub3A_2094 : vector<16xf32>
    %exp3A_2098 = math.exp %neg3A_2097 : vector<16xf32>
    %mul3A_2099 = arith.mulf %add3A_2074, %exp3A_2098 : vector<16xf32>
    %add3A_2100 = arith.addf %sub3A_2094, %mul3A_2099 : vector<16xf32>
    %sub3A_2101 = arith.constant 1.000000e+00 : f32
    %sub3A_2102 = vector.broadcast %sub3A_2101 : f32 to vector<16xf32>
    %sub3A_2103 = arith.subf %add3A_2100, %sub3A_2102 : vector<16xf32>
    %max3A_2104 = arith.constant 0.000000e+00 : f32
    %max3A_2105 = vector.broadcast %max3A_2104 : f32 to vector<16xf32>
    %max3A_2106 = arith.maximumf %select_n3A_2039, %max3A_2105 : vector<16xf32>
    %add3A_2107 = arith.addf %max3A_2106, %sub3A_2103 : vector<16xf32>
    %mul3A_2108 = arith.mulf %select_n3A_2066, %add3A_2107 : vector<16xf32>
    %add3A_2109 = arith.addf %add3A_1986, %mul3A_2108 : vector<16xf32>
    %shift_left3A_2110 = arith.constant 3 : i32
    %shift_left3A_2111 = vector.broadcast %shift_left3A_2110 : i32 to vector<16xi32>
    %shift_left3A_2112 = arith.shli %select_n3A_936, %shift_left3A_2111 : vector<16xi32>
    %shift_left3A_2113 = arith.constant 1 : i32
    %shift_left3A_2114 = arith.constant 3 : i32
    %shift_left3A_2115 = arith.shli %shift_left3A_2113, %shift_left3A_2114 : i32
    %sub3A_2116 = arith.constant 1 : i32
    %sub3A_2117 = arith.subi %shift_left3A_2115, %sub3A_2116 : i32
    %add3A_2118 = vector.broadcast %sub3A_2117 : i32 to vector<16xi32>
    %add3A_2119 = arith.addi %shift_left3A_2112, %add3A_2118 : vector<16xi32>
    %shift_right_arithmetic3A_2120 = arith.constant 7 : i32
    %shift_right_arithmetic3A_2121 = vector.broadcast %shift_right_arithmetic3A_2120 : i32 to vector<16xi32>
    %shift_right_arithmetic3A_2122 = arith.shrsi %add3A_2119, %shift_right_arithmetic3A_2121 : vector<16xi32>
    %mul3A_2123 = arith.constant 128 : i32
    %mul3A_2124 = vector.broadcast %mul3A_2123 : i32 to vector<16xi32>
    %mul3A_2125 = arith.muli %shift_right_arithmetic3A_2122, %mul3A_2124 : vector<16xi32>
    %min3A_2126 = arith.constant 32512 : i32
    %min3A_2127 = vector.broadcast %min3A_2126 : i32 to vector<16xi32>
    %min3A_2128 = arith.minsi %mul3A_2125, %min3A_2127 : vector<16xi32>
    %jit3A_2129 = arith.constant false
    %select_n3A_2130 = arith.select %jit3A_2129, %min3A_2128, %mul3A_2125 : vector<16xi32>
    %mul3A_2131 = arith.constant 4 : i32
    %mul3A_2132 = vector.broadcast %mul3A_2131 : i32 to vector<16xi32>
    %mul3A_2133 = arith.muli %select_n3A_22, %mul3A_2132 : vector<16xi32>
    %add3A_2134 = arith.constant 2 : i32
    %add3A_2135 = vector.broadcast %add3A_2134 : i32 to vector<16xi32>
    %add3A_2136 = arith.addi %mul3A_2133, %add3A_2135 : vector<16xi32>
    %mul3A_2137 = arith.constant 2 : i32
    %mul3A_2138 = vector.broadcast %mul3A_2137 : i32 to vector<16xi32>
    %mul3A_2139 = arith.muli %mul3A_2138, %select_n3A_2041 : vector<16xi32>
    %add3A_2140 = arith.constant 1 : i32
    %add3A_2141 = vector.broadcast %add3A_2140 : i32 to vector<16xi32>
    %add3A_2142 = arith.addi %mul3A_2139, %add3A_2141 : vector<16xi32>
    %add3A_2143 = arith.constant 1 : i32
    %add3A_2144 = vector.broadcast %add3A_2143 : i32 to vector<16xi32>
    %add3A_2145 = arith.addi %add3A_2142, %add3A_2144 : vector<16xi32>
    %sub3A_2146 = arith.subi %add3A_2142, %select_n3A_2130 : vector<16xi32>
    %sub3A_2147 = arith.subi %add3A_2145, %select_n3A_2130 : vector<16xi32>
    %gather3A_2148 = tpu.vector_load_idx %arg7[%add3A_2136, %add3A_41, %sub3A_2146] : memref<16x8x256xf32, #tpu.memory_space<vmem>>[vector<16xi32>, vector<16xi32>, vector<16xi32>], vector<16xf32>,
    %gather3A_2149 = tpu.vector_load_idx %arg8[%add3A_2136, %add3A_41, %sub3A_2146] : memref<16x8x256xf32, #tpu.memory_space<vmem>>[vector<16xi32>, vector<16xi32>, vector<16xi32>], vector<16xf32>,
    %gather3A_2150 = tpu.vector_load_idx %arg7[%add3A_2136, %add3A_41, %sub3A_2147] : memref<16x8x256xf32, #tpu.memory_space<vmem>>[vector<16xi32>, vector<16xi32>, vector<16xi32>], vector<16xf32>,
    %gather3A_2151 = tpu.vector_load_idx %arg8[%add3A_2136, %add3A_41, %sub3A_2147] : memref<16x8x256xf32, #tpu.memory_space<vmem>>[vector<16xi32>, vector<16xi32>, vector<16xi32>], vector<16xf32>,
    %mul3A_2152 = arith.constant 2 : i32
    %mul3A_2153 = vector.broadcast %mul3A_2152 : i32 to vector<16xi32>
    %mul3A_2154 = arith.muli %mul3A_2153, %select_n3A_2041 : vector<16xi32>
    %add3A_2155 = arith.constant 1 : i32
    %add3A_2156 = vector.broadcast %add3A_2155 : i32 to vector<16xi32>
    %add3A_2157 = arith.addi %mul3A_2154, %add3A_2156 : vector<16xi32>
    %add3A_2158 = arith.constant 1 : i32
    %add3A_2159 = vector.broadcast %add3A_2158 : i32 to vector<16xi32>
    %add3A_2160 = arith.addi %add3A_2157, %add3A_2159 : vector<16xi32>
    %gt3A_2161 = arith.cmpf ogt, %gather3A_2150, %gather3A_2148 : vector<16xf32>
    %select_n3A_2162 = arith.select %gt3A_2161, %gather3A_2150, %gather3A_2148 : vector<16xi1>, vector<16xf32>
    %select_n3A_2163 = arith.select %gt3A_2161, %gather3A_2151, %gather3A_2149 : vector<16xi1>, vector<16xf32>
    %select_n3A_2164 = arith.select %gt3A_2161, %add3A_2160, %add3A_2157 : vector<16xi1>, vector<16xi32>
    %gt3A_2165 = arith.constant 0.000000e+00 : f32
    %gt3A_2166 = vector.broadcast %gt3A_2165 : f32 to vector<16xf32>
    %gt3A_2167 = arith.cmpf ogt, %select_n3A_2162, %gt3A_2166 : vector<16xf32>
    %jit3A_2168 = arith.constant 0.000000e+00 : f32
    %broadcast_in_dim3A_2169 = vector.broadcast %jit3A_2168 : f32 to vector<16xf32>
    %select_n3A_2170 = arith.select %gt3A_2167, %select_n3A_2047, %broadcast_in_dim3A_2169 : vector<16xi1>, vector<16xf32>
    %gt3A_2171 = arith.constant 0.000000e+00 : f32
    %gt3A_2172 = vector.broadcast %gt3A_2171 : f32 to vector<16xf32>
    %gt3A_2173 = arith.cmpf ogt, %select_n3A_2170, %gt3A_2172 : vector<16xf32>
    %eq3A_2174 = arith.constant 0.000000e+00 : f32
    %eq3A_2175 = vector.broadcast %eq3A_2174 : f32 to vector<16xf32>
    %eq3A_2176 = arith.cmpf oeq, %select_n3A_2163, %eq3A_2175 : vector<16xf32>
    %and3A_2177 = arith.andi %gt3A_2173, %eq3A_2176 : vector<16xi1>
    %add3A_2178 = arith.constant 1.000000e+00 : f32
    %add3A_2179 = vector.broadcast %add3A_2178 : f32 to vector<16xf32>
    %add3A_2180 = arith.addf %select_n3A_2060, %add3A_2179 : vector<16xf32>
    %jit3A_2181 = arith.constant 0.000000e+00 : f32
    %broadcast_in_dim3A_2182 = vector.broadcast %jit3A_2181 : f32 to vector<16xf32>
    %select_n3A_2183 = arith.select %and3A_2177, %add3A_2180, %broadcast_in_dim3A_2182 : vector<16xi1>, vector<16xf32>
    %lt3A_2184 = arith.constant 4 : i32
    %lt3A_2185 = vector.broadcast %lt3A_2184 : i32 to vector<16xi32>
    %lt3A_2186 = arith.cmpi slt, %iota3A, %lt3A_2185 : vector<16xi32>
    %jit3A_2187 = arith.constant 0.000000e+00 : f32
    %broadcast_in_dim3A_2188 = vector.broadcast %jit3A_2187 : f32 to vector<16xf32>
    %select_n3A_2189 = arith.select %lt3A_2186, %select_n3A_2183, %broadcast_in_dim3A_2188 : vector<16xi1>, vector<16xf32>
    %abs3A_2190 = math.absf %select_n3A_2162 : vector<16xf32>
    %neg3A_2191 = arith.constant 0.000000e+00 : f32
    %neg3A_2192 = vector.broadcast %neg3A_2191 : f32 to vector<16xf32>
    %neg3A_2193 = arith.subf %neg3A_2192, %abs3A_2190 : vector<16xf32>
    %exp3A_2194 = math.exp %neg3A_2193 : vector<16xf32>
    %add3A_2195 = arith.constant 1.000000e+00 : f32
    %add3A_2196 = vector.broadcast %add3A_2195 : f32 to vector<16xf32>
    %add3A_2197 = arith.addf %add3A_2196, %exp3A_2194 : vector<16xf32>
    %mul3A_2198 = arith.constant 2.500000e-01 : f32
    %mul3A_2199 = vector.broadcast %mul3A_2198 : f32 to vector<16xf32>
    %mul3A_2200 = arith.mulf %exp3A_2194, %mul3A_2199 : vector<16xf32>
    %sub3A_2201 = arith.constant 5.000000e-01 : f32
    %sub3A_2202 = vector.broadcast %sub3A_2201 : f32 to vector<16xf32>
    %sub3A_2203 = arith.subf %sub3A_2202, %mul3A_2200 : vector<16xf32>
    %mul3A_2204 = arith.mulf %exp3A_2194, %sub3A_2203 : vector<16xf32>
    %sub3A_2205 = arith.constant 1.000000e+00 : f32
    %sub3A_2206 = vector.broadcast %sub3A_2205 : f32 to vector<16xf32>
    %sub3A_2207 = arith.subf %sub3A_2206, %mul3A_2204 : vector<16xf32>
    %mul3A_2208 = arith.mulf %exp3A_2194, %sub3A_2207 : vector<16xf32>
    %neg3A_2209 = arith.constant 0.000000e+00 : f32
    %neg3A_2210 = vector.broadcast %neg3A_2209 : f32 to vector<16xf32>
    %neg3A_2211 = arith.subf %neg3A_2210, %mul3A_2208 : vector<16xf32>
    %exp3A_2212 = math.exp %neg3A_2211 : vector<16xf32>
    %mul3A_2213 = arith.mulf %add3A_2197, %exp3A_2212 : vector<16xf32>
    %add3A_2214 = arith.addf %mul3A_2208, %mul3A_2213 : vector<16xf32>
    %sub3A_2215 = arith.constant 1.000000e+00 : f32
    %sub3A_2216 = vector.broadcast %sub3A_2215 : f32 to vector<16xf32>
    %sub3A_2217 = arith.subf %add3A_2214, %sub3A_2216 : vector<16xf32>
    %neg3A_2218 = arith.constant 0.000000e+00 : f32
    %neg3A_2219 = vector.broadcast %neg3A_2218 : f32 to vector<16xf32>
    %neg3A_2220 = arith.subf %neg3A_2219, %sub3A_2217 : vector<16xf32>
    %exp3A_2221 = math.exp %neg3A_2220 : vector<16xf32>
    %mul3A_2222 = arith.mulf %add3A_2197, %exp3A_2221 : vector<16xf32>
    %add3A_2223 = arith.addf %sub3A_2217, %mul3A_2222 : vector<16xf32>
    %sub3A_2224 = arith.constant 1.000000e+00 : f32
    %sub3A_2225 = vector.broadcast %sub3A_2224 : f32 to vector<16xf32>
    %sub3A_2226 = arith.subf %add3A_2223, %sub3A_2225 : vector<16xf32>
    %max3A_2227 = arith.constant 0.000000e+00 : f32
    %max3A_2228 = vector.broadcast %max3A_2227 : f32 to vector<16xf32>
    %max3A_2229 = arith.maximumf %select_n3A_2162, %max3A_2228 : vector<16xf32>
    %add3A_2230 = arith.addf %max3A_2229, %sub3A_2226 : vector<16xf32>
    %mul3A_2231 = arith.mulf %select_n3A_2189, %add3A_2230 : vector<16xf32>
    %add3A_2232 = arith.addf %add3A_2109, %mul3A_2231 : vector<16xf32>
    %shift_left3A_2233 = arith.constant 4 : i32
    %shift_left3A_2234 = vector.broadcast %shift_left3A_2233 : i32 to vector<16xi32>
    %shift_left3A_2235 = arith.shli %select_n3A_936, %shift_left3A_2234 : vector<16xi32>
    %shift_left3A_2236 = arith.constant 1 : i32
    %shift_left3A_2237 = arith.constant 4 : i32
    %shift_left3A_2238 = arith.shli %shift_left3A_2236, %shift_left3A_2237 : i32
    %sub3A_2239 = arith.constant 1 : i32
    %sub3A_2240 = arith.subi %shift_left3A_2238, %sub3A_2239 : i32
    %add3A_2241 = vector.broadcast %sub3A_2240 : i32 to vector<16xi32>
    %add3A_2242 = arith.addi %shift_left3A_2235, %add3A_2241 : vector<16xi32>
    %shift_right_arithmetic3A_2243 = arith.constant 7 : i32
    %shift_right_arithmetic3A_2244 = vector.broadcast %shift_right_arithmetic3A_2243 : i32 to vector<16xi32>
    %shift_right_arithmetic3A_2245 = arith.shrsi %add3A_2242, %shift_right_arithmetic3A_2244 : vector<16xi32>
    %mul3A_2246 = arith.constant 128 : i32
    %mul3A_2247 = vector.broadcast %mul3A_2246 : i32 to vector<16xi32>
    %mul3A_2248 = arith.muli %shift_right_arithmetic3A_2245, %mul3A_2247 : vector<16xi32>
    %min3A_2249 = arith.constant 32512 : i32
    %min3A_2250 = vector.broadcast %min3A_2249 : i32 to vector<16xi32>
    %min3A_2251 = arith.minsi %mul3A_2248, %min3A_2250 : vector<16xi32>
    %jit3A_2252 = arith.constant true
    %select_n3A_2253 = arith.select %jit3A_2252, %min3A_2251, %mul3A_2248 : vector<16xi32>
    %mul3A_2254 = arith.constant 4 : i32
    %mul3A_2255 = vector.broadcast %mul3A_2254 : i32 to vector<16xi32>
    %mul3A_2256 = arith.muli %select_n3A_22, %mul3A_2255 : vector<16xi32>
    %add3A_2257 = arith.constant 3 : i32
    %add3A_2258 = vector.broadcast %add3A_2257 : i32 to vector<16xi32>
    %add3A_2259 = arith.addi %mul3A_2256, %add3A_2258 : vector<16xi32>
    %mul3A_2260 = arith.constant 2 : i32
    %mul3A_2261 = vector.broadcast %mul3A_2260 : i32 to vector<16xi32>
    %mul3A_2262 = arith.muli %mul3A_2261, %select_n3A_2164 : vector<16xi32>
    %add3A_2263 = arith.constant 1 : i32
    %add3A_2264 = vector.broadcast %add3A_2263 : i32 to vector<16xi32>
    %add3A_2265 = arith.addi %mul3A_2262, %add3A_2264 : vector<16xi32>
    %add3A_2266 = arith.constant 1 : i32
    %add3A_2267 = vector.broadcast %add3A_2266 : i32 to vector<16xi32>
    %add3A_2268 = arith.addi %add3A_2265, %add3A_2267 : vector<16xi32>
    %sub3A_2269 = arith.subi %add3A_2265, %select_n3A_2253 : vector<16xi32>
    %sub3A_2270 = arith.subi %add3A_2268, %select_n3A_2253 : vector<16xi32>
    %gather3A_2271 = tpu.vector_load_idx %arg7[%add3A_2259, %add3A_41, %sub3A_2269] : memref<16x8x256xf32, #tpu.memory_space<vmem>>[vector<16xi32>, vector<16xi32>, vector<16xi32>], vector<16xf32>,
    %gather3A_2272 = tpu.vector_load_idx %arg8[%add3A_2259, %add3A_41, %sub3A_2269] : memref<16x8x256xf32, #tpu.memory_space<vmem>>[vector<16xi32>, vector<16xi32>, vector<16xi32>], vector<16xf32>,
    %gather3A_2273 = tpu.vector_load_idx %arg7[%add3A_2259, %add3A_41, %sub3A_2270] : memref<16x8x256xf32, #tpu.memory_space<vmem>>[vector<16xi32>, vector<16xi32>, vector<16xi32>], vector<16xf32>,
    %gather3A_2274 = tpu.vector_load_idx %arg8[%add3A_2259, %add3A_41, %sub3A_2270] : memref<16x8x256xf32, #tpu.memory_space<vmem>>[vector<16xi32>, vector<16xi32>, vector<16xi32>], vector<16xf32>,
    %mul3A_2275 = arith.constant 2 : i32
    %mul3A_2276 = vector.broadcast %mul3A_2275 : i32 to vector<16xi32>
    %mul3A_2277 = arith.muli %mul3A_2276, %select_n3A_2164 : vector<16xi32>
    %add3A_2278 = arith.constant 1 : i32
    %add3A_2279 = vector.broadcast %add3A_2278 : i32 to vector<16xi32>
    %add3A_2280 = arith.addi %mul3A_2277, %add3A_2279 : vector<16xi32>
    %add3A_2281 = arith.constant 1 : i32
    %add3A_2282 = vector.broadcast %add3A_2281 : i32 to vector<16xi32>
    %add3A_2283 = arith.addi %add3A_2280, %add3A_2282 : vector<16xi32>
    %gt3A_2284 = arith.cmpf ogt, %gather3A_2273, %gather3A_2271 : vector<16xf32>
    %select_n3A_2285 = arith.select %gt3A_2284, %gather3A_2273, %gather3A_2271 : vector<16xi1>, vector<16xf32>
    %select_n3A_2286 = arith.select %gt3A_2284, %gather3A_2274, %gather3A_2272 : vector<16xi1>, vector<16xf32>
    %select_n3A_2287 = arith.select %gt3A_2284, %add3A_2283, %add3A_2280 : vector<16xi1>, vector<16xi32>
    %gt3A_2288 = arith.constant 0.000000e+00 : f32
    %gt3A_2289 = vector.broadcast %gt3A_2288 : f32 to vector<16xf32>
    %gt3A_2290 = arith.cmpf ogt, %select_n3A_2285, %gt3A_2289 : vector<16xf32>
    %jit3A_2291 = arith.constant 0.000000e+00 : f32
    %broadcast_in_dim3A_2292 = vector.broadcast %jit3A_2291 : f32 to vector<16xf32>
    %select_n3A_2293 = arith.select %gt3A_2290, %select_n3A_2170, %broadcast_in_dim3A_2292 : vector<16xi1>, vector<16xf32>
    %gt3A_2294 = arith.constant 0.000000e+00 : f32
    %gt3A_2295 = vector.broadcast %gt3A_2294 : f32 to vector<16xf32>
    %gt3A_2296 = arith.cmpf ogt, %select_n3A_2293, %gt3A_2295 : vector<16xf32>
    %eq3A_2297 = arith.constant 0.000000e+00 : f32
    %eq3A_2298 = vector.broadcast %eq3A_2297 : f32 to vector<16xf32>
    %eq3A_2299 = arith.cmpf oeq, %select_n3A_2286, %eq3A_2298 : vector<16xf32>
    %and3A_2300 = arith.andi %gt3A_2296, %eq3A_2299 : vector<16xi1>
    %add3A_2301 = arith.constant 1.000000e+00 : f32
    %add3A_2302 = vector.broadcast %add3A_2301 : f32 to vector<16xf32>
    %add3A_2303 = arith.addf %select_n3A_2183, %add3A_2302 : vector<16xf32>
    %jit3A_2304 = arith.constant 0.000000e+00 : f32
    %broadcast_in_dim3A_2305 = vector.broadcast %jit3A_2304 : f32 to vector<16xf32>
    %select_n3A_2306 = arith.select %and3A_2300, %add3A_2303, %broadcast_in_dim3A_2305 : vector<16xi1>, vector<16xf32>
    %lt3A_2307 = arith.constant 4 : i32
    %lt3A_2308 = vector.broadcast %lt3A_2307 : i32 to vector<16xi32>
    %lt3A_2309 = arith.cmpi slt, %iota3A, %lt3A_2308 : vector<16xi32>
    %jit3A_2310 = arith.constant 0.000000e+00 : f32
    %broadcast_in_dim3A_2311 = vector.broadcast %jit3A_2310 : f32 to vector<16xf32>
    %select_n3A_2312 = arith.select %lt3A_2309, %select_n3A_2306, %broadcast_in_dim3A_2311 : vector<16xi1>, vector<16xf32>
    %abs3A_2313 = math.absf %select_n3A_2285 : vector<16xf32>
    %neg3A_2314 = arith.constant 0.000000e+00 : f32
    %neg3A_2315 = vector.broadcast %neg3A_2314 : f32 to vector<16xf32>
    %neg3A_2316 = arith.subf %neg3A_2315, %abs3A_2313 : vector<16xf32>
    %exp3A_2317 = math.exp %neg3A_2316 : vector<16xf32>
    %add3A_2318 = arith.constant 1.000000e+00 : f32
    %add3A_2319 = vector.broadcast %add3A_2318 : f32 to vector<16xf32>
    %add3A_2320 = arith.addf %add3A_2319, %exp3A_2317 : vector<16xf32>
    %mul3A_2321 = arith.constant 2.500000e-01 : f32
    %mul3A_2322 = vector.broadcast %mul3A_2321 : f32 to vector<16xf32>
    %mul3A_2323 = arith.mulf %exp3A_2317, %mul3A_2322 : vector<16xf32>
    %sub3A_2324 = arith.constant 5.000000e-01 : f32
    %sub3A_2325 = vector.broadcast %sub3A_2324 : f32 to vector<16xf32>
    %sub3A_2326 = arith.subf %sub3A_2325, %mul3A_2323 : vector<16xf32>
    %mul3A_2327 = arith.mulf %exp3A_2317, %sub3A_2326 : vector<16xf32>
    %sub3A_2328 = arith.constant 1.000000e+00 : f32
    %sub3A_2329 = vector.broadcast %sub3A_2328 : f32 to vector<16xf32>
    %sub3A_2330 = arith.subf %sub3A_2329, %mul3A_2327 : vector<16xf32>
    %mul3A_2331 = arith.mulf %exp3A_2317, %sub3A_2330 : vector<16xf32>
    %neg3A_2332 = arith.constant 0.000000e+00 : f32
    %neg3A_2333 = vector.broadcast %neg3A_2332 : f32 to vector<16xf32>
    %neg3A_2334 = arith.subf %neg3A_2333, %mul3A_2331 : vector<16xf32>
    %exp3A_2335 = math.exp %neg3A_2334 : vector<16xf32>
    %mul3A_2336 = arith.mulf %add3A_2320, %exp3A_2335 : vector<16xf32>
    %add3A_2337 = arith.addf %mul3A_2331, %mul3A_2336 : vector<16xf32>
    %sub3A_2338 = arith.constant 1.000000e+00 : f32
    %sub3A_2339 = vector.broadcast %sub3A_2338 : f32 to vector<16xf32>
    %sub3A_2340 = arith.subf %add3A_2337, %sub3A_2339 : vector<16xf32>
    %neg3A_2341 = arith.constant 0.000000e+00 : f32
    %neg3A_2342 = vector.broadcast %neg3A_2341 : f32 to vector<16xf32>
    %neg3A_2343 = arith.subf %neg3A_2342, %sub3A_2340 : vector<16xf32>
    %exp3A_2344 = math.exp %neg3A_2343 : vector<16xf32>
    %mul3A_2345 = arith.mulf %add3A_2320, %exp3A_2344 : vector<16xf32>
    %add3A_2346 = arith.addf %sub3A_2340, %mul3A_2345 : vector<16xf32>
    %sub3A_2347 = arith.constant 1.000000e+00 : f32
    %sub3A_2348 = vector.broadcast %sub3A_2347 : f32 to vector<16xf32>
    %sub3A_2349 = arith.subf %add3A_2346, %sub3A_2348 : vector<16xf32>
    %max3A_2350 = arith.constant 0.000000e+00 : f32
    %max3A_2351 = vector.broadcast %max3A_2350 : f32 to vector<16xf32>
    %max3A_2352 = arith.maximumf %select_n3A_2285, %max3A_2351 : vector<16xf32>
    %add3A_2353 = arith.addf %max3A_2352, %sub3A_2349 : vector<16xf32>
    %mul3A_2354 = arith.mulf %select_n3A_2312, %add3A_2353 : vector<16xf32>
    %add3A_2355 = arith.addf %add3A_2232, %mul3A_2354 : vector<16xf32>
    %swap3A = arith.constant 0 : i32
    %swap3A_2356 = arith.index_cast %swap3A : i32 to index
    %swap3A_2357 = arith.constant 0 : index
    %swap3A_2358 = tpu.vector_load %arg9[%swap3A_2356, %swap3A_2357] {strides = array<i32>} : memref<8x16xf32, #tpu.memory_space<vmem>>, vector<16xf32>,
    tpu.vector_store %arg9[%swap3A_2356, %swap3A_2357], %add3A_2355 {strides = array<i32>} : memref<8x16xf32, #tpu.memory_space<vmem>>, vector<16xf32>,
    %swap3A_2359 = arith.constant 1 : i32
    %swap3A_2360 = arith.index_cast %swap3A_2359 : i32 to index
    %swap3A_2361 = arith.constant 0 : index
    %swap3A_2362 = tpu.vector_load %arg9[%swap3A_2360, %swap3A_2361] {strides = array<i32>} : memref<8x16xf32, #tpu.memory_space<vmem>>, vector<16xf32>,
    tpu.vector_store %arg9[%swap3A_2360, %swap3A_2361], %broadcast_in_dim3A_57 {strides = array<i32>} : memref<8x16xf32, #tpu.memory_space<vmem>>, vector<16xf32>,
    %swap3A_2363 = arith.constant 2 : i32
    %swap3A_2364 = arith.index_cast %swap3A_2363 : i32 to index
    %swap3A_2365 = arith.constant 0 : index
    %swap3A_2366 = tpu.vector_load %arg9[%swap3A_2364, %swap3A_2365] {strides = array<i32>} : memref<8x16xf32, #tpu.memory_space<vmem>>, vector<16xf32>,
    tpu.vector_store %arg9[%swap3A_2364, %swap3A_2365], %broadcast_in_dim3A_57 {strides = array<i32>} : memref<8x16xf32, #tpu.memory_space<vmem>>, vector<16xf32>,
    %swap3A_2367 = arith.constant 3 : i32
    %swap3A_2368 = arith.index_cast %swap3A_2367 : i32 to index
    %swap3A_2369 = arith.constant 0 : index
    %swap3A_2370 = tpu.vector_load %arg9[%swap3A_2368, %swap3A_2369] {strides = array<i32>} : memref<8x16xf32, #tpu.memory_space<vmem>>, vector<16xf32>,
    tpu.vector_store %arg9[%swap3A_2368, %swap3A_2369], %broadcast_in_dim3A_57 {strides = array<i32>} : memref<8x16xf32, #tpu.memory_space<vmem>>, vector<16xf32>,
    %swap3A_2371 = arith.constant 4 : i32
    %swap3A_2372 = arith.index_cast %swap3A_2371 : i32 to index
    %swap3A_2373 = arith.constant 0 : index
    %swap3A_2374 = tpu.vector_load %arg9[%swap3A_2372, %swap3A_2373] {strides = array<i32>} : memref<8x16xf32, #tpu.memory_space<vmem>>, vector<16xf32>,
    tpu.vector_store %arg9[%swap3A_2372, %swap3A_2373], %broadcast_in_dim3A_57 {strides = array<i32>} : memref<8x16xf32, #tpu.memory_space<vmem>>, vector<16xf32>,
    %swap3A_2375 = arith.constant 5 : i32
    %swap3A_2376 = arith.index_cast %swap3A_2375 : i32 to index
    %swap3A_2377 = arith.constant 0 : index
    %swap3A_2378 = tpu.vector_load %arg9[%swap3A_2376, %swap3A_2377] {strides = array<i32>} : memref<8x16xf32, #tpu.memory_space<vmem>>, vector<16xf32>,
    tpu.vector_store %arg9[%swap3A_2376, %swap3A_2377], %broadcast_in_dim3A_57 {strides = array<i32>} : memref<8x16xf32, #tpu.memory_space<vmem>>, vector<16xf32>,
    %swap3A_2379 = arith.constant 6 : i32
    %swap3A_2380 = arith.index_cast %swap3A_2379 : i32 to index
    %swap3A_2381 = arith.constant 0 : index
    %swap3A_2382 = tpu.vector_load %arg9[%swap3A_2380, %swap3A_2381] {strides = array<i32>} : memref<8x16xf32, #tpu.memory_space<vmem>>, vector<16xf32>,
    tpu.vector_store %arg9[%swap3A_2380, %swap3A_2381], %broadcast_in_dim3A_57 {strides = array<i32>} : memref<8x16xf32, #tpu.memory_space<vmem>>, vector<16xf32>,
    %swap3A_2383 = arith.constant 7 : i32
    %swap3A_2384 = arith.index_cast %swap3A_2383 : i32 to index
    %swap3A_2385 = arith.constant 0 : index
    %swap3A_2386 = tpu.vector_load %arg9[%swap3A_2384, %swap3A_2385] {strides = array<i32>} : memref<8x16xf32, #tpu.memory_space<vmem>>, vector<16xf32>,
    tpu.vector_store %arg9[%swap3A_2384, %swap3A_2385], %broadcast_in_dim3A_57 {strides = array<i32>} : memref<8x16xf32, #tpu.memory_space<vmem>>, vector<16xf32>,
    "tpu.region"() ({
      %run_scoped3A = tpu.sem_alloc : memref<!tpu.dma_semaphore, #tpu.memory_space<semaphore_mem>>
      %dma_start3A_2387 = arith.constant 0 : i32
      %dma_start3A_2388 = arith.constant 0 : i32
      %dma_start3A_2389 = tpu.memref_slice %arg4[%add3A, %dma_start3A_2387, %dma_start3A_2388] : memref<32x8x16xf32, #tpu.memory_space<hbm>> -> memref<1x8x16xf32, #tpu.memory_space<hbm>>
      %dma_start3A_2390 = tpu.memref_squeeze %dma_start3A_2389 : memref<1x8x16xf32, #tpu.memory_space<hbm>> -> memref<8x16xf32, #tpu.memory_space<hbm>>
      %dma_start3A_2391 = arith.constant 0 : i32
      %dma_start3A_2392 = arith.constant 0 : i32
      %dma_start3A_2393 = tpu.memref_slice %arg4[%add3A, %dma_start3A_2391, %dma_start3A_2392] : memref<32x8x16xf32, #tpu.memory_space<hbm>> -> memref<1x8x16xf32, #tpu.memory_space<hbm>>
      %dma_start3A_2394 = tpu.memref_squeeze %dma_start3A_2393 : memref<1x8x16xf32, #tpu.memory_space<hbm>> -> memref<8x16xf32, #tpu.memory_space<hbm>>
      tpu.enqueue_dma source(%arg9 : memref<8x16xf32, #tpu.memory_space<vmem>>) target(%dma_start3A_2394 : memref<8x16xf32, #tpu.memory_space<hbm>>) target_semaphore(%run_scoped3A : memref<!tpu.dma_semaphore, #tpu.memory_space<semaphore_mem>>)
      %dma_wait3A_2395 = arith.constant 0 : i32
      %dma_wait3A_2396 = arith.constant 0 : i32
      %dma_wait3A_2397 = tpu.memref_slice %arg4[%add3A, %dma_wait3A_2395, %dma_wait3A_2396] : memref<32x8x16xf32, #tpu.memory_space<hbm>> -> memref<1x8x16xf32, #tpu.memory_space<hbm>>
      %dma_wait3A_2398 = tpu.memref_squeeze %dma_wait3A_2397 : memref<1x8x16xf32, #tpu.memory_space<hbm>> -> memref<8x16xf32, #tpu.memory_space<hbm>>
      %dma_wait3A_2399 = arith.constant 0 : i32
      %dma_wait3A_2400 = arith.constant 0 : i32
      %dma_wait3A_2401 = tpu.memref_slice %arg4[%add3A, %dma_wait3A_2399, %dma_wait3A_2400] : memref<32x8x16xf32, #tpu.memory_space<hbm>> -> memref<1x8x16xf32, #tpu.memory_space<hbm>>
      %dma_wait3A_2402 = tpu.memref_squeeze %dma_wait3A_2401 : memref<1x8x16xf32, #tpu.memory_space<hbm>> -> memref<8x16xf32, #tpu.memory_space<hbm>>
      tpu.wait_dma2 semaphore(%run_scoped3A : memref<!tpu.dma_semaphore, #tpu.memory_space<semaphore_mem>>) src(%arg9 : memref<8x16xf32, #tpu.memory_space<vmem>>) dst(%dma_wait3A_2402 : memref<8x16xf32, #tpu.memory_space<hbm>>)
      tpu.yield
    }) : () -> ()
    return
  }
}

module attributes {stable_mosaic.version = 14 : i64} {
  func.func @_sum_body(%arg0: i32, %arg1: memref<128x4096xf32, #tpu.memory_space<vmem>>, %arg2: memref<128x4096xf32, #tpu.memory_space<vmem>>, %arg3: memref<1x1xf32, #tpu.memory_space<smem>>, %arg4: memref<8x4096xf32, #tpu.memory_space<vmem>>) attributes {dimension_semantics = [#tpu.dimension_semantics<arbitrary>], iteration_bounds = array<i64: 8>, scalar_prefetch = 0 : i64, scratch_operands = 1 : i64, tpu.core_type = #tpu.core_type<tc>, window_params = [{transform_indices = @transform_0, window_bounds = array<i64: 128, 4096>}, {transform_indices = @transform_1, window_bounds = array<i64: 128, 4096>}, {transform_indices = @transform_2, window_bounds = array<i64: 1, 1>}]} {
    %mul3A = arith.constant 4096 : i32
    %mul3A_0 = arith.muli %arg0, %mul3A : i32
    %iota3A = tpu.iota {dimensions = array<i32: 1>} : vector<8x4096xi32>
    %add3A = vector.broadcast %mul3A_0 : i32 to vector<8x4096xi32>
    %add3A_1 = arith.addi %add3A, %iota3A : vector<8x4096xi32>
    %lt3A = arith.constant 32767 : i32
    %lt3A_2 = vector.broadcast %lt3A : i32 to vector<8x4096xi32>
    %lt3A_3 = arith.cmpi slt, %add3A_1, %lt3A_2 : vector<8x4096xi32>
    %eq3A = arith.constant 0 : i32
    %eq3A_4 = arith.cmpi eq, %arg0, %eq3A : i32
    %convert_element_type3A = arith.extui %eq3A_4 : i1 to i32
    %cond3A = arith.constant 0 : i32
    %cond3A_5 = arith.cmpi ne, %convert_element_type3A, %cond3A : i32
    scf.if %cond3A_5 {
      %broadcast_in_dim3A_518 = arith.constant 0.000000e+00 : f32
      %broadcast_in_dim3A_519 = vector.broadcast %broadcast_in_dim3A_518 : f32 to vector<8x4096xf32>
      %swap3A_520 = arith.constant 0 : index
      %swap3A_521 = arith.constant 0 : index
      %swap3A_522 = vector.load %arg4[%swap3A_520, %swap3A_521] : memref<8x4096xf32, #tpu.memory_space<vmem>>, vector<8x4096xf32>
      tpu.vector_store %arg4[%swap3A_520, %swap3A_521], %broadcast_in_dim3A_519 {strides = array<i32>} : memref<8x4096xf32, #tpu.memory_space<vmem>>, vector<8x4096xf32>,
    } else {
    }
    %get3A = arith.constant 0 : index
    %get3A_6 = arith.constant 0 : index
    %get3A_7 = vector.load %arg4[%get3A, %get3A_6] : memref<8x4096xf32, #tpu.memory_space<vmem>>, vector<8x4096xf32>
    %get3A_8 = arith.constant 0 : index
    %get3A_9 = arith.constant 0 : index
    %get3A_10 = vector.load %arg1[%get3A_8, %get3A_9] : memref<128x4096xf32, #tpu.memory_space<vmem>>, vector<8x4096xf32>
    %get3A_11 = arith.constant 0 : index
    %get3A_12 = arith.constant 0 : index
    %get3A_13 = vector.load %arg2[%get3A_11, %get3A_12] : memref<128x4096xf32, #tpu.memory_space<vmem>>, vector<8x4096xf32>
    %abs3A = math.absf %get3A_10 : vector<8x4096xf32>
    %mul3A_14 = arith.constant -1.44269502 : f32
    %mul3A_15 = vector.broadcast %mul3A_14 : f32 to vector<8x4096xf32>
    %mul3A_16 = arith.mulf %abs3A, %mul3A_15 : vector<8x4096xf32>
    %exp23A = math.exp2 %mul3A_16 : vector<8x4096xf32>
    %max3A = arith.constant 0.000000e+00 : f32
    %max3A_17 = vector.broadcast %max3A : f32 to vector<8x4096xf32>
    %max3A_18 = arith.maximumf %get3A_10, %max3A_17 : vector<8x4096xf32>
    %add3A_19 = arith.constant 1.000000e+00 : f32
    %add3A_20 = vector.broadcast %add3A_19 : f32 to vector<8x4096xf32>
    %add3A_21 = arith.addf %add3A_20, %exp23A : vector<8x4096xf32>
    %log3A = math.log %add3A_21 : vector<8x4096xf32>
    %log3A_22 = arith.constant 2.000000e+00 : f32
    %log3A_23 = math.log %log3A_22 : f32
    %div3A = vector.broadcast %log3A_23 : f32 to vector<8x4096xf32>
    %div3A_24 = arith.divf %log3A, %div3A : vector<8x4096xf32>
    %mul3A_25 = arith.constant 0.693147182 : f32
    %mul3A_26 = vector.broadcast %mul3A_25 : f32 to vector<8x4096xf32>
    %mul3A_27 = arith.mulf %mul3A_26, %div3A_24 : vector<8x4096xf32>
    %add3A_28 = arith.addf %max3A_18, %mul3A_27 : vector<8x4096xf32>
    %mul3A_29 = arith.mulf %get3A_10, %get3A_13 : vector<8x4096xf32>
    %sub3A = arith.subf %add3A_28, %mul3A_29 : vector<8x4096xf32>
    %jit3A = arith.constant 0.000000e+00 : f32
    %broadcast_in_dim3A = vector.broadcast %jit3A : f32 to vector<8x4096xf32>
    %select_n3A = arith.select %lt3A_3, %sub3A, %broadcast_in_dim3A : vector<8x4096xi1>, vector<8x4096xf32>
    %add3A_30 = arith.addf %get3A_7, %select_n3A : vector<8x4096xf32>
    %get3A_31 = arith.constant 8 : index
    %get3A_32 = arith.constant 0 : index
    %get3A_33 = vector.load %arg1[%get3A_31, %get3A_32] : memref<128x4096xf32, #tpu.memory_space<vmem>>, vector<8x4096xf32>
    %get3A_34 = arith.constant 8 : index
    %get3A_35 = arith.constant 0 : index
    %get3A_36 = vector.load %arg2[%get3A_34, %get3A_35] : memref<128x4096xf32, #tpu.memory_space<vmem>>, vector<8x4096xf32>
    %abs3A_37 = math.absf %get3A_33 : vector<8x4096xf32>
    %mul3A_38 = arith.constant -1.44269502 : f32
    %mul3A_39 = vector.broadcast %mul3A_38 : f32 to vector<8x4096xf32>
    %mul3A_40 = arith.mulf %abs3A_37, %mul3A_39 : vector<8x4096xf32>
    %exp23A_41 = math.exp2 %mul3A_40 : vector<8x4096xf32>
    %max3A_42 = arith.constant 0.000000e+00 : f32
    %max3A_43 = vector.broadcast %max3A_42 : f32 to vector<8x4096xf32>
    %max3A_44 = arith.maximumf %get3A_33, %max3A_43 : vector<8x4096xf32>
    %add3A_45 = arith.constant 1.000000e+00 : f32
    %add3A_46 = vector.broadcast %add3A_45 : f32 to vector<8x4096xf32>
    %add3A_47 = arith.addf %add3A_46, %exp23A_41 : vector<8x4096xf32>
    %log3A_48 = math.log %add3A_47 : vector<8x4096xf32>
    %log3A_49 = arith.constant 2.000000e+00 : f32
    %log3A_50 = math.log %log3A_49 : f32
    %div3A_51 = vector.broadcast %log3A_50 : f32 to vector<8x4096xf32>
    %div3A_52 = arith.divf %log3A_48, %div3A_51 : vector<8x4096xf32>
    %mul3A_53 = arith.constant 0.693147182 : f32
    %mul3A_54 = vector.broadcast %mul3A_53 : f32 to vector<8x4096xf32>
    %mul3A_55 = arith.mulf %mul3A_54, %div3A_52 : vector<8x4096xf32>
    %add3A_56 = arith.addf %max3A_44, %mul3A_55 : vector<8x4096xf32>
    %mul3A_57 = arith.mulf %get3A_33, %get3A_36 : vector<8x4096xf32>
    %sub3A_58 = arith.subf %add3A_56, %mul3A_57 : vector<8x4096xf32>
    %jit3A_59 = arith.constant 0.000000e+00 : f32
    %broadcast_in_dim3A_60 = vector.broadcast %jit3A_59 : f32 to vector<8x4096xf32>
    %select_n3A_61 = arith.select %lt3A_3, %sub3A_58, %broadcast_in_dim3A_60 : vector<8x4096xi1>, vector<8x4096xf32>
    %add3A_62 = arith.addf %add3A_30, %select_n3A_61 : vector<8x4096xf32>
    %get3A_63 = arith.constant 16 : index
    %get3A_64 = arith.constant 0 : index
    %get3A_65 = vector.load %arg1[%get3A_63, %get3A_64] : memref<128x4096xf32, #tpu.memory_space<vmem>>, vector<8x4096xf32>
    %get3A_66 = arith.constant 16 : index
    %get3A_67 = arith.constant 0 : index
    %get3A_68 = vector.load %arg2[%get3A_66, %get3A_67] : memref<128x4096xf32, #tpu.memory_space<vmem>>, vector<8x4096xf32>
    %abs3A_69 = math.absf %get3A_65 : vector<8x4096xf32>
    %mul3A_70 = arith.constant -1.44269502 : f32
    %mul3A_71 = vector.broadcast %mul3A_70 : f32 to vector<8x4096xf32>
    %mul3A_72 = arith.mulf %abs3A_69, %mul3A_71 : vector<8x4096xf32>
    %exp23A_73 = math.exp2 %mul3A_72 : vector<8x4096xf32>
    %max3A_74 = arith.constant 0.000000e+00 : f32
    %max3A_75 = vector.broadcast %max3A_74 : f32 to vector<8x4096xf32>
    %max3A_76 = arith.maximumf %get3A_65, %max3A_75 : vector<8x4096xf32>
    %add3A_77 = arith.constant 1.000000e+00 : f32
    %add3A_78 = vector.broadcast %add3A_77 : f32 to vector<8x4096xf32>
    %add3A_79 = arith.addf %add3A_78, %exp23A_73 : vector<8x4096xf32>
    %log3A_80 = math.log %add3A_79 : vector<8x4096xf32>
    %log3A_81 = arith.constant 2.000000e+00 : f32
    %log3A_82 = math.log %log3A_81 : f32
    %div3A_83 = vector.broadcast %log3A_82 : f32 to vector<8x4096xf32>
    %div3A_84 = arith.divf %log3A_80, %div3A_83 : vector<8x4096xf32>
    %mul3A_85 = arith.constant 0.693147182 : f32
    %mul3A_86 = vector.broadcast %mul3A_85 : f32 to vector<8x4096xf32>
    %mul3A_87 = arith.mulf %mul3A_86, %div3A_84 : vector<8x4096xf32>
    %add3A_88 = arith.addf %max3A_76, %mul3A_87 : vector<8x4096xf32>
    %mul3A_89 = arith.mulf %get3A_65, %get3A_68 : vector<8x4096xf32>
    %sub3A_90 = arith.subf %add3A_88, %mul3A_89 : vector<8x4096xf32>
    %jit3A_91 = arith.constant 0.000000e+00 : f32
    %broadcast_in_dim3A_92 = vector.broadcast %jit3A_91 : f32 to vector<8x4096xf32>
    %select_n3A_93 = arith.select %lt3A_3, %sub3A_90, %broadcast_in_dim3A_92 : vector<8x4096xi1>, vector<8x4096xf32>
    %add3A_94 = arith.addf %add3A_62, %select_n3A_93 : vector<8x4096xf32>
    %get3A_95 = arith.constant 24 : index
    %get3A_96 = arith.constant 0 : index
    %get3A_97 = vector.load %arg1[%get3A_95, %get3A_96] : memref<128x4096xf32, #tpu.memory_space<vmem>>, vector<8x4096xf32>
    %get3A_98 = arith.constant 24 : index
    %get3A_99 = arith.constant 0 : index
    %get3A_100 = vector.load %arg2[%get3A_98, %get3A_99] : memref<128x4096xf32, #tpu.memory_space<vmem>>, vector<8x4096xf32>
    %abs3A_101 = math.absf %get3A_97 : vector<8x4096xf32>
    %mul3A_102 = arith.constant -1.44269502 : f32
    %mul3A_103 = vector.broadcast %mul3A_102 : f32 to vector<8x4096xf32>
    %mul3A_104 = arith.mulf %abs3A_101, %mul3A_103 : vector<8x4096xf32>
    %exp23A_105 = math.exp2 %mul3A_104 : vector<8x4096xf32>
    %max3A_106 = arith.constant 0.000000e+00 : f32
    %max3A_107 = vector.broadcast %max3A_106 : f32 to vector<8x4096xf32>
    %max3A_108 = arith.maximumf %get3A_97, %max3A_107 : vector<8x4096xf32>
    %add3A_109 = arith.constant 1.000000e+00 : f32
    %add3A_110 = vector.broadcast %add3A_109 : f32 to vector<8x4096xf32>
    %add3A_111 = arith.addf %add3A_110, %exp23A_105 : vector<8x4096xf32>
    %log3A_112 = math.log %add3A_111 : vector<8x4096xf32>
    %log3A_113 = arith.constant 2.000000e+00 : f32
    %log3A_114 = math.log %log3A_113 : f32
    %div3A_115 = vector.broadcast %log3A_114 : f32 to vector<8x4096xf32>
    %div3A_116 = arith.divf %log3A_112, %div3A_115 : vector<8x4096xf32>
    %mul3A_117 = arith.constant 0.693147182 : f32
    %mul3A_118 = vector.broadcast %mul3A_117 : f32 to vector<8x4096xf32>
    %mul3A_119 = arith.mulf %mul3A_118, %div3A_116 : vector<8x4096xf32>
    %add3A_120 = arith.addf %max3A_108, %mul3A_119 : vector<8x4096xf32>
    %mul3A_121 = arith.mulf %get3A_97, %get3A_100 : vector<8x4096xf32>
    %sub3A_122 = arith.subf %add3A_120, %mul3A_121 : vector<8x4096xf32>
    %jit3A_123 = arith.constant 0.000000e+00 : f32
    %broadcast_in_dim3A_124 = vector.broadcast %jit3A_123 : f32 to vector<8x4096xf32>
    %select_n3A_125 = arith.select %lt3A_3, %sub3A_122, %broadcast_in_dim3A_124 : vector<8x4096xi1>, vector<8x4096xf32>
    %add3A_126 = arith.addf %add3A_94, %select_n3A_125 : vector<8x4096xf32>
    %get3A_127 = arith.constant 32 : index
    %get3A_128 = arith.constant 0 : index
    %get3A_129 = vector.load %arg1[%get3A_127, %get3A_128] : memref<128x4096xf32, #tpu.memory_space<vmem>>, vector<8x4096xf32>
    %get3A_130 = arith.constant 32 : index
    %get3A_131 = arith.constant 0 : index
    %get3A_132 = vector.load %arg2[%get3A_130, %get3A_131] : memref<128x4096xf32, #tpu.memory_space<vmem>>, vector<8x4096xf32>
    %abs3A_133 = math.absf %get3A_129 : vector<8x4096xf32>
    %mul3A_134 = arith.constant -1.44269502 : f32
    %mul3A_135 = vector.broadcast %mul3A_134 : f32 to vector<8x4096xf32>
    %mul3A_136 = arith.mulf %abs3A_133, %mul3A_135 : vector<8x4096xf32>
    %exp23A_137 = math.exp2 %mul3A_136 : vector<8x4096xf32>
    %max3A_138 = arith.constant 0.000000e+00 : f32
    %max3A_139 = vector.broadcast %max3A_138 : f32 to vector<8x4096xf32>
    %max3A_140 = arith.maximumf %get3A_129, %max3A_139 : vector<8x4096xf32>
    %add3A_141 = arith.constant 1.000000e+00 : f32
    %add3A_142 = vector.broadcast %add3A_141 : f32 to vector<8x4096xf32>
    %add3A_143 = arith.addf %add3A_142, %exp23A_137 : vector<8x4096xf32>
    %log3A_144 = math.log %add3A_143 : vector<8x4096xf32>
    %log3A_145 = arith.constant 2.000000e+00 : f32
    %log3A_146 = math.log %log3A_145 : f32
    %div3A_147 = vector.broadcast %log3A_146 : f32 to vector<8x4096xf32>
    %div3A_148 = arith.divf %log3A_144, %div3A_147 : vector<8x4096xf32>
    %mul3A_149 = arith.constant 0.693147182 : f32
    %mul3A_150 = vector.broadcast %mul3A_149 : f32 to vector<8x4096xf32>
    %mul3A_151 = arith.mulf %mul3A_150, %div3A_148 : vector<8x4096xf32>
    %add3A_152 = arith.addf %max3A_140, %mul3A_151 : vector<8x4096xf32>
    %mul3A_153 = arith.mulf %get3A_129, %get3A_132 : vector<8x4096xf32>
    %sub3A_154 = arith.subf %add3A_152, %mul3A_153 : vector<8x4096xf32>
    %jit3A_155 = arith.constant 0.000000e+00 : f32
    %broadcast_in_dim3A_156 = vector.broadcast %jit3A_155 : f32 to vector<8x4096xf32>
    %select_n3A_157 = arith.select %lt3A_3, %sub3A_154, %broadcast_in_dim3A_156 : vector<8x4096xi1>, vector<8x4096xf32>
    %add3A_158 = arith.addf %add3A_126, %select_n3A_157 : vector<8x4096xf32>
    %get3A_159 = arith.constant 40 : index
    %get3A_160 = arith.constant 0 : index
    %get3A_161 = vector.load %arg1[%get3A_159, %get3A_160] : memref<128x4096xf32, #tpu.memory_space<vmem>>, vector<8x4096xf32>
    %get3A_162 = arith.constant 40 : index
    %get3A_163 = arith.constant 0 : index
    %get3A_164 = vector.load %arg2[%get3A_162, %get3A_163] : memref<128x4096xf32, #tpu.memory_space<vmem>>, vector<8x4096xf32>
    %abs3A_165 = math.absf %get3A_161 : vector<8x4096xf32>
    %mul3A_166 = arith.constant -1.44269502 : f32
    %mul3A_167 = vector.broadcast %mul3A_166 : f32 to vector<8x4096xf32>
    %mul3A_168 = arith.mulf %abs3A_165, %mul3A_167 : vector<8x4096xf32>
    %exp23A_169 = math.exp2 %mul3A_168 : vector<8x4096xf32>
    %max3A_170 = arith.constant 0.000000e+00 : f32
    %max3A_171 = vector.broadcast %max3A_170 : f32 to vector<8x4096xf32>
    %max3A_172 = arith.maximumf %get3A_161, %max3A_171 : vector<8x4096xf32>
    %add3A_173 = arith.constant 1.000000e+00 : f32
    %add3A_174 = vector.broadcast %add3A_173 : f32 to vector<8x4096xf32>
    %add3A_175 = arith.addf %add3A_174, %exp23A_169 : vector<8x4096xf32>
    %log3A_176 = math.log %add3A_175 : vector<8x4096xf32>
    %log3A_177 = arith.constant 2.000000e+00 : f32
    %log3A_178 = math.log %log3A_177 : f32
    %div3A_179 = vector.broadcast %log3A_178 : f32 to vector<8x4096xf32>
    %div3A_180 = arith.divf %log3A_176, %div3A_179 : vector<8x4096xf32>
    %mul3A_181 = arith.constant 0.693147182 : f32
    %mul3A_182 = vector.broadcast %mul3A_181 : f32 to vector<8x4096xf32>
    %mul3A_183 = arith.mulf %mul3A_182, %div3A_180 : vector<8x4096xf32>
    %add3A_184 = arith.addf %max3A_172, %mul3A_183 : vector<8x4096xf32>
    %mul3A_185 = arith.mulf %get3A_161, %get3A_164 : vector<8x4096xf32>
    %sub3A_186 = arith.subf %add3A_184, %mul3A_185 : vector<8x4096xf32>
    %jit3A_187 = arith.constant 0.000000e+00 : f32
    %broadcast_in_dim3A_188 = vector.broadcast %jit3A_187 : f32 to vector<8x4096xf32>
    %select_n3A_189 = arith.select %lt3A_3, %sub3A_186, %broadcast_in_dim3A_188 : vector<8x4096xi1>, vector<8x4096xf32>
    %add3A_190 = arith.addf %add3A_158, %select_n3A_189 : vector<8x4096xf32>
    %get3A_191 = arith.constant 48 : index
    %get3A_192 = arith.constant 0 : index
    %get3A_193 = vector.load %arg1[%get3A_191, %get3A_192] : memref<128x4096xf32, #tpu.memory_space<vmem>>, vector<8x4096xf32>
    %get3A_194 = arith.constant 48 : index
    %get3A_195 = arith.constant 0 : index
    %get3A_196 = vector.load %arg2[%get3A_194, %get3A_195] : memref<128x4096xf32, #tpu.memory_space<vmem>>, vector<8x4096xf32>
    %abs3A_197 = math.absf %get3A_193 : vector<8x4096xf32>
    %mul3A_198 = arith.constant -1.44269502 : f32
    %mul3A_199 = vector.broadcast %mul3A_198 : f32 to vector<8x4096xf32>
    %mul3A_200 = arith.mulf %abs3A_197, %mul3A_199 : vector<8x4096xf32>
    %exp23A_201 = math.exp2 %mul3A_200 : vector<8x4096xf32>
    %max3A_202 = arith.constant 0.000000e+00 : f32
    %max3A_203 = vector.broadcast %max3A_202 : f32 to vector<8x4096xf32>
    %max3A_204 = arith.maximumf %get3A_193, %max3A_203 : vector<8x4096xf32>
    %add3A_205 = arith.constant 1.000000e+00 : f32
    %add3A_206 = vector.broadcast %add3A_205 : f32 to vector<8x4096xf32>
    %add3A_207 = arith.addf %add3A_206, %exp23A_201 : vector<8x4096xf32>
    %log3A_208 = math.log %add3A_207 : vector<8x4096xf32>
    %log3A_209 = arith.constant 2.000000e+00 : f32
    %log3A_210 = math.log %log3A_209 : f32
    %div3A_211 = vector.broadcast %log3A_210 : f32 to vector<8x4096xf32>
    %div3A_212 = arith.divf %log3A_208, %div3A_211 : vector<8x4096xf32>
    %mul3A_213 = arith.constant 0.693147182 : f32
    %mul3A_214 = vector.broadcast %mul3A_213 : f32 to vector<8x4096xf32>
    %mul3A_215 = arith.mulf %mul3A_214, %div3A_212 : vector<8x4096xf32>
    %add3A_216 = arith.addf %max3A_204, %mul3A_215 : vector<8x4096xf32>
    %mul3A_217 = arith.mulf %get3A_193, %get3A_196 : vector<8x4096xf32>
    %sub3A_218 = arith.subf %add3A_216, %mul3A_217 : vector<8x4096xf32>
    %jit3A_219 = arith.constant 0.000000e+00 : f32
    %broadcast_in_dim3A_220 = vector.broadcast %jit3A_219 : f32 to vector<8x4096xf32>
    %select_n3A_221 = arith.select %lt3A_3, %sub3A_218, %broadcast_in_dim3A_220 : vector<8x4096xi1>, vector<8x4096xf32>
    %add3A_222 = arith.addf %add3A_190, %select_n3A_221 : vector<8x4096xf32>
    %get3A_223 = arith.constant 56 : index
    %get3A_224 = arith.constant 0 : index
    %get3A_225 = vector.load %arg1[%get3A_223, %get3A_224] : memref<128x4096xf32, #tpu.memory_space<vmem>>, vector<8x4096xf32>
    %get3A_226 = arith.constant 56 : index
    %get3A_227 = arith.constant 0 : index
    %get3A_228 = vector.load %arg2[%get3A_226, %get3A_227] : memref<128x4096xf32, #tpu.memory_space<vmem>>, vector<8x4096xf32>
    %abs3A_229 = math.absf %get3A_225 : vector<8x4096xf32>
    %mul3A_230 = arith.constant -1.44269502 : f32
    %mul3A_231 = vector.broadcast %mul3A_230 : f32 to vector<8x4096xf32>
    %mul3A_232 = arith.mulf %abs3A_229, %mul3A_231 : vector<8x4096xf32>
    %exp23A_233 = math.exp2 %mul3A_232 : vector<8x4096xf32>
    %max3A_234 = arith.constant 0.000000e+00 : f32
    %max3A_235 = vector.broadcast %max3A_234 : f32 to vector<8x4096xf32>
    %max3A_236 = arith.maximumf %get3A_225, %max3A_235 : vector<8x4096xf32>
    %add3A_237 = arith.constant 1.000000e+00 : f32
    %add3A_238 = vector.broadcast %add3A_237 : f32 to vector<8x4096xf32>
    %add3A_239 = arith.addf %add3A_238, %exp23A_233 : vector<8x4096xf32>
    %log3A_240 = math.log %add3A_239 : vector<8x4096xf32>
    %log3A_241 = arith.constant 2.000000e+00 : f32
    %log3A_242 = math.log %log3A_241 : f32
    %div3A_243 = vector.broadcast %log3A_242 : f32 to vector<8x4096xf32>
    %div3A_244 = arith.divf %log3A_240, %div3A_243 : vector<8x4096xf32>
    %mul3A_245 = arith.constant 0.693147182 : f32
    %mul3A_246 = vector.broadcast %mul3A_245 : f32 to vector<8x4096xf32>
    %mul3A_247 = arith.mulf %mul3A_246, %div3A_244 : vector<8x4096xf32>
    %add3A_248 = arith.addf %max3A_236, %mul3A_247 : vector<8x4096xf32>
    %mul3A_249 = arith.mulf %get3A_225, %get3A_228 : vector<8x4096xf32>
    %sub3A_250 = arith.subf %add3A_248, %mul3A_249 : vector<8x4096xf32>
    %jit3A_251 = arith.constant 0.000000e+00 : f32
    %broadcast_in_dim3A_252 = vector.broadcast %jit3A_251 : f32 to vector<8x4096xf32>
    %select_n3A_253 = arith.select %lt3A_3, %sub3A_250, %broadcast_in_dim3A_252 : vector<8x4096xi1>, vector<8x4096xf32>
    %add3A_254 = arith.addf %add3A_222, %select_n3A_253 : vector<8x4096xf32>
    %get3A_255 = arith.constant 64 : index
    %get3A_256 = arith.constant 0 : index
    %get3A_257 = vector.load %arg1[%get3A_255, %get3A_256] : memref<128x4096xf32, #tpu.memory_space<vmem>>, vector<8x4096xf32>
    %get3A_258 = arith.constant 64 : index
    %get3A_259 = arith.constant 0 : index
    %get3A_260 = vector.load %arg2[%get3A_258, %get3A_259] : memref<128x4096xf32, #tpu.memory_space<vmem>>, vector<8x4096xf32>
    %abs3A_261 = math.absf %get3A_257 : vector<8x4096xf32>
    %mul3A_262 = arith.constant -1.44269502 : f32
    %mul3A_263 = vector.broadcast %mul3A_262 : f32 to vector<8x4096xf32>
    %mul3A_264 = arith.mulf %abs3A_261, %mul3A_263 : vector<8x4096xf32>
    %exp23A_265 = math.exp2 %mul3A_264 : vector<8x4096xf32>
    %max3A_266 = arith.constant 0.000000e+00 : f32
    %max3A_267 = vector.broadcast %max3A_266 : f32 to vector<8x4096xf32>
    %max3A_268 = arith.maximumf %get3A_257, %max3A_267 : vector<8x4096xf32>
    %add3A_269 = arith.constant 1.000000e+00 : f32
    %add3A_270 = vector.broadcast %add3A_269 : f32 to vector<8x4096xf32>
    %add3A_271 = arith.addf %add3A_270, %exp23A_265 : vector<8x4096xf32>
    %log3A_272 = math.log %add3A_271 : vector<8x4096xf32>
    %log3A_273 = arith.constant 2.000000e+00 : f32
    %log3A_274 = math.log %log3A_273 : f32
    %div3A_275 = vector.broadcast %log3A_274 : f32 to vector<8x4096xf32>
    %div3A_276 = arith.divf %log3A_272, %div3A_275 : vector<8x4096xf32>
    %mul3A_277 = arith.constant 0.693147182 : f32
    %mul3A_278 = vector.broadcast %mul3A_277 : f32 to vector<8x4096xf32>
    %mul3A_279 = arith.mulf %mul3A_278, %div3A_276 : vector<8x4096xf32>
    %add3A_280 = arith.addf %max3A_268, %mul3A_279 : vector<8x4096xf32>
    %mul3A_281 = arith.mulf %get3A_257, %get3A_260 : vector<8x4096xf32>
    %sub3A_282 = arith.subf %add3A_280, %mul3A_281 : vector<8x4096xf32>
    %jit3A_283 = arith.constant 0.000000e+00 : f32
    %broadcast_in_dim3A_284 = vector.broadcast %jit3A_283 : f32 to vector<8x4096xf32>
    %select_n3A_285 = arith.select %lt3A_3, %sub3A_282, %broadcast_in_dim3A_284 : vector<8x4096xi1>, vector<8x4096xf32>
    %add3A_286 = arith.addf %add3A_254, %select_n3A_285 : vector<8x4096xf32>
    %get3A_287 = arith.constant 72 : index
    %get3A_288 = arith.constant 0 : index
    %get3A_289 = vector.load %arg1[%get3A_287, %get3A_288] : memref<128x4096xf32, #tpu.memory_space<vmem>>, vector<8x4096xf32>
    %get3A_290 = arith.constant 72 : index
    %get3A_291 = arith.constant 0 : index
    %get3A_292 = vector.load %arg2[%get3A_290, %get3A_291] : memref<128x4096xf32, #tpu.memory_space<vmem>>, vector<8x4096xf32>
    %abs3A_293 = math.absf %get3A_289 : vector<8x4096xf32>
    %mul3A_294 = arith.constant -1.44269502 : f32
    %mul3A_295 = vector.broadcast %mul3A_294 : f32 to vector<8x4096xf32>
    %mul3A_296 = arith.mulf %abs3A_293, %mul3A_295 : vector<8x4096xf32>
    %exp23A_297 = math.exp2 %mul3A_296 : vector<8x4096xf32>
    %max3A_298 = arith.constant 0.000000e+00 : f32
    %max3A_299 = vector.broadcast %max3A_298 : f32 to vector<8x4096xf32>
    %max3A_300 = arith.maximumf %get3A_289, %max3A_299 : vector<8x4096xf32>
    %add3A_301 = arith.constant 1.000000e+00 : f32
    %add3A_302 = vector.broadcast %add3A_301 : f32 to vector<8x4096xf32>
    %add3A_303 = arith.addf %add3A_302, %exp23A_297 : vector<8x4096xf32>
    %log3A_304 = math.log %add3A_303 : vector<8x4096xf32>
    %log3A_305 = arith.constant 2.000000e+00 : f32
    %log3A_306 = math.log %log3A_305 : f32
    %div3A_307 = vector.broadcast %log3A_306 : f32 to vector<8x4096xf32>
    %div3A_308 = arith.divf %log3A_304, %div3A_307 : vector<8x4096xf32>
    %mul3A_309 = arith.constant 0.693147182 : f32
    %mul3A_310 = vector.broadcast %mul3A_309 : f32 to vector<8x4096xf32>
    %mul3A_311 = arith.mulf %mul3A_310, %div3A_308 : vector<8x4096xf32>
    %add3A_312 = arith.addf %max3A_300, %mul3A_311 : vector<8x4096xf32>
    %mul3A_313 = arith.mulf %get3A_289, %get3A_292 : vector<8x4096xf32>
    %sub3A_314 = arith.subf %add3A_312, %mul3A_313 : vector<8x4096xf32>
    %jit3A_315 = arith.constant 0.000000e+00 : f32
    %broadcast_in_dim3A_316 = vector.broadcast %jit3A_315 : f32 to vector<8x4096xf32>
    %select_n3A_317 = arith.select %lt3A_3, %sub3A_314, %broadcast_in_dim3A_316 : vector<8x4096xi1>, vector<8x4096xf32>
    %add3A_318 = arith.addf %add3A_286, %select_n3A_317 : vector<8x4096xf32>
    %get3A_319 = arith.constant 80 : index
    %get3A_320 = arith.constant 0 : index
    %get3A_321 = vector.load %arg1[%get3A_319, %get3A_320] : memref<128x4096xf32, #tpu.memory_space<vmem>>, vector<8x4096xf32>
    %get3A_322 = arith.constant 80 : index
    %get3A_323 = arith.constant 0 : index
    %get3A_324 = vector.load %arg2[%get3A_322, %get3A_323] : memref<128x4096xf32, #tpu.memory_space<vmem>>, vector<8x4096xf32>
    %abs3A_325 = math.absf %get3A_321 : vector<8x4096xf32>
    %mul3A_326 = arith.constant -1.44269502 : f32
    %mul3A_327 = vector.broadcast %mul3A_326 : f32 to vector<8x4096xf32>
    %mul3A_328 = arith.mulf %abs3A_325, %mul3A_327 : vector<8x4096xf32>
    %exp23A_329 = math.exp2 %mul3A_328 : vector<8x4096xf32>
    %max3A_330 = arith.constant 0.000000e+00 : f32
    %max3A_331 = vector.broadcast %max3A_330 : f32 to vector<8x4096xf32>
    %max3A_332 = arith.maximumf %get3A_321, %max3A_331 : vector<8x4096xf32>
    %add3A_333 = arith.constant 1.000000e+00 : f32
    %add3A_334 = vector.broadcast %add3A_333 : f32 to vector<8x4096xf32>
    %add3A_335 = arith.addf %add3A_334, %exp23A_329 : vector<8x4096xf32>
    %log3A_336 = math.log %add3A_335 : vector<8x4096xf32>
    %log3A_337 = arith.constant 2.000000e+00 : f32
    %log3A_338 = math.log %log3A_337 : f32
    %div3A_339 = vector.broadcast %log3A_338 : f32 to vector<8x4096xf32>
    %div3A_340 = arith.divf %log3A_336, %div3A_339 : vector<8x4096xf32>
    %mul3A_341 = arith.constant 0.693147182 : f32
    %mul3A_342 = vector.broadcast %mul3A_341 : f32 to vector<8x4096xf32>
    %mul3A_343 = arith.mulf %mul3A_342, %div3A_340 : vector<8x4096xf32>
    %add3A_344 = arith.addf %max3A_332, %mul3A_343 : vector<8x4096xf32>
    %mul3A_345 = arith.mulf %get3A_321, %get3A_324 : vector<8x4096xf32>
    %sub3A_346 = arith.subf %add3A_344, %mul3A_345 : vector<8x4096xf32>
    %jit3A_347 = arith.constant 0.000000e+00 : f32
    %broadcast_in_dim3A_348 = vector.broadcast %jit3A_347 : f32 to vector<8x4096xf32>
    %select_n3A_349 = arith.select %lt3A_3, %sub3A_346, %broadcast_in_dim3A_348 : vector<8x4096xi1>, vector<8x4096xf32>
    %add3A_350 = arith.addf %add3A_318, %select_n3A_349 : vector<8x4096xf32>
    %get3A_351 = arith.constant 88 : index
    %get3A_352 = arith.constant 0 : index
    %get3A_353 = vector.load %arg1[%get3A_351, %get3A_352] : memref<128x4096xf32, #tpu.memory_space<vmem>>, vector<8x4096xf32>
    %get3A_354 = arith.constant 88 : index
    %get3A_355 = arith.constant 0 : index
    %get3A_356 = vector.load %arg2[%get3A_354, %get3A_355] : memref<128x4096xf32, #tpu.memory_space<vmem>>, vector<8x4096xf32>
    %abs3A_357 = math.absf %get3A_353 : vector<8x4096xf32>
    %mul3A_358 = arith.constant -1.44269502 : f32
    %mul3A_359 = vector.broadcast %mul3A_358 : f32 to vector<8x4096xf32>
    %mul3A_360 = arith.mulf %abs3A_357, %mul3A_359 : vector<8x4096xf32>
    %exp23A_361 = math.exp2 %mul3A_360 : vector<8x4096xf32>
    %max3A_362 = arith.constant 0.000000e+00 : f32
    %max3A_363 = vector.broadcast %max3A_362 : f32 to vector<8x4096xf32>
    %max3A_364 = arith.maximumf %get3A_353, %max3A_363 : vector<8x4096xf32>
    %add3A_365 = arith.constant 1.000000e+00 : f32
    %add3A_366 = vector.broadcast %add3A_365 : f32 to vector<8x4096xf32>
    %add3A_367 = arith.addf %add3A_366, %exp23A_361 : vector<8x4096xf32>
    %log3A_368 = math.log %add3A_367 : vector<8x4096xf32>
    %log3A_369 = arith.constant 2.000000e+00 : f32
    %log3A_370 = math.log %log3A_369 : f32
    %div3A_371 = vector.broadcast %log3A_370 : f32 to vector<8x4096xf32>
    %div3A_372 = arith.divf %log3A_368, %div3A_371 : vector<8x4096xf32>
    %mul3A_373 = arith.constant 0.693147182 : f32
    %mul3A_374 = vector.broadcast %mul3A_373 : f32 to vector<8x4096xf32>
    %mul3A_375 = arith.mulf %mul3A_374, %div3A_372 : vector<8x4096xf32>
    %add3A_376 = arith.addf %max3A_364, %mul3A_375 : vector<8x4096xf32>
    %mul3A_377 = arith.mulf %get3A_353, %get3A_356 : vector<8x4096xf32>
    %sub3A_378 = arith.subf %add3A_376, %mul3A_377 : vector<8x4096xf32>
    %jit3A_379 = arith.constant 0.000000e+00 : f32
    %broadcast_in_dim3A_380 = vector.broadcast %jit3A_379 : f32 to vector<8x4096xf32>
    %select_n3A_381 = arith.select %lt3A_3, %sub3A_378, %broadcast_in_dim3A_380 : vector<8x4096xi1>, vector<8x4096xf32>
    %add3A_382 = arith.addf %add3A_350, %select_n3A_381 : vector<8x4096xf32>
    %get3A_383 = arith.constant 96 : index
    %get3A_384 = arith.constant 0 : index
    %get3A_385 = vector.load %arg1[%get3A_383, %get3A_384] : memref<128x4096xf32, #tpu.memory_space<vmem>>, vector<8x4096xf32>
    %get3A_386 = arith.constant 96 : index
    %get3A_387 = arith.constant 0 : index
    %get3A_388 = vector.load %arg2[%get3A_386, %get3A_387] : memref<128x4096xf32, #tpu.memory_space<vmem>>, vector<8x4096xf32>
    %abs3A_389 = math.absf %get3A_385 : vector<8x4096xf32>
    %mul3A_390 = arith.constant -1.44269502 : f32
    %mul3A_391 = vector.broadcast %mul3A_390 : f32 to vector<8x4096xf32>
    %mul3A_392 = arith.mulf %abs3A_389, %mul3A_391 : vector<8x4096xf32>
    %exp23A_393 = math.exp2 %mul3A_392 : vector<8x4096xf32>
    %max3A_394 = arith.constant 0.000000e+00 : f32
    %max3A_395 = vector.broadcast %max3A_394 : f32 to vector<8x4096xf32>
    %max3A_396 = arith.maximumf %get3A_385, %max3A_395 : vector<8x4096xf32>
    %add3A_397 = arith.constant 1.000000e+00 : f32
    %add3A_398 = vector.broadcast %add3A_397 : f32 to vector<8x4096xf32>
    %add3A_399 = arith.addf %add3A_398, %exp23A_393 : vector<8x4096xf32>
    %log3A_400 = math.log %add3A_399 : vector<8x4096xf32>
    %log3A_401 = arith.constant 2.000000e+00 : f32
    %log3A_402 = math.log %log3A_401 : f32
    %div3A_403 = vector.broadcast %log3A_402 : f32 to vector<8x4096xf32>
    %div3A_404 = arith.divf %log3A_400, %div3A_403 : vector<8x4096xf32>
    %mul3A_405 = arith.constant 0.693147182 : f32
    %mul3A_406 = vector.broadcast %mul3A_405 : f32 to vector<8x4096xf32>
    %mul3A_407 = arith.mulf %mul3A_406, %div3A_404 : vector<8x4096xf32>
    %add3A_408 = arith.addf %max3A_396, %mul3A_407 : vector<8x4096xf32>
    %mul3A_409 = arith.mulf %get3A_385, %get3A_388 : vector<8x4096xf32>
    %sub3A_410 = arith.subf %add3A_408, %mul3A_409 : vector<8x4096xf32>
    %jit3A_411 = arith.constant 0.000000e+00 : f32
    %broadcast_in_dim3A_412 = vector.broadcast %jit3A_411 : f32 to vector<8x4096xf32>
    %select_n3A_413 = arith.select %lt3A_3, %sub3A_410, %broadcast_in_dim3A_412 : vector<8x4096xi1>, vector<8x4096xf32>
    %add3A_414 = arith.addf %add3A_382, %select_n3A_413 : vector<8x4096xf32>
    %get3A_415 = arith.constant 104 : index
    %get3A_416 = arith.constant 0 : index
    %get3A_417 = vector.load %arg1[%get3A_415, %get3A_416] : memref<128x4096xf32, #tpu.memory_space<vmem>>, vector<8x4096xf32>
    %get3A_418 = arith.constant 104 : index
    %get3A_419 = arith.constant 0 : index
    %get3A_420 = vector.load %arg2[%get3A_418, %get3A_419] : memref<128x4096xf32, #tpu.memory_space<vmem>>, vector<8x4096xf32>
    %abs3A_421 = math.absf %get3A_417 : vector<8x4096xf32>
    %mul3A_422 = arith.constant -1.44269502 : f32
    %mul3A_423 = vector.broadcast %mul3A_422 : f32 to vector<8x4096xf32>
    %mul3A_424 = arith.mulf %abs3A_421, %mul3A_423 : vector<8x4096xf32>
    %exp23A_425 = math.exp2 %mul3A_424 : vector<8x4096xf32>
    %max3A_426 = arith.constant 0.000000e+00 : f32
    %max3A_427 = vector.broadcast %max3A_426 : f32 to vector<8x4096xf32>
    %max3A_428 = arith.maximumf %get3A_417, %max3A_427 : vector<8x4096xf32>
    %add3A_429 = arith.constant 1.000000e+00 : f32
    %add3A_430 = vector.broadcast %add3A_429 : f32 to vector<8x4096xf32>
    %add3A_431 = arith.addf %add3A_430, %exp23A_425 : vector<8x4096xf32>
    %log3A_432 = math.log %add3A_431 : vector<8x4096xf32>
    %log3A_433 = arith.constant 2.000000e+00 : f32
    %log3A_434 = math.log %log3A_433 : f32
    %div3A_435 = vector.broadcast %log3A_434 : f32 to vector<8x4096xf32>
    %div3A_436 = arith.divf %log3A_432, %div3A_435 : vector<8x4096xf32>
    %mul3A_437 = arith.constant 0.693147182 : f32
    %mul3A_438 = vector.broadcast %mul3A_437 : f32 to vector<8x4096xf32>
    %mul3A_439 = arith.mulf %mul3A_438, %div3A_436 : vector<8x4096xf32>
    %add3A_440 = arith.addf %max3A_428, %mul3A_439 : vector<8x4096xf32>
    %mul3A_441 = arith.mulf %get3A_417, %get3A_420 : vector<8x4096xf32>
    %sub3A_442 = arith.subf %add3A_440, %mul3A_441 : vector<8x4096xf32>
    %jit3A_443 = arith.constant 0.000000e+00 : f32
    %broadcast_in_dim3A_444 = vector.broadcast %jit3A_443 : f32 to vector<8x4096xf32>
    %select_n3A_445 = arith.select %lt3A_3, %sub3A_442, %broadcast_in_dim3A_444 : vector<8x4096xi1>, vector<8x4096xf32>
    %add3A_446 = arith.addf %add3A_414, %select_n3A_445 : vector<8x4096xf32>
    %get3A_447 = arith.constant 112 : index
    %get3A_448 = arith.constant 0 : index
    %get3A_449 = vector.load %arg1[%get3A_447, %get3A_448] : memref<128x4096xf32, #tpu.memory_space<vmem>>, vector<8x4096xf32>
    %get3A_450 = arith.constant 112 : index
    %get3A_451 = arith.constant 0 : index
    %get3A_452 = vector.load %arg2[%get3A_450, %get3A_451] : memref<128x4096xf32, #tpu.memory_space<vmem>>, vector<8x4096xf32>
    %abs3A_453 = math.absf %get3A_449 : vector<8x4096xf32>
    %mul3A_454 = arith.constant -1.44269502 : f32
    %mul3A_455 = vector.broadcast %mul3A_454 : f32 to vector<8x4096xf32>
    %mul3A_456 = arith.mulf %abs3A_453, %mul3A_455 : vector<8x4096xf32>
    %exp23A_457 = math.exp2 %mul3A_456 : vector<8x4096xf32>
    %max3A_458 = arith.constant 0.000000e+00 : f32
    %max3A_459 = vector.broadcast %max3A_458 : f32 to vector<8x4096xf32>
    %max3A_460 = arith.maximumf %get3A_449, %max3A_459 : vector<8x4096xf32>
    %add3A_461 = arith.constant 1.000000e+00 : f32
    %add3A_462 = vector.broadcast %add3A_461 : f32 to vector<8x4096xf32>
    %add3A_463 = arith.addf %add3A_462, %exp23A_457 : vector<8x4096xf32>
    %log3A_464 = math.log %add3A_463 : vector<8x4096xf32>
    %log3A_465 = arith.constant 2.000000e+00 : f32
    %log3A_466 = math.log %log3A_465 : f32
    %div3A_467 = vector.broadcast %log3A_466 : f32 to vector<8x4096xf32>
    %div3A_468 = arith.divf %log3A_464, %div3A_467 : vector<8x4096xf32>
    %mul3A_469 = arith.constant 0.693147182 : f32
    %mul3A_470 = vector.broadcast %mul3A_469 : f32 to vector<8x4096xf32>
    %mul3A_471 = arith.mulf %mul3A_470, %div3A_468 : vector<8x4096xf32>
    %add3A_472 = arith.addf %max3A_460, %mul3A_471 : vector<8x4096xf32>
    %mul3A_473 = arith.mulf %get3A_449, %get3A_452 : vector<8x4096xf32>
    %sub3A_474 = arith.subf %add3A_472, %mul3A_473 : vector<8x4096xf32>
    %jit3A_475 = arith.constant 0.000000e+00 : f32
    %broadcast_in_dim3A_476 = vector.broadcast %jit3A_475 : f32 to vector<8x4096xf32>
    %select_n3A_477 = arith.select %lt3A_3, %sub3A_474, %broadcast_in_dim3A_476 : vector<8x4096xi1>, vector<8x4096xf32>
    %add3A_478 = arith.addf %add3A_446, %select_n3A_477 : vector<8x4096xf32>
    %get3A_479 = arith.constant 120 : index
    %get3A_480 = arith.constant 0 : index
    %get3A_481 = vector.load %arg1[%get3A_479, %get3A_480] : memref<128x4096xf32, #tpu.memory_space<vmem>>, vector<8x4096xf32>
    %get3A_482 = arith.constant 120 : index
    %get3A_483 = arith.constant 0 : index
    %get3A_484 = vector.load %arg2[%get3A_482, %get3A_483] : memref<128x4096xf32, #tpu.memory_space<vmem>>, vector<8x4096xf32>
    %abs3A_485 = math.absf %get3A_481 : vector<8x4096xf32>
    %mul3A_486 = arith.constant -1.44269502 : f32
    %mul3A_487 = vector.broadcast %mul3A_486 : f32 to vector<8x4096xf32>
    %mul3A_488 = arith.mulf %abs3A_485, %mul3A_487 : vector<8x4096xf32>
    %exp23A_489 = math.exp2 %mul3A_488 : vector<8x4096xf32>
    %max3A_490 = arith.constant 0.000000e+00 : f32
    %max3A_491 = vector.broadcast %max3A_490 : f32 to vector<8x4096xf32>
    %max3A_492 = arith.maximumf %get3A_481, %max3A_491 : vector<8x4096xf32>
    %add3A_493 = arith.constant 1.000000e+00 : f32
    %add3A_494 = vector.broadcast %add3A_493 : f32 to vector<8x4096xf32>
    %add3A_495 = arith.addf %add3A_494, %exp23A_489 : vector<8x4096xf32>
    %log3A_496 = math.log %add3A_495 : vector<8x4096xf32>
    %log3A_497 = arith.constant 2.000000e+00 : f32
    %log3A_498 = math.log %log3A_497 : f32
    %div3A_499 = vector.broadcast %log3A_498 : f32 to vector<8x4096xf32>
    %div3A_500 = arith.divf %log3A_496, %div3A_499 : vector<8x4096xf32>
    %mul3A_501 = arith.constant 0.693147182 : f32
    %mul3A_502 = vector.broadcast %mul3A_501 : f32 to vector<8x4096xf32>
    %mul3A_503 = arith.mulf %mul3A_502, %div3A_500 : vector<8x4096xf32>
    %add3A_504 = arith.addf %max3A_492, %mul3A_503 : vector<8x4096xf32>
    %mul3A_505 = arith.mulf %get3A_481, %get3A_484 : vector<8x4096xf32>
    %sub3A_506 = arith.subf %add3A_504, %mul3A_505 : vector<8x4096xf32>
    %jit3A_507 = arith.constant 0.000000e+00 : f32
    %broadcast_in_dim3A_508 = vector.broadcast %jit3A_507 : f32 to vector<8x4096xf32>
    %select_n3A_509 = arith.select %lt3A_3, %sub3A_506, %broadcast_in_dim3A_508 : vector<8x4096xi1>, vector<8x4096xf32>
    %add3A_510 = arith.addf %add3A_478, %select_n3A_509 : vector<8x4096xf32>
    %swap3A = arith.constant 0 : index
    %swap3A_511 = arith.constant 0 : index
    %swap3A_512 = vector.load %arg4[%swap3A, %swap3A_511] : memref<8x4096xf32, #tpu.memory_space<vmem>>, vector<8x4096xf32>
    tpu.vector_store %arg4[%swap3A, %swap3A_511], %add3A_510 {strides = array<i32>} : memref<8x4096xf32, #tpu.memory_space<vmem>>, vector<8x4096xf32>,
    %eq3A_513 = arith.constant 7 : i32
    %eq3A_514 = arith.cmpi eq, %arg0, %eq3A_513 : i32
    %convert_element_type3A_515 = arith.extui %eq3A_514 : i1 to i32
    %cond3A_516 = arith.constant 0 : i32
    %cond3A_517 = arith.cmpi ne, %convert_element_type3A_515, %cond3A_516 : i32
    scf.if %cond3A_517 {
      %reduce_sum3A = vector.shape_cast %add3A_510 : vector<8x4096xf32> to vector<1x8x4096xf32>
      %reduce_sum3A_518 = arith.constant dense<0.000000e+00> : vector<1xf32>
      %reduce_sum3A_519 = vector.multi_reduction <add>, %reduce_sum3A, %reduce_sum3A_518 [1, 2] : vector<1x8x4096xf32> to vector<1xf32>
      %reduce_sum3A_520 = vector.shape_cast %reduce_sum3A_519 : vector<1xf32> to vector<1x1x1xf32>
      %reduce_sum3A_521 = vector.extract %reduce_sum3A_520[0, 0, 0] : f32 from vector<1x1x1xf32>
      %swap3A_522 = arith.constant 0 : index
      %swap3A_523 = arith.constant 0 : index
      %swap3A_524 = memref.load %arg3[%swap3A_522, %swap3A_523] : memref<1x1xf32, #tpu.memory_space<smem>>
      memref.store %reduce_sum3A_521, %arg3[%swap3A_522, %swap3A_523] : memref<1x1xf32, #tpu.memory_space<smem>>
    } else {
    }
    return
  }
  func.func @transform_0(%arg0: i32) -> (i32, i32) {
    %c0_i32 = arith.constant 0 : i32
    %c0_i32_0 = arith.constant 0 : i32
    return %c0_i32, %arg0 : i32, i32
  }
  func.func @transform_1(%arg0: i32) -> (i32, i32) {
    %c0_i32 = arith.constant 0 : i32
    %c0_i32_0 = arith.constant 0 : i32
    return %c0_i32, %arg0 : i32, i32
  }
  func.func @transform_2(%arg0: i32) -> (i32, i32) {
    %c0_i32 = arith.constant 0 : i32
    %c0_i32_0 = arith.constant 0 : i32
    %c0_i32_1 = arith.constant 0 : i32
    return %c0_i32, %c0_i32_0 : i32, i32
  }
}

</mosaic_0001>

<sc_bundles>
// kernel: kernel.4.cloned.1.call-start
scs
__scs_entry_jumppad:
0x0: {  	(pc) =	sbr.rel $0x88, $3  }
0x1: {  	(tag) =	ssettag $0x0;
	lr =	simm.s32 $0x1  }
0x2: {  	[smem:$0x3F9F] =	sst lr;
	_ =	strace $0xD0000000  }
0x3: {  	_ = 	snop  }
0x4: {  	_ = 	snop  }
0x5: {  	_ = 	snop  }
0x6: {  	_ = 	snop  }
0x7: {  	_ = 	snop  }
__scs_overlays_trampoline_lowered:
0x8: {  	[smem:$0x3FAE] =	sst s0  }
0x9: {  	[smem:$0x3FAF] =	sst s1  }
0xa: {  	[smem:$0x3FB0] =	sst s2  }
0xb: {  	[smem:$0x3FB1] =	sst s3  }
0xc: {  	[smem:$0x3FB2] =	sst s4  }
0xd: {  	[smem:$0x3FB3] =	sst s5  }
0xe: {  	[smem:$0x3FB4] =	sst s6  }
0xf: {  	[smem:$0x3FB5] =	sst s7  }
0x10: {  	[smem:$0x3FB6] =	sst s8  }
0x11: {  	[smem:$0x3FB7] =	sst s9;
	s0 =	simm.s32 @!p0 $0x0  }
0x12: {  	s1 =	sld [smem:$0x3F9D];
	s0 =	simm.s32 @p0 $0x1  }
0x13: {  	[smem:$0x3FB8] =	sst s0;
	s0 =	simm.s32 @!p1 $0x0  }
0x14: {  	s2 =	sld [smem:$0x3F9C];
	s0 =	simm.s32 @p1 $0x1  }
0x15: {  	[smem:$0x3FB9] =	sst s0;
	s0 =	simm.s32 @!p2 $0x0  }
0x16: {  	s3 =	sld [smem:$0x3FDB];
	s0 =	simm.s32 @p2 $0x1  }
0x17: {  	s4 =	simm.s32 $0x1BF5;
	[smem:$0x3FBB] =	sst s0  }
0x18: {  	s0 =	sld [smem:$0x3F9E];
	_ =	swait.ge [sflag:s4], $0x0  }
0x19: {  	s7 =	sld [smem:$0x3F9F]  }
0x1a: {  	s8 =	sadd.s32 $0xFFFFE003, lr  }
0x1b: {  	s9 =	sadd.s32 $0xFFFFFEF7, lr;
	s5 =	simm.s32 $0xFFFFFFFF;
	p2 =	slt.u32 s8, $0xFFFFF086  }
0x1c: {  	p1 =	slt.u32 s9, $0xF7A;
	s5 =	simm.s32 @!p2 $0x0  }
0x1d: {  	s5 =	simm.s32 @p1 $0x1;
	p0 =	seq.s32 s7, s2  }
0x1e: {  	s7 =	smul.u32 @!p0 $0xF7A, s2;
	p2 =	seq.s32 @!p0 s5, $0x0  }
0x1f: {  	s9 =	smul.u32 $0xF7A, s1;
	s8 =	simm.s32 @!p0 $0x1BF5;
	p2 =	por !p2, p0  }
0x20: {  	[sflag:s8] =	ssyncset.s32 @!p0 $0xFFFFF086;
	s6 =	sadd.s32 @!p0 s3, s7;
	s7 =	simm.s32 @!p0 $0x108  }
0x21: {  	s3 =	sadd.s32 s3, s9;
	s6 =	sadd.s32 @!p0 $0x88, s6;
	s7 =	simm.s32 @p2 $0x1082  }
0x22: {  	[simem:s7], [sflag:s8] =	dma.local @!p0 [hbm:s6], $0xF7A  }
0x23: {  	s9 =	sor.u32 $0xD0000000, s2;
	s6 =	simm.s32 $0x108;
	_ =	swait.ge @!p0 [sflag:s8], $0x0  }
0x24: {  	s3 =	sadd.s32 $0x88, s3;
	s6 =	simm.s32 @!p1 $0x1082;
	[sflag:s4] =	ssyncset.s32 $0xFFFFF086  }
0x25: {  	[simem:s6], [sflag:s4] =	dma.local [hbm:s3], $0xF7A  }
0x26: {  	[smem:$0x3F9F] =	sst s1;
	(tag) =	ssettag s2;
	_ =	strace s9  }
0x27: {  	s1 =	sld [smem:$0x3FAF]  }
0x28: {  	s2 =	sld [smem:$0x3FB0]  }
0x29: {  	s4 =	sld [smem:$0x3FB2]  }
0x2a: {  	p0 =	seq.s32 s5, $0x0;
	s5 =	sld [smem:$0x3FB3]  }
0x2b: {  	s6 =	sld [smem:$0x3FB4]  }
0x2c: {  	s7 =	sld [smem:$0x3FB5]  }
0x2d: {  	s3 =	simm.s32 $0x108;
	s8 =	sld [smem:$0x3FB6]  }
0x2e: {  	s3 =	simm.s32 @!p0 $0x1082;
	s9 =	sld [smem:$0x3FB7]  }
0x2f: {  	lr =	sadd.s32 s0, s3;
	s0 =	sld [smem:$0x3FAE]  }
0x30: {  	s3 =	sld [smem:$0x3FB1]  }
0x31: {  	[smem:$0x3FBA] =	sst s10  }
0x32: {  	s10 =	sld [smem:$0x3FB8];
	_ =	sdelay $0x3  }
0x33: {  	p0 =	seq.s32 s10, $0x1;
	s10 =	sld [smem:$0x3FBA];
	_ =	sdelay $0x3  }
0x34: {  	[smem:$0x3FBA] =	sst s10  }
0x35: {  	s10 =	sld [smem:$0x3FB9];
	_ =	sdelay $0x3  }
0x36: {  	p1 =	seq.s32 s10, $0x1;
	s10 =	sld [smem:$0x3FBA];
	_ =	sdelay $0x3  }
0x37: {  	[smem:$0x3FBA] =	sst s10  }
0x38: {  	s10 =	sld [smem:$0x3FBB]  }
0x39: {  	_ = 	snop;
	(pc) =	sbr.ind lr, $3  }
0x3a: {  	_ = 	snop  }
0x3b: {  	_ = 	snop  }
0x3c: {  	p2 =	seq.s32 s10, $0x1;
	s10 =	sld [smem:$0x3FBA]  }
0x3d: {  	_ =	shalt  }
0x3e: {  	_ =	shalt  }
0x3f: {  	_ =	shalt  }
0x40: {  	_ =	shalt  }
0x41: {  	_ =	shalt  }
0x42: {  	_ =	shalt  }
0x43: {  	_ =	shalt  }
0x44: {  	_ =	shalt  }
0x45: {  	_ =	shalt  }
0x46: {  	_ =	shalt  }
0x47: {  	_ =	shalt  }
0x48: {  	_ =	shalt  }
0x49: {  	_ =	shalt  }
0x4a: {  	_ =	shalt  }
0x4b: {  	_ =	shalt  }
0x4c: {  	_ =	shalt  }
0x4d: {  	_ =	shalt  }
0x4e: {  	_ =	shalt  }
0x4f: {  	_ =	shalt  }
0x50: {  	_ =	shalt  }
0x51: {  	_ =	shalt  }
0x52: {  	_ =	shalt  }
0x53: {  	_ =	shalt  }
0x54: {  	_ =	shalt  }
0x55: {  	_ =	shalt  }
0x56: {  	_ =	shalt  }
0x57: {  	_ =	shalt  }
0x58: {  	_ =	shalt  }
0x59: {  	_ =	shalt  }
0x5a: {  	_ =	shalt  }
0x5b: {  	_ =	shalt  }
0x5c: {  	_ =	shalt  }
0x5d: {  	_ =	shalt  }
0x5e: {  	_ =	shalt  }
0x5f: {  	_ =	shalt  }
0x60: {  	_ =	shalt  }
0x61: {  	_ =	shalt  }
0x62: {  	_ =	shalt  }
0x63: {  	_ =	shalt  }
0x64: {  	_ =	shalt  }
0x65: {  	_ =	shalt  }
0x66: {  	_ =	shalt  }
0x67: {  	_ =	shalt  }
0x68: {  	_ =	shalt  }
0x69: {  	_ =	shalt  }
0x6a: {  	_ =	shalt  }
0x6b: {  	_ =	shalt  }
0x6c: {  	_ =	shalt  }
0x6d: {  	_ =	shalt  }
0x6e: {  	_ =	shalt  }
0x6f: {  	_ =	shalt  }
0x70: {  	_ =	shalt  }
0x71: {  	_ =	shalt  }
0x72: {  	_ =	shalt  }
0x73: {  	_ =	shalt  }
0x74: {  	_ =	shalt  }
0x75: {  	_ =	shalt  }
0x76: {  	_ =	shalt  }
0x77: {  	_ =	shalt  }
0x78: {  	_ =	shalt  }
0x79: {  	_ =	shalt  }
0x7a: {  	_ =	shalt  }
0x7b: {  	_ =	shalt  }
0x7c: {  	_ =	shalt  }
0x7d: {  	_ =	shalt  }
0x7e: {  	_ =	shalt  }
0x7f: {  	_ =	shalt  }
0x80: {  	_ =	shalt  }
0x81: {  	_ =	shalt  }
0x82: {  	_ =	shalt  }
0x83: {  	_ =	shalt  }
0x84: {  	_ =	shalt  }
0x85: {  	_ =	shalt  }
0x86: {  	_ =	shalt  }
0x87: {  	_ =	shalt  }
.Lfunc_end0:
.L_simem_size_0:
called_computation_lowered:
.L_overlay_start_0:
0x88: {  	s2 =	sld [smem:$0x3FD9]  }
0x89: {  	s3 =	sld [smem:$0x3FFE];
	_ =	sdelay $0x1  }
0x8a: {  	s1 =	srdreg.scid  }
0x8b: {  	s0 =	sand.u32 $0x1, s1  }
0x8c: {  	s17 =	sshll.u32 s0, $0xA;
	s2 =	sadd.s32 s3, s2  }
0x8d: {  	s2 =	sadd.s32 s2, s17  }
0x8e: {  	[smem:$0x3FC6] =	sst s2  }
0x8f: {  	_ = 	snop  }
0x90: {  	s2 =	sld [smem:$0x3FC9]  }
0x91: {  	s18 =	sld [smem:$0x3FC8];
	(tm) =	ssettm $0x1  }
0x92: {  	s4 =	sld [smem:$0x3FFB];
	_ =	sdelay $0x3  }
0x93: {  	_ =	strace s4  }
0x94: {  	s4 =	sld [smem:$0x3FFC];
	_ =	sdelay $0x3  }
0x95: {  	_ =	strace s4  }
0x96: {  	s4 =	sld [smem:$0x3FFD];
	_ =	sdelay $0x3  }
0x97: {  	_ =	strace s4  }
0x98: {  	_ =	strace $0x8FFFFFFF  }
0x99: {  	s19 =	sld [smem:$0x3FDB];
	_ =	sdelay $0x1  }
0x9a: {  	s5 =	simm.s32 $_scs_section_size  }
0x9b: {  	s6 =	simm.s32 $_size__tile_overlayer_lowered;
	s7 =	simm.s32 $_tile_overlayer_lowered  }
0x9c: {  	s22 =	simm.s32 $0x1BFF;
	s21 =	sshll.u32 s7, $0x1;
	s4 =	sadd.s32 s5, s19  }
0x9d: {  	s8 =	simm.s32 $0x0;
	s20 =	sshll.u32 s6, $0x1;
	s6 =	sadd.s32 s21, s4  }
0x9e: {  	[timem:s8], [sflag:s22] =	dma.local [hbm:s6], s20  }
0x9f: {  	_ =	swait.ge [sflag:s22], s20  }
0xa0: {  	s5 =	ssub.s32 $0x0, s20;
	[sflag:s22] =	ssyncset.done $0x0  }
0xa1: {  	[sflag:s22] =	ssyncadd.s32 s5;
	_ =	sdelay $0x1  }
0xa2: {  	s23 =	simm.s32 $0x1B8B  }
0xa3: {  	_ =	swait.ge [sflag:s23], $0x1  }
0xa4: {  	[sflag:s23] =	ssyncset.done $0x0  }
0xa5: {  	s25 =	simm.s32 $0x1B8E;
	s24 =	sld [smem:$0x3FFE];
	[sflag:s23] =	ssyncadd.s32 $0xFFFFFFFF  }
0xa6: {  	s26 =	simm.s32 $execute0_lowered;
	[smem:$0x3FD2] =	sst s25  }
0xa7: {  	s6 =	sshll.u32 s26, $0x1;
	_ =	strace $0x80000046;
	[dreg:$0x1] =	wrdreg $0xFFFFFFFF  }
0xa8: {  	s28 =	simm.s32 $_size_execute0_lowered;
	s4 =	sadd.s32 s4, s6;
	[dreg:$0x0] =	wrdreg $0x0  }
0xa9: {  	s6 =	sshll.u32 s28, $0x1;
	[dreg:$0x2] =	wrdreg s4  }
0xaa: {  	[dreg:$0x3] =	wrdreg s6  }
0xab: {  	[dreg:$0x4] =	wrdreg $0xC0  }
0xac: {  	_ =	task [dreg:s8], $0x5FFFF  }
0xad: {  	[dreg:$0x1] =	wrdreg $0xFFFFFFFF  }
0xae: {  	[dreg:$0x0] =	wrdreg $0x60  }
0xaf: {  	[dreg:$0x2] =	wrdreg s2  }
0xb0: {  	[dreg:$0x3] =	wrdreg s18  }
0xb1: {  	[dreg:$0x4] =	wrdreg s24  }
0xb2: {  	[dreg:$0x5] =	wrdreg $0x9  }
0xb3: {  	_ =	task.clear_ibuf [dreg:s8], $0x6FFFF;
	_ =	strace $0x90000046  }
0xb4: {  	s29 =	simm.s32 $0x9;
	_ =	strace $0x80000048  }
0xb5: {  	_ =	swait.ge [sflag:s29], $0x1  }
0xb6: {  	[sflag:s29] =	ssyncadd.s32 $0xFFFFFFFF  }
0xb7: {  	_ =	strace $0x90000048  }
0xb8: {  	_ =	sfence  }
0xb9: {  	s30 =	sld [smem:$0x0];
	_ =	sdelay $0x2  }
0xba: {  	s31 =	sshll.u32 s1, $0xD;
	s1 =	sshrl.u32 s1, $0x2  }
0xbb: {  	s3 =	sand.u32 $0x4000, s31;
	s1 =	sadd.s32 s1, s30  }
0xbc: {  	s0 =	sor.u32 s3, s0;
	s1 =	sshll.u32 s1, $0x11  }
0xbd: {  	s0 =	sor.u32 s1, s0  }
0xbe: {  	s0 =	sadd.s32 $0x8F2B, s0  }
0xbf: {  	[sflag:s0] =	ssyncadd.remote.s32 $0x1  }
0xc0: {  	_ =	sfence.sel $0xFFFF  }
0xc1: {  	[dreg:$0x0] =	wrdreg $0xFFFFFFFF;
	(pc) =	sbr.abs _section_cstart, $3  }
0xc2: {  	[dreg:$0x1] =	wrdreg $0xFFFFFFFF  }
0xc3: {  	_ =	task.clear_ibuf [dreg:s8], $0x2FFFF;
	_ =	strace $0x9FFFFFFF  }
0xc4: {  	(tm) =	ssettm $0x7FFFFFFF  }
0xc5: {  	_ =	shalt  }
tec
execute0_lowered:
.L_overlay_start_1:
0x0: {  	(tag) =	ssettag $0x1  }
0x1: {  	s1 =	srdreg.scid;
	s0 =	stileid.u32  }
0x2: {  	s7 =	sand.u32 $0x1, s1;
	s20 =	sshll.u32 s0, $0x1  }
0x3: {  	s2 =	simm.s32 $0x1;
	s8 =	sor.u32 s7, s20  }
0x4: {  	s3 =	rddreg [dreg:$0x1];
	p1 =	seq.s32 s7, $0x1;
	p0 =	seq.s32 s8, $0x0  }
0x5: {  	s9 =	rddreg [dreg:$0x2];
	s4 =	simm.s32 $0x0;
	p0 =	por !p0, !p1  }
0x6: {  	s1 =	rddreg [dreg:$0x0];
	s8 =	sshll.u32 s8, $0x7;
	p0 =	por !p0, !p0  }
0x7: {  	[smem:$0x7FF] =	sst s4;
	s8 =	sadd.s32 s8, s9;
	s2 =	simm.s32 @!p0 $0x0  }
0x8: {  	s8 =	sadd.s32 $0x200, s8;
	s5 =	ssub.s32 s0, s2;
	s2 =	rddreg [dreg:$0x3]  }
0x9: {  	s22 =	simm.s32 $0x8800;
	_ =	strace $0x80000047;
	[dreg:$0x6] =	wrdreg s8  }
0xa: {  	s23 =	simm.s32 $0x10800;
	[dreg:$0x7] =	wrdreg s22  }
0xb: {  	s24 =	simm.s32 $0x9000;
	[dreg:$0x8] =	wrdreg s23  }
0xc: {  	s25 =	simm.s32 $0x11000;
	[dreg:$0x9] =	wrdreg s24  }
0xd: {  	s26 =	simm.s32 $0x9800;
	[dreg:$0xa] =	wrdreg s25  }
0xe: {  	s28 =	simm.s32 $0x11800;
	[dreg:$0xb] =	wrdreg s26  }
0xf: {  	s29 =	simm.s32 $0xA000;
	[dreg:$0xc] =	wrdreg s28  }
0x10: {  	s30 =	simm.s32 $0x12000;
	[dreg:$0xd] =	wrdreg s29  }
0x11: {  	s31 =	simm.s32 $0xA800;
	[dreg:$0xe] =	wrdreg s30  }
0x12: {  	s9 =	simm.s32 $0x12800;
	[dreg:$0xf] =	wrdreg s31  }
0x13: {  	s11 =	simm.s32 $0x13000;
	[dreg:$0x10] =	wrdreg s9  }
0x14: {  	s12 =	simm.s32 $0xB800;
	[dreg:$0x12] =	wrdreg s11  }
0x15: {  	s13 =	simm.s32 $0x13800;
	[dreg:$0x13] =	wrdreg s12  }
0x16: {  	s14 =	simm.s32 $0xC000;
	[dreg:$0x14] =	wrdreg s13  }
0x17: {  	s15 =	simm.s32 $0x14000;
	[dreg:$0x15] =	wrdreg s14  }
0x18: {  	s16 =	simm.s32 $0xC800;
	[dreg:$0x16] =	wrdreg s15  }
0x19: {  	s17 =	simm.s32 $0x14800;
	[dreg:$0x17] =	wrdreg s16  }
0x1a: {  	s18 =	simm.s32 $0xD000;
	[dreg:$0x18] =	wrdreg s17  }
0x1b: {  	s19 =	simm.s32 $0x15000;
	[dreg:$0x19] =	wrdreg s18  }
0x1c: {  	vm1 =	vcmask $0x704;
	v1 =	vimm.s32 $0x0;
	[dreg:$0x1a] =	wrdreg s19;
	s22 =	simm.s32 $0x15800  }
0x1d: {  	vm2 =	vcmask $0xB08;
	v0 =	vsel vm1, $0x80, v1;
	s20 =	sshll.u32 s7, $0x2;
	s23 =	simm.s32 $0xE000;
	[dreg:$0x1c] =	wrdreg s22  }
0x1e: {  	vm3 =	vcmask $0xF0C;
	v0 =	vsel vm2, $0x100, v0;
	v2 =	vmov s20;
	s24 =	simm.s32 $0x16000;
	[dreg:$0x1d] =	wrdreg s23  }
0x1f: {  	v0 =	vsel vm3, $0x180, v0;
	v2 =	vshll.u32 v2, $0x7;
	s25 =	simm.s32 $0xE800;
	[dreg:$0x1e] =	wrdreg s24  }
0x20: {  	v0 =	vor.u32 v0, v2;
	v2 =	vsel vm1, $0x2000, v1;
	s28 =	simm.s32 $0x16800;
	[dreg:$0x1f] =	wrdreg s25  }
0x21: {  	v3 =	vimm.s32 $0x800;
	s7 =	ssub.s32 $0x2, s7;
	v2 =	vsel vm2, $0x4000, v2;
	v1 =	vor.u32 $0x2, v0;
	s29 =	simm.s32 $0xF000;
	[smem:$0x7F8] =	sst s28  }
0x22: {  	s26 =	sshrl.u32 s7, $0x1;
	[tilespmem:$0x1FF90] =	vst v1;
	v1 =	vsel vm3, $0x6000, v2;
	v2 =	vsel vm1, $0x2800, v3;
	s30 =	simm.s32 $0x17000;
	[smem:$0x7F9] =	sst s29  }
0x23: {  	s31 =	simm.s32 $0xF800;
	s11 =	simm.s32 $0x17800;
	[tilespmem:$0x1FFA0] =	vst v1;
	v1 =	vor.u32 v1, v0;
	v2 =	vsel vm2, $0x4800, v2;
	[smem:$0x7FA] =	sst s30  }
0x24: {  	s12 =	simm.s32 $0x18000;
	s5 =	sshll.u32 s5, $0x12;
	[smem:$0x7FB] =	sst s31;
	[tilespmem:$0x1FFB0] =	vst v1;
	v1 =	vsel vm3, $0x6800, v2;
	v2 =	vimm.s32 $0x1000  }
0x25: {  	v3 =	vimm.s32 $0x1800;
	s9 =	ssub.s32 s7, s26;
	[smem:$0x7FC] =	sst s11;
	s6 =	sshrl.u32 s5, $0x3;
	v2 =	vsel vm1, $0x3000, v2  }
0x26: {  	v4 =	vimm.s32 $0x1801;
	s7 =	simm.s32 $0x1;
	v3 =	vsel vm1, $0x3800, v3;
	[smem:$0x7FD] =	sst s12;
	s10 =	sadd.s32 s1, s6;
	v2 =	vsel vm2, $0x5000, v2  }
0x27: {  	v4 =	vsel vm1, $0x3801, v4;
	s11 =	simm.s32 $0x10000;
	v3 =	vsel vm2, $0x5800, v3;
	s21 =	sadd.s32 s3, s6;
	[tilespmem:$0x1FFC0] =	vst v1;
	[dreg:$0x4] =	wrdreg s10;
	v1 =	vsel vm3, $0x7000, v2  }
0x28: {  	v4 =	vsel vm2, $0x5801, v4;
	s12 =	simm.s32 $0x2;
	[dreg:$0x5] =	wrdreg s21;
	s10 =	simm.s32 $0xB000;
	[tilespmem:$0x1FFD0] =	vst v1;
	v1 =	vsel vm3, $0x7800, v3  }
0x29: {  	s8 =	smax.u32 s9, $0x1;
	s21 =	simm.s32 $0xD800;
	[dreg:$0x11] =	wrdreg s10;
	[tilespmem:$0x1FFE0] =	vst v1;
	v1 =	vsel vm3, $0x7801, v4  }
0x2a: {  	vm0 =	vmmov $0xf;
	v55 =	vor.u32 $0x1, v0;
	s9 =	simm.s32 $0x4000;
	[dreg:$0x1b] =	wrdreg s21;
	s10 =	simm.s32 $0x8000;
	[tilespmem:$0x1FFF0] =	vst v1  }
.LBB2_1:
0x2b: {  	s13 =	rddreg [dreg:$0x4]  }
0x2c: {  	[tilespmem:s4], [sflag:$0x1] =	stream.linear.gather [hbm4b:s13+s4], $0x4000, $0x38;
	[tilespmem:$0x18400] =	vst v63  }
0x2d: {  	s14 =	rddreg [dreg:$0x5]  }
0x2e: {  	[tilespmem:s9], [sflag:$0x1] =	stream.linear.gather [hbm4b:s14+s4], $0x4000, $0x38;
	[tilespmem:$0x18400] =	vst v63  }
0x2f: {  	_ =	swait.ge [sflag:s7], $0x4000  }
0x30: {  	[sflag:s7] =	ssyncset.done $0x0  }
0x31: {  	[sflag:s7] =	ssyncadd.s32 $0xFFFFC000  }
0x32: {  	_ =	swait.ge [sflag:s7], $0x4000  }
0x33: {  	v1 =	vld [tilespmem:$0x1FF90];
	_ =	sdelay $0x4  }
0x34: {  	[sflag:s7] =	ssyncset.done $0x0  }
0x35: {  	[sflag:s7] =	ssyncadd.s32 $0xFFFFC000  }
0x36: {  	v2 =	vld.idx.msk [tilespmem:v55+s4+$0x0], $0xffff  }
0x37: {  	v3 =	vld.idx.msk [tilespmem:v1+s4+$0x0], $0xffff;
	_ =	sdelay $0x4  }
0x38: {  	vm1 =	vgt.f32 v3, v2  }
0x39: {  	v11 =	vsel vm1, v3, v2  }
0x3a: {  	v2 =	vand.u32 $0x7FFFFFFF, v11  }
0x3b: {  	v2 =	vsub.f32 $0.0e+00, v2;
	_ =	sdelay $0x1  }
0x3c: {  	v2 =	vmul.f32 $1.442695020e+00, v2;
	_ =	sdelay $0x1  }
0x3d: {  	(erf) = vpow2.f32 v2;
	_ =	sdelay $0x8  }
0x3e: {  	v4 =	vpop (erf)  }
0x3f: {  	v2 =	vmul.f32 $2.500000000e-01, v4;
	_ =	sdelay $0x1  }
0x40: {  	v2 =	vsub.f32 $5.000000000e-01, v2;
	_ =	sdelay $0x1  }
0x41: {  	v2 =	vmul.f32 v2, v4;
	_ =	sdelay $0x1  }
0x42: {  	v2 =	vsub.f32 $1.000000000e+00, v2;
	_ =	sdelay $0x1  }
0x43: {  	v5 =	vmul.f32 v2, v4;
	_ =	sdelay $0x1  }
0x44: {  	v2 =	vsub.f32 $0.0e+00, v5;
	_ =	sdelay $0x1  }
0x45: {  	v2 =	vmul.f32 $1.442695020e+00, v2;
	_ =	sdelay $0x1  }
0x46: {  	(erf) = vpow2.f32 v2  }
0x47: {  	v2 =	vimm.s32 $0x3  }
0x48: {  	v6 =	vsel vm1, $0x5, v2  }
0x49: {  	v7 =	vadd.s32 $0x1, v6;
	v3 =	vor.u32 v0, v6  }
0x4a: {  	v2 =	vor.u32 v0, v7;
	_ =	sdelay $0x3  }
0x4b: {  	v17 =	vadd.f32 $1.000000000e+00, v4;
	v22 =	vld.idx.msk [tilespmem:v3+s4+$0x0], $0xffff  }
0x4c: {  	v9 =	vld.idx.msk [tilespmem:v2+s4+$0x0], $0xffff;
	v8 =	vpop (erf)  }
0x4d: {  	v8 =	vmul.f32 v8, v17;
	_ =	sdelay $0x1  }
0x4e: {  	v5 =	vadd.f32 v8, v5;
	_ =	sdelay $0x1  }
0x4f: {  	vm2 =	vgt.f32 v9, v22;
	v16 =	vadd.f32 $-1.000000000e+00, v5  }
0x50: {  	v12 =	vsel vm2, v9, v22  }
0x51: {  	v24 =	vand.u32 $0x7FFFFFFF, v12;
	v23 =	vsub.f32 $0.0e+00, v16  }
0x52: {  	v5 =	vsub.f32 $0.0e+00, v24  }
0x53: {  	v4 =	vmul.f32 $1.442695020e+00, v23  }
0x54: {  	v5 =	vmul.f32 $1.442695020e+00, v5  }
0x55: {  	(erf) = vpow2.f32 v4  }
0x56: {  	(erf) = vpow2.f32 v5;
	_ =	sdelay $0x7  }
0x57: {  	v4 =	vpop (erf)  }
0x58: {  	v25 =	vpop (erf)  }
0x59: {  	v26 =	vmul.f32 $2.500000000e-01, v25;
	_ =	sdelay $0x1  }
0x5a: {  	[tilespmem:$0x1FE40] =	vst v4;
	v4 =	vsub.f32 $5.000000000e-01, v26;
	_ =	sdelay $0x1  }
0x5b: {  	v4 =	vmul.f32 v4, v25;
	_ =	sdelay $0x1  }
0x5c: {  	v4 =	vsub.f32 $1.000000000e+00, v4;
	_ =	sdelay $0x1  }
0x5d: {  	v27 =	vmul.f32 v4, v25;
	_ =	sdelay $0x1  }
0x5e: {  	v4 =	vsub.f32 $0.0e+00, v27;
	_ =	sdelay $0x1  }
0x5f: {  	v4 =	vmul.f32 $1.442695020e+00, v4;
	_ =	sdelay $0x1  }
0x60: {  	(erf) = vpow2.f32 v4  }
0x61: {  	v28 =	vsel vm2, v7, v6  }
0x62: {  	v6 =	vshll.u32 v28, $0x1  }
0x63: {  	v29 =	vadd.s32 $0x2, v6;
	v5 =	vor.u32 v55, v6  }
0x64: {  	v4 =	vor.u32 v0, v29;
	_ =	sdelay $0x3  }
0x65: {  	v30 =	vld.idx.msk [tilespmem:v5+s4+$0x0], $0xffff;
	v20 =	vadd.f32 $1.000000000e+00, v25  }
0x66: {  	v13 =	vld.idx.msk [tilespmem:v4+s4+$0x0], $0xffff;
	v10 =	vpop (erf)  }
0x67: {  	v10 =	vmul.f32 v10, v20;
	_ =	sdelay $0x1  }
0x68: {  	v9 =	vadd.f32 v10, v27;
	_ =	sdelay $0x1  }
0x69: {  	vm3 =	vgt.f32 v13, v30;
	v19 =	vadd.f32 $-1.000000000e+00, v9  }
0x6a: {  	v13 =	vsel vm3, v13, v30  }
0x6b: {  	v32 =	vand.u32 $0x7FFFFFFF, v13;
	v31 =	vsub.f32 $0.0e+00, v19  }
0x6c: {  	v9 =	vsub.f32 $0.0e+00, v32  }
0x6d: {  	v8 =	vmul.f32 $1.442695020e+00, v31  }
0x6e: {  	v9 =	vmul.f32 $1.442695020e+00, v9  }
0x6f: {  	(erf) = vpow2.f32 v8  }
0x70: {  	(erf) = vpow2.f32 v9;
	_ =	sdelay $0x7  }
0x71: {  	v8 =	vpop (erf)  }
0x72: {  	v9 =	vpop (erf)  }
0x73: {  	v33 =	vmul.f32 $2.500000000e-01, v9;
	_ =	sdelay $0x1  }
0x74: {  	[tilespmem:$0x1FE60] =	vst v8;
	v8 =	vsub.f32 $5.000000000e-01, v33;
	_ =	sdelay $0x1  }
0x75: {  	v8 =	vmul.f32 v8, v9;
	_ =	sdelay $0x1  }
0x76: {  	v8 =	vsub.f32 $1.000000000e+00, v8;
	_ =	sdelay $0x1  }
0x77: {  	v34 =	vmul.f32 v8, v9;
	_ =	sdelay $0x1  }
0x78: {  	v8 =	vsub.f32 $0.0e+00, v34;
	_ =	sdelay $0x1  }
0x79: {  	v8 =	vmul.f32 $1.442695020e+00, v8  }
0x7a: {  	v6 =	vor.u32 $0x1, v6  }
0x7b: {  	v6 =	vsel vm3, v29, v6;
	(erf) = vpow2.f32 v8  }
0x7c: {  	v6 =	vshll.u32 v6, $0x1  }
0x7d: {  	v15 =	vadd.s32 $0x2, v6  }
0x7e: {  	v7 =	vor.u32 v55, v6;
	v35 =	vand.u32 $0x7E, v15  }
0x7f: {  	v8 =	vor.u32 v0, v35;
	_ =	sdelay $0x3  }
0x80: {  	v36 =	vld.idx.msk [tilespmem:v7+s4+$0x0], $0xffff;
	v21 =	vadd.f32 $1.000000000e+00, v9  }
0x81: {  	v18 =	vld.idx.msk [tilespmem:v8+s4+$0x0], $0xffff;
	v14 =	vpop (erf)  }
0x82: {  	v14 =	vmul.f32 v14, v21;
	_ =	sdelay $0x1  }
0x83: {  	v10 =	vadd.f32 v14, v34;
	_ =	sdelay $0x1  }
0x84: {  	vm4 =	vgt.f32 v18, v36;
	v22 =	vadd.f32 $-1.000000000e+00, v10  }
0x85: {  	v14 =	vsel vm4, v18, v36  }
0x86: {  	v38 =	vand.u32 $0x7FFFFFFF, v14;
	v37 =	vsub.f32 $0.0e+00, v22  }
0x87: {  	v10 =	vsub.f32 $0.0e+00, v38  }
0x88: {  	v9 =	vmul.f32 $1.442695020e+00, v37  }
0x89: {  	v10 =	vmul.f32 $1.442695020e+00, v10  }
0x8a: {  	(erf) = vpow2.f32 v9  }
0x8b: {  	(erf) = vpow2.f32 v10;
	_ =	sdelay $0x7  }
0x8c: {  	v9 =	vpop (erf)  }
0x8d: {  	v39 =	vpop (erf)  }
0x8e: {  	v40 =	vmul.f32 $2.500000000e-01, v39;
	_ =	sdelay $0x1  }
0x8f: {  	v10 =	vsub.f32 $5.000000000e-01, v40;
	_ =	sdelay $0x1  }
0x90: {  	v10 =	vmul.f32 v10, v39;
	_ =	sdelay $0x1  }
0x91: {  	v10 =	vsub.f32 $1.000000000e+00, v10;
	_ =	sdelay $0x1  }
0x92: {  	v10 =	vmul.f32 v10, v39;
	_ =	sdelay $0x1  }
0x93: {  	v41 =	vsub.f32 $0.0e+00, v10;
	_ =	sdelay $0x1  }
0x94: {  	v18 =	vmul.f32 $1.442695020e+00, v41  }
0x95: {  	v6 =	vor.u32 $0x1, v6  }
0x96: {  	v6 =	vsel vm4, v15, v6;
	(erf) = vpow2.f32 v18  }
0x97: {  	v6 =	vshll.u32 v6, $0x1  }
0x98: {  	v42 =	vadd.s32 $0x2, v6  }
0x99: {  	v23 =	vor.u32 v55, v6;
	v43 =	vand.u32 $0x7E, v42  }
0x9a: {  	v25 =	vor.u32 v0, v43;
	_ =	sdelay $0x3  }
0x9b: {  	v44 =	vld.idx.msk [tilespmem:v23+s4+$0x0], $0xffff;
	v26 =	vadd.f32 $1.000000000e+00, v39  }
0x9c: {  	v24 =	vld.idx.msk [tilespmem:v25+s4+$0x0], $0xffff;
	v45 =	vpop (erf)  }
0x9d: {  	v15 =	vmul.f32 v45, v26;
	_ =	sdelay $0x1  }
0x9e: {  	v10 =	vadd.f32 v15, v10;
	_ =	sdelay $0x1  }
0x9f: {  	vm5 =	vgt.f32 v24, v44;
	v27 =	vadd.f32 $-1.000000000e+00, v10  }
0xa0: {  	v15 =	vsel vm5, v24, v44  }
0xa1: {  	v47 =	vand.u32 $0x7FFFFFFF, v15;
	v46 =	vsub.f32 $0.0e+00, v27  }
0xa2: {  	v10 =	vsub.f32 $0.0e+00, v47  }
0xa3: {  	[tilespmem:$0x1FE70] =	vst v9;
	v9 =	vmul.f32 $1.442695020e+00, v46  }
0xa4: {  	v10 =	vmul.f32 $1.442695020e+00, v10  }
0xa5: {  	(erf) = vpow2.f32 v9  }
0xa6: {  	(erf) = vpow2.f32 v10;
	_ =	sdelay $0x7  }
0xa7: {  	v9 =	vpop (erf)  }
0xa8: {  	v48 =	vpop (erf)  }
0xa9: {  	v49 =	vmul.f32 $2.500000000e-01, v48;
	_ =	sdelay $0x1  }
0xaa: {  	v10 =	vsub.f32 $5.000000000e-01, v49;
	_ =	sdelay $0x1  }
0xab: {  	v10 =	vmul.f32 v10, v48;
	_ =	sdelay $0x1  }
0xac: {  	v10 =	vsub.f32 $1.000000000e+00, v10;
	_ =	sdelay $0x1  }
0xad: {  	v10 =	vmul.f32 v10, v48;
	_ =	sdelay $0x1  }
0xae: {  	v50 =	vsub.f32 $0.0e+00, v10;
	_ =	sdelay $0x1  }
0xaf: {  	v24 =	vmul.f32 $1.442695020e+00, v50  }
0xb0: {  	v6 =	vor.u32 $0x1, v6  }
0xb1: {  	v6 =	vsel vm5, v42, v6;
	(erf) = vpow2.f32 v24  }
0xb2: {  	v6 =	vshll.u32 v6, $0x1  }
0xb3: {  	v51 =	vadd.s32 $0x2, v6  }
0xb4: {  	v32 =	vor.u32 v55, v6;
	v52 =	vand.u32 $0x7E, v51  }
0xb5: {  	v35 =	vor.u32 v0, v52;
	_ =	sdelay $0x3  }
0xb6: {  	v53 =	vld.idx.msk [tilespmem:v32+s4+$0x0], $0xffff;
	v29 =	vadd.f32 $1.000000000e+00, v48  }
0xb7: {  	v28 =	vld.idx.msk [tilespmem:v35+s4+$0x0], $0xffff;
	v54 =	vpop (erf)  }
0xb8: {  	v18 =	vmul.f32 v54, v29;
	_ =	sdelay $0x1  }
0xb9: {  	v10 =	vadd.f32 v18, v10;
	_ =	sdelay $0x1  }
0xba: {  	vm6 =	vgt.f32 v28, v53;
	v30 =	vadd.f32 $-1.000000000e+00, v10  }
0xbb: {  	v18 =	vsel vm6, v28, v53  }
0xbc: {  	v57 =	vand.u32 $0x7FFFFFFF, v18;
	v56 =	vsub.f32 $0.0e+00, v30  }
0xbd: {  	v10 =	vsub.f32 $0.0e+00, v57  }
0xbe: {  	[tilespmem:$0x1FEC0] =	vst v9;
	v9 =	vmul.f32 $1.442695020e+00, v56  }
0xbf: {  	v10 =	vmul.f32 $1.442695020e+00, v10  }
0xc0: {  	(erf) = vpow2.f32 v9  }
0xc1: {  	(erf) = vpow2.f32 v10;
	_ =	sdelay $0x7  }
0xc2: {  	v9 =	vpop (erf)  }
0xc3: {  	v58 =	vpop (erf)  }
0xc4: {  	v59 =	vmul.f32 $2.500000000e-01, v58;
	_ =	sdelay $0x1  }
0xc5: {  	v10 =	vsub.f32 $5.000000000e-01, v59;
	_ =	sdelay $0x1  }
0xc6: {  	v6 =	vor.u32 $0x1, v6;
	v10 =	vmul.f32 v10, v58  }
0xc7: {  	v6 =	vsel vm6, v51, v6  }
0xc8: {  	v24 =	vshll.u32 v6, $0x1;
	v10 =	vsub.f32 $1.000000000e+00, v10  }
0xc9: {  	v6 =	vshll.u32 v6, $0x4;
	v61 =	vor.u32 $0x1, v24  }
0xca: {  	v31 =	vadd.s32 $0x2, v24;
	v6 =	vand.u32 $0x7FFFFC00, v6;
	v10 =	vmul.f32 v10, v58  }
0xcb: {  	v62 =	vand.u32 $0x7F, v61;
	v33 =	vshll.u32 v31, $0x3;
	v63 =	vand.u32 $0x7E, v31  }
0xcc: {  	v6 =	vor.u32 v62, v6;
	v33 =	vand.u32 $0x7FFFFC00, v33;
	v60 =	vsub.f32 $0.0e+00, v10  }
0xcd: {  	v39 =	vor.u32 v0, v6;
	v41 =	vor.u32 v33, v63  }
0xce: {  	v40 =	vor.u32 v0, v41;
	v28 =	vmul.f32 $1.442695020e+00, v60;
	_ =	sdelay $0x1  }
0xcf: {  	(erf) = vpow2.f32 v28;
	_ =	sdelay $0x1  }
0xd0: {  	v42 =	vld.idx.msk [tilespmem:v39+s4+$0x0], $0xffff  }
0xd1: {  	v43 =	vld.idx.msk [tilespmem:v40+s4+$0x0], $0xffff;
	_ =	sdelay $0x4  }
0xd2: {  	vm7 =	vgt.f32 v43, v42;
	v33 =	vadd.f32 $1.000000000e+00, v58  }
0xd3: {  	v45 =	vsel vm7, v31, v61;
	v44 =	vpop (erf)  }
0xd4: {  	v6 =	vshll.u32 v45, $0x4;
	v24 =	vmul.f32 v44, v33  }
0xd5: {  	v6 =	vand.u32 $0x7FFFFC00, v6;
	v28 =	vshll.u32 v45, $0x1  }
0xd6: {  	v46 =	vor.u32 $0x1, v28;
	v28 =	vadd.s32 $0x2, v28;
	v10 =	vadd.f32 v24, v10  }
0xd7: {  	v36 =	vand.u32 $0x7F, v46;
	v37 =	vshll.u32 v28, $0x3;
	v47 =	vand.u32 $0x7E, v28  }
0xd8: {  	v6 =	vor.u32 v36, v6;
	v37 =	vand.u32 $0x7FFFFC00, v37;
	v34 =	vadd.f32 $-1.000000000e+00, v10  }
0xd9: {  	v41 =	vor.u32 v0, v6;
	v48 =	vor.u32 v37, v47;
	v24 =	vsel vm7, v43, v42  }
0xda: {  	[tilespmem:$0x1FED0] =	vst v9;
	v42 =	vor.u32 v0, v48;
	v9 =	vand.u32 $0x7FFFFFFF, v24;
	v10 =	vsub.f32 $0.0e+00, v34  }
0xdb: {  	v9 =	vsub.f32 $0.0e+00, v9  }
0xdc: {  	v10 =	vmul.f32 $1.442695020e+00, v10  }
0xdd: {  	v9 =	vmul.f32 $1.442695020e+00, v9  }
0xde: {  	v6 =	vld.idx.msk [tilespmem:v41+s4+$0x0], $0xffff;
	(erf) = vpow2.f32 v10  }
0xdf: {  	(erf) = vpow2.f32 v9;
	v9 =	vld.idx.msk [tilespmem:v42+s4+$0x0], $0xffff;
	_ =	sdelay $0x4  }
0xe0: {  	vm8 =	vgt.f32 v9, v6  }
0xe1: {  	v28 =	vsel vm8, v28, v46  }
0xe2: {  	v50 =	vshll.u32 v28, $0x1  }
0xe3: {  	v28 =	vshll.u32 v28, $0x4;
	v51 =	vor.u32 $0x1, v50;
	v36 =	vadd.s32 $0x2, v50  }
0xe4: {  	v28 =	vand.u32 $0x7FFFFC00, v28;
	v38 =	vand.u32 $0x7F, v51;
	v43 =	vshll.u32 v36, $0x3  }
0xe5: {  	v52 =	vand.u32 $0x7E, v36;
	v28 =	vor.u32 v38, v28;
	v43 =	vand.u32 $0x7FFFFC00, v43  }
0xe6: {  	v44 =	vor.u32 v0, v28;
	v53 =	vor.u32 v43, v52  }
0xe7: {  	v43 =	vor.u32 v0, v53  }
0xe8: {  	v10 =	vpop (erf)  }
0xe9: {  	[tilespmem:$0x1FF00] =	vst v10;
	v10 =	vpop (erf)  }
0xea: {  	v49 =	vmul.f32 $2.500000000e-01, v10  }
0xeb: {  	v45 =	vld.idx.msk [tilespmem:v44+s4+$0x0], $0xffff  }
0xec: {  	v31 =	vsub.f32 $5.000000000e-01, v49;
	v46 =	vld.idx.msk [tilespmem:v43+s4+$0x0], $0xffff;
	_ =	sdelay $0x1  }
0xed: {  	v54 =	vmul.f32 v31, v10;
	_ =	sdelay $0x1  }
0xee: {  	v28 =	vsub.f32 $1.000000000e+00, v54  }
0xef: {  	vm9 =	vgt.f32 v46, v45  }
0xf0: {  	v47 =	vmul.f32 v28, v10;
	v56 =	vsel vm9, v36, v51  }
0xf1: {  	v57 =	vshll.u32 v56, $0x1  }
0xf2: {  	v28 =	vsub.f32 $0.0e+00, v47;
	v59 =	vadd.s32 $0x2, v57  }
0xf3: {  	v62 =	vshll.u32 v59, $0x3  }
0xf4: {  	v28 =	vmul.f32 $1.442695020e+00, v28;
	v38 =	vand.u32 $0x7FFFFC00, v62;
	v62 =	vld.idx.msk [tilespmem:v1+s9+$0x0], $0xffff  }
0xf5: {  	v1 =	vld.idx.msk [tilespmem:v23+s9+$0x0], $0xffff  }
0xf6: {  	(erf) = vpow2.f32 v28;
	v60 =	vshll.u32 v56, $0x4;
	v58 =	vor.u32 $0x1, v57  }
0xf7: {  	v28 =	vand.u32 $0x7FFFFC00, v60;
	v61 =	vand.u32 $0x7F, v58  }
0xf8: {  	v28 =	vor.u32 v61, v28  }
0xf9: {  	v63 =	vand.u32 $0x7E, v59;
	v48 =	vor.u32 v0, v28  }
0xfa: {  	v52 =	vor.u32 v38, v63;
	[tilespmem:$0x1FE80] =	vst v1;
	v1 =	vld.idx.msk [tilespmem:v25+s9+$0x0], $0xffff  }
0xfb: {  	v49 =	vor.u32 v0, v52;
	_ =	sdelay $0x2  }
0xfc: {  	v38 =	vadd.f32 $1.000000000e+00, v10;
	v53 =	vld.idx.msk [tilespmem:v48+s4+$0x0], $0xffff  }
0xfd: {  	v56 =	vpop (erf);
	[tilespmem:$0x1FE90] =	vst v1;
	v1 =	vld.idx.msk [tilespmem:v32+s9+$0x0], $0xffff  }
0xfe: {  	v54 =	vld.idx.msk [tilespmem:v49+s4+$0x0], $0xffff;
	v10 =	vmul.f32 v56, v38;
	_ =	sdelay $0x1  }
0xff: {  	v47 =	vadd.f32 v10, v47;
	_ =	sdelay $0x1  }
0x100: {  	v37 =	vadd.f32 $-1.000000000e+00, v47;
	[tilespmem:$0x1FEA0] =	vst v1;
	v1 =	vld.idx.msk [tilespmem:v35+s9+$0x0], $0xffff  }
0x101: {  	v36 =	vsel vm8, v9, v6;
	vm10 =	vgt.f32 v54, v53  }
0x102: {  	v9 =	vand.u32 $0x7FFFFFFF, v36;
	v10 =	vsel vm10, v59, v58;
	v58 =	vsub.f32 $0.0e+00, v37  }
0x103: {  	v9 =	vsub.f32 $0.0e+00, v9;
	v63 =	vld.idx.msk [tilespmem:v3+s9+$0x0], $0xffff  }
0x104: {  	v3 =	vld.idx.msk [tilespmem:v2+s9+$0x0], $0xffff;
	v2 =	vmul.f32 $1.442695020e+00, v58  }
0x105: {  	v9 =	vmul.f32 $1.442695020e+00, v9;
	[tilespmem:$0x1FEB0] =	vst v1;
	v1 =	vld.idx.msk [tilespmem:v39+s9+$0x0], $0xffff  }
0x106: {  	(erf) = vpow2.f32 v2  }
0x107: {  	(erf) = vpow2.f32 v9;
	_ =	sdelay $0x2  }
0x108: {  	[tilespmem:$0x1FEE0] =	vst v1;
	v1 =	vld.idx.msk [tilespmem:v40+s9+$0x0], $0xffff;
	_ =	sdelay $0x4  }
0x109: {  	[tilespmem:$0x1FEF0] =	vst v1;
	v1 =	vpop (erf)  }
0x10a: {  	v2 =	vpop (erf)  }
0x10b: {  	[tilespmem:$0x1FF50] =	vst v1;
	v1 =	vld.idx.msk [tilespmem:v41+s9+$0x0], $0xffff;
	v41 =	vmul.f32 $2.500000000e-01, v2;
	_ =	sdelay $0x1  }
0x10c: {  	v60 =	vld.idx.msk [tilespmem:v5+s9+$0x0], $0xffff;
	v5 =	vsub.f32 $5.000000000e-01, v41;
	_ =	sdelay $0x1  }
0x10d: {  	v5 =	vmul.f32 v5, v2;
	_ =	sdelay $0x1  }
0x10e: {  	v5 =	vsub.f32 $1.000000000e+00, v5  }
0x10f: {  	[tilespmem:$0x1FF10] =	vst v1;
	v1 =	vld.idx.msk [tilespmem:v42+s9+$0x0], $0xffff  }
0x110: {  	v5 =	vmul.f32 v5, v2;
	_ =	sdelay $0x1  }
0x111: {  	v6 =	vld.idx.msk [tilespmem:v4+s9+$0x0], $0xffff;
	v42 =	vsub.f32 $0.0e+00, v5  }
0x112: {  	v4 =	vld.idx.msk [tilespmem:v7+s9+$0x0], $0xffff  }
0x113: {  	[tilespmem:$0x1FF20] =	vst v1;
	v1 =	vld.idx.msk [tilespmem:v44+s9+$0x0], $0xffff;
	v7 =	vmul.f32 $1.442695020e+00, v42;
	_ =	sdelay $0x1  }
0x114: {  	(erf) = vpow2.f32 v7;
	_ =	sdelay $0x2  }
0x115: {  	[tilespmem:$0x1FF30] =	vst v1;
	v1 =	vld.idx.msk [tilespmem:v43+s9+$0x0], $0xffff  }
0x116: {  	(v2sf) =	vpush v10, $0x0;
	_ =	sdelay $0x3  }
0x117: {  	[tilespmem:$0x1FF40] =	vst v1;
	v1 =	vld.idx.msk [tilespmem:v48+s9+$0x0], $0xffff;
	v48 =	vadd.f32 $1.000000000e+00, v2  }
0x118: {  	v2 =	vpop (erf)  }
0x119: {  	v2 =	vmul.f32 v2, v48;
	_ =	sdelay $0x1  }
0x11a: {  	v2 =	vadd.f32 v2, v5;
	_ =	sdelay $0x1  }
0x11b: {  	v47 =	vadd.f32 $-1.000000000e+00, v2  }
0x11c: {  	v40 =	vsel vm9, v46, v45  }
0x11d: {  	v43 =	vand.u32 $0x7FFFFFFF, v40;
	v2 =	vsub.f32 $0.0e+00, v47  }
0x11e: {  	v5 =	vsub.f32 $0.0e+00, v43  }
0x11f: {  	v2 =	vmul.f32 $1.442695020e+00, v2  }
0x120: {  	s21 =	spop (v2sf);
	v5 =	vmul.f32 $1.442695020e+00, v5  }
0x121: {  	s22 =	sshll.u32 s21, $0x4;
	(erf) = vpow2.f32 v2  }
0x122: {  	s15 =	sand.u32 $0xFFFFFC00, s22;
	(erf) = vpow2.f32 v5  }
0x123: {  	v57 =	vld.idx.msk [tilespmem:v0+s4+$0x0], $0xffff;
	s15 =	sadd.s32 s5, s15  }
0x124: {  	v59 =	vld.idx.msk [tilespmem:v55+s9+$0x0], $0xffff;
	s15 =	sshrl.u32 s15, $0x3  }
0x125: {  	s16 =	sadd.s32 s1, s15;
	[tilespmem:$0x1FF60] =	vst v1;
	v1 =	vld.idx.msk [tilespmem:v49+s9+$0x0], $0xffff  }
0x126: {  	v9 =	vld.idx.msk [tilespmem:v8+s9+$0x0], $0xffff;
	[tilespmem:s10], [sflag:$0x1] =	stream.linear.gather [hbm4b:s16+s4], $0x800, $0x38  }
0x127: {  	(v2sf) =	vpush v10, $0x1;
	s23 =	sshll.u32 s21, $0x5;
	s15 =	sadd.s32 s3, s15  }
0x128: {  	[tilespmem:s11], [sflag:$0x1] =	stream.linear.gather [hbm4b:s15+s4], $0x800, $0x38;
	[tilespmem:$0x18400] =	vst v63  }
0x129: {  	s15 =	sand.u32 $0xFFFFFC00, s23  }
0x12a: {  	s13 =	sshll.u32 s21, $0x6;
	s15 =	sadd.s32 s5, s15;
	[tilespmem:$0x1FF70] =	vst v1;
	v1 =	vpop (erf)  }
0x12b: {  	s13 =	sand.u32 $0xFFFFFC00, s13;
	s15 =	sshrl.u32 s15, $0x3;
	v2 =	vpop (erf)  }
0x12c: {  	s24 =	rddreg [dreg:$0x7];
	s13 =	sadd.s32 s5, s13;
	s17 =	sadd.s32 s1, s15;
	v44 =	vmul.f32 $2.500000000e-01, v2  }
0x12d: {  	[tilespmem:s24], [sflag:$0x1] =	stream.linear.gather [hbm4b:s17+s4], $0x800, $0x38;
	[tilespmem:$0x18400] =	vst v63  }
0x12e: {  	s18 =	rddreg [dreg:$0x8];
	s13 =	sshrl.u32 s13, $0x3;
	s15 =	sadd.s32 s3, s15;
	v5 =	vsub.f32 $5.000000000e-01, v44  }
0x12f: {  	[tilespmem:s18], [sflag:$0x1] =	stream.linear.gather [hbm4b:s15+s4], $0x800, $0x38;
	[tilespmem:$0x18400] =	vst v63  }
0x130: {  	s25 =	rddreg [dreg:$0x9];
	s26 =	sadd.s32 s1, s13;
	v5 =	vmul.f32 v5, v2  }
0x131: {  	[tilespmem:s25], [sflag:$0x1] =	stream.linear.gather [hbm4b:s26+s4], $0x800, $0x38;
	[tilespmem:$0x18400] =	vst v63  }
0x132: {  	s28 =	rddreg [dreg:$0xa];
	s13 =	sadd.s32 s3, s13;
	v5 =	vsub.f32 $1.000000000e+00, v5  }
0x133: {  	[tilespmem:s28], [sflag:$0x1] =	stream.linear.gather [hbm4b:s13+s4], $0x800, $0x38;
	[tilespmem:$0x18400] =	vst v63  }
0x134: {  	s13 =	sand.u32 $0xFFFFFF80, s22;
	v5 =	vmul.f32 v5, v2  }
0x135: {  	p0 =	slt.s32 s13, $0x7F00  }
0x136: {  	s14 =	spop (v2sf);
	s13 =	simm.s32 @!p0 $0x7F00;
	v45 =	vsub.f32 $0.0e+00, v5  }
0x137: {  	s19 =	sshll.u32 s14, $0x4;
	s13 =	sadd.s32 s6, s13  }
0x138: {  	s20 =	sand.u32 $0xFFFFFC00, s19;
	s13 =	sand.u32 $0x1FFFFF80, s13;
	v7 =	vmul.f32 $1.442695020e+00, v45  }
0x139: {  	s29 =	rddreg [dreg:$0xb];
	s15 =	sadd.s32 s5, s20;
	s30 =	sadd.s32 s1, s13  }
0x13a: {  	[tilespmem:s29], [sflag:$0x1] =	stream.linear.gather [hbm4b:s30+s4], $0x800, $0x38;
	(erf) = vpow2.f32 v7;
	[tilespmem:$0x18400] =	vst v63  }
0x13b: {  	s31 =	rddreg [dreg:$0xc];
	s15 =	sshrl.u32 s15, $0x3;
	s13 =	sadd.s32 s3, s13  }
0x13c: {  	[tilespmem:s31], [sflag:$0x1] =	stream.linear.gather [hbm4b:s13+s4], $0x800, $0x38;
	[tilespmem:$0x18400] =	vst v63  }
0x13d: {  	s21 =	rddreg [dreg:$0xd];
	s22 =	sadd.s32 s1, s15  }
0x13e: {  	[tilespmem:s21], [sflag:$0x1] =	stream.linear.gather [hbm4b:s22+s4], $0x800, $0x38;
	[tilespmem:$0x18400] =	vst v63  }
0x13f: {  	(v2sf) =	vpush v10, $0x2;
	s23 =	rddreg [dreg:$0xe];
	s24 =	sshll.u32 s14, $0x5;
	s15 =	sadd.s32 s3, s15  }
0x140: {  	[tilespmem:s23], [sflag:$0x1] =	stream.linear.gather [hbm4b:s15+s4], $0x800, $0x38;
	[tilespmem:$0x18400] =	vst v63  }
0x141: {  	s15 =	sand.u32 $0xFFFFFC00, s24  }
0x142: {  	s13 =	sshll.u32 s14, $0x6;
	v58 =	vadd.f32 $1.000000000e+00, v2;
	s15 =	sadd.s32 s5, s15  }
0x143: {  	s13 =	sand.u32 $0xFFFFFC00, s13;
	s15 =	sshrl.u32 s15, $0x3;
	v2 =	vpop (erf)  }
0x144: {  	s25 =	rddreg [dreg:$0xf];
	s13 =	sadd.s32 s5, s13;
	s26 =	sadd.s32 s1, s15;
	v2 =	vmul.f32 v2, v58  }
0x145: {  	[tilespmem:s25], [sflag:$0x1] =	stream.linear.gather [hbm4b:s26+s4], $0x800, $0x38;
	[tilespmem:$0x18400] =	vst v63  }
0x146: {  	s28 =	rddreg [dreg:$0x10];
	s13 =	sshrl.u32 s13, $0x3;
	s15 =	sadd.s32 s3, s15;
	v2 =	vadd.f32 v2, v5  }
0x147: {  	[tilespmem:s28], [sflag:$0x1] =	stream.linear.gather [hbm4b:s15+s4], $0x800, $0x38;
	[tilespmem:$0x18400] =	vst v63  }
0x148: {  	s29 =	rddreg [dreg:$0x11];
	s30 =	sadd.s32 s1, s13;
	v61 =	vadd.f32 $-1.000000000e+00, v2  }
0x149: {  	v56 =	vsel vm10, v54, v53;
	[tilespmem:s29], [sflag:$0x1] =	stream.linear.gather [hbm4b:s30+s4], $0x800, $0x38;
	[tilespmem:$0x18400] =	vst v63  }
0x14a: {  	v46 =	vand.u32 $0x7FFFFFFF, v56;
	s31 =	rddreg [dreg:$0x12];
	s13 =	sadd.s32 s3, s13;
	v2 =	vsub.f32 $0.0e+00, v61  }
0x14b: {  	[tilespmem:s31], [sflag:$0x1] =	stream.linear.gather [hbm4b:s13+s4], $0x800, $0x38;
	v5 =	vsub.f32 $0.0e+00, v46;
	[tilespmem:$0x18400] =	vst v63  }
0x14c: {  	s13 =	sand.u32 $0xFFFFFF80, s19;
	v2 =	vmul.f32 $1.442695020e+00, v2  }
0x14d: {  	p0 =	slt.s32 s13, $0x7F00;
	v5 =	vmul.f32 $1.442695020e+00, v5  }
0x14e: {  	s21 =	spop (v2sf);
	s13 =	simm.s32 @!p0 $0x7F00;
	(erf) = vpow2.f32 v2  }
0x14f: {  	s22 =	sshll.u32 s21, $0x4;
	s13 =	sadd.s32 s6, s13;
	(erf) = vpow2.f32 v5  }
0x150: {  	s23 =	sand.u32 $0xFFFFFC00, s22;
	s13 =	sand.u32 $0x1FFFFF80, s13  }
0x151: {  	s18 =	rddreg [dreg:$0x13];
	s15 =	sadd.s32 s5, s23;
	s19 =	sadd.s32 s1, s13  }
0x152: {  	[tilespmem:s18], [sflag:$0x1] =	stream.linear.gather [hbm4b:s19+s4], $0x800, $0x38;
	[tilespmem:$0x18400] =	vst v63  }
0x153: {  	s20 =	rddreg [dreg:$0x14];
	s15 =	sshrl.u32 s15, $0x3;
	s13 =	sadd.s32 s3, s13  }
0x154: {  	[tilespmem:s20], [sflag:$0x1] =	stream.linear.gather [hbm4b:s13+s4], $0x800, $0x38;
	[tilespmem:$0x18400] =	vst v63  }
0x155: {  	s24 =	rddreg [dreg:$0x15];
	s25 =	sadd.s32 s1, s15  }
0x156: {  	[tilespmem:s24], [sflag:$0x1] =	stream.linear.gather [hbm4b:s25+s4], $0x800, $0x38;
	[tilespmem:$0x18400] =	vst v63  }
0x157: {  	(v2sf) =	vpush v10, $0x3;
	s26 =	rddreg [dreg:$0x16];
	s28 =	sshll.u32 s21, $0x5;
	s15 =	sadd.s32 s3, s15;
	v2 =	vpop (erf)  }
0x158: {  	[tilespmem:s26], [sflag:$0x1] =	stream.linear.gather [hbm4b:s15+s4], $0x800, $0x38;
	v5 =	vpop (erf);
	[tilespmem:$0x18400] =	vst v63  }
0x159: {  	s15 =	sand.u32 $0xFFFFFC00, s28;
	v49 =	vmul.f32 $2.500000000e-01, v5  }
0x15a: {  	s13 =	sshll.u32 s21, $0x6;
	s15 =	sadd.s32 s5, s15  }
0x15b: {  	s13 =	sand.u32 $0xFFFFFC00, s13;
	s15 =	sshrl.u32 s15, $0x3;
	v7 =	vsub.f32 $5.000000000e-01, v49  }
0x15c: {  	s29 =	rddreg [dreg:$0x17];
	s13 =	sadd.s32 s5, s13;
	s30 =	sadd.s32 s1, s15  }
0x15d: {  	[tilespmem:s29], [sflag:$0x1] =	stream.linear.gather [hbm4b:s30+s4], $0x800, $0x38;
	v7 =	vmul.f32 v7, v5;
	[tilespmem:$0x18400] =	vst v63  }
0x15e: {  	s31 =	rddreg [dreg:$0x18];
	s13 =	sshrl.u32 s13, $0x3;
	s15 =	sadd.s32 s3, s15  }
0x15f: {  	[tilespmem:s31], [sflag:$0x1] =	stream.linear.gather [hbm4b:s15+s4], $0x800, $0x38;
	v7 =	vsub.f32 $1.000000000e+00, v7;
	[tilespmem:$0x18400] =	vst v63  }
0x160: {  	s19 =	rddreg [dreg:$0x19];
	s20 =	sadd.s32 s1, s13  }
0x161: {  	[tilespmem:s19], [sflag:$0x1] =	stream.linear.gather [hbm4b:s20+s4], $0x800, $0x38;
	v50 =	vmul.f32 v7, v5;
	[tilespmem:$0x18400] =	vst v63  }
0x162: {  	s21 =	rddreg [dreg:$0x1a];
	s13 =	sadd.s32 s3, s13  }
0x163: {  	[tilespmem:s21], [sflag:$0x1] =	stream.linear.gather [hbm4b:s13+s4], $0x800, $0x38;
	v7 =	vsub.f32 $0.0e+00, v50;
	[tilespmem:$0x18400] =	vst v63  }
0x164: {  	s13 =	sand.u32 $0xFFFFFF80, s22  }
0x165: {  	p0 =	slt.s32 s13, $0x7F00;
	v7 =	vmul.f32 $1.442695020e+00, v7  }
0x166: {  	s25 =	spop (v2sf);
	s13 =	simm.s32 @!p0 $0x7F00  }
0x167: {  	s26 =	sshll.u32 s25, $0x4;
	s13 =	sadd.s32 s6, s13;
	(erf) = vpow2.f32 v7  }
0x168: {  	s28 =	sand.u32 $0xFFFFFC00, s26;
	s13 =	sand.u32 $0x1FFFFF80, s13  }
0x169: {  	s15 =	sadd.s32 s5, s28;
	s22 =	rddreg [dreg:$0x1b];
	s23 =	sadd.s32 s1, s13  }
0x16a: {  	[tilespmem:s22], [sflag:$0x1] =	stream.linear.gather [hbm4b:s23+s4], $0x800, $0x38;
	[tilespmem:$0x18400] =	vst v63  }
0x16b: {  	s24 =	rddreg [dreg:$0x1c];
	s15 =	sshrl.u32 s15, $0x3;
	s13 =	sadd.s32 s3, s13  }
0x16c: {  	[tilespmem:s24], [sflag:$0x1] =	stream.linear.gather [hbm4b:s13+s4], $0x800, $0x38;
	[tilespmem:$0x18400] =	vst v63  }
0x16d: {  	s29 =	rddreg [dreg:$0x1d];
	s30 =	sadd.s32 s1, s15  }
0x16e: {  	[tilespmem:s29], [sflag:$0x1] =	stream.linear.gather [hbm4b:s30+s4], $0x800, $0x38;
	[tilespmem:$0x18400] =	vst v63  }
0x16f: {  	s31 =	rddreg [dreg:$0x1e];
	s15 =	sadd.s32 s3, s15;
	s19 =	sshll.u32 s25, $0x5;
	v7 =	vadd.f32 $1.000000000e+00, v5  }
0x170: {  	[tilespmem:s31], [sflag:$0x1] =	stream.linear.gather [hbm4b:s15+s4], $0x800, $0x38;
	v51 =	vpop (erf);
	[tilespmem:$0x18400] =	vst v63  }
0x171: {  	s15 =	sand.u32 $0xFFFFFC00, s19;
	v5 =	vmul.f32 v51, v7  }
0x172: {  	s13 =	sshll.u32 s25, $0x6;
	s15 =	sadd.s32 s5, s15  }
0x173: {  	s20 =	rddreg [dreg:$0x1f];
	s13 =	sand.u32 $0xFFFFFC00, s13;
	s15 =	sshrl.u32 s15, $0x3;
	v5 =	vadd.f32 v5, v50  }
0x174: {  	s22 =	sld [smem:$0x7F8];
	s13 =	sadd.s32 s5, s13;
	s21 =	sadd.s32 s1, s15  }
0x175: {  	[tilespmem:s20], [sflag:$0x1] =	stream.linear.gather [hbm4b:s21+s4], $0x800, $0x38;
	v8 =	vadd.f32 $-1.000000000e+00, v5;
	[tilespmem:$0x18400] =	vst v63  }
0x176: {  	s23 =	sld [smem:$0x7F9];
	s13 =	sshrl.u32 s13, $0x3;
	s15 =	sadd.s32 s3, s15  }
0x177: {  	[tilespmem:s22], [sflag:$0x1] =	stream.linear.gather [hbm4b:s15+s4], $0x800, $0x38;
	v5 =	vsub.f32 $0.0e+00, v8;
	[tilespmem:$0x18400] =	vst v63  }
0x178: {  	s25 =	sld [smem:$0x7FA];
	s24 =	sadd.s32 s1, s13  }
0x179: {  	[tilespmem:s23], [sflag:$0x1] =	stream.linear.gather [hbm4b:s24+s4], $0x800, $0x38;
	v5 =	vmul.f32 $1.442695020e+00, v5;
	[tilespmem:$0x18400] =	vst v63  }
0x17a: {  	s13 =	sadd.s32 s3, s13  }
0x17b: {  	[tilespmem:s25], [sflag:$0x1] =	stream.linear.gather [hbm4b:s13+s4], $0x800, $0x38;
	(erf) = vpow2.f32 v5;
	[tilespmem:$0x18400] =	vst v63  }
0x17c: {  	s13 =	sand.u32 $0xFFFFFF80, s26  }
0x17d: {  	p0 =	slt.s32 s13, $0x7F00  }
0x17e: {  	s13 =	simm.s32 @!p0 $0x7F00  }
0x17f: {  	s26 =	sld [smem:$0x7FB];
	s13 =	sadd.s32 s6, s13  }
0x180: {  	s13 =	sand.u32 $0x1FFFFF80, s13  }
0x181: {  	[tilespmem:$0x1FE50] =	vst v57;
	s29 =	sld [smem:$0x7FC];
	s28 =	sadd.s32 s1, s13  }
0x182: {  	[tilespmem:s26], [sflag:$0x1] =	stream.linear.gather [hbm4b:s28+s4], $0x800, $0x38;
	[tilespmem:$0x18400] =	vst v63  }
0x183: {  	[tilespmem:$0x1FF80] =	vst v1;
	s13 =	sadd.s32 s3, s13  }
0x184: {  	[tilespmem:s29], [sflag:$0x1] =	stream.linear.gather [hbm4b:s13+s4], $0x800, $0x38;
	v5 =	vpop (erf);
	[tilespmem:$0x18400] =	vst v63  }
0x185: {  	_ =	swait.ge [sflag:s7], $0x800  }
0x186: {  	[sflag:s7] =	ssyncset.done $0x0  }
0x187: {  	[sflag:s7] =	ssyncadd.s32 $0xFFFFF800  }
0x188: {  	_ =	swait.ge [sflag:s7], $0x800  }
0x189: {  	[sflag:s7] =	ssyncset.done $0x0  }
0x18a: {  	[sflag:s7] =	ssyncadd.s32 $0xFFFFF800  }
0x18b: {  	_ =	swait.ge [sflag:s7], $0x800  }
0x18c: {  	[sflag:s7] =	ssyncset.done $0x0  }
0x18d: {  	[sflag:s7] =	ssyncadd.s32 $0xFFFFF800  }
0x18e: {  	_ =	swait.ge [sflag:s7], $0x800  }
0x18f: {  	[sflag:s7] =	ssyncset.done $0x0  }
0x190: {  	[sflag:s7] =	ssyncadd.s32 $0xFFFFF800  }
0x191: {  	_ =	swait.ge [sflag:s7], $0x800  }
0x192: {  	[sflag:s7] =	ssyncset.done $0x0  }
0x193: {  	[sflag:s7] =	ssyncadd.s32 $0xFFFFF800  }
0x194: {  	_ =	swait.ge [sflag:s7], $0x800  }
0x195: {  	[sflag:s7] =	ssyncset.done $0x0  }
0x196: {  	[sflag:s7] =	ssyncadd.s32 $0xFFFFF800  }
0x197: {  	_ =	swait.ge [sflag:s7], $0x800  }
0x198: {  	[sflag:s7] =	ssyncset.done $0x0  }
0x199: {  	[sflag:s7] =	ssyncadd.s32 $0xFFFFF800  }
0x19a: {  	_ =	swait.ge [sflag:s7], $0x800  }
0x19b: {  	[sflag:s7] =	ssyncset.done $0x0  }
0x19c: {  	[sflag:s7] =	ssyncadd.s32 $0xFFFFF800  }
0x19d: {  	_ =	swait.ge [sflag:s7], $0x800  }
0x19e: {  	[sflag:s7] =	ssyncset.done $0x0  }
0x19f: {  	[sflag:s7] =	ssyncadd.s32 $0xFFFFF800  }
0x1a0: {  	_ =	swait.ge [sflag:s7], $0x800  }
0x1a1: {  	[sflag:s7] =	ssyncset.done $0x0  }
0x1a2: {  	[sflag:s7] =	ssyncadd.s32 $0xFFFFF800  }
0x1a3: {  	_ =	swait.ge [sflag:s7], $0x800  }
0x1a4: {  	[sflag:s7] =	ssyncset.done $0x0  }
0x1a5: {  	[sflag:s7] =	ssyncadd.s32 $0xFFFFF800  }
0x1a6: {  	_ =	swait.ge [sflag:s7], $0x800  }
0x1a7: {  	[sflag:s7] =	ssyncset.done $0x0  }
0x1a8: {  	[sflag:s7] =	ssyncadd.s32 $0xFFFFF800  }
0x1a9: {  	_ =	swait.ge [sflag:s7], $0x800  }
0x1aa: {  	[sflag:s7] =	ssyncset.done $0x0  }
0x1ab: {  	[sflag:s7] =	ssyncadd.s32 $0xFFFFF800  }
0x1ac: {  	_ =	swait.ge [sflag:s7], $0x800  }
0x1ad: {  	[sflag:s7] =	ssyncset.done $0x0  }
0x1ae: {  	[sflag:s7] =	ssyncadd.s32 $0xFFFFF800  }
0x1af: {  	_ =	swait.ge [sflag:s7], $0x800  }
0x1b0: {  	[sflag:s7] =	ssyncset.done $0x0  }
0x1b1: {  	[sflag:s7] =	ssyncadd.s32 $0xFFFFF800  }
0x1b2: {  	_ =	swait.ge [sflag:s7], $0x800  }
0x1b3: {  	[sflag:s7] =	ssyncset.done $0x0  }
0x1b4: {  	[sflag:s7] =	ssyncadd.s32 $0xFFFFF800  }
0x1b5: {  	_ =	swait.ge [sflag:s7], $0x800  }
0x1b6: {  	[sflag:s7] =	ssyncset.done $0x0  }
0x1b7: {  	[sflag:s7] =	ssyncadd.s32 $0xFFFFF800  }
0x1b8: {  	_ =	swait.ge [sflag:s7], $0x800  }
0x1b9: {  	[sflag:s7] =	ssyncset.done $0x0  }
0x1ba: {  	[sflag:s7] =	ssyncadd.s32 $0xFFFFF800  }
0x1bb: {  	_ =	swait.ge [sflag:s7], $0x800  }
0x1bc: {  	[sflag:s7] =	ssyncset.done $0x0  }
0x1bd: {  	[sflag:s7] =	ssyncadd.s32 $0xFFFFF800  }
0x1be: {  	_ =	swait.ge [sflag:s7], $0x800  }
0x1bf: {  	[sflag:s7] =	ssyncset.done $0x0  }
0x1c0: {  	[sflag:s7] =	ssyncadd.s32 $0xFFFFF800  }
0x1c1: {  	_ =	swait.ge [sflag:s7], $0x800  }
0x1c2: {  	[sflag:s7] =	ssyncset.done $0x0  }
0x1c3: {  	[sflag:s7] =	ssyncadd.s32 $0xFFFFF800  }
0x1c4: {  	_ =	swait.ge [sflag:s7], $0x800  }
0x1c5: {  	[sflag:s7] =	ssyncset.done $0x0  }
0x1c6: {  	[sflag:s7] =	ssyncadd.s32 $0xFFFFF800  }
0x1c7: {  	_ =	swait.ge [sflag:s7], $0x800  }
0x1c8: {  	[sflag:s7] =	ssyncset.done $0x0  }
0x1c9: {  	[sflag:s7] =	ssyncadd.s32 $0xFFFFF800  }
0x1ca: {  	_ =	swait.ge [sflag:s7], $0x800  }
0x1cb: {  	[sflag:s7] =	ssyncset.done $0x0  }
0x1cc: {  	[sflag:s7] =	ssyncadd.s32 $0xFFFFF800  }
0x1cd: {  	_ =	swait.ge [sflag:s7], $0x800  }
0x1ce: {  	[sflag:s7] =	ssyncset.done $0x0  }
0x1cf: {  	[sflag:s7] =	ssyncadd.s32 $0xFFFFF800  }
0x1d0: {  	_ =	swait.ge [sflag:s7], $0x800  }
0x1d1: {  	[sflag:s7] =	ssyncset.done $0x0  }
0x1d2: {  	[sflag:s7] =	ssyncadd.s32 $0xFFFFF800  }
0x1d3: {  	_ =	swait.ge [sflag:s7], $0x800  }
0x1d4: {  	[sflag:s7] =	ssyncset.done $0x0  }
0x1d5: {  	[sflag:s7] =	ssyncadd.s32 $0xFFFFF800  }
0x1d6: {  	_ =	swait.ge [sflag:s7], $0x800  }
0x1d7: {  	[sflag:s7] =	ssyncset.done $0x0  }
0x1d8: {  	[sflag:s7] =	ssyncadd.s32 $0xFFFFF800  }
0x1d9: {  	_ =	swait.ge [sflag:s7], $0x800  }
0x1da: {  	[sflag:s7] =	ssyncset.done $0x0  }
0x1db: {  	[sflag:s7] =	ssyncadd.s32 $0xFFFFF800  }
0x1dc: {  	_ =	swait.ge [sflag:s7], $0x800  }
0x1dd: {  	[sflag:s7] =	ssyncset.done $0x0  }
0x1de: {  	[sflag:s7] =	ssyncadd.s32 $0xFFFFF800  }
0x1df: {  	_ =	swait.ge [sflag:s7], $0x800  }
0x1e0: {  	v1 =	vld [tilespmem:$0x1FFB0];
	_ =	sdelay $0x1  }
0x1e1: {  	v52 =	vshll.u32 v10, $0x1  }
0x1e2: {  	v57 =	vor.u32 $0x1, v52  }
0x1e3: {  	v53 =	vand.u32 $0x7FFFFF80, v52;
	v54 =	vadd.s32 $0x2, v52;
	v42 =	vand.u32 $0x7F, v57  }
0x1e4: {  	v25 =	vsub.s32 v54, v53;
	v31 =	vor.u32 v42, v1;
	v1 =	vld [tilespmem:$0x1FFA0]  }
0x1e5: {  	v25 =	vshll.u32 v25, $0x3  }
0x1e6: {  	v39 =	vand.u32 $0xFFFFFC00, v25;
	v41 =	vand.u32 $0x7E, v54  }
0x1e7: {  	v23 =	vor.u32 v41, v39  }
0x1e8: {  	v23 =	vadd.s32 v0, v23;
	[sflag:s7] =	ssyncset.done $0x0  }
0x1e9: {  	[sflag:s7] =	ssyncadd.s32 $0xFFFFF800;
	v28 =	vadd.s32 v1, v23  }
0x1ea: {  	_ =	swait.ge [sflag:s7], $0x800  }
0x1eb: {  	[sflag:s7] =	ssyncset.done $0x0  }
0x1ec: {  	[sflag:s7] =	ssyncadd.s32 $0xFFFFF800  }
0x1ed: {  	v43 =	vld.idx.msk [tilespmem:v31+s10+$0x0], $0xffff  }
0x1ee: {  	v44 =	vld.idx.msk [tilespmem:v28+s10+$0x0], $0xffff;
	_ =	sdelay $0x4  }
0x1ef: {  	vm11 =	vgt.f32 v44, v43  }
0x1f0: {  	v23 =	vsel vm11, v44, v43  }
0x1f1: {  	v25 =	vand.u32 $0x7FFFFFFF, v23  }
0x1f2: {  	v25 =	vsub.f32 $0.0e+00, v25;
	_ =	sdelay $0x1  }
0x1f3: {  	v25 =	vmul.f32 $1.442695020e+00, v25;
	_ =	sdelay $0x1  }
0x1f4: {  	(erf) = vpow2.f32 v25;
	_ =	sdelay $0x8  }
0x1f5: {  	v25 =	vpop (erf)  }
0x1f6: {  	v45 =	vmul.f32 $2.500000000e-01, v25;
	_ =	sdelay $0x1  }
0x1f7: {  	v39 =	vsub.f32 $5.000000000e-01, v45;
	_ =	sdelay $0x1  }
0x1f8: {  	v39 =	vmul.f32 v39, v25;
	_ =	sdelay $0x1  }
0x1f9: {  	v39 =	vsub.f32 $1.000000000e+00, v39;
	_ =	sdelay $0x1  }
0x1fa: {  	v39 =	vmul.f32 v39, v25  }
0x1fb: {  	v50 =	vshll.u32 v10, $0x2;
	v32 =	vsel vm11, v54, v57  }
0x1fc: {  	v41 =	vand.u32 $0x7FFFFF80, v50;
	v32 =	vshll.u32 v32, $0x1;
	v46 =	vsub.f32 $0.0e+00, v39  }
0x1fd: {  	v51 =	vsub.s32 v32, v41  }
0x1fe: {  	v1 =	vld [tilespmem:$0x1FFC0];
	v44 =	vadd.s32 $0x2, v32;
	v35 =	vshll.u32 v51, $0x3;
	v49 =	vmul.f32 $1.442695020e+00, v46  }
0x1ff: {  	v52 =	vsub.s32 v44, v41;
	v35 =	vand.u32 $0xFFFFFC00, v35;
	v45 =	vor.u32 $0x1, v32  }
0x200: {  	v32 =	vshll.u32 v52, $0x3;
	v53 =	vand.u32 $0x7F, v45;
	(erf) = vpow2.f32 v49  }
0x201: {  	v54 =	vand.u32 $0x7E, v44;
	v32 =	vand.u32 $0xFFFFFC00, v32;
	v35 =	vor.u32 v53, v35  }
0x202: {  	v32 =	vor.u32 v54, v32;
	v35 =	vadd.s32 v0, v35  }
0x203: {  	v32 =	vadd.s32 v0, v32;
	v43 =	vadd.s32 v1, v35  }
0x204: {  	v42 =	vadd.s32 v1, v32;
	_ =	sdelay $0x3  }
0x205: {  	v32 =	vadd.f32 $1.000000000e+00, v25;
	v57 =	vld.idx.msk [tilespmem:v43+s10+$0x0], $0xffff  }
0x206: {  	v49 =	vld.idx.msk [tilespmem:v42+s10+$0x0], $0xffff;
	v46 =	vpop (erf)  }
0x207: {  	v35 =	vmul.f32 v46, v32;
	_ =	sdelay $0x1  }
0x208: {  	v35 =	vadd.f32 v35, v39;
	_ =	sdelay $0x1  }
0x209: {  	vm12 =	vgt.f32 v49, v57;
	v35 =	vadd.f32 $-1.000000000e+00, v35  }
0x20a: {  	v25 =	vsel vm12, v49, v57  }
0x20b: {  	v41 =	vand.u32 $0x7FFFFFFF, v25;
	v50 =	vsub.f32 $0.0e+00, v35  }
0x20c: {  	v41 =	vsub.f32 $0.0e+00, v41  }
0x20d: {  	v39 =	vmul.f32 $1.442695020e+00, v50  }
0x20e: {  	v41 =	vmul.f32 $1.442695020e+00, v41  }
0x20f: {  	(erf) = vpow2.f32 v39  }
0x210: {  	(erf) = vpow2.f32 v41;
	_ =	sdelay $0x7  }
0x211: {  	v41 =	vpop (erf)  }
0x212: {  	v39 =	vpop (erf)  }
0x213: {  	v51 =	vmul.f32 $2.500000000e-01, v39;
	_ =	sdelay $0x1  }
0x214: {  	v46 =	vsub.f32 $5.000000000e-01, v51;
	_ =	sdelay $0x1  }
0x215: {  	v46 =	vmul.f32 v46, v39;
	_ =	sdelay $0x1  }
0x216: {  	v46 =	vsub.f32 $1.000000000e+00, v46;
	_ =	sdelay $0x1  }
0x217: {  	v46 =	vmul.f32 v46, v39  }
0x218: {  	v54 =	vshll.u32 v10, $0x3;
	v44 =	vsel vm12, v44, v45  }
0x219: {  	v49 =	vand.u32 $0x7FFFFF80, v54;
	v44 =	vshll.u32 v44, $0x1;
	v52 =	vsub.f32 $0.0e+00, v46  }
0x21a: {  	v57 =	vsub.s32 v44, v49  }
0x21b: {  	v54 =	vld [tilespmem:$0x1FFD0];
	v1 =	vadd.s32 $0x2, v44;
	v45 =	vshll.u32 v57, $0x3;
	v53 =	vmul.f32 $1.442695020e+00, v52  }
0x21c: {  	v45 =	vand.u32 $0xFFFFFC00, v45;
	v50 =	vsub.s32 v1, v49;
	v51 =	vor.u32 $0x1, v44  }
0x21d: {  	v44 =	vshll.u32 v50, $0x3;
	v52 =	vand.u32 $0x7F, v51;
	(erf) = vpow2.f32 v53  }
0x21e: {  	v44 =	vand.u32 $0xFFFFFC00, v44;
	v45 =	vor.u32 v52, v45;
	v53 =	vand.u32 $0x7E, v1  }
0x21f: {  	v45 =	vadd.s32 v0, v45;
	v44 =	vor.u32 v53, v44  }
0x220: {  	v50 =	vadd.s32 v54, v45;
	v44 =	vadd.s32 v0, v44  }
0x221: {  	v49 =	vadd.s32 v54, v44;
	_ =	sdelay $0x3  }
0x222: {  	v44 =	vadd.f32 $1.000000000e+00, v39;
	v39 =	vld.idx.msk [tilespmem:v50+s10+$0x0], $0xffff  }
0x223: {  	v52 =	vld.idx.msk [tilespmem:v49+s10+$0x0], $0xffff;
	v57 =	vpop (erf)  }
0x224: {  	v45 =	vmul.f32 v57, v44;
	_ =	sdelay $0x1  }
0x225: {  	v45 =	vadd.f32 v45, v46;
	_ =	sdelay $0x1  }
0x226: {  	vm13 =	vgt.f32 v52, v39;
	v45 =	vadd.f32 $-1.000000000e+00, v45  }
0x227: {  	v39 =	vsel vm13, v52, v39  }
0x228: {  	v52 =	vand.u32 $0x7FFFFFFF, v39;
	v57 =	vsub.f32 $0.0e+00, v45  }
0x229: {  	v52 =	vsub.f32 $0.0e+00, v52  }
0x22a: {  	v46 =	vmul.f32 $1.442695020e+00, v57  }
0x22b: {  	v52 =	vmul.f32 $1.442695020e+00, v52  }
0x22c: {  	(erf) = vpow2.f32 v46  }
0x22d: {  	(erf) = vpow2.f32 v52;
	_ =	sdelay $0x7  }
0x22e: {  	v46 =	vpop (erf)  }
0x22f: {  	v52 =	vpop (erf)  }
0x230: {  	v54 =	vmul.f32 $2.500000000e-01, v52;
	_ =	sdelay $0x1  }
0x231: {  	v54 =	vsub.f32 $5.000000000e-01, v54;
	_ =	sdelay $0x1  }
0x232: {  	v54 =	vmul.f32 v54, v52;
	_ =	sdelay $0x1  }
0x233: {  	v54 =	vsub.f32 $1.000000000e+00, v54;
	_ =	sdelay $0x1  }
0x234: {  	v54 =	vmul.f32 v54, v52;
	_ =	sdelay $0x1  }
0x235: {  	v53 =	vsub.f32 $0.0e+00, v54;
	_ =	sdelay $0x1  }
0x236: {  	v57 =	vmul.f32 $1.442695020e+00, v53;
	_ =	sdelay $0x1  }
0x237: {  	(erf) = vpow2.f32 v57;
	v57 =	vld [tilespmem:$0x1FE40];
	_ =	sdelay $0x2  }
0x238: {  	v10 =	vshll.u32 v10, $0x4  }
0x239: {  	v10 =	vand.u32 $0x7FFFFF80, v10;
	v1 =	vsel vm13, v1, v51  }
0x23a: {  	v10 =	vmin.u32 v10, $0x7F00;
	v1 =	vshll.u32 v1, $0x1;
	v17 =	vmul.f32 v57, v17;
	v57 =	vld [tilespmem:$0x1FFF0]  }
0x23b: {  	v51 =	vadd.s32 $0x2, v1;
	v53 =	vsub.s32 v1, v10  }
0x23c: {  	v10 =	vsub.s32 v51, v10;
	v53 =	vshll.u32 v53, $0x3  }
0x23d: {  	v1 =	vand.u32 $0x7E, v1;
	v10 =	vshll.u32 v10, $0x3;
	v53 =	vand.u32 $0xFFFFFC00, v53  }
0x23e: {  	v51 =	vand.u32 $0x7E, v51;
	v10 =	vand.u32 $0xFFFFFC00, v10;
	v1 =	vor.u32 v1, v53  }
0x23f: {  	v53 =	vor.u32 v51, v10;
	v1 =	vadd.s32 v57, v1  }
0x240: {  	v10 =	vor.u32 v0, v1;
	v1 =	vadd.s32 v0, v53;
	v53 =	vld [tilespmem:$0x1FFE0];
	_ =	sdelay $0x2  }
0x241: {  	v16 =	vadd.f32 v17, v16  }
0x242: {  	v17 =	vsel vm1, v62, v59  }
0x243: {  	v62 =	vadd.f32 $-1.000000000e+00, v16;
	v16 =	vadd.s32 v53, v1;
	v1 =	vsel vm2, v3, v63;
	v3 =	vld [tilespmem:$0x1FE50];
	_ =	sdelay $0x1  }
0x244: {  	v57 =	vld [tilespmem:$0x1FE60];
	_ =	sdelay $0x1  }
0x245: {  	vm14 =	vgt.f32 v12, $0.0e+00;
	v12 =	vmax.f32 v12, $0.0e+00;
	vm15 =	vgt.f32 v13, $0.0e+00  }
0x246: {  	v9 =	vsel vm4, v9, v4;
	vm1 =	vgt.f32 v3, $0.0e+00;
	v3 =	vmax.f32 v11, $0.0e+00  }
0x247: {  	vm2 =	vgt.f32 v11, $0.0e+00;
	v11 =	vadd.f32 v62, v3;
	v3 =	vadd.f32 $1.000000000e+00, v52  }
0x248: {  	v51 =	vsel vm3, v6, v60;
	vm3 =	veq.f32 v17, $0.0e+00;
	v59 =	vpop (erf);
	v4 =	vmul.f32 v57, v20;
	v60 =	vld.idx.msk [tilespmem:v10+s10+$0x0], $0xffff  }
0x249: {  	vm1 =	vmand vm2, vm1;
	vm2 =	veq.f32 v1, $0.0e+00;
	v62 =	vld.idx.msk [tilespmem:v16+s10+$0x0], $0xffff;
	v6 =	vmul.f32 v59, v3  }
0x24a: {  	v1 =	vadd.f32 v4, v19;
	v52 =	vimm.f32 $0.0e+00;
	vm3 =	vmand vm3, vm1  }
0x24b: {  	v13 =	vmax.f32 v13, $0.0e+00;
	v57 =	vld [tilespmem:$0x1FE70];
	v63 =	vsel vm3, $0x3F800000, v52;
	v6 =	vadd.f32 v6, v54  }
0x24c: {  	vm3 =	vmand vm14, vm1;
	v1 =	vadd.f32 $-1.000000000e+00, v1;
	v19 =	vadd.f32 $1.000000000e+00, v63  }
0x24d: {  	v2 =	vmul.f32 v2, v58;
	vm1 =	vmand vm2, vm3;
	v6 =	vadd.f32 $-1.000000000e+00, v6  }
0x24e: {  	v1 =	vadd.f32 v1, v12;
	v12 =	vnsel vm1, $0x0, v19;
	vm1 =	vgt.f32 v62, v60  }
0x24f: {  	v2 =	vadd.f32 v2, v61;
	v4 =	vsel vm1, v62, v60;
	v54 =	vsub.f32 $0.0e+00, v6  }
0x250: {  	v20 =	vmul.f32 v57, v21;
	v53 =	vnsel vm0, $0x0, v63;
	v62 =	vand.u32 $0x7FFFFFFF, v4  }
0x251: {  	v63 =	vld [tilespmem:$0x1FE80];
	vm2 =	veq.f32 v51, $0.0e+00;
	v19 =	vsub.f32 $0.0e+00, v62;
	v60 =	vmul.f32 $1.442695020e+00, v54  }
0x252: {  	vm3 =	vmand vm15, vm3;
	v11 =	vmul.f32 v11, v53;
	v53 =	vld [tilespmem:$0x1FE90];
	v59 =	vnsel vm0, $0x0, v12  }
0x253: {  	v12 =	vadd.f32 $1.000000000e+00, v12;
	v19 =	vmul.f32 $1.442695020e+00, v19;
	(erf) = vpow2.f32 v60;
	v60 =	vld [tilespmem:$0x1FEC0]  }
0x254: {  	v2 =	vadd.f32 $-1.000000000e+00, v2;
	v20 =	vadd.f32 v20, v22;
	vm2 =	vmand vm2, vm3  }
0x255: {  	v12 =	vnsel vm2, $0x0, v12;
	vm2 =	vgt.f32 v14, $0.0e+00;
	(erf) = vpow2.f32 v19  }
0x256: {  	vm2 =	vmand vm2, vm3;
	vm3 =	veq.f32 v9, $0.0e+00;
	v62 =	vadd.f32 $1.000000000e+00, v12  }
0x257: {  	v51 =	vld [tilespmem:$0x1FED0];
	v1 =	vmul.f32 v1, v59;
	v59 =	vadd.f32 $-1.000000000e+00, v20;
	vm3 =	vmand vm3, vm2  }
0x258: {  	v21 =	vsel vm5, v53, v63;
	v63 =	vnsel vm3, $0x0, v62;
	v17 =	vmul.f32 v60, v26  }
0x259: {  	v5 =	vmul.f32 v5, v7;
	v11 =	vadd.f32 $0.0e+00, v11;
	v9 =	vadd.f32 $1.000000000e+00, v63  }
0x25a: {  	v13 =	vadd.f32 v59, v13;
	vm3 =	vgt.f32 v15, $0.0e+00;
	v17 =	vadd.f32 v17, v27  }
0x25b: {  	v12 =	vnsel vm0, $0x0, v12;
	vm2 =	vmand vm3, vm2;
	vm3 =	veq.f32 v21, $0.0e+00  }
0x25c: {  	v57 =	vld [tilespmem:$0x1FEB0];
	v20 =	vmul.f32 v13, v12;
	v12 =	vmul.f32 v51, v29;
	vm3 =	vmand vm3, vm2  }
0x25d: {  	v5 =	vadd.f32 v5, v8;
	v1 =	vadd.f32 v1, v11;
	v54 =	vld [tilespmem:$0x1FEA0];
	v26 =	vnsel vm3, $0x0, v9;
	v9 =	vpop (erf)  }
0x25e: {  	v12 =	vadd.f32 v12, v30;
	v21 =	vadd.f32 $-1.000000000e+00, v17;
	v17 =	vpop (erf)  }
0x25f: {  	v5 =	vadd.f32 $-1.000000000e+00, v5;
	v61 =	vmax.f32 v39, $0.0e+00;
	v59 =	vmul.f32 $2.500000000e-01, v17  }
0x260: {  	v1 =	vadd.f32 v20, v1;
	v12 =	vadd.f32 $-1.000000000e+00, v12;
	v27 =	vmax.f32 v14, $0.0e+00  }
0x261: {  	v53 =	vld [tilespmem:$0x1FEE0];
	v15 =	vmax.f32 v15, $0.0e+00;
	v11 =	vadd.f32 v21, v27;
	v21 =	vsub.f32 $5.000000000e-01, v59  }
0x262: {  	v19 =	vnsel vm0, $0x0, v63;
	v22 =	vsel vm6, v57, v54;
	v54 =	vld [tilespmem:$0x1FEF0];
	vm3 =	vgt.f32 v18, $0.0e+00  }
0x263: {  	v12 =	vadd.f32 v12, v15;
	v18 =	vmax.f32 v18, $0.0e+00;
	v21 =	vmul.f32 v21, v17  }
0x264: {  	vm2 =	vmand vm3, vm2;
	vm3 =	veq.f32 v22, $0.0e+00;
	v57 =	vadd.f32 $1.000000000e+00, v26;
	v22 =	vld [tilespmem:$0x1FF10]  }
0x265: {  	v13 =	vnsel vm0, $0x0, v26;
	v26 =	vld [tilespmem:$0x1FF20];
	vm3 =	vmand vm3, vm2;
	v62 =	vsub.f32 $1.000000000e+00, v21  }
0x266: {  	v63 =	vmul.f32 v12, v13;
	v20 =	vnsel vm3, $0x0, v57;
	vm3 =	vgt.f32 v24, $0.0e+00  }
0x267: {  	v14 =	vsel vm7, v54, v53;
	vm2 =	vmand vm3, vm2;
	v15 =	vmul.f32 v62, v17  }
0x268: {  	vm3 =	veq.f32 v14, $0.0e+00;
	v60 =	vadd.f32 $1.000000000e+00, v20;
	v20 =	vnsel vm0, $0x0, v20;
	v21 =	vld [tilespmem:$0x1FF00]  }
0x269: {  	vm3 =	vmand vm3, vm2;
	v3 =	vmul.f32 v9, v3;
	v51 =	vsub.f32 $0.0e+00, v15  }
0x26a: {  	v29 =	vld [tilespmem:$0x1FF40];
	v14 =	vnsel vm3, $0x0, v60;
	v13 =	vsel vm8, v26, v22;
	vm3 =	vgt.f32 v36, $0.0e+00  }
0x26b: {  	v27 =	vld [tilespmem:$0x1FF30];
	v60 =	vmax.f32 v24, $0.0e+00;
	vm2 =	vmand vm3, vm2;
	v22 =	vmul.f32 $1.442695020e+00, v51  }
0x26c: {  	v57 =	vld [tilespmem:$0x1FF80];
	vm3 =	veq.f32 v13, $0.0e+00;
	v53 =	vadd.f32 $1.000000000e+00, v14;
	v11 =	vmul.f32 v11, v19  }
0x26d: {  	vm3 =	vmand vm3, vm2;
	v12 =	vmul.f32 v21, v33;
	v33 =	vld [tilespmem:$0x1FF50];
	(erf) = vpow2.f32 v22  }
0x26e: {  	v24 =	vnsel vm0, $0x0, v14;
	v3 =	vadd.f32 v3, v6;
	v13 =	vnsel vm3, $0x0, v53  }
0x26f: {  	vm3 =	vgt.f32 v40, $0.0e+00;
	v53 =	vmax.f32 v23, $0.0e+00;
	v1 =	vadd.f32 v11, v1  }
0x270: {  	vm2 =	vmand vm3, vm2;
	v54 =	vadd.f32 $1.000000000e+00, v13;
	v19 =	vsel vm9, v29, v27  }
0x271: {  	v13 =	vnsel vm0, $0x0, v13;
	vm3 =	veq.f32 v19, $0.0e+00;
	v19 =	vmul.f32 v57, v48  }
0x272: {  	v27 =	vadd.f32 $1.000000000e+00, v17;
	v30 =	vadd.f32 v12, v34;
	v12 =	vmul.f32 v33, v38  }
0x273: {  	v1 =	vadd.f32 v63, v1;
	v63 =	vld.idx.msk [tilespmem:v28+s11+$0x0], $0xffff;
	v28 =	vmax.f32 v36, $0.0e+00;
	v19 =	vadd.f32 v19, v47  }
0x274: {  	v36 =	vmax.f32 v40, $0.0e+00;
	v62 =	vld.idx.msk [tilespmem:v31+s11+$0x0], $0xffff;
	v11 =	vadd.f32 $-1.000000000e+00, v30;
	v12 =	vadd.f32 v12, v37  }
0x275: {  	v48 =	vmul.f32 v41, v32;
	v2 =	vadd.f32 v2, v36;
	v26 =	vadd.f32 $-1.000000000e+00, v19  }
0x276: {  	vm3 =	vmand vm3, vm2;
	v34 =	vld [tilespmem:$0x1FF60];
	v11 =	vadd.f32 v11, v18;
	v12 =	vadd.f32 $-1.000000000e+00, v12;
	v29 =	vpop (erf)  }
0x277: {  	v30 =	vadd.f32 v26, v28;
	v38 =	vld [tilespmem:$0x1FF70];
	v18 =	vnsel vm3, $0x0, v54;
	v7 =	vmul.f32 v29, v27  }
0x278: {  	vm3 =	vgt.f32 v56, $0.0e+00;
	v11 =	vmul.f32 v11, v20;
	v12 =	vadd.f32 v12, v60  }
0x279: {  	v33 =	vsel vm11, v63, v62;
	vm2 =	vmand vm3, vm2;
	v7 =	vadd.f32 v7, v15  }
0x27a: {  	v59 =	vadd.f32 $1.000000000e+00, v18;
	v1 =	vadd.f32 v11, v1;
	v11 =	vmul.f32 v12, v24  }
0x27b: {  	v37 =	vld.idx.msk [tilespmem:v50+s11+$0x0], $0xffff;
	v40 =	vnsel vm0, $0x0, v18;
	v50 =	vmul.f32 v46, v44;
	v7 =	vadd.f32 $-1.000000000e+00, v7  }
0x27c: {  	v21 =	vsel vm10, v38, v34;
	v1 =	vadd.f32 v11, v1;
	v11 =	vmul.f32 v30, v13  }
0x27d: {  	v31 =	vld.idx.msk [tilespmem:v43+s11+$0x0], $0xffff;
	v2 =	vmul.f32 v2, v40;
	vm3 =	veq.f32 v21, $0.0e+00;
	v47 =	vsub.f32 $0.0e+00, v7  }
0x27e: {  	v34 =	vld.idx.msk [tilespmem:v42+s11+$0x0], $0xffff;
	v42 =	vmax.f32 v56, $0.0e+00;
	vm3 =	vmand vm3, vm2;
	v1 =	vadd.f32 v11, v1  }
0x27f: {  	v5 =	vadd.f32 v5, v42;
	v21 =	vnsel vm3, $0x0, v59;
	v12 =	vmul.f32 $1.442695020e+00, v47  }
0x280: {  	vm3 =	vgt.f32 v23, $0.0e+00;
	v43 =	vnsel vm0, $0x0, v21;
	v1 =	vadd.f32 v2, v1  }
0x281: {  	v2 =	vmul.f32 v5, v43;
	v5 =	vadd.f32 v48, v35;
	(erf) = vpow2.f32 v12  }
0x282: {  	vm2 =	vmand vm3, vm2;
	vm3 =	veq.f32 v33, $0.0e+00;
	v13 =	vadd.f32 v50, v45  }
0x283: {  	v51 =	vadd.f32 $1.000000000e+00, v21;
	v8 =	vsel vm12, v34, v31;
	v5 =	vadd.f32 $-1.000000000e+00, v5  }
0x284: {  	v38 =	vld.idx.msk [tilespmem:v49+s11+$0x0], $0xffff;
	vm3 =	vmand vm3, vm2;
	v56 =	vadd.f32 $-1.000000000e+00, v13;
	v1 =	vadd.f32 v2, v1  }
0x285: {  	v12 =	vnsel vm3, $0x0, v51;
	vm3 =	vgt.f32 v25, $0.0e+00;
	v2 =	vadd.f32 v5, v53  }
0x286: {  	vm2 =	vmand vm3, vm2;
	vm3 =	veq.f32 v8, $0.0e+00;
	v54 =	vadd.f32 $1.000000000e+00, v12  }
0x287: {  	v57 =	vmax.f32 v25, $0.0e+00;
	v12 =	vnsel vm0, $0x0, v12;
	vm3 =	vmand vm3, vm2  }
0x288: {  	v10 =	vld.idx.msk [tilespmem:v10+s11+$0x0], $0xffff;
	v8 =	vadd.f32 v56, v57;
	v2 =	vmul.f32 v2, v12;
	v5 =	vnsel vm3, $0x0, v54  }
0x289: {  	v59 =	vld.idx.msk [tilespmem:v16+s11+$0x0], $0xffff;
	v49 =	vsel vm13, v38, v37;
	vm3 =	vgt.f32 v39, $0.0e+00;
	v58 =	vnsel vm0, $0x0, v5  }
0x28a: {  	v1 =	vadd.f32 v2, v1;
	vm2 =	vmand vm3, vm2;
	v2 =	vmul.f32 v8, v58;
	v60 =	vpop (erf)  }
0x28b: {  	vm3 =	veq.f32 v49, $0.0e+00;
	v5 =	vadd.f32 $1.000000000e+00, v5;
	v6 =	vmul.f32 v60, v27  }
0x28c: {  	v3 =	vadd.f32 $-1.000000000e+00, v3;
	vm3 =	vmand vm3, vm2;
	v1 =	vadd.f32 v2, v1  }
0x28d: {  	v2 =	vnsel vm3, $0x0, v5;
	vm3 =	vgt.f32 v4, $0.0e+00;
	v6 =	vadd.f32 v6, v7  }
0x28e: {  	v3 =	vadd.f32 v3, v61;
	v62 =	vsel vm1, v59, v10;
	vm1 =	vmand vm3, vm2  }
0x28f: {  	vm2 =	veq.f32 v62, $0.0e+00;
	v63 =	vadd.f32 $1.000000000e+00, v2;
	v6 =	vadd.f32 $-1.000000000e+00, v6  }
0x290: {  	[tilespmem:$0x18080] =	vst v52;
	v4 =	vmax.f32 v4, $0.0e+00;
	v2 =	vnsel vm0, $0x0, v2;
	vm1 =	vmand vm2, vm1  }
0x291: {  	[tilespmem:$0x18100] =	vst v52;
	v2 =	vmul.f32 v3, v2;
	v3 =	vnsel vm1, $0x0, v63;
	v4 =	vadd.f32 v6, v4  }
0x292: {  	[tilespmem:$0x18180] =	vst v52;
	v3 =	vnsel vm0, $0x0, v3  }
0x293: {  	[tilespmem:$0x18200] =	vst v52;
	v1 =	vadd.f32 v2, v1;
	v2 =	vmul.f32 v4, v3  }
0x294: {  	[tilespmem:$0x18280] =	vst v52  }
0x295: {  	s31 =	sld [smem:$0x7FD];
	[tilespmem:$0x18300] =	vst v52;
	v1 =	vadd.f32 v2, v1  }
0x296: {  	p0 =	sne.s32 s8, $0x1;
	[tilespmem:$0x18380] =	vst v52  }
.Ltmp0:
0x297: {  	s30 =	rddreg [dreg:$0x6];
	[tilespmem:$0x18000] =	vst v1;
	(pc) =	sbr.rel @p0 .LBB2_1-.Ltmp0, $4  }
0x298: {  	[hbm4b:s30+s4] =	stream.linear.scatter [tilespmem:s31], [sflag:$0x2], $0x400, $0x38;
	[tilespmem:$0x18400] =	vst v63  }
0x299: {  	_ =	swait.ge [sflag:s12], $0x400  }
0x29a: {  	[sflag:s12] =	ssyncset.done $0x0  }
0x29b: {  	s8 =	sadd.s32 $0xFFFFFFFF, s8;
	[sflag:s12] =	ssyncadd.s32 $0xFFFFFC00  }
0x29c: {  	_ =	sfence.sel $0x180000  }
0x29d: {  	[bflag:$0x0] =	sbarrier.arrive $0xFFFF  }
0x29e: {  	p0 =	sne.s32 s0, $0x0;
	_ =	strace $0x90000047  }
0x29f: {  	s0 =	sadd.s32 @!p0 $0x100000, s2;
	[bflag:$0x2] =	sbarrier.arrive $0xFFFF  }
0x2a0: {  	[sflag:s0] =	ssyncadd.tile.s32 @!p0 $0x1;
	_ =	shalt  }
.Lfunc_end2:
_tile_overlayer_lowered:
.L_overlay_start_2:
0x2a1: {  	(tag) =	ssettag $0x2  }
0x2a2: {  	s0 =	rddreg [dreg:$0x0];
	s2 =	stileid.u32  }
0x2a3: {  	s1 =	rddreg [dreg:$0x1];
	p0 =	sne.s32 s2, $0x0  }
0x2a4: {  	s3 =	rddreg [dreg:$0x2];
	[bflag:$0x3] =	sbarrier.arrive $0xFFFF;
	s2 =	simm.s32 @!p0 $0x1C02  }
0x2a5: {  	[timem:s3], [sflag:s2] =	dma.local @!p0 [hbm:s0], s1  }
0x2a6: {  	s0 =	simm.s32 @!p0 $0x2  }
0x2a7: {  	_ =	swait.ge @!p0 [sflag:s0], s1  }
0x2a8: {  	s1 =	ssub.s32 @!p0 $0x0, s1;
	[sflag:s0] =	ssyncset.done @!p0 $0x0  }
0x2a9: {  	[sflag:s0] =	ssyncadd.s32 @!p0 s1  }
0x2aa: {  	[bflag:$0x3] =	sbarrier.arrive $0xFFFF  }
0x2ab: {  	_ =	shalt  }

</sc_bundles>
